<compile_context>
chip_gen: v7x
topology: tpu7x:2x2x1
jax: 0.10.2.dev20260603
libtpu: 0.0.44.dev20260713+nightly
codegen_flags: <defaults>
</compile_context>

<pallas_src>
import functools

import jax
import jax.numpy as jnp
from jax import lax
from jax.experimental import pallas as pl
from jax.experimental.pallas import tpu as pltpu
from jax.experimental.pallas import tpu_sc as plsc

BODIES = 16
NVERT = 4096
NFACE = 8192
KNBR = 8
SIGMA = 0.5
COLL_W = 1.0

NC, NS, LANES = 2, 16, 16
NW = NC * NS
FPW = NFACE // NW
NGRP = FPW // LANES
QBLK = 256
BIG = 1e30


def _sc_mesh():
    return plsc.VectorSubcoreMesh(
        core_axis_name="c", subcore_axis_name="s",
        num_cores=NC, num_subcores=NS)



def _prep_body(verts_hbm, faces_hbm, qmat_hbm, centT_hbm, tris_hbm,
               vbuf, fbuf, qbuf, ctbuf, tbuf):
    w = lax.axis_index("s") * NC + lax.axis_index("c")
    f0 = w * FPW
    lane = lax.iota(jnp.int32, LANES)
    one = jnp.full((LANES,), 1.0, jnp.float32)

    pltpu.sync_copy(faces_hbm.at[pl.ds(f0 * 3, FPW * 3)], fbuf)

    def per_body(b, carry):
        pltpu.sync_copy(verts_hbm.at[b], vbuf)

        def per_group(gi, carry2):
            fl = gi * LANES + lane
            vcoord = []
            for j in range(3):
                ij = plsc.load_gather(fbuf, [fl * 3 + j])
                vcoord.append([
                    plsc.load_gather(vbuf, [ij, jnp.full((LANES,), c, jnp.int32)])
                    for c in range(3)])
            cent = [(vcoord[0][c] + vcoord[1][c] + vcoord[2][c]) * (1.0 / 3.0)
                    for c in range(3)]
            nc2 = 0.5 * (cent[0] * cent[0] + cent[1] * cent[1]
                         + cent[2] * cent[2])
            for col, v in enumerate([-cent[0], -cent[1], -cent[2], one]):
                plsc.store_scatter(
                    qbuf, [fl, jnp.full((LANES,), col, jnp.int32)], v)
            for r, v in enumerate([cent[0], cent[1], cent[2], nc2]):
                plsc.store_scatter(
                    ctbuf, [jnp.full((LANES,), r, jnp.int32), fl], v)
            for j in range(3):
                for c in range(3):
                    plsc.store_scatter(
                        tbuf, [fl, jnp.full((LANES,), 3 * j + c, jnp.int32)],
                        vcoord[j][c])
            for c in range(3):
                plsc.store_scatter(
                    tbuf, [fl, jnp.full((LANES,), 12 + c, jnp.int32)], cent[c])
            return carry2

        lax.fori_loop(0, NGRP, per_group, 0)
        pltpu.sync_copy(qbuf, qmat_hbm.at[b, pl.ds(f0, FPW)])
        pltpu.sync_copy(ctbuf, centT_hbm.at[b, :, pl.ds(f0, FPW)])
        pltpu.sync_copy(tbuf, tris_hbm.at[pl.ds(b * NFACE + f0, FPW)])
        return carry

    lax.fori_loop(0, BODIES, per_body, 0)


@functools.cache
def _prep():
    return pl.kernel(
        _prep_body,
        out_type=[pltpu.HBM((BODIES, NFACE, 4), jnp.float32),
                  pltpu.HBM((BODIES, 4, NFACE), jnp.float32),
                  pltpu.HBM((BODIES * NFACE, 16), jnp.float32)],
        mesh=_sc_mesh(),
        compiler_params=pltpu.CompilerParams(needs_layout_passes=False, use_tc_tiling_on_sc=False),
        scratch_types=[pltpu.VMEM((NVERT, 4), jnp.float32),
                       pltpu.VMEM((FPW * 3,), jnp.int32),
                       pltpu.VMEM((FPW, 4), jnp.float32),
                       pltpu.VMEM((4, FPW), jnp.float32),
                       pltpu.VMEM((FPW, 16), jnp.float32)],
    )



def _make_knn(bodies, nface, qblk, interpret=False):
    nchunk = nface // 128
    qs = 32

    def _knn_body(qmat_ref, centT_ref, nbr_ref, val_ref):
        qb = pl.program_id(1)
        q = qmat_ref[0]
        c = centT_ref[0]
        val_ref[...] = lax.dot_general(
            q, c, (((1,), (0,)), ((), ())),
            preferred_element_type=jnp.float32)
        eye = (lax.broadcasted_iota(jnp.int32, (qblk, qblk), 0)
               == lax.broadcasted_iota(jnp.int32, (qblk, qblk), 1))
        blk = val_ref[:, pl.ds(qb * qblk, qblk)]
        val_ref[:, pl.ds(qb * qblk, qblk)] = jnp.where(eye, BIG, blk)

        laneiota = lax.broadcasted_iota(jnp.int32, (qblk, 128), 1)
        initm = jnp.full((qblk, 128), BIG, jnp.float32)
        inita = jnp.zeros((qblk, 128), jnp.int32)

        unroll = 16

        def insert_one(st, t):
            m1, m2, m3, a1, a2, a3 = st
            v = val_ref[:, pl.ds(t * 128, 128)]
            gt = jnp.full((qblk, 128), t, jnp.int32)
            c1 = v < m1
            t1 = jnp.maximum(m1, v)
            p1 = jnp.where(c1, a1, gt)
            m1 = jnp.minimum(m1, v)
            a1 = jnp.where(c1, gt, a1)
            c2 = t1 < m2
            t2 = jnp.maximum(m2, t1)
            p2 = jnp.where(c2, a2, p1)
            m2 = jnp.minimum(m2, t1)
            a2 = jnp.where(c2, p1, a2)
            c3 = t2 < m3
            m3 = jnp.minimum(m3, t2)
            a3 = jnp.where(c3, p2, a3)
            return m1, m2, m3, a1, a2, a3

        def scan_step(i, st):
            for u in range(unroll):
                st = insert_one(st, i * unroll + u)
            return st

        m1, m2, m3, a1, a2, a3 = lax.fori_loop(
            0, nchunk // unroll, scan_step,
            (initm, initm, initm, inita, inita, inita))

        for t in range(KNBR):
            colfull = a1 * 128 + laneiota
            rowmin = jnp.min(m1, axis=1, keepdims=True)
            cand = jnp.where(m1 <= rowmin, colfull, 1 << 30)
            colv = jnp.min(cand, axis=1)
            nbr_ref[0, :, t] = colv
            sel = colfull == colv[:, None]
            m1 = jnp.where(sel, m2, m1)
            a1 = jnp.where(sel, a2, a1)
            m2 = jnp.where(sel, m3, m2)
            a2 = jnp.where(sel, a3, a2)
            m3 = jnp.where(sel, BIG, m3)

    return pl.pallas_call(
        _knn_body,
        grid=(bodies, nface // qblk),
        in_specs=[pl.BlockSpec((1, qblk, 4), lambda b, qb: (b, qb, 0)),
                  pl.BlockSpec((1, 4, nface), lambda b, qb: (b, 0, 0))],
        out_specs=pl.BlockSpec((1, qblk, KNBR), lambda b, qb: (b, qb, 0)),
        out_shape=jax.ShapeDtypeStruct((bodies, nface, KNBR), jnp.int32),
        scratch_shapes=[pltpu.VMEM((qblk, nface), jnp.float32)],
        interpret=interpret,
    )


@functools.cache
def _knn():
    return _make_knn(BODIES, NFACE, QBLK)



def _field_body(tris_hbm, nbr_hbm, out_hbm, nbuf, obuf, ibuf, gbuf, accbuf,
                sem):
    w = lax.axis_index("s") * NC + lax.axis_index("c")
    f0 = w * FPW
    lane = lax.iota(jnp.int32, LANES)
    magic = jnp.full((LANES,), 0x5F3759DF, jnp.int32)

    def per_body(b, acc):
        pltpu.sync_copy(nbr_hbm.at[b, pl.ds(f0, FPW)], nbuf)
        pltpu.sync_copy(tris_hbm.at[pl.ds(b * NFACE + f0, FPW)], obuf)

        def build(gi, carry):
            for k in range(KNBR):
                g = plsc.load_gather(
                    nbuf, [gi * LANES + lane, jnp.full((LANES,), k, jnp.int32)])
                plsc.store_scatter(
                    ibuf, [jnp.full((LANES,), gi, jnp.int32), k * LANES + lane],
                    g + b * NFACE)
            return carry

        lax.fori_loop(0, NGRP, build, 0)

        descs = [pltpu.async_copy(tris_hbm.at[ibuf.at[gi]], gbuf.at[gi], sem)
                 for gi in range(NGRP)]
        for d in descs:
            d.wait()

        def cgroup(gi, acc2):
            gfull = jnp.full((LANES,), gi, jnp.int32)
            oc = [plsc.load_gather(
                      obuf, [gi * LANES + lane, jnp.full((LANES,), 12 + c, jnp.int32)])
                  for c in range(3)]
            for k in range(KNBR):
                slot = k * LANES + lane
                for j in range(3):
                    s = jnp.full((LANES,), 1e-12, jnp.float32)
                    for c in range(3):
                        gval = plsc.load_gather(
                            gbuf, [gfull, slot,
                                   jnp.full((LANES,), 3 * j + c, jnp.int32)])
                        d0 = gval - oc[c]
                        s = s + d0 * d0
                    sb = plsc.bitcast(s, jnp.int32)
                    y = plsc.bitcast(magic - lax.shift_right_logical(sb, 1),
                                     jnp.float32)
                    y = y * (1.5 - 0.5 * s * y * y)
                    y = y * (1.5 - 0.5 * s * y * y)
                    y = y * (1.5 - 0.5 * s * y * y)
                    dist = s * y
                    fld = jnp.maximum(SIGMA - dist, 0.0)
                    acc2 = acc2 + fld * fld
            return acc2

        return lax.fori_loop(0, NGRP, cgroup, acc)

    acc = lax.fori_loop(0, BODIES, per_body, jnp.zeros((LANES,), jnp.float32))
    accbuf[...] = acc
    pltpu.sync_copy(accbuf, out_hbm.at[w])


@functools.cache
def _field():
    return pl.kernel(
        _field_body,
        out_type=pltpu.HBM((NW, LANES), jnp.float32),
        mesh=_sc_mesh(),
        compiler_params=pltpu.CompilerParams(needs_layout_passes=False, use_tc_tiling_on_sc=False),
        scratch_types=[pltpu.VMEM((FPW, KNBR), jnp.int32),
                       pltpu.VMEM((FPW, 16), jnp.float32),
                       pltpu.VMEM((NGRP, 128), jnp.int32),
                       pltpu.VMEM((NGRP, 128, 16), jnp.float32),
                       pltpu.VMEM((LANES,), jnp.float32),
                       pltpu.SemaphoreType.DMA],
    )


def kernel(vertices, faces):
    vertsP = jnp.pad(vertices, ((0, 0), (0, 0), (0, 1)))
    qmat, centT, tris = _prep()(vertsP, faces)
    nbr = _knn()(qmat, centT)
    parts = _field()(tris, nbr)
    return COLL_W * jnp.sum(parts)

# --- scband reference (transcript-rebuilt; emitter-appended) ---
"""Pipeline reference for scband-interperlation-penalty-36404142800973 (READ-ONLY COPY).

The authoritative reference and input builder live on the scoring server;
editing this copy changes nothing except your own understanding.
"""

import jax, jax.numpy as jnp
import numpy as np

B, V, F = 16, 4096, 8192
K = 8            # max_collisions
SIGMA = 0.5      # df_cone_height
CHUNK = 1024
PENALIZE_OUTSIDE = True
COLL_W = 1.0


def setup_inputs(seed: int = 0) -> dict:
    key = jax.random.key(seed)
    k1, k2 = jax.random.split(key)
    vertices = jax.random.normal(k1, (B, V, 3), dtype=jnp.float32)
    # flattened triangle vertex indices (body_model_faces), values in [0, V)
    faces = jax.random.randint(k2, (F * 3,), 0, V, dtype=jnp.int32)
    return {"vertices": vertices, "faces": faces}


def _knn_neighbors(cent):
    # cent: [F, 3] triangle centroids. Candidate collision search (BVH stand-in):
    # for every triangle find its K nearest triangles by centroid distance.
    def chunk_fn(q):
        d2 = jnp.sum((q[:, None, :] - cent[None, :, :]) ** 2, axis=-1)  # [CHUNK, F]
        _, idx = jax.lax.top_k(-d2, K + 1)
        return idx
    qs = cent.reshape(F // CHUNK, CHUNK, 3)
    idx = jax.lax.map(chunk_fn, qs).reshape(F, K + 1)
    return idx[:, 1:]  # drop self (distance 0 is always the top hit)


def _pen_one(tri):
    # tri: [F, 3, 3] triangles of one body
    cent = tri.mean(axis=1)                               # [F, 3]
    nbr = _knn_neighbors(jax.lax.stop_gradient(cent))     # [F, K] collision_idxs (no_grad)
    e1 = tri[:, 1] - tri[:, 0]
    e2 = tri[:, 2] - tri[:, 0]
    n = jnp.cross(e1, e2)
    n = n / (jnp.linalg.norm(n, axis=-1, keepdims=True) + 1e-9)  # receiver normals
    intr = jnp.take(tri, nbr, axis=0)                     # [F, K, 3, 3] gather intruder tris
    rel = intr - cent[:, None, None, :]
    dist = jnp.sqrt(jnp.sum(rel * rel, axis=-1) + 1e-12)  # [F, K, 3]
    h = jnp.einsum('fkjd,fd->fkj', rel, n)                # signed height above receiver plane
    field = jax.nn.relu(SIGMA - dist)                     # conical distance field, height sigma
    if PENALIZE_OUTSIDE:
        w = jnp.ones_like(field)
    else:
        w = (h < 0).astype(field.dtype)                   # only penetrating side
    phi = field * w
    return jnp.sum(phi * phi)


def _forward(vertices, faces):
    # torch.index_select(vertices, 1, faces).view(B, -1, 3, 3)
    tris = jnp.take(vertices, faces, axis=1).reshape(B, F, 3, 3)
    pen = jax.lax.map(_pen_one, tris)
    return COLL_W * jnp.sum(pen)


def reference(vertices, faces):
    return _forward(vertices, faces)

if __name__ == "__main__":
    import jax
    _d = setup_inputs()
    print(jax.jit(kernel)(*tuple(_d.values())))

</pallas_src>

<mosaic_0001>
#map = affine_map<(d0, d1) -> (0, 0)>
#map1 = affine_map<(d0, d1) -> (0, 0, 0)>
module attributes {stable_mosaic.version = 14 : i64} {
  func.func @_field_body(%arg0: i32, %arg1: i32, %arg2: memref<131072x16xf32, #tpu.memory_space<hbm>>, %arg3: memref<16x8192x8xi32, #tpu.memory_space<hbm>>, %arg4: memref<32x16xf32, #tpu.memory_space<hbm>>, %arg5: memref<256x8xi32, #tpu.memory_space<vmem>>, %arg6: memref<256x16xf32, #tpu.memory_space<vmem>>, %arg7: memref<16x128xi32, #tpu.memory_space<vmem>>, %arg8: memref<16x128x16xf32, #tpu.memory_space<vmem>>, %arg9: memref<16xf32, #tpu.memory_space<vmem>>, %arg10: memref<!tpu.dma_semaphore, #tpu.memory_space<semaphore_mem>>) attributes {dimension_semantics = [#tpu.dimension_semantics<core_parallel>, #tpu.dimension_semantics<subcore_parallel>], iteration_bounds = array<i64: 2, 16>, scalar_prefetch = 0 : i64, scratch_operands = 6 : i64, tpu.core_type = #tpu.core_type<sc_vector_subcore>, window_params = [{transform_indices = #map}, {transform_indices = #map1}, {transform_indices = #map}]} {
    %mul3A = arith.constant 2 : i32
    %mul3A_0 = arith.muli %arg1, %mul3A : i32
    %add3A = arith.addi %mul3A_0, %arg0 : i32
    %mul3A_1 = arith.constant 256 : i32
    %mul3A_2 = arith.muli %add3A, %mul3A_1 : i32
    %iota3A = tpu.iota {dimensions = array<i32: 0>} : vector<16xi32>
    %broadcast_in_dim3A = arith.constant 1597463007 : i32
    %broadcast_in_dim3A_3 = vector.broadcast %broadcast_in_dim3A : i32 to vector<16xi32>
    %broadcast_in_dim3A_4 = arith.constant 0.000000e+00 : f32
    %broadcast_in_dim3A_5 = vector.broadcast %broadcast_in_dim3A_4 : f32 to vector<16xf32>
    %scan3A = arith.constant 0 : i32
    %scan3A_6 = arith.constant 16 : i32
    %scan3A_7 = arith.addi %scan3A, %scan3A_6 : i32
    %scan3A_8 = arith.constant 1 : i32
    %scan3A_9 = scf.for %scan3A_12 = %scan3A to %scan3A_7 step %scan3A_8 iter_args(%scan3A_13 = %broadcast_in_dim3A_5) -> (vector<16xf32>)  : i32 {
      "tpu.region"() ({
        %run_scoped3A = tpu.sem_alloc : memref<!tpu.dma_semaphore, #tpu.memory_space<semaphore_mem>>
        %dma_start3A_411 = arith.constant 0 : i32
        %dma_start3A_412 = tpu.memref_slice %arg3[%scan3A_12, %mul3A_2, %dma_start3A_411] : memref<16x8192x8xi32, #tpu.memory_space<hbm>> -> memref<1x256x8xi32, #tpu.memory_space<hbm>>
        %dma_start3A_413 = tpu.memref_squeeze %dma_start3A_412 : memref<1x256x8xi32, #tpu.memory_space<hbm>> -> memref<256x8xi32, #tpu.memory_space<hbm>>
        %dma_start3A_414 = arith.constant 0 : i32
        %dma_start3A_415 = tpu.memref_slice %arg3[%scan3A_12, %mul3A_2, %dma_start3A_414] : memref<16x8192x8xi32, #tpu.memory_space<hbm>> -> memref<1x256x8xi32, #tpu.memory_space<hbm>>
        %dma_start3A_416 = tpu.memref_squeeze %dma_start3A_415 : memref<1x256x8xi32, #tpu.memory_space<hbm>> -> memref<256x8xi32, #tpu.memory_space<hbm>>
        tpu.enqueue_dma source(%dma_start3A_416 : memref<256x8xi32, #tpu.memory_space<hbm>>) target(%arg5 : memref<256x8xi32, #tpu.memory_space<vmem>>) target_semaphore(%run_scoped3A : memref<!tpu.dma_semaphore, #tpu.memory_space<semaphore_mem>>)
        %dma_wait3A_417 = arith.constant 0 : i32
        %dma_wait3A_418 = tpu.memref_slice %arg3[%scan3A_12, %mul3A_2, %dma_wait3A_417] : memref<16x8192x8xi32, #tpu.memory_space<hbm>> -> memref<1x256x8xi32, #tpu.memory_space<hbm>>
        %dma_wait3A_419 = tpu.memref_squeeze %dma_wait3A_418 : memref<1x256x8xi32, #tpu.memory_space<hbm>> -> memref<256x8xi32, #tpu.memory_space<hbm>>
        %dma_wait3A_420 = arith.constant 0 : i32
        %dma_wait3A_421 = tpu.memref_slice %arg3[%scan3A_12, %mul3A_2, %dma_wait3A_420] : memref<16x8192x8xi32, #tpu.memory_space<hbm>> -> memref<1x256x8xi32, #tpu.memory_space<hbm>>
        %dma_wait3A_422 = tpu.memref_squeeze %dma_wait3A_421 : memref<1x256x8xi32, #tpu.memory_space<hbm>> -> memref<256x8xi32, #tpu.memory_space<hbm>>
        tpu.wait_dma2 semaphore(%run_scoped3A : memref<!tpu.dma_semaphore, #tpu.memory_space<semaphore_mem>>) src(%dma_wait3A_422 : memref<256x8xi32, #tpu.memory_space<hbm>>) dst(%arg5 : memref<256x8xi32, #tpu.memory_space<vmem>>)
        tpu.yield
      }) : () -> ()
      %mul3A_14 = arith.constant 8192 : i32
      %mul3A_15 = arith.muli %scan3A_12, %mul3A_14 : i32
      %add3A_16 = arith.addi %mul3A_15, %mul3A_2 : i32
      "tpu.region"() ({
        %run_scoped3A = tpu.sem_alloc : memref<!tpu.dma_semaphore, #tpu.memory_space<semaphore_mem>>
        %dma_start3A_411 = arith.constant 0 : i32
        %dma_start3A_412 = tpu.memref_slice %arg2[%add3A_16, %dma_start3A_411] : memref<131072x16xf32, #tpu.memory_space<hbm>> -> memref<256x16xf32, #tpu.memory_space<hbm>>
        %dma_start3A_413 = arith.constant 0 : i32
        %dma_start3A_414 = tpu.memref_slice %arg2[%add3A_16, %dma_start3A_413] : memref<131072x16xf32, #tpu.memory_space<hbm>> -> memref<256x16xf32, #tpu.memory_space<hbm>>
        tpu.enqueue_dma source(%dma_start3A_414 : memref<256x16xf32, #tpu.memory_space<hbm>>) target(%arg6 : memref<256x16xf32, #tpu.memory_space<vmem>>) target_semaphore(%run_scoped3A : memref<!tpu.dma_semaphore, #tpu.memory_space<semaphore_mem>>)
        %dma_wait3A_415 = arith.constant 0 : i32
        %dma_wait3A_416 = tpu.memref_slice %arg2[%add3A_16, %dma_wait3A_415] : memref<131072x16xf32, #tpu.memory_space<hbm>> -> memref<256x16xf32, #tpu.memory_space<hbm>>
        %dma_wait3A_417 = arith.constant 0 : i32
        %dma_wait3A_418 = tpu.memref_slice %arg2[%add3A_16, %dma_wait3A_417] : memref<131072x16xf32, #tpu.memory_space<hbm>> -> memref<256x16xf32, #tpu.memory_space<hbm>>
        tpu.wait_dma2 semaphore(%run_scoped3A : memref<!tpu.dma_semaphore, #tpu.memory_space<semaphore_mem>>) src(%dma_wait3A_418 : memref<256x16xf32, #tpu.memory_space<hbm>>) dst(%arg6 : memref<256x16xf32, #tpu.memory_space<vmem>>)
        tpu.yield
      }) : () -> ()
      %scan3A_17 = arith.constant 0 : i32
      %scan3A_18 = arith.constant 0 : i32
      %scan3A_19 = arith.constant 16 : i32
      %scan3A_20 = arith.addi %scan3A_18, %scan3A_19 : i32
      %scan3A_21 = arith.constant 1 : i32
      scf.for %scan3A_411 = %scan3A_18 to %scan3A_20 step %scan3A_21  : i32 {
        %mul3A_412 = arith.constant 16 : i32
        %mul3A_413 = arith.muli %scan3A_411, %mul3A_412 : i32
        %add3A_414 = vector.broadcast %mul3A_413 : i32 to vector<16xi32>
        %add3A_415 = arith.addi %add3A_414, %iota3A : vector<16xi32>
        %broadcast_in_dim3A_416 = arith.constant 0 : i32
        %broadcast_in_dim3A_417 = vector.broadcast %broadcast_in_dim3A_416 : i32 to vector<16xi32>
        %gather3A = tpu.vector_load_idx %arg5[%add3A_415, %broadcast_in_dim3A_417] : memref<256x8xi32, #tpu.memory_space<vmem>>[vector<16xi32>, vector<16xi32>], vector<16xi32>,
        %broadcast_in_dim3A_418 = vector.broadcast %scan3A_411 : i32 to vector<16xi32>
        %add3A_419 = arith.constant 0 : i32
        %add3A_420 = vector.broadcast %add3A_419 : i32 to vector<16xi32>
        %add3A_421 = arith.addi %add3A_420, %iota3A : vector<16xi32>
        %mul3A_422 = arith.constant 8192 : i32
        %mul3A_423 = arith.muli %scan3A_12, %mul3A_422 : i32
        %add3A_424 = vector.broadcast %mul3A_423 : i32 to vector<16xi32>
        %add3A_425 = arith.addi %gather3A, %add3A_424 : vector<16xi32>
        tpu.vector_store_idx %arg7[%broadcast_in_dim3A_418, %add3A_421], %add3A_425 : memref<16x128xi32, #tpu.memory_space<vmem>>[vector<16xi32>, vector<16xi32>], vector<16xi32>,
        %mul3A_426 = arith.constant 16 : i32
        %mul3A_427 = arith.muli %scan3A_411, %mul3A_426 : i32
        %add3A_428 = vector.broadcast %mul3A_427 : i32 to vector<16xi32>
        %add3A_429 = arith.addi %add3A_428, %iota3A : vector<16xi32>
        %broadcast_in_dim3A_430 = arith.constant 1 : i32
        %broadcast_in_dim3A_431 = vector.broadcast %broadcast_in_dim3A_430 : i32 to vector<16xi32>
        %gather3A_432 = tpu.vector_load_idx %arg5[%add3A_429, %broadcast_in_dim3A_431] : memref<256x8xi32, #tpu.memory_space<vmem>>[vector<16xi32>, vector<16xi32>], vector<16xi32>,
        %broadcast_in_dim3A_433 = vector.broadcast %scan3A_411 : i32 to vector<16xi32>
        %add3A_434 = arith.constant 16 : i32
        %add3A_435 = vector.broadcast %add3A_434 : i32 to vector<16xi32>
        %add3A_436 = arith.addi %add3A_435, %iota3A : vector<16xi32>
        %mul3A_437 = arith.constant 8192 : i32
        %mul3A_438 = arith.muli %scan3A_12, %mul3A_437 : i32
        %add3A_439 = vector.broadcast %mul3A_438 : i32 to vector<16xi32>
        %add3A_440 = arith.addi %gather3A_432, %add3A_439 : vector<16xi32>
        tpu.vector_store_idx %arg7[%broadcast_in_dim3A_433, %add3A_436], %add3A_440 : memref<16x128xi32, #tpu.memory_space<vmem>>[vector<16xi32>, vector<16xi32>], vector<16xi32>,
        %mul3A_441 = arith.constant 16 : i32
        %mul3A_442 = arith.muli %scan3A_411, %mul3A_441 : i32
        %add3A_443 = vector.broadcast %mul3A_442 : i32 to vector<16xi32>
        %add3A_444 = arith.addi %add3A_443, %iota3A : vector<16xi32>
        %broadcast_in_dim3A_445 = arith.constant 2 : i32
        %broadcast_in_dim3A_446 = vector.broadcast %broadcast_in_dim3A_445 : i32 to vector<16xi32>
        %gather3A_447 = tpu.vector_load_idx %arg5[%add3A_444, %broadcast_in_dim3A_446] : memref<256x8xi32, #tpu.memory_space<vmem>>[vector<16xi32>, vector<16xi32>], vector<16xi32>,
        %broadcast_in_dim3A_448 = vector.broadcast %scan3A_411 : i32 to vector<16xi32>
        %add3A_449 = arith.constant 32 : i32
        %add3A_450 = vector.broadcast %add3A_449 : i32 to vector<16xi32>
        %add3A_451 = arith.addi %add3A_450, %iota3A : vector<16xi32>
        %mul3A_452 = arith.constant 8192 : i32
        %mul3A_453 = arith.muli %scan3A_12, %mul3A_452 : i32
        %add3A_454 = vector.broadcast %mul3A_453 : i32 to vector<16xi32>
        %add3A_455 = arith.addi %gather3A_447, %add3A_454 : vector<16xi32>
        tpu.vector_store_idx %arg7[%broadcast_in_dim3A_448, %add3A_451], %add3A_455 : memref<16x128xi32, #tpu.memory_space<vmem>>[vector<16xi32>, vector<16xi32>], vector<16xi32>,
        %mul3A_456 = arith.constant 16 : i32
        %mul3A_457 = arith.muli %scan3A_411, %mul3A_456 : i32
        %add3A_458 = vector.broadcast %mul3A_457 : i32 to vector<16xi32>
        %add3A_459 = arith.addi %add3A_458, %iota3A : vector<16xi32>
        %broadcast_in_dim3A_460 = arith.constant 3 : i32
        %broadcast_in_dim3A_461 = vector.broadcast %broadcast_in_dim3A_460 : i32 to vector<16xi32>
        %gather3A_462 = tpu.vector_load_idx %arg5[%add3A_459, %broadcast_in_dim3A_461] : memref<256x8xi32, #tpu.memory_space<vmem>>[vector<16xi32>, vector<16xi32>], vector<16xi32>,
        %broadcast_in_dim3A_463 = vector.broadcast %scan3A_411 : i32 to vector<16xi32>
        %add3A_464 = arith.constant 48 : i32
        %add3A_465 = vector.broadcast %add3A_464 : i32 to vector<16xi32>
        %add3A_466 = arith.addi %add3A_465, %iota3A : vector<16xi32>
        %mul3A_467 = arith.constant 8192 : i32
        %mul3A_468 = arith.muli %scan3A_12, %mul3A_467 : i32
        %add3A_469 = vector.broadcast %mul3A_468 : i32 to vector<16xi32>
        %add3A_470 = arith.addi %gather3A_462, %add3A_469 : vector<16xi32>
        tpu.vector_store_idx %arg7[%broadcast_in_dim3A_463, %add3A_466], %add3A_470 : memref<16x128xi32, #tpu.memory_space<vmem>>[vector<16xi32>, vector<16xi32>], vector<16xi32>,
        %mul3A_471 = arith.constant 16 : i32
        %mul3A_472 = arith.muli %scan3A_411, %mul3A_471 : i32
        %add3A_473 = vector.broadcast %mul3A_472 : i32 to vector<16xi32>
        %add3A_474 = arith.addi %add3A_473, %iota3A : vector<16xi32>
        %broadcast_in_dim3A_475 = arith.constant 4 : i32
        %broadcast_in_dim3A_476 = vector.broadcast %broadcast_in_dim3A_475 : i32 to vector<16xi32>
        %gather3A_477 = tpu.vector_load_idx %arg5[%add3A_474, %broadcast_in_dim3A_476] : memref<256x8xi32, #tpu.memory_space<vmem>>[vector<16xi32>, vector<16xi32>], vector<16xi32>,
        %broadcast_in_dim3A_478 = vector.broadcast %scan3A_411 : i32 to vector<16xi32>
        %add3A_479 = arith.constant 64 : i32
        %add3A_480 = vector.broadcast %add3A_479 : i32 to vector<16xi32>
        %add3A_481 = arith.addi %add3A_480, %iota3A : vector<16xi32>
        %mul3A_482 = arith.constant 8192 : i32
        %mul3A_483 = arith.muli %scan3A_12, %mul3A_482 : i32
        %add3A_484 = vector.broadcast %mul3A_483 : i32 to vector<16xi32>
        %add3A_485 = arith.addi %gather3A_477, %add3A_484 : vector<16xi32>
        tpu.vector_store_idx %arg7[%broadcast_in_dim3A_478, %add3A_481], %add3A_485 : memref<16x128xi32, #tpu.memory_space<vmem>>[vector<16xi32>, vector<16xi32>], vector<16xi32>,
        %mul3A_486 = arith.constant 16 : i32
        %mul3A_487 = arith.muli %scan3A_411, %mul3A_486 : i32
        %add3A_488 = vector.broadcast %mul3A_487 : i32 to vector<16xi32>
        %add3A_489 = arith.addi %add3A_488, %iota3A : vector<16xi32>
        %broadcast_in_dim3A_490 = arith.constant 5 : i32
        %broadcast_in_dim3A_491 = vector.broadcast %broadcast_in_dim3A_490 : i32 to vector<16xi32>
        %gather3A_492 = tpu.vector_load_idx %arg5[%add3A_489, %broadcast_in_dim3A_491] : memref<256x8xi32, #tpu.memory_space<vmem>>[vector<16xi32>, vector<16xi32>], vector<16xi32>,
        %broadcast_in_dim3A_493 = vector.broadcast %scan3A_411 : i32 to vector<16xi32>
        %add3A_494 = arith.constant 80 : i32
        %add3A_495 = vector.broadcast %add3A_494 : i32 to vector<16xi32>
        %add3A_496 = arith.addi %add3A_495, %iota3A : vector<16xi32>
        %mul3A_497 = arith.constant 8192 : i32
        %mul3A_498 = arith.muli %scan3A_12, %mul3A_497 : i32
        %add3A_499 = vector.broadcast %mul3A_498 : i32 to vector<16xi32>
        %add3A_500 = arith.addi %gather3A_492, %add3A_499 : vector<16xi32>
        tpu.vector_store_idx %arg7[%broadcast_in_dim3A_493, %add3A_496], %add3A_500 : memref<16x128xi32, #tpu.memory_space<vmem>>[vector<16xi32>, vector<16xi32>], vector<16xi32>,
        %mul3A_501 = arith.constant 16 : i32
        %mul3A_502 = arith.muli %scan3A_411, %mul3A_501 : i32
        %add3A_503 = vector.broadcast %mul3A_502 : i32 to vector<16xi32>
        %add3A_504 = arith.addi %add3A_503, %iota3A : vector<16xi32>
        %broadcast_in_dim3A_505 = arith.constant 6 : i32
        %broadcast_in_dim3A_506 = vector.broadcast %broadcast_in_dim3A_505 : i32 to vector<16xi32>
        %gather3A_507 = tpu.vector_load_idx %arg5[%add3A_504, %broadcast_in_dim3A_506] : memref<256x8xi32, #tpu.memory_space<vmem>>[vector<16xi32>, vector<16xi32>], vector<16xi32>,
        %broadcast_in_dim3A_508 = vector.broadcast %scan3A_411 : i32 to vector<16xi32>
        %add3A_509 = arith.constant 96 : i32
        %add3A_510 = vector.broadcast %add3A_509 : i32 to vector<16xi32>
        %add3A_511 = arith.addi %add3A_510, %iota3A : vector<16xi32>
        %mul3A_512 = arith.constant 8192 : i32
        %mul3A_513 = arith.muli %scan3A_12, %mul3A_512 : i32
        %add3A_514 = vector.broadcast %mul3A_513 : i32 to vector<16xi32>
        %add3A_515 = arith.addi %gather3A_507, %add3A_514 : vector<16xi32>
        tpu.vector_store_idx %arg7[%broadcast_in_dim3A_508, %add3A_511], %add3A_515 : memref<16x128xi32, #tpu.memory_space<vmem>>[vector<16xi32>, vector<16xi32>], vector<16xi32>,
        %mul3A_516 = arith.constant 16 : i32
        %mul3A_517 = arith.muli %scan3A_411, %mul3A_516 : i32
        %add3A_518 = vector.broadcast %mul3A_517 : i32 to vector<16xi32>
        %add3A_519 = arith.addi %add3A_518, %iota3A : vector<16xi32>
        %broadcast_in_dim3A_520 = arith.constant 7 : i32
        %broadcast_in_dim3A_521 = vector.broadcast %broadcast_in_dim3A_520 : i32 to vector<16xi32>
        %gather3A_522 = tpu.vector_load_idx %arg5[%add3A_519, %broadcast_in_dim3A_521] : memref<256x8xi32, #tpu.memory_space<vmem>>[vector<16xi32>, vector<16xi32>], vector<16xi32>,
        %broadcast_in_dim3A_523 = vector.broadcast %scan3A_411 : i32 to vector<16xi32>
        %add3A_524 = arith.constant 112 : i32
        %add3A_525 = vector.broadcast %add3A_524 : i32 to vector<16xi32>
        %add3A_526 = arith.addi %add3A_525, %iota3A : vector<16xi32>
        %mul3A_527 = arith.constant 8192 : i32
        %mul3A_528 = arith.muli %scan3A_12, %mul3A_527 : i32
        %add3A_529 = vector.broadcast %mul3A_528 : i32 to vector<16xi32>
        %add3A_530 = arith.addi %gather3A_522, %add3A_529 : vector<16xi32>
        tpu.vector_store_idx %arg7[%broadcast_in_dim3A_523, %add3A_526], %add3A_530 : memref<16x128xi32, #tpu.memory_space<vmem>>[vector<16xi32>, vector<16xi32>], vector<16xi32>,
      }
      %scan3A_22 = arith.constant 16 : i32
      %dma_start3A = arith.constant 0 : i32
      %dma_start3A_23 = arith.constant 0 : i32
      %dma_start3A_24 = arith.constant 0 : i32
      %dma_start3A_25 = arith.constant 0 : i32
      %dma_start3A_26 = tpu.memref_slice %arg8[%dma_start3A_23, %dma_start3A_24, %dma_start3A_25] : memref<16x128x16xf32, #tpu.memory_space<vmem>> -> memref<1x128x16xf32, #tpu.memory_space<vmem>>
      %dma_start3A_27 = tpu.memref_squeeze %dma_start3A_26 : memref<1x128x16xf32, #tpu.memory_space<vmem>> -> memref<128x16xf32, #tpu.memory_space<vmem>>
      %dma_start3A_28 = arith.constant 0 : i32
      %dma_start3A_29 = tpu.memref_slice %arg7[%dma_start3A, %dma_start3A_28] : memref<16x128xi32, #tpu.memory_space<vmem>> -> memref<1x128xi32, #tpu.memory_space<vmem>>
      %dma_start3A_30 = tpu.memref_squeeze %dma_start3A_29 : memref<1x128xi32, #tpu.memory_space<vmem>> -> memref<128xi32, #tpu.memory_space<vmem>>
      %dma_start3A_31 = arith.constant 0 : i32
      %dma_start3A_32 = arith.constant 0 : i32
      %dma_start3A_33 = tpu.memref_slice %arg2[%dma_start3A_31, %dma_start3A_32] : memref<131072x16xf32, #tpu.memory_space<hbm>> -> memref<131072x16xf32, #tpu.memory_space<hbm>>
      tpu.enqueue_indirect_dma source(%dma_start3A_33 : memref<131072x16xf32, #tpu.memory_space<hbm>>) target(%dma_start3A_27 : memref<128x16xf32, #tpu.memory_space<vmem>>) offsets(%dma_start3A_30 : memref<128xi32, #tpu.memory_space<vmem>>) semaphore(%arg10 : memref<!tpu.dma_semaphore, #tpu.memory_space<semaphore_mem>>)
      %dma_start3A_34 = arith.constant 1 : i32
      %dma_start3A_35 = arith.constant 1 : i32
      %dma_start3A_36 = arith.constant 0 : i32
      %dma_start3A_37 = arith.constant 0 : i32
      %dma_start3A_38 = tpu.memref_slice %arg8[%dma_start3A_35, %dma_start3A_36, %dma_start3A_37] : memref<16x128x16xf32, #tpu.memory_space<vmem>> -> memref<1x128x16xf32, #tpu.memory_space<vmem>>
      %dma_start3A_39 = tpu.memref_squeeze %dma_start3A_38 : memref<1x128x16xf32, #tpu.memory_space<vmem>> -> memref<128x16xf32, #tpu.memory_space<vmem>>
      %dma_start3A_40 = arith.constant 0 : i32
      %dma_start3A_41 = tpu.memref_slice %arg7[%dma_start3A_34, %dma_start3A_40] : memref<16x128xi32, #tpu.memory_space<vmem>> -> memref<1x128xi32, #tpu.memory_space<vmem>>
      %dma_start3A_42 = tpu.memref_squeeze %dma_start3A_41 : memref<1x128xi32, #tpu.memory_space<vmem>> -> memref<128xi32, #tpu.memory_space<vmem>>
      %dma_start3A_43 = arith.constant 0 : i32
      %dma_start3A_44 = arith.constant 0 : i32
      %dma_start3A_45 = tpu.memref_slice %arg2[%dma_start3A_43, %dma_start3A_44] : memref<131072x16xf32, #tpu.memory_space<hbm>> -> memref<131072x16xf32, #tpu.memory_space<hbm>>
      tpu.enqueue_indirect_dma source(%dma_start3A_45 : memref<131072x16xf32, #tpu.memory_space<hbm>>) target(%dma_start3A_39 : memref<128x16xf32, #tpu.memory_space<vmem>>) offsets(%dma_start3A_42 : memref<128xi32, #tpu.memory_space<vmem>>) semaphore(%arg10 : memref<!tpu.dma_semaphore, #tpu.memory_space<semaphore_mem>>)
      %dma_start3A_46 = arith.constant 2 : i32
      %dma_start3A_47 = arith.constant 2 : i32
      %dma_start3A_48 = arith.constant 0 : i32
      %dma_start3A_49 = arith.constant 0 : i32
      %dma_start3A_50 = tpu.memref_slice %arg8[%dma_start3A_47, %dma_start3A_48, %dma_start3A_49] : memref<16x128x16xf32, #tpu.memory_space<vmem>> -> memref<1x128x16xf32, #tpu.memory_space<vmem>>
      %dma_start3A_51 = tpu.memref_squeeze %dma_start3A_50 : memref<1x128x16xf32, #tpu.memory_space<vmem>> -> memref<128x16xf32, #tpu.memory_space<vmem>>
      %dma_start3A_52 = arith.constant 0 : i32
      %dma_start3A_53 = tpu.memref_slice %arg7[%dma_start3A_46, %dma_start3A_52] : memref<16x128xi32, #tpu.memory_space<vmem>> -> memref<1x128xi32, #tpu.memory_space<vmem>>
      %dma_start3A_54 = tpu.memref_squeeze %dma_start3A_53 : memref<1x128xi32, #tpu.memory_space<vmem>> -> memref<128xi32, #tpu.memory_space<vmem>>
      %dma_start3A_55 = arith.constant 0 : i32
      %dma_start3A_56 = arith.constant 0 : i32
      %dma_start3A_57 = tpu.memref_slice %arg2[%dma_start3A_55, %dma_start3A_56] : memref<131072x16xf32, #tpu.memory_space<hbm>> -> memref<131072x16xf32, #tpu.memory_space<hbm>>
      tpu.enqueue_indirect_dma source(%dma_start3A_57 : memref<131072x16xf32, #tpu.memory_space<hbm>>) target(%dma_start3A_51 : memref<128x16xf32, #tpu.memory_space<vmem>>) offsets(%dma_start3A_54 : memref<128xi32, #tpu.memory_space<vmem>>) semaphore(%arg10 : memref<!tpu.dma_semaphore, #tpu.memory_space<semaphore_mem>>)
      %dma_start3A_58 = arith.constant 3 : i32
      %dma_start3A_59 = arith.constant 3 : i32
      %dma_start3A_60 = arith.constant 0 : i32
      %dma_start3A_61 = arith.constant 0 : i32
      %dma_start3A_62 = tpu.memref_slice %arg8[%dma_start3A_59, %dma_start3A_60, %dma_start3A_61] : memref<16x128x16xf32, #tpu.memory_space<vmem>> -> memref<1x128x16xf32, #tpu.memory_space<vmem>>
      %dma_start3A_63 = tpu.memref_squeeze %dma_start3A_62 : memref<1x128x16xf32, #tpu.memory_space<vmem>> -> memref<128x16xf32, #tpu.memory_space<vmem>>
      %dma_start3A_64 = arith.constant 0 : i32
      %dma_start3A_65 = tpu.memref_slice %arg7[%dma_start3A_58, %dma_start3A_64] : memref<16x128xi32, #tpu.memory_space<vmem>> -> memref<1x128xi32, #tpu.memory_space<vmem>>
      %dma_start3A_66 = tpu.memref_squeeze %dma_start3A_65 : memref<1x128xi32, #tpu.memory_space<vmem>> -> memref<128xi32, #tpu.memory_space<vmem>>
      %dma_start3A_67 = arith.constant 0 : i32
      %dma_start3A_68 = arith.constant 0 : i32
      %dma_start3A_69 = tpu.memref_slice %arg2[%dma_start3A_67, %dma_start3A_68] : memref<131072x16xf32, #tpu.memory_space<hbm>> -> memref<131072x16xf32, #tpu.memory_space<hbm>>
      tpu.enqueue_indirect_dma source(%dma_start3A_69 : memref<131072x16xf32, #tpu.memory_space<hbm>>) target(%dma_start3A_63 : memref<128x16xf32, #tpu.memory_space<vmem>>) offsets(%dma_start3A_66 : memref<128xi32, #tpu.memory_space<vmem>>) semaphore(%arg10 : memref<!tpu.dma_semaphore, #tpu.memory_space<semaphore_mem>>)
      %dma_start3A_70 = arith.constant 4 : i32
      %dma_start3A_71 = arith.constant 4 : i32
      %dma_start3A_72 = arith.constant 0 : i32
      %dma_start3A_73 = arith.constant 0 : i32
      %dma_start3A_74 = tpu.memref_slice %arg8[%dma_start3A_71, %dma_start3A_72, %dma_start3A_73] : memref<16x128x16xf32, #tpu.memory_space<vmem>> -> memref<1x128x16xf32, #tpu.memory_space<vmem>>
      %dma_start3A_75 = tpu.memref_squeeze %dma_start3A_74 : memref<1x128x16xf32, #tpu.memory_space<vmem>> -> memref<128x16xf32, #tpu.memory_space<vmem>>
      %dma_start3A_76 = arith.constant 0 : i32
      %dma_start3A_77 = tpu.memref_slice %arg7[%dma_start3A_70, %dma_start3A_76] : memref<16x128xi32, #tpu.memory_space<vmem>> -> memref<1x128xi32, #tpu.memory_space<vmem>>
      %dma_start3A_78 = tpu.memref_squeeze %dma_start3A_77 : memref<1x128xi32, #tpu.memory_space<vmem>> -> memref<128xi32, #tpu.memory_space<vmem>>
      %dma_start3A_79 = arith.constant 0 : i32
      %dma_start3A_80 = arith.constant 0 : i32
      %dma_start3A_81 = tpu.memref_slice %arg2[%dma_start3A_79, %dma_start3A_80] : memref<131072x16xf32, #tpu.memory_space<hbm>> -> memref<131072x16xf32, #tpu.memory_space<hbm>>
      tpu.enqueue_indirect_dma source(%dma_start3A_81 : memref<131072x16xf32, #tpu.memory_space<hbm>>) target(%dma_start3A_75 : memref<128x16xf32, #tpu.memory_space<vmem>>) offsets(%dma_start3A_78 : memref<128xi32, #tpu.memory_space<vmem>>) semaphore(%arg10 : memref<!tpu.dma_semaphore, #tpu.memory_space<semaphore_mem>>)
      %dma_start3A_82 = arith.constant 5 : i32
      %dma_start3A_83 = arith.constant 5 : i32
      %dma_start3A_84 = arith.constant 0 : i32
      %dma_start3A_85 = arith.constant 0 : i32
      %dma_start3A_86 = tpu.memref_slice %arg8[%dma_start3A_83, %dma_start3A_84, %dma_start3A_85] : memref<16x128x16xf32, #tpu.memory_space<vmem>> -> memref<1x128x16xf32, #tpu.memory_space<vmem>>
      %dma_start3A_87 = tpu.memref_squeeze %dma_start3A_86 : memref<1x128x16xf32, #tpu.memory_space<vmem>> -> memref<128x16xf32, #tpu.memory_space<vmem>>
      %dma_start3A_88 = arith.constant 0 : i32
      %dma_start3A_89 = tpu.memref_slice %arg7[%dma_start3A_82, %dma_start3A_88] : memref<16x128xi32, #tpu.memory_space<vmem>> -> memref<1x128xi32, #tpu.memory_space<vmem>>
      %dma_start3A_90 = tpu.memref_squeeze %dma_start3A_89 : memref<1x128xi32, #tpu.memory_space<vmem>> -> memref<128xi32, #tpu.memory_space<vmem>>
      %dma_start3A_91 = arith.constant 0 : i32
      %dma_start3A_92 = arith.constant 0 : i32
      %dma_start3A_93 = tpu.memref_slice %arg2[%dma_start3A_91, %dma_start3A_92] : memref<131072x16xf32, #tpu.memory_space<hbm>> -> memref<131072x16xf32, #tpu.memory_space<hbm>>
      tpu.enqueue_indirect_dma source(%dma_start3A_93 : memref<131072x16xf32, #tpu.memory_space<hbm>>) target(%dma_start3A_87 : memref<128x16xf32, #tpu.memory_space<vmem>>) offsets(%dma_start3A_90 : memref<128xi32, #tpu.memory_space<vmem>>) semaphore(%arg10 : memref<!tpu.dma_semaphore, #tpu.memory_space<semaphore_mem>>)
      %dma_start3A_94 = arith.constant 6 : i32
      %dma_start3A_95 = arith.constant 6 : i32
      %dma_start3A_96 = arith.constant 0 : i32
      %dma_start3A_97 = arith.constant 0 : i32
      %dma_start3A_98 = tpu.memref_slice %arg8[%dma_start3A_95, %dma_start3A_96, %dma_start3A_97] : memref<16x128x16xf32, #tpu.memory_space<vmem>> -> memref<1x128x16xf32, #tpu.memory_space<vmem>>
      %dma_start3A_99 = tpu.memref_squeeze %dma_start3A_98 : memref<1x128x16xf32, #tpu.memory_space<vmem>> -> memref<128x16xf32, #tpu.memory_space<vmem>>
      %dma_start3A_100 = arith.constant 0 : i32
      %dma_start3A_101 = tpu.memref_slice %arg7[%dma_start3A_94, %dma_start3A_100] : memref<16x128xi32, #tpu.memory_space<vmem>> -> memref<1x128xi32, #tpu.memory_space<vmem>>
      %dma_start3A_102 = tpu.memref_squeeze %dma_start3A_101 : memref<1x128xi32, #tpu.memory_space<vmem>> -> memref<128xi32, #tpu.memory_space<vmem>>
      %dma_start3A_103 = arith.constant 0 : i32
      %dma_start3A_104 = arith.constant 0 : i32
      %dma_start3A_105 = tpu.memref_slice %arg2[%dma_start3A_103, %dma_start3A_104] : memref<131072x16xf32, #tpu.memory_space<hbm>> -> memref<131072x16xf32, #tpu.memory_space<hbm>>
      tpu.enqueue_indirect_dma source(%dma_start3A_105 : memref<131072x16xf32, #tpu.memory_space<hbm>>) target(%dma_start3A_99 : memref<128x16xf32, #tpu.memory_space<vmem>>) offsets(%dma_start3A_102 : memref<128xi32, #tpu.memory_space<vmem>>) semaphore(%arg10 : memref<!tpu.dma_semaphore, #tpu.memory_space<semaphore_mem>>)
      %dma_start3A_106 = arith.constant 7 : i32
      %dma_start3A_107 = arith.constant 7 : i32
      %dma_start3A_108 = arith.constant 0 : i32
      %dma_start3A_109 = arith.constant 0 : i32
      %dma_start3A_110 = tpu.memref_slice %arg8[%dma_start3A_107, %dma_start3A_108, %dma_start3A_109] : memref<16x128x16xf32, #tpu.memory_space<vmem>> -> memref<1x128x16xf32, #tpu.memory_space<vmem>>
      %dma_start3A_111 = tpu.memref_squeeze %dma_start3A_110 : memref<1x128x16xf32, #tpu.memory_space<vmem>> -> memref<128x16xf32, #tpu.memory_space<vmem>>
      %dma_start3A_112 = arith.constant 0 : i32
      %dma_start3A_113 = tpu.memref_slice %arg7[%dma_start3A_106, %dma_start3A_112] : memref<16x128xi32, #tpu.memory_space<vmem>> -> memref<1x128xi32, #tpu.memory_space<vmem>>
      %dma_start3A_114 = tpu.memref_squeeze %dma_start3A_113 : memref<1x128xi32, #tpu.memory_space<vmem>> -> memref<128xi32, #tpu.memory_space<vmem>>
      %dma_start3A_115 = arith.constant 0 : i32
      %dma_start3A_116 = arith.constant 0 : i32
      %dma_start3A_117 = tpu.memref_slice %arg2[%dma_start3A_115, %dma_start3A_116] : memref<131072x16xf32, #tpu.memory_space<hbm>> -> memref<131072x16xf32, #tpu.memory_space<hbm>>
      tpu.enqueue_indirect_dma source(%dma_start3A_117 : memref<131072x16xf32, #tpu.memory_space<hbm>>) target(%dma_start3A_111 : memref<128x16xf32, #tpu.memory_space<vmem>>) offsets(%dma_start3A_114 : memref<128xi32, #tpu.memory_space<vmem>>) semaphore(%arg10 : memref<!tpu.dma_semaphore, #tpu.memory_space<semaphore_mem>>)
      %dma_start3A_118 = arith.constant 8 : i32
      %dma_start3A_119 = arith.constant 8 : i32
      %dma_start3A_120 = arith.constant 0 : i32
      %dma_start3A_121 = arith.constant 0 : i32
      %dma_start3A_122 = tpu.memref_slice %arg8[%dma_start3A_119, %dma_start3A_120, %dma_start3A_121] : memref<16x128x16xf32, #tpu.memory_space<vmem>> -> memref<1x128x16xf32, #tpu.memory_space<vmem>>
      %dma_start3A_123 = tpu.memref_squeeze %dma_start3A_122 : memref<1x128x16xf32, #tpu.memory_space<vmem>> -> memref<128x16xf32, #tpu.memory_space<vmem>>
      %dma_start3A_124 = arith.constant 0 : i32
      %dma_start3A_125 = tpu.memref_slice %arg7[%dma_start3A_118, %dma_start3A_124] : memref<16x128xi32, #tpu.memory_space<vmem>> -> memref<1x128xi32, #tpu.memory_space<vmem>>
      %dma_start3A_126 = tpu.memref_squeeze %dma_start3A_125 : memref<1x128xi32, #tpu.memory_space<vmem>> -> memref<128xi32, #tpu.memory_space<vmem>>
      %dma_start3A_127 = arith.constant 0 : i32
      %dma_start3A_128 = arith.constant 0 : i32
      %dma_start3A_129 = tpu.memref_slice %arg2[%dma_start3A_127, %dma_start3A_128] : memref<131072x16xf32, #tpu.memory_space<hbm>> -> memref<131072x16xf32, #tpu.memory_space<hbm>>
      tpu.enqueue_indirect_dma source(%dma_start3A_129 : memref<131072x16xf32, #tpu.memory_space<hbm>>) target(%dma_start3A_123 : memref<128x16xf32, #tpu.memory_space<vmem>>) offsets(%dma_start3A_126 : memref<128xi32, #tpu.memory_space<vmem>>) semaphore(%arg10 : memref<!tpu.dma_semaphore, #tpu.memory_space<semaphore_mem>>)
      %dma_start3A_130 = arith.constant 9 : i32
      %dma_start3A_131 = arith.constant 9 : i32
      %dma_start3A_132 = arith.constant 0 : i32
      %dma_start3A_133 = arith.constant 0 : i32
      %dma_start3A_134 = tpu.memref_slice %arg8[%dma_start3A_131, %dma_start3A_132, %dma_start3A_133] : memref<16x128x16xf32, #tpu.memory_space<vmem>> -> memref<1x128x16xf32, #tpu.memory_space<vmem>>
      %dma_start3A_135 = tpu.memref_squeeze %dma_start3A_134 : memref<1x128x16xf32, #tpu.memory_space<vmem>> -> memref<128x16xf32, #tpu.memory_space<vmem>>
      %dma_start3A_136 = arith.constant 0 : i32
      %dma_start3A_137 = tpu.memref_slice %arg7[%dma_start3A_130, %dma_start3A_136] : memref<16x128xi32, #tpu.memory_space<vmem>> -> memref<1x128xi32, #tpu.memory_space<vmem>>
      %dma_start3A_138 = tpu.memref_squeeze %dma_start3A_137 : memref<1x128xi32, #tpu.memory_space<vmem>> -> memref<128xi32, #tpu.memory_space<vmem>>
      %dma_start3A_139 = arith.constant 0 : i32
      %dma_start3A_140 = arith.constant 0 : i32
      %dma_start3A_141 = tpu.memref_slice %arg2[%dma_start3A_139, %dma_start3A_140] : memref<131072x16xf32, #tpu.memory_space<hbm>> -> memref<131072x16xf32, #tpu.memory_space<hbm>>
      tpu.enqueue_indirect_dma source(%dma_start3A_141 : memref<131072x16xf32, #tpu.memory_space<hbm>>) target(%dma_start3A_135 : memref<128x16xf32, #tpu.memory_space<vmem>>) offsets(%dma_start3A_138 : memref<128xi32, #tpu.memory_space<vmem>>) semaphore(%arg10 : memref<!tpu.dma_semaphore, #tpu.memory_space<semaphore_mem>>)
      %dma_start3A_142 = arith.constant 10 : i32
      %dma_start3A_143 = arith.constant 10 : i32
      %dma_start3A_144 = arith.constant 0 : i32
      %dma_start3A_145 = arith.constant 0 : i32
      %dma_start3A_146 = tpu.memref_slice %arg8[%dma_start3A_143, %dma_start3A_144, %dma_start3A_145] : memref<16x128x16xf32, #tpu.memory_space<vmem>> -> memref<1x128x16xf32, #tpu.memory_space<vmem>>
      %dma_start3A_147 = tpu.memref_squeeze %dma_start3A_146 : memref<1x128x16xf32, #tpu.memory_space<vmem>> -> memref<128x16xf32, #tpu.memory_space<vmem>>
      %dma_start3A_148 = arith.constant 0 : i32
      %dma_start3A_149 = tpu.memref_slice %arg7[%dma_start3A_142, %dma_start3A_148] : memref<16x128xi32, #tpu.memory_space<vmem>> -> memref<1x128xi32, #tpu.memory_space<vmem>>
      %dma_start3A_150 = tpu.memref_squeeze %dma_start3A_149 : memref<1x128xi32, #tpu.memory_space<vmem>> -> memref<128xi32, #tpu.memory_space<vmem>>
      %dma_start3A_151 = arith.constant 0 : i32
      %dma_start3A_152 = arith.constant 0 : i32
      %dma_start3A_153 = tpu.memref_slice %arg2[%dma_start3A_151, %dma_start3A_152] : memref<131072x16xf32, #tpu.memory_space<hbm>> -> memref<131072x16xf32, #tpu.memory_space<hbm>>
      tpu.enqueue_indirect_dma source(%dma_start3A_153 : memref<131072x16xf32, #tpu.memory_space<hbm>>) target(%dma_start3A_147 : memref<128x16xf32, #tpu.memory_space<vmem>>) offsets(%dma_start3A_150 : memref<128xi32, #tpu.memory_space<vmem>>) semaphore(%arg10 : memref<!tpu.dma_semaphore, #tpu.memory_space<semaphore_mem>>)
      %dma_start3A_154 = arith.constant 11 : i32
      %dma_start3A_155 = arith.constant 11 : i32
      %dma_start3A_156 = arith.constant 0 : i32
      %dma_start3A_157 = arith.constant 0 : i32
      %dma_start3A_158 = tpu.memref_slice %arg8[%dma_start3A_155, %dma_start3A_156, %dma_start3A_157] : memref<16x128x16xf32, #tpu.memory_space<vmem>> -> memref<1x128x16xf32, #tpu.memory_space<vmem>>
      %dma_start3A_159 = tpu.memref_squeeze %dma_start3A_158 : memref<1x128x16xf32, #tpu.memory_space<vmem>> -> memref<128x16xf32, #tpu.memory_space<vmem>>
      %dma_start3A_160 = arith.constant 0 : i32
      %dma_start3A_161 = tpu.memref_slice %arg7[%dma_start3A_154, %dma_start3A_160] : memref<16x128xi32, #tpu.memory_space<vmem>> -> memref<1x128xi32, #tpu.memory_space<vmem>>
      %dma_start3A_162 = tpu.memref_squeeze %dma_start3A_161 : memref<1x128xi32, #tpu.memory_space<vmem>> -> memref<128xi32, #tpu.memory_space<vmem>>
      %dma_start3A_163 = arith.constant 0 : i32
      %dma_start3A_164 = arith.constant 0 : i32
      %dma_start3A_165 = tpu.memref_slice %arg2[%dma_start3A_163, %dma_start3A_164] : memref<131072x16xf32, #tpu.memory_space<hbm>> -> memref<131072x16xf32, #tpu.memory_space<hbm>>
      tpu.enqueue_indirect_dma source(%dma_start3A_165 : memref<131072x16xf32, #tpu.memory_space<hbm>>) target(%dma_start3A_159 : memref<128x16xf32, #tpu.memory_space<vmem>>) offsets(%dma_start3A_162 : memref<128xi32, #tpu.memory_space<vmem>>) semaphore(%arg10 : memref<!tpu.dma_semaphore, #tpu.memory_space<semaphore_mem>>)
      %dma_start3A_166 = arith.constant 12 : i32
      %dma_start3A_167 = arith.constant 12 : i32
      %dma_start3A_168 = arith.constant 0 : i32
      %dma_start3A_169 = arith.constant 0 : i32
      %dma_start3A_170 = tpu.memref_slice %arg8[%dma_start3A_167, %dma_start3A_168, %dma_start3A_169] : memref<16x128x16xf32, #tpu.memory_space<vmem>> -> memref<1x128x16xf32, #tpu.memory_space<vmem>>
      %dma_start3A_171 = tpu.memref_squeeze %dma_start3A_170 : memref<1x128x16xf32, #tpu.memory_space<vmem>> -> memref<128x16xf32, #tpu.memory_space<vmem>>
      %dma_start3A_172 = arith.constant 0 : i32
      %dma_start3A_173 = tpu.memref_slice %arg7[%dma_start3A_166, %dma_start3A_172] : memref<16x128xi32, #tpu.memory_space<vmem>> -> memref<1x128xi32, #tpu.memory_space<vmem>>
      %dma_start3A_174 = tpu.memref_squeeze %dma_start3A_173 : memref<1x128xi32, #tpu.memory_space<vmem>> -> memref<128xi32, #tpu.memory_space<vmem>>
      %dma_start3A_175 = arith.constant 0 : i32
      %dma_start3A_176 = arith.constant 0 : i32
      %dma_start3A_177 = tpu.memref_slice %arg2[%dma_start3A_175, %dma_start3A_176] : memref<131072x16xf32, #tpu.memory_space<hbm>> -> memref<131072x16xf32, #tpu.memory_space<hbm>>
      tpu.enqueue_indirect_dma source(%dma_start3A_177 : memref<131072x16xf32, #tpu.memory_space<hbm>>) target(%dma_start3A_171 : memref<128x16xf32, #tpu.memory_space<vmem>>) offsets(%dma_start3A_174 : memref<128xi32, #tpu.memory_space<vmem>>) semaphore(%arg10 : memref<!tpu.dma_semaphore, #tpu.memory_space<semaphore_mem>>)
      %dma_start3A_178 = arith.constant 13 : i32
      %dma_start3A_179 = arith.constant 13 : i32
      %dma_start3A_180 = arith.constant 0 : i32
      %dma_start3A_181 = arith.constant 0 : i32
      %dma_start3A_182 = tpu.memref_slice %arg8[%dma_start3A_179, %dma_start3A_180, %dma_start3A_181] : memref<16x128x16xf32, #tpu.memory_space<vmem>> -> memref<1x128x16xf32, #tpu.memory_space<vmem>>
      %dma_start3A_183 = tpu.memref_squeeze %dma_start3A_182 : memref<1x128x16xf32, #tpu.memory_space<vmem>> -> memref<128x16xf32, #tpu.memory_space<vmem>>
      %dma_start3A_184 = arith.constant 0 : i32
      %dma_start3A_185 = tpu.memref_slice %arg7[%dma_start3A_178, %dma_start3A_184] : memref<16x128xi32, #tpu.memory_space<vmem>> -> memref<1x128xi32, #tpu.memory_space<vmem>>
      %dma_start3A_186 = tpu.memref_squeeze %dma_start3A_185 : memref<1x128xi32, #tpu.memory_space<vmem>> -> memref<128xi32, #tpu.memory_space<vmem>>
      %dma_start3A_187 = arith.constant 0 : i32
      %dma_start3A_188 = arith.constant 0 : i32
      %dma_start3A_189 = tpu.memref_slice %arg2[%dma_start3A_187, %dma_start3A_188] : memref<131072x16xf32, #tpu.memory_space<hbm>> -> memref<131072x16xf32, #tpu.memory_space<hbm>>
      tpu.enqueue_indirect_dma source(%dma_start3A_189 : memref<131072x16xf32, #tpu.memory_space<hbm>>) target(%dma_start3A_183 : memref<128x16xf32, #tpu.memory_space<vmem>>) offsets(%dma_start3A_186 : memref<128xi32, #tpu.memory_space<vmem>>) semaphore(%arg10 : memref<!tpu.dma_semaphore, #tpu.memory_space<semaphore_mem>>)
      %dma_start3A_190 = arith.constant 14 : i32
      %dma_start3A_191 = arith.constant 14 : i32
      %dma_start3A_192 = arith.constant 0 : i32
      %dma_start3A_193 = arith.constant 0 : i32
      %dma_start3A_194 = tpu.memref_slice %arg8[%dma_start3A_191, %dma_start3A_192, %dma_start3A_193] : memref<16x128x16xf32, #tpu.memory_space<vmem>> -> memref<1x128x16xf32, #tpu.memory_space<vmem>>
      %dma_start3A_195 = tpu.memref_squeeze %dma_start3A_194 : memref<1x128x16xf32, #tpu.memory_space<vmem>> -> memref<128x16xf32, #tpu.memory_space<vmem>>
      %dma_start3A_196 = arith.constant 0 : i32
      %dma_start3A_197 = tpu.memref_slice %arg7[%dma_start3A_190, %dma_start3A_196] : memref<16x128xi32, #tpu.memory_space<vmem>> -> memref<1x128xi32, #tpu.memory_space<vmem>>
      %dma_start3A_198 = tpu.memref_squeeze %dma_start3A_197 : memref<1x128xi32, #tpu.memory_space<vmem>> -> memref<128xi32, #tpu.memory_space<vmem>>
      %dma_start3A_199 = arith.constant 0 : i32
      %dma_start3A_200 = arith.constant 0 : i32
      %dma_start3A_201 = tpu.memref_slice %arg2[%dma_start3A_199, %dma_start3A_200] : memref<131072x16xf32, #tpu.memory_space<hbm>> -> memref<131072x16xf32, #tpu.memory_space<hbm>>
      tpu.enqueue_indirect_dma source(%dma_start3A_201 : memref<131072x16xf32, #tpu.memory_space<hbm>>) target(%dma_start3A_195 : memref<128x16xf32, #tpu.memory_space<vmem>>) offsets(%dma_start3A_198 : memref<128xi32, #tpu.memory_space<vmem>>) semaphore(%arg10 : memref<!tpu.dma_semaphore, #tpu.memory_space<semaphore_mem>>)
      %dma_start3A_202 = arith.constant 15 : i32
      %dma_start3A_203 = arith.constant 15 : i32
      %dma_start3A_204 = arith.constant 0 : i32
      %dma_start3A_205 = arith.constant 0 : i32
      %dma_start3A_206 = tpu.memref_slice %arg8[%dma_start3A_203, %dma_start3A_204, %dma_start3A_205] : memref<16x128x16xf32, #tpu.memory_space<vmem>> -> memref<1x128x16xf32, #tpu.memory_space<vmem>>
      %dma_start3A_207 = tpu.memref_squeeze %dma_start3A_206 : memref<1x128x16xf32, #tpu.memory_space<vmem>> -> memref<128x16xf32, #tpu.memory_space<vmem>>
      %dma_start3A_208 = arith.constant 0 : i32
      %dma_start3A_209 = tpu.memref_slice %arg7[%dma_start3A_202, %dma_start3A_208] : memref<16x128xi32, #tpu.memory_space<vmem>> -> memref<1x128xi32, #tpu.memory_space<vmem>>
      %dma_start3A_210 = tpu.memref_squeeze %dma_start3A_209 : memref<1x128xi32, #tpu.memory_space<vmem>> -> memref<128xi32, #tpu.memory_space<vmem>>
      %dma_start3A_211 = arith.constant 0 : i32
      %dma_start3A_212 = arith.constant 0 : i32
      %dma_start3A_213 = tpu.memref_slice %arg2[%dma_start3A_211, %dma_start3A_212] : memref<131072x16xf32, #tpu.memory_space<hbm>> -> memref<131072x16xf32, #tpu.memory_space<hbm>>
      tpu.enqueue_indirect_dma source(%dma_start3A_213 : memref<131072x16xf32, #tpu.memory_space<hbm>>) target(%dma_start3A_207 : memref<128x16xf32, #tpu.memory_space<vmem>>) offsets(%dma_start3A_210 : memref<128xi32, #tpu.memory_space<vmem>>) semaphore(%arg10 : memref<!tpu.dma_semaphore, #tpu.memory_space<semaphore_mem>>)
      %dma_wait3A = arith.constant 0 : i32
      %dma_wait3A_214 = arith.constant 0 : i32
      %dma_wait3A_215 = arith.constant 0 : i32
      %dma_wait3A_216 = arith.constant 0 : i32
      %dma_wait3A_217 = tpu.memref_slice %arg8[%dma_wait3A_214, %dma_wait3A_215, %dma_wait3A_216] : memref<16x128x16xf32, #tpu.memory_space<vmem>> -> memref<1x128x16xf32, #tpu.memory_space<vmem>>
      %dma_wait3A_218 = tpu.memref_squeeze %dma_wait3A_217 : memref<1x128x16xf32, #tpu.memory_space<vmem>> -> memref<128x16xf32, #tpu.memory_space<vmem>>
      %dma_wait3A_219 = arith.constant 0 : i32
      %dma_wait3A_220 = tpu.memref_slice %arg7[%dma_wait3A, %dma_wait3A_219] : memref<16x128xi32, #tpu.memory_space<vmem>> -> memref<1x128xi32, #tpu.memory_space<vmem>>
      %dma_wait3A_221 = tpu.memref_squeeze %dma_wait3A_220 : memref<1x128xi32, #tpu.memory_space<vmem>> -> memref<128xi32, #tpu.memory_space<vmem>>
      %dma_wait3A_222 = arith.constant 0 : i32
      %dma_wait3A_223 = arith.constant 0 : i32
      %dma_wait3A_224 = tpu.memref_slice %arg2[%dma_wait3A_222, %dma_wait3A_223] : memref<131072x16xf32, #tpu.memory_space<hbm>> -> memref<131072x16xf32, #tpu.memory_space<hbm>>
      tpu.wait_indirect_dma semaphore(%arg10 : memref<!tpu.dma_semaphore, #tpu.memory_space<semaphore_mem>>) src(%dma_wait3A_224 : memref<131072x16xf32, #tpu.memory_space<hbm>>) dst(%dma_wait3A_218 : memref<128x16xf32, #tpu.memory_space<vmem>>)
      %dma_wait3A_225 = arith.constant 1 : i32
      %dma_wait3A_226 = arith.constant 1 : i32
      %dma_wait3A_227 = arith.constant 0 : i32
      %dma_wait3A_228 = arith.constant 0 : i32
      %dma_wait3A_229 = tpu.memref_slice %arg8[%dma_wait3A_226, %dma_wait3A_227, %dma_wait3A_228] : memref<16x128x16xf32, #tpu.memory_space<vmem>> -> memref<1x128x16xf32, #tpu.memory_space<vmem>>
      %dma_wait3A_230 = tpu.memref_squeeze %dma_wait3A_229 : memref<1x128x16xf32, #tpu.memory_space<vmem>> -> memref<128x16xf32, #tpu.memory_space<vmem>>
      %dma_wait3A_231 = arith.constant 0 : i32
      %dma_wait3A_232 = tpu.memref_slice %arg7[%dma_wait3A_225, %dma_wait3A_231] : memref<16x128xi32, #tpu.memory_space<vmem>> -> memref<1x128xi32, #tpu.memory_space<vmem>>
      %dma_wait3A_233 = tpu.memref_squeeze %dma_wait3A_232 : memref<1x128xi32, #tpu.memory_space<vmem>> -> memref<128xi32, #tpu.memory_space<vmem>>
      %dma_wait3A_234 = arith.constant 0 : i32
      %dma_wait3A_235 = arith.constant 0 : i32
      %dma_wait3A_236 = tpu.memref_slice %arg2[%dma_wait3A_234, %dma_wait3A_235] : memref<131072x16xf32, #tpu.memory_space<hbm>> -> memref<131072x16xf32, #tpu.memory_space<hbm>>
      tpu.wait_indirect_dma semaphore(%arg10 : memref<!tpu.dma_semaphore, #tpu.memory_space<semaphore_mem>>) src(%dma_wait3A_236 : memref<131072x16xf32, #tpu.memory_space<hbm>>) dst(%dma_wait3A_230 : memref<128x16xf32, #tpu.memory_space<vmem>>)
      %dma_wait3A_237 = arith.constant 2 : i32
      %dma_wait3A_238 = arith.constant 2 : i32
      %dma_wait3A_239 = arith.constant 0 : i32
      %dma_wait3A_240 = arith.constant 0 : i32
      %dma_wait3A_241 = tpu.memref_slice %arg8[%dma_wait3A_238, %dma_wait3A_239, %dma_wait3A_240] : memref<16x128x16xf32, #tpu.memory_space<vmem>> -> memref<1x128x16xf32, #tpu.memory_space<vmem>>
      %dma_wait3A_242 = tpu.memref_squeeze %dma_wait3A_241 : memref<1x128x16xf32, #tpu.memory_space<vmem>> -> memref<128x16xf32, #tpu.memory_space<vmem>>
      %dma_wait3A_243 = arith.constant 0 : i32
      %dma_wait3A_244 = tpu.memref_slice %arg7[%dma_wait3A_237, %dma_wait3A_243] : memref<16x128xi32, #tpu.memory_space<vmem>> -> memref<1x128xi32, #tpu.memory_space<vmem>>
      %dma_wait3A_245 = tpu.memref_squeeze %dma_wait3A_244 : memref<1x128xi32, #tpu.memory_space<vmem>> -> memref<128xi32, #tpu.memory_space<vmem>>
      %dma_wait3A_246 = arith.constant 0 : i32
      %dma_wait3A_247 = arith.constant 0 : i32
      %dma_wait3A_248 = tpu.memref_slice %arg2[%dma_wait3A_246, %dma_wait3A_247] : memref<131072x16xf32, #tpu.memory_space<hbm>> -> memref<131072x16xf32, #tpu.memory_space<hbm>>
      tpu.wait_indirect_dma semaphore(%arg10 : memref<!tpu.dma_semaphore, #tpu.memory_space<semaphore_mem>>) src(%dma_wait3A_248 : memref<131072x16xf32, #tpu.memory_space<hbm>>) dst(%dma_wait3A_242 : memref<128x16xf32, #tpu.memory_space<vmem>>)
      %dma_wait3A_249 = arith.constant 3 : i32
      %dma_wait3A_250 = arith.constant 3 : i32
      %dma_wait3A_251 = arith.constant 0 : i32
      %dma_wait3A_252 = arith.constant 0 : i32
      %dma_wait3A_253 = tpu.memref_slice %arg8[%dma_wait3A_250, %dma_wait3A_251, %dma_wait3A_252] : memref<16x128x16xf32, #tpu.memory_space<vmem>> -> memref<1x128x16xf32, #tpu.memory_space<vmem>>
      %dma_wait3A_254 = tpu.memref_squeeze %dma_wait3A_253 : memref<1x128x16xf32, #tpu.memory_space<vmem>> -> memref<128x16xf32, #tpu.memory_space<vmem>>
      %dma_wait3A_255 = arith.constant 0 : i32
      %dma_wait3A_256 = tpu.memref_slice %arg7[%dma_wait3A_249, %dma_wait3A_255] : memref<16x128xi32, #tpu.memory_space<vmem>> -> memref<1x128xi32, #tpu.memory_space<vmem>>
      %dma_wait3A_257 = tpu.memref_squeeze %dma_wait3A_256 : memref<1x128xi32, #tpu.memory_space<vmem>> -> memref<128xi32, #tpu.memory_space<vmem>>
      %dma_wait3A_258 = arith.constant 0 : i32
      %dma_wait3A_259 = arith.constant 0 : i32
      %dma_wait3A_260 = tpu.memref_slice %arg2[%dma_wait3A_258, %dma_wait3A_259] : memref<131072x16xf32, #tpu.memory_space<hbm>> -> memref<131072x16xf32, #tpu.memory_space<hbm>>
      tpu.wait_indirect_dma semaphore(%arg10 : memref<!tpu.dma_semaphore, #tpu.memory_space<semaphore_mem>>) src(%dma_wait3A_260 : memref<131072x16xf32, #tpu.memory_space<hbm>>) dst(%dma_wait3A_254 : memref<128x16xf32, #tpu.memory_space<vmem>>)
      %dma_wait3A_261 = arith.constant 4 : i32
      %dma_wait3A_262 = arith.constant 4 : i32
      %dma_wait3A_263 = arith.constant 0 : i32
      %dma_wait3A_264 = arith.constant 0 : i32
      %dma_wait3A_265 = tpu.memref_slice %arg8[%dma_wait3A_262, %dma_wait3A_263, %dma_wait3A_264] : memref<16x128x16xf32, #tpu.memory_space<vmem>> -> memref<1x128x16xf32, #tpu.memory_space<vmem>>
      %dma_wait3A_266 = tpu.memref_squeeze %dma_wait3A_265 : memref<1x128x16xf32, #tpu.memory_space<vmem>> -> memref<128x16xf32, #tpu.memory_space<vmem>>
      %dma_wait3A_267 = arith.constant 0 : i32
      %dma_wait3A_268 = tpu.memref_slice %arg7[%dma_wait3A_261, %dma_wait3A_267] : memref<16x128xi32, #tpu.memory_space<vmem>> -> memref<1x128xi32, #tpu.memory_space<vmem>>
      %dma_wait3A_269 = tpu.memref_squeeze %dma_wait3A_268 : memref<1x128xi32, #tpu.memory_space<vmem>> -> memref<128xi32, #tpu.memory_space<vmem>>
      %dma_wait3A_270 = arith.constant 0 : i32
      %dma_wait3A_271 = arith.constant 0 : i32
      %dma_wait3A_272 = tpu.memref_slice %arg2[%dma_wait3A_270, %dma_wait3A_271] : memref<131072x16xf32, #tpu.memory_space<hbm>> -> memref<131072x16xf32, #tpu.memory_space<hbm>>
      tpu.wait_indirect_dma semaphore(%arg10 : memref<!tpu.dma_semaphore, #tpu.memory_space<semaphore_mem>>) src(%dma_wait3A_272 : memref<131072x16xf32, #tpu.memory_space<hbm>>) dst(%dma_wait3A_266 : memref<128x16xf32, #tpu.memory_space<vmem>>)
      %dma_wait3A_273 = arith.constant 5 : i32
      %dma_wait3A_274 = arith.constant 5 : i32
      %dma_wait3A_275 = arith.constant 0 : i32
      %dma_wait3A_276 = arith.constant 0 : i32
      %dma_wait3A_277 = tpu.memref_slice %arg8[%dma_wait3A_274, %dma_wait3A_275, %dma_wait3A_276] : memref<16x128x16xf32, #tpu.memory_space<vmem>> -> memref<1x128x16xf32, #tpu.memory_space<vmem>>
      %dma_wait3A_278 = tpu.memref_squeeze %dma_wait3A_277 : memref<1x128x16xf32, #tpu.memory_space<vmem>> -> memref<128x16xf32, #tpu.memory_space<vmem>>
      %dma_wait3A_279 = arith.constant 0 : i32
      %dma_wait3A_280 = tpu.memref_slice %arg7[%dma_wait3A_273, %dma_wait3A_279] : memref<16x128xi32, #tpu.memory_space<vmem>> -> memref<1x128xi32, #tpu.memory_space<vmem>>
      %dma_wait3A_281 = tpu.memref_squeeze %dma_wait3A_280 : memref<1x128xi32, #tpu.memory_space<vmem>> -> memref<128xi32, #tpu.memory_space<vmem>>
      %dma_wait3A_282 = arith.constant 0 : i32
      %dma_wait3A_283 = arith.constant 0 : i32
      %dma_wait3A_284 = tpu.memref_slice %arg2[%dma_wait3A_282, %dma_wait3A_283] : memref<131072x16xf32, #tpu.memory_space<hbm>> -> memref<131072x16xf32, #tpu.memory_space<hbm>>
      tpu.wait_indirect_dma semaphore(%arg10 : memref<!tpu.dma_semaphore, #tpu.memory_space<semaphore_mem>>) src(%dma_wait3A_284 : memref<131072x16xf32, #tpu.memory_space<hbm>>) dst(%dma_wait3A_278 : memref<128x16xf32, #tpu.memory_space<vmem>>)
      %dma_wait3A_285 = arith.constant 6 : i32
      %dma_wait3A_286 = arith.constant 6 : i32
      %dma_wait3A_287 = arith.constant 0 : i32
      %dma_wait3A_288 = arith.constant 0 : i32
      %dma_wait3A_289 = tpu.memref_slice %arg8[%dma_wait3A_286, %dma_wait3A_287, %dma_wait3A_288] : memref<16x128x16xf32, #tpu.memory_space<vmem>> -> memref<1x128x16xf32, #tpu.memory_space<vmem>>
      %dma_wait3A_290 = tpu.memref_squeeze %dma_wait3A_289 : memref<1x128x16xf32, #tpu.memory_space<vmem>> -> memref<128x16xf32, #tpu.memory_space<vmem>>
      %dma_wait3A_291 = arith.constant 0 : i32
      %dma_wait3A_292 = tpu.memref_slice %arg7[%dma_wait3A_285, %dma_wait3A_291] : memref<16x128xi32, #tpu.memory_space<vmem>> -> memref<1x128xi32, #tpu.memory_space<vmem>>
      %dma_wait3A_293 = tpu.memref_squeeze %dma_wait3A_292 : memref<1x128xi32, #tpu.memory_space<vmem>> -> memref<128xi32, #tpu.memory_space<vmem>>
      %dma_wait3A_294 = arith.constant 0 : i32
      %dma_wait3A_295 = arith.constant 0 : i32
      %dma_wait3A_296 = tpu.memref_slice %arg2[%dma_wait3A_294, %dma_wait3A_295] : memref<131072x16xf32, #tpu.memory_space<hbm>> -> memref<131072x16xf32, #tpu.memory_space<hbm>>
      tpu.wait_indirect_dma semaphore(%arg10 : memref<!tpu.dma_semaphore, #tpu.memory_space<semaphore_mem>>) src(%dma_wait3A_296 : memref<131072x16xf32, #tpu.memory_space<hbm>>) dst(%dma_wait3A_290 : memref<128x16xf32, #tpu.memory_space<vmem>>)
      %dma_wait3A_297 = arith.constant 7 : i32
      %dma_wait3A_298 = arith.constant 7 : i32
      %dma_wait3A_299 = arith.constant 0 : i32
      %dma_wait3A_300 = arith.constant 0 : i32
      %dma_wait3A_301 = tpu.memref_slice %arg8[%dma_wait3A_298, %dma_wait3A_299, %dma_wait3A_300] : memref<16x128x16xf32, #tpu.memory_space<vmem>> -> memref<1x128x16xf32, #tpu.memory_space<vmem>>
      %dma_wait3A_302 = tpu.memref_squeeze %dma_wait3A_301 : memref<1x128x16xf32, #tpu.memory_space<vmem>> -> memref<128x16xf32, #tpu.memory_space<vmem>>
      %dma_wait3A_303 = arith.constant 0 : i32
      %dma_wait3A_304 = tpu.memref_slice %arg7[%dma_wait3A_297, %dma_wait3A_303] : memref<16x128xi32, #tpu.memory_space<vmem>> -> memref<1x128xi32, #tpu.memory_space<vmem>>
      %dma_wait3A_305 = tpu.memref_squeeze %dma_wait3A_304 : memref<1x128xi32, #tpu.memory_space<vmem>> -> memref<128xi32, #tpu.memory_space<vmem>>
      %dma_wait3A_306 = arith.constant 0 : i32
      %dma_wait3A_307 = arith.constant 0 : i32
      %dma_wait3A_308 = tpu.memref_slice %arg2[%dma_wait3A_306, %dma_wait3A_307] : memref<131072x16xf32, #tpu.memory_space<hbm>> -> memref<131072x16xf32, #tpu.memory_space<hbm>>
      tpu.wait_indirect_dma semaphore(%arg10 : memref<!tpu.dma_semaphore, #tpu.memory_space<semaphore_mem>>) src(%dma_wait3A_308 : memref<131072x16xf32, #tpu.memory_space<hbm>>) dst(%dma_wait3A_302 : memref<128x16xf32, #tpu.memory_space<vmem>>)
      %dma_wait3A_309 = arith.constant 8 : i32
      %dma_wait3A_310 = arith.constant 8 : i32
      %dma_wait3A_311 = arith.constant 0 : i32
      %dma_wait3A_312 = arith.constant 0 : i32
      %dma_wait3A_313 = tpu.memref_slice %arg8[%dma_wait3A_310, %dma_wait3A_311, %dma_wait3A_312] : memref<16x128x16xf32, #tpu.memory_space<vmem>> -> memref<1x128x16xf32, #tpu.memory_space<vmem>>
      %dma_wait3A_314 = tpu.memref_squeeze %dma_wait3A_313 : memref<1x128x16xf32, #tpu.memory_space<vmem>> -> memref<128x16xf32, #tpu.memory_space<vmem>>
      %dma_wait3A_315 = arith.constant 0 : i32
      %dma_wait3A_316 = tpu.memref_slice %arg7[%dma_wait3A_309, %dma_wait3A_315] : memref<16x128xi32, #tpu.memory_space<vmem>> -> memref<1x128xi32, #tpu.memory_space<vmem>>
      %dma_wait3A_317 = tpu.memref_squeeze %dma_wait3A_316 : memref<1x128xi32, #tpu.memory_space<vmem>> -> memref<128xi32, #tpu.memory_space<vmem>>
      %dma_wait3A_318 = arith.constant 0 : i32
      %dma_wait3A_319 = arith.constant 0 : i32
      %dma_wait3A_320 = tpu.memref_slice %arg2[%dma_wait3A_318, %dma_wait3A_319] : memref<131072x16xf32, #tpu.memory_space<hbm>> -> memref<131072x16xf32, #tpu.memory_space<hbm>>
      tpu.wait_indirect_dma semaphore(%arg10 : memref<!tpu.dma_semaphore, #tpu.memory_space<semaphore_mem>>) src(%dma_wait3A_320 : memref<131072x16xf32, #tpu.memory_space<hbm>>) dst(%dma_wait3A_314 : memref<128x16xf32, #tpu.memory_space<vmem>>)
      %dma_wait3A_321 = arith.constant 9 : i32
      %dma_wait3A_322 = arith.constant 9 : i32
      %dma_wait3A_323 = arith.constant 0 : i32
      %dma_wait3A_324 = arith.constant 0 : i32
      %dma_wait3A_325 = tpu.memref_slice %arg8[%dma_wait3A_322, %dma_wait3A_323, %dma_wait3A_324] : memref<16x128x16xf32, #tpu.memory_space<vmem>> -> memref<1x128x16xf32, #tpu.memory_space<vmem>>
      %dma_wait3A_326 = tpu.memref_squeeze %dma_wait3A_325 : memref<1x128x16xf32, #tpu.memory_space<vmem>> -> memref<128x16xf32, #tpu.memory_space<vmem>>
      %dma_wait3A_327 = arith.constant 0 : i32
      %dma_wait3A_328 = tpu.memref_slice %arg7[%dma_wait3A_321, %dma_wait3A_327] : memref<16x128xi32, #tpu.memory_space<vmem>> -> memref<1x128xi32, #tpu.memory_space<vmem>>
      %dma_wait3A_329 = tpu.memref_squeeze %dma_wait3A_328 : memref<1x128xi32, #tpu.memory_space<vmem>> -> memref<128xi32, #tpu.memory_space<vmem>>
      %dma_wait3A_330 = arith.constant 0 : i32
      %dma_wait3A_331 = arith.constant 0 : i32
      %dma_wait3A_332 = tpu.memref_slice %arg2[%dma_wait3A_330, %dma_wait3A_331] : memref<131072x16xf32, #tpu.memory_space<hbm>> -> memref<131072x16xf32, #tpu.memory_space<hbm>>
      tpu.wait_indirect_dma semaphore(%arg10 : memref<!tpu.dma_semaphore, #tpu.memory_space<semaphore_mem>>) src(%dma_wait3A_332 : memref<131072x16xf32, #tpu.memory_space<hbm>>) dst(%dma_wait3A_326 : memref<128x16xf32, #tpu.memory_space<vmem>>)
      %dma_wait3A_333 = arith.constant 10 : i32
      %dma_wait3A_334 = arith.constant 10 : i32
      %dma_wait3A_335 = arith.constant 0 : i32
      %dma_wait3A_336 = arith.constant 0 : i32
      %dma_wait3A_337 = tpu.memref_slice %arg8[%dma_wait3A_334, %dma_wait3A_335, %dma_wait3A_336] : memref<16x128x16xf32, #tpu.memory_space<vmem>> -> memref<1x128x16xf32, #tpu.memory_space<vmem>>
      %dma_wait3A_338 = tpu.memref_squeeze %dma_wait3A_337 : memref<1x128x16xf32, #tpu.memory_space<vmem>> -> memref<128x16xf32, #tpu.memory_space<vmem>>
      %dma_wait3A_339 = arith.constant 0 : i32
      %dma_wait3A_340 = tpu.memref_slice %arg7[%dma_wait3A_333, %dma_wait3A_339] : memref<16x128xi32, #tpu.memory_space<vmem>> -> memref<1x128xi32, #tpu.memory_space<vmem>>
      %dma_wait3A_341 = tpu.memref_squeeze %dma_wait3A_340 : memref<1x128xi32, #tpu.memory_space<vmem>> -> memref<128xi32, #tpu.memory_space<vmem>>
      %dma_wait3A_342 = arith.constant 0 : i32
      %dma_wait3A_343 = arith.constant 0 : i32
      %dma_wait3A_344 = tpu.memref_slice %arg2[%dma_wait3A_342, %dma_wait3A_343] : memref<131072x16xf32, #tpu.memory_space<hbm>> -> memref<131072x16xf32, #tpu.memory_space<hbm>>
      tpu.wait_indirect_dma semaphore(%arg10 : memref<!tpu.dma_semaphore, #tpu.memory_space<semaphore_mem>>) src(%dma_wait3A_344 : memref<131072x16xf32, #tpu.memory_space<hbm>>) dst(%dma_wait3A_338 : memref<128x16xf32, #tpu.memory_space<vmem>>)
      %dma_wait3A_345 = arith.constant 11 : i32
      %dma_wait3A_346 = arith.constant 11 : i32
      %dma_wait3A_347 = arith.constant 0 : i32
      %dma_wait3A_348 = arith.constant 0 : i32
      %dma_wait3A_349 = tpu.memref_slice %arg8[%dma_wait3A_346, %dma_wait3A_347, %dma_wait3A_348] : memref<16x128x16xf32, #tpu.memory_space<vmem>> -> memref<1x128x16xf32, #tpu.memory_space<vmem>>
      %dma_wait3A_350 = tpu.memref_squeeze %dma_wait3A_349 : memref<1x128x16xf32, #tpu.memory_space<vmem>> -> memref<128x16xf32, #tpu.memory_space<vmem>>
      %dma_wait3A_351 = arith.constant 0 : i32
      %dma_wait3A_352 = tpu.memref_slice %arg7[%dma_wait3A_345, %dma_wait3A_351] : memref<16x128xi32, #tpu.memory_space<vmem>> -> memref<1x128xi32, #tpu.memory_space<vmem>>
      %dma_wait3A_353 = tpu.memref_squeeze %dma_wait3A_352 : memref<1x128xi32, #tpu.memory_space<vmem>> -> memref<128xi32, #tpu.memory_space<vmem>>
      %dma_wait3A_354 = arith.constant 0 : i32
      %dma_wait3A_355 = arith.constant 0 : i32
      %dma_wait3A_356 = tpu.memref_slice %arg2[%dma_wait3A_354, %dma_wait3A_355] : memref<131072x16xf32, #tpu.memory_space<hbm>> -> memref<131072x16xf32, #tpu.memory_space<hbm>>
      tpu.wait_indirect_dma semaphore(%arg10 : memref<!tpu.dma_semaphore, #tpu.memory_space<semaphore_mem>>) src(%dma_wait3A_356 : memref<131072x16xf32, #tpu.memory_space<hbm>>) dst(%dma_wait3A_350 : memref<128x16xf32, #tpu.memory_space<vmem>>)
      %dma_wait3A_357 = arith.constant 12 : i32
      %dma_wait3A_358 = arith.constant 12 : i32
      %dma_wait3A_359 = arith.constant 0 : i32
      %dma_wait3A_360 = arith.constant 0 : i32
      %dma_wait3A_361 = tpu.memref_slice %arg8[%dma_wait3A_358, %dma_wait3A_359, %dma_wait3A_360] : memref<16x128x16xf32, #tpu.memory_space<vmem>> -> memref<1x128x16xf32, #tpu.memory_space<vmem>>
      %dma_wait3A_362 = tpu.memref_squeeze %dma_wait3A_361 : memref<1x128x16xf32, #tpu.memory_space<vmem>> -> memref<128x16xf32, #tpu.memory_space<vmem>>
      %dma_wait3A_363 = arith.constant 0 : i32
      %dma_wait3A_364 = tpu.memref_slice %arg7[%dma_wait3A_357, %dma_wait3A_363] : memref<16x128xi32, #tpu.memory_space<vmem>> -> memref<1x128xi32, #tpu.memory_space<vmem>>
      %dma_wait3A_365 = tpu.memref_squeeze %dma_wait3A_364 : memref<1x128xi32, #tpu.memory_space<vmem>> -> memref<128xi32, #tpu.memory_space<vmem>>
      %dma_wait3A_366 = arith.constant 0 : i32
      %dma_wait3A_367 = arith.constant 0 : i32
      %dma_wait3A_368 = tpu.memref_slice %arg2[%dma_wait3A_366, %dma_wait3A_367] : memref<131072x16xf32, #tpu.memory_space<hbm>> -> memref<131072x16xf32, #tpu.memory_space<hbm>>
      tpu.wait_indirect_dma semaphore(%arg10 : memref<!tpu.dma_semaphore, #tpu.memory_space<semaphore_mem>>) src(%dma_wait3A_368 : memref<131072x16xf32, #tpu.memory_space<hbm>>) dst(%dma_wait3A_362 : memref<128x16xf32, #tpu.memory_space<vmem>>)
      %dma_wait3A_369 = arith.constant 13 : i32
      %dma_wait3A_370 = arith.constant 13 : i32
      %dma_wait3A_371 = arith.constant 0 : i32
      %dma_wait3A_372 = arith.constant 0 : i32
      %dma_wait3A_373 = tpu.memref_slice %arg8[%dma_wait3A_370, %dma_wait3A_371, %dma_wait3A_372] : memref<16x128x16xf32, #tpu.memory_space<vmem>> -> memref<1x128x16xf32, #tpu.memory_space<vmem>>
      %dma_wait3A_374 = tpu.memref_squeeze %dma_wait3A_373 : memref<1x128x16xf32, #tpu.memory_space<vmem>> -> memref<128x16xf32, #tpu.memory_space<vmem>>
      %dma_wait3A_375 = arith.constant 0 : i32
      %dma_wait3A_376 = tpu.memref_slice %arg7[%dma_wait3A_369, %dma_wait3A_375] : memref<16x128xi32, #tpu.memory_space<vmem>> -> memref<1x128xi32, #tpu.memory_space<vmem>>
      %dma_wait3A_377 = tpu.memref_squeeze %dma_wait3A_376 : memref<1x128xi32, #tpu.memory_space<vmem>> -> memref<128xi32, #tpu.memory_space<vmem>>
      %dma_wait3A_378 = arith.constant 0 : i32
      %dma_wait3A_379 = arith.constant 0 : i32
      %dma_wait3A_380 = tpu.memref_slice %arg2[%dma_wait3A_378, %dma_wait3A_379] : memref<131072x16xf32, #tpu.memory_space<hbm>> -> memref<131072x16xf32, #tpu.memory_space<hbm>>
      tpu.wait_indirect_dma semaphore(%arg10 : memref<!tpu.dma_semaphore, #tpu.memory_space<semaphore_mem>>) src(%dma_wait3A_380 : memref<131072x16xf32, #tpu.memory_space<hbm>>) dst(%dma_wait3A_374 : memref<128x16xf32, #tpu.memory_space<vmem>>)
      %dma_wait3A_381 = arith.constant 14 : i32
      %dma_wait3A_382 = arith.constant 14 : i32
      %dma_wait3A_383 = arith.constant 0 : i32
      %dma_wait3A_384 = arith.constant 0 : i32
      %dma_wait3A_385 = tpu.memref_slice %arg8[%dma_wait3A_382, %dma_wait3A_383, %dma_wait3A_384] : memref<16x128x16xf32, #tpu.memory_space<vmem>> -> memref<1x128x16xf32, #tpu.memory_space<vmem>>
      %dma_wait3A_386 = tpu.memref_squeeze %dma_wait3A_385 : memref<1x128x16xf32, #tpu.memory_space<vmem>> -> memref<128x16xf32, #tpu.memory_space<vmem>>
      %dma_wait3A_387 = arith.constant 0 : i32
      %dma_wait3A_388 = tpu.memref_slice %arg7[%dma_wait3A_381, %dma_wait3A_387] : memref<16x128xi32, #tpu.memory_space<vmem>> -> memref<1x128xi32, #tpu.memory_space<vmem>>
      %dma_wait3A_389 = tpu.memref_squeeze %dma_wait3A_388 : memref<1x128xi32, #tpu.memory_space<vmem>> -> memref<128xi32, #tpu.memory_space<vmem>>
      %dma_wait3A_390 = arith.constant 0 : i32
      %dma_wait3A_391 = arith.constant 0 : i32
      %dma_wait3A_392 = tpu.memref_slice %arg2[%dma_wait3A_390, %dma_wait3A_391] : memref<131072x16xf32, #tpu.memory_space<hbm>> -> memref<131072x16xf32, #tpu.memory_space<hbm>>
      tpu.wait_indirect_dma semaphore(%arg10 : memref<!tpu.dma_semaphore, #tpu.memory_space<semaphore_mem>>) src(%dma_wait3A_392 : memref<131072x16xf32, #tpu.memory_space<hbm>>) dst(%dma_wait3A_386 : memref<128x16xf32, #tpu.memory_space<vmem>>)
      %dma_wait3A_393 = arith.constant 15 : i32
      %dma_wait3A_394 = arith.constant 15 : i32
      %dma_wait3A_395 = arith.constant 0 : i32
      %dma_wait3A_396 = arith.constant 0 : i32
      %dma_wait3A_397 = tpu.memref_slice %arg8[%dma_wait3A_394, %dma_wait3A_395, %dma_wait3A_396] : memref<16x128x16xf32, #tpu.memory_space<vmem>> -> memref<1x128x16xf32, #tpu.memory_space<vmem>>
      %dma_wait3A_398 = tpu.memref_squeeze %dma_wait3A_397 : memref<1x128x16xf32, #tpu.memory_space<vmem>> -> memref<128x16xf32, #tpu.memory_space<vmem>>
      %dma_wait3A_399 = arith.constant 0 : i32
      %dma_wait3A_400 = tpu.memref_slice %arg7[%dma_wait3A_393, %dma_wait3A_399] : memref<16x128xi32, #tpu.memory_space<vmem>> -> memref<1x128xi32, #tpu.memory_space<vmem>>
      %dma_wait3A_401 = tpu.memref_squeeze %dma_wait3A_400 : memref<1x128xi32, #tpu.memory_space<vmem>> -> memref<128xi32, #tpu.memory_space<vmem>>
      %dma_wait3A_402 = arith.constant 0 : i32
      %dma_wait3A_403 = arith.constant 0 : i32
      %dma_wait3A_404 = tpu.memref_slice %arg2[%dma_wait3A_402, %dma_wait3A_403] : memref<131072x16xf32, #tpu.memory_space<hbm>> -> memref<131072x16xf32, #tpu.memory_space<hbm>>
      tpu.wait_indirect_dma semaphore(%arg10 : memref<!tpu.dma_semaphore, #tpu.memory_space<semaphore_mem>>) src(%dma_wait3A_404 : memref<131072x16xf32, #tpu.memory_space<hbm>>) dst(%dma_wait3A_398 : memref<128x16xf32, #tpu.memory_space<vmem>>)
      %scan3A_405 = arith.constant 0 : i32
      %scan3A_406 = arith.constant 16 : i32
      %scan3A_407 = arith.addi %scan3A_405, %scan3A_406 : i32
      %scan3A_408 = arith.constant 1 : i32
      %scan3A_409 = scf.for %scan3A_411 = %scan3A_405 to %scan3A_407 step %scan3A_408 iter_args(%scan3A_412 = %scan3A_13) -> (vector<16xf32>)  : i32 {
        %broadcast_in_dim3A_413 = vector.broadcast %scan3A_411 : i32 to vector<16xi32>
        %mul3A_414 = arith.constant 16 : i32
        %mul3A_415 = arith.muli %scan3A_411, %mul3A_414 : i32
        %add3A_416 = vector.broadcast %mul3A_415 : i32 to vector<16xi32>
        %add3A_417 = arith.addi %add3A_416, %iota3A : vector<16xi32>
        %broadcast_in_dim3A_418 = arith.constant 12 : i32
        %broadcast_in_dim3A_419 = vector.broadcast %broadcast_in_dim3A_418 : i32 to vector<16xi32>
        %gather3A = tpu.vector_load_idx %arg6[%add3A_417, %broadcast_in_dim3A_419] : memref<256x16xf32, #tpu.memory_space<vmem>>[vector<16xi32>, vector<16xi32>], vector<16xf32>,
        %mul3A_420 = arith.constant 16 : i32
        %mul3A_421 = arith.muli %scan3A_411, %mul3A_420 : i32
        %add3A_422 = vector.broadcast %mul3A_421 : i32 to vector<16xi32>
        %add3A_423 = arith.addi %add3A_422, %iota3A : vector<16xi32>
        %broadcast_in_dim3A_424 = arith.constant 13 : i32
        %broadcast_in_dim3A_425 = vector.broadcast %broadcast_in_dim3A_424 : i32 to vector<16xi32>
        %gather3A_426 = tpu.vector_load_idx %arg6[%add3A_423, %broadcast_in_dim3A_425] : memref<256x16xf32, #tpu.memory_space<vmem>>[vector<16xi32>, vector<16xi32>], vector<16xf32>,
        %mul3A_427 = arith.constant 16 : i32
        %mul3A_428 = arith.muli %scan3A_411, %mul3A_427 : i32
        %add3A_429 = vector.broadcast %mul3A_428 : i32 to vector<16xi32>
        %add3A_430 = arith.addi %add3A_429, %iota3A : vector<16xi32>
        %broadcast_in_dim3A_431 = arith.constant 14 : i32
        %broadcast_in_dim3A_432 = vector.broadcast %broadcast_in_dim3A_431 : i32 to vector<16xi32>
        %gather3A_433 = tpu.vector_load_idx %arg6[%add3A_430, %broadcast_in_dim3A_432] : memref<256x16xf32, #tpu.memory_space<vmem>>[vector<16xi32>, vector<16xi32>], vector<16xf32>,
        %add3A_434 = arith.constant 0 : i32
        %add3A_435 = vector.broadcast %add3A_434 : i32 to vector<16xi32>
        %add3A_436 = arith.addi %add3A_435, %iota3A : vector<16xi32>
        %broadcast_in_dim3A_437 = arith.constant 9.99999996E-13 : f32
        %broadcast_in_dim3A_438 = vector.broadcast %broadcast_in_dim3A_437 : f32 to vector<16xf32>
        %broadcast_in_dim3A_439 = arith.constant 0 : i32
        %broadcast_in_dim3A_440 = vector.broadcast %broadcast_in_dim3A_439 : i32 to vector<16xi32>
        %gather3A_441 = tpu.vector_load_idx %arg8[%broadcast_in_dim3A_413, %add3A_436, %broadcast_in_dim3A_440] : memref<16x128x16xf32, #tpu.memory_space<vmem>>[vector<16xi32>, vector<16xi32>, vector<16xi32>], vector<16xf32>,
        %sub3A = arith.subf %gather3A_441, %gather3A : vector<16xf32>
        %mul3A_442 = arith.mulf %sub3A, %sub3A : vector<16xf32>
        %add3A_443 = arith.addf %broadcast_in_dim3A_438, %mul3A_442 : vector<16xf32>
        %broadcast_in_dim3A_444 = arith.constant 1 : i32
        %broadcast_in_dim3A_445 = vector.broadcast %broadcast_in_dim3A_444 : i32 to vector<16xi32>
        %gather3A_446 = tpu.vector_load_idx %arg8[%broadcast_in_dim3A_413, %add3A_436, %broadcast_in_dim3A_445] : memref<16x128x16xf32, #tpu.memory_space<vmem>>[vector<16xi32>, vector<16xi32>, vector<16xi32>], vector<16xf32>,
        %sub3A_447 = arith.subf %gather3A_446, %gather3A_426 : vector<16xf32>
        %mul3A_448 = arith.mulf %sub3A_447, %sub3A_447 : vector<16xf32>
        %add3A_449 = arith.addf %add3A_443, %mul3A_448 : vector<16xf32>
        %broadcast_in_dim3A_450 = arith.constant 2 : i32
        %broadcast_in_dim3A_451 = vector.broadcast %broadcast_in_dim3A_450 : i32 to vector<16xi32>
        %gather3A_452 = tpu.vector_load_idx %arg8[%broadcast_in_dim3A_413, %add3A_436, %broadcast_in_dim3A_451] : memref<16x128x16xf32, #tpu.memory_space<vmem>>[vector<16xi32>, vector<16xi32>, vector<16xi32>], vector<16xf32>,
        %sub3A_453 = arith.subf %gather3A_452, %gather3A_433 : vector<16xf32>
        %mul3A_454 = arith.mulf %sub3A_453, %sub3A_453 : vector<16xf32>
        %add3A_455 = arith.addf %add3A_449, %mul3A_454 : vector<16xf32>
        %bitcast3A = vector.bitcast %add3A_455 : vector<16xf32> to vector<16xi32>
        %shift_right_logical3A = arith.constant 1 : i32
        %shift_right_logical3A_456 = vector.broadcast %shift_right_logical3A : i32 to vector<16xi32>
        %shift_right_logical3A_457 = arith.shrui %bitcast3A, %shift_right_logical3A_456 : vector<16xi32>
        %sub3A_458 = arith.subi %broadcast_in_dim3A_3, %shift_right_logical3A_457 : vector<16xi32>
        %bitcast3A_459 = vector.bitcast %sub3A_458 : vector<16xi32> to vector<16xf32>
        %mul3A_460 = arith.constant 5.000000e-01 : f32
        %mul3A_461 = vector.broadcast %mul3A_460 : f32 to vector<16xf32>
        %mul3A_462 = arith.mulf %mul3A_461, %add3A_455 : vector<16xf32>
        %mul3A_463 = arith.mulf %mul3A_462, %bitcast3A_459 : vector<16xf32>
        %mul3A_464 = arith.mulf %mul3A_463, %bitcast3A_459 : vector<16xf32>
        %sub3A_465 = arith.constant 1.500000e+00 : f32
        %sub3A_466 = vector.broadcast %sub3A_465 : f32 to vector<16xf32>
        %sub3A_467 = arith.subf %sub3A_466, %mul3A_464 : vector<16xf32>
        %mul3A_468 = arith.mulf %bitcast3A_459, %sub3A_467 : vector<16xf32>
        %mul3A_469 = arith.constant 5.000000e-01 : f32
        %mul3A_470 = vector.broadcast %mul3A_469 : f32 to vector<16xf32>
        %mul3A_471 = arith.mulf %mul3A_470, %add3A_455 : vector<16xf32>
        %mul3A_472 = arith.mulf %mul3A_471, %mul3A_468 : vector<16xf32>
        %mul3A_473 = arith.mulf %mul3A_472, %mul3A_468 : vector<16xf32>
        %sub3A_474 = arith.constant 1.500000e+00 : f32
        %sub3A_475 = vector.broadcast %sub3A_474 : f32 to vector<16xf32>
        %sub3A_476 = arith.subf %sub3A_475, %mul3A_473 : vector<16xf32>
        %mul3A_477 = arith.mulf %mul3A_468, %sub3A_476 : vector<16xf32>
        %mul3A_478 = arith.constant 5.000000e-01 : f32
        %mul3A_479 = vector.broadcast %mul3A_478 : f32 to vector<16xf32>
        %mul3A_480 = arith.mulf %mul3A_479, %add3A_455 : vector<16xf32>
        %mul3A_481 = arith.mulf %mul3A_480, %mul3A_477 : vector<16xf32>
        %mul3A_482 = arith.mulf %mul3A_481, %mul3A_477 : vector<16xf32>
        %sub3A_483 = arith.constant 1.500000e+00 : f32
        %sub3A_484 = vector.broadcast %sub3A_483 : f32 to vector<16xf32>
        %sub3A_485 = arith.subf %sub3A_484, %mul3A_482 : vector<16xf32>
        %mul3A_486 = arith.mulf %mul3A_477, %sub3A_485 : vector<16xf32>
        %mul3A_487 = arith.mulf %add3A_455, %mul3A_486 : vector<16xf32>
        %sub3A_488 = arith.constant 5.000000e-01 : f32
        %sub3A_489 = vector.broadcast %sub3A_488 : f32 to vector<16xf32>
        %sub3A_490 = arith.subf %sub3A_489, %mul3A_487 : vector<16xf32>
        %max3A = arith.constant 0.000000e+00 : f32
        %max3A_491 = vector.broadcast %max3A : f32 to vector<16xf32>
        %max3A_492 = arith.maximumf %sub3A_490, %max3A_491 : vector<16xf32>
        %mul3A_493 = arith.mulf %max3A_492, %max3A_492 : vector<16xf32>
        %add3A_494 = arith.addf %scan3A_412, %mul3A_493 : vector<16xf32>
        %broadcast_in_dim3A_495 = arith.constant 9.99999996E-13 : f32
        %broadcast_in_dim3A_496 = vector.broadcast %broadcast_in_dim3A_495 : f32 to vector<16xf32>
        %broadcast_in_dim3A_497 = arith.constant 3 : i32
        %broadcast_in_dim3A_498 = vector.broadcast %broadcast_in_dim3A_497 : i32 to vector<16xi32>
        %gather3A_499 = tpu.vector_load_idx %arg8[%broadcast_in_dim3A_413, %add3A_436, %broadcast_in_dim3A_498] : memref<16x128x16xf32, #tpu.memory_space<vmem>>[vector<16xi32>, vector<16xi32>, vector<16xi32>], vector<16xf32>,
        %sub3A_500 = arith.subf %gather3A_499, %gather3A : vector<16xf32>
        %mul3A_501 = arith.mulf %sub3A_500, %sub3A_500 : vector<16xf32>
        %add3A_502 = arith.addf %broadcast_in_dim3A_496, %mul3A_501 : vector<16xf32>
        %broadcast_in_dim3A_503 = arith.constant 4 : i32
        %broadcast_in_dim3A_504 = vector.broadcast %broadcast_in_dim3A_503 : i32 to vector<16xi32>
        %gather3A_505 = tpu.vector_load_idx %arg8[%broadcast_in_dim3A_413, %add3A_436, %broadcast_in_dim3A_504] : memref<16x128x16xf32, #tpu.memory_space<vmem>>[vector<16xi32>, vector<16xi32>, vector<16xi32>], vector<16xf32>,
        %sub3A_506 = arith.subf %gather3A_505, %gather3A_426 : vector<16xf32>
        %mul3A_507 = arith.mulf %sub3A_506, %sub3A_506 : vector<16xf32>
        %add3A_508 = arith.addf %add3A_502, %mul3A_507 : vector<16xf32>
        %broadcast_in_dim3A_509 = arith.constant 5 : i32
        %broadcast_in_dim3A_510 = vector.broadcast %broadcast_in_dim3A_509 : i32 to vector<16xi32>
        %gather3A_511 = tpu.vector_load_idx %arg8[%broadcast_in_dim3A_413, %add3A_436, %broadcast_in_dim3A_510] : memref<16x128x16xf32, #tpu.memory_space<vmem>>[vector<16xi32>, vector<16xi32>, vector<16xi32>], vector<16xf32>,
        %sub3A_512 = arith.subf %gather3A_511, %gather3A_433 : vector<16xf32>
        %mul3A_513 = arith.mulf %sub3A_512, %sub3A_512 : vector<16xf32>
        %add3A_514 = arith.addf %add3A_508, %mul3A_513 : vector<16xf32>
        %bitcast3A_515 = vector.bitcast %add3A_514 : vector<16xf32> to vector<16xi32>
        %shift_right_logical3A_516 = arith.constant 1 : i32
        %shift_right_logical3A_517 = vector.broadcast %shift_right_logical3A_516 : i32 to vector<16xi32>
        %shift_right_logical3A_518 = arith.shrui %bitcast3A_515, %shift_right_logical3A_517 : vector<16xi32>
        %sub3A_519 = arith.subi %broadcast_in_dim3A_3, %shift_right_logical3A_518 : vector<16xi32>
        %bitcast3A_520 = vector.bitcast %sub3A_519 : vector<16xi32> to vector<16xf32>
        %mul3A_521 = arith.constant 5.000000e-01 : f32
        %mul3A_522 = vector.broadcast %mul3A_521 : f32 to vector<16xf32>
        %mul3A_523 = arith.mulf %mul3A_522, %add3A_514 : vector<16xf32>
        %mul3A_524 = arith.mulf %mul3A_523, %bitcast3A_520 : vector<16xf32>
        %mul3A_525 = arith.mulf %mul3A_524, %bitcast3A_520 : vector<16xf32>
        %sub3A_526 = arith.constant 1.500000e+00 : f32
        %sub3A_527 = vector.broadcast %sub3A_526 : f32 to vector<16xf32>
        %sub3A_528 = arith.subf %sub3A_527, %mul3A_525 : vector<16xf32>
        %mul3A_529 = arith.mulf %bitcast3A_520, %sub3A_528 : vector<16xf32>
        %mul3A_530 = arith.constant 5.000000e-01 : f32
        %mul3A_531 = vector.broadcast %mul3A_530 : f32 to vector<16xf32>
        %mul3A_532 = arith.mulf %mul3A_531, %add3A_514 : vector<16xf32>
        %mul3A_533 = arith.mulf %mul3A_532, %mul3A_529 : vector<16xf32>
        %mul3A_534 = arith.mulf %mul3A_533, %mul3A_529 : vector<16xf32>
        %sub3A_535 = arith.constant 1.500000e+00 : f32
        %sub3A_536 = vector.broadcast %sub3A_535 : f32 to vector<16xf32>
        %sub3A_537 = arith.subf %sub3A_536, %mul3A_534 : vector<16xf32>
        %mul3A_538 = arith.mulf %mul3A_529, %sub3A_537 : vector<16xf32>
        %mul3A_539 = arith.constant 5.000000e-01 : f32
        %mul3A_540 = vector.broadcast %mul3A_539 : f32 to vector<16xf32>
        %mul3A_541 = arith.mulf %mul3A_540, %add3A_514 : vector<16xf32>
        %mul3A_542 = arith.mulf %mul3A_541, %mul3A_538 : vector<16xf32>
        %mul3A_543 = arith.mulf %mul3A_542, %mul3A_538 : vector<16xf32>
        %sub3A_544 = arith.constant 1.500000e+00 : f32
        %sub3A_545 = vector.broadcast %sub3A_544 : f32 to vector<16xf32>
        %sub3A_546 = arith.subf %sub3A_545, %mul3A_543 : vector<16xf32>
        %mul3A_547 = arith.mulf %mul3A_538, %sub3A_546 : vector<16xf32>
        %mul3A_548 = arith.mulf %add3A_514, %mul3A_547 : vector<16xf32>
        %sub3A_549 = arith.constant 5.000000e-01 : f32
        %sub3A_550 = vector.broadcast %sub3A_549 : f32 to vector<16xf32>
        %sub3A_551 = arith.subf %sub3A_550, %mul3A_548 : vector<16xf32>
        %max3A_552 = arith.constant 0.000000e+00 : f32
        %max3A_553 = vector.broadcast %max3A_552 : f32 to vector<16xf32>
        %max3A_554 = arith.maximumf %sub3A_551, %max3A_553 : vector<16xf32>
        %mul3A_555 = arith.mulf %max3A_554, %max3A_554 : vector<16xf32>
        %add3A_556 = arith.addf %add3A_494, %mul3A_555 : vector<16xf32>
        %broadcast_in_dim3A_557 = arith.constant 9.99999996E-13 : f32
        %broadcast_in_dim3A_558 = vector.broadcast %broadcast_in_dim3A_557 : f32 to vector<16xf32>
        %broadcast_in_dim3A_559 = arith.constant 6 : i32
        %broadcast_in_dim3A_560 = vector.broadcast %broadcast_in_dim3A_559 : i32 to vector<16xi32>
        %gather3A_561 = tpu.vector_load_idx %arg8[%broadcast_in_dim3A_413, %add3A_436, %broadcast_in_dim3A_560] : memref<16x128x16xf32, #tpu.memory_space<vmem>>[vector<16xi32>, vector<16xi32>, vector<16xi32>], vector<16xf32>,
        %sub3A_562 = arith.subf %gather3A_561, %gather3A : vector<16xf32>
        %mul3A_563 = arith.mulf %sub3A_562, %sub3A_562 : vector<16xf32>
        %add3A_564 = arith.addf %broadcast_in_dim3A_558, %mul3A_563 : vector<16xf32>
        %broadcast_in_dim3A_565 = arith.constant 7 : i32
        %broadcast_in_dim3A_566 = vector.broadcast %broadcast_in_dim3A_565 : i32 to vector<16xi32>
        %gather3A_567 = tpu.vector_load_idx %arg8[%broadcast_in_dim3A_413, %add3A_436, %broadcast_in_dim3A_566] : memref<16x128x16xf32, #tpu.memory_space<vmem>>[vector<16xi32>, vector<16xi32>, vector<16xi32>], vector<16xf32>,
        %sub3A_568 = arith.subf %gather3A_567, %gather3A_426 : vector<16xf32>
        %mul3A_569 = arith.mulf %sub3A_568, %sub3A_568 : vector<16xf32>
        %add3A_570 = arith.addf %add3A_564, %mul3A_569 : vector<16xf32>
        %broadcast_in_dim3A_571 = arith.constant 8 : i32
        %broadcast_in_dim3A_572 = vector.broadcast %broadcast_in_dim3A_571 : i32 to vector<16xi32>
        %gather3A_573 = tpu.vector_load_idx %arg8[%broadcast_in_dim3A_413, %add3A_436, %broadcast_in_dim3A_572] : memref<16x128x16xf32, #tpu.memory_space<vmem>>[vector<16xi32>, vector<16xi32>, vector<16xi32>], vector<16xf32>,
        %sub3A_574 = arith.subf %gather3A_573, %gather3A_433 : vector<16xf32>
        %mul3A_575 = arith.mulf %sub3A_574, %sub3A_574 : vector<16xf32>
        %add3A_576 = arith.addf %add3A_570, %mul3A_575 : vector<16xf32>
        %bitcast3A_577 = vector.bitcast %add3A_576 : vector<16xf32> to vector<16xi32>
        %shift_right_logical3A_578 = arith.constant 1 : i32
        %shift_right_logical3A_579 = vector.broadcast %shift_right_logical3A_578 : i32 to vector<16xi32>
        %shift_right_logical3A_580 = arith.shrui %bitcast3A_577, %shift_right_logical3A_579 : vector<16xi32>
        %sub3A_581 = arith.subi %broadcast_in_dim3A_3, %shift_right_logical3A_580 : vector<16xi32>
        %bitcast3A_582 = vector.bitcast %sub3A_581 : vector<16xi32> to vector<16xf32>
        %mul3A_583 = arith.constant 5.000000e-01 : f32
        %mul3A_584 = vector.broadcast %mul3A_583 : f32 to vector<16xf32>
        %mul3A_585 = arith.mulf %mul3A_584, %add3A_576 : vector<16xf32>
        %mul3A_586 = arith.mulf %mul3A_585, %bitcast3A_582 : vector<16xf32>
        %mul3A_587 = arith.mulf %mul3A_586, %bitcast3A_582 : vector<16xf32>
        %sub3A_588 = arith.constant 1.500000e+00 : f32
        %sub3A_589 = vector.broadcast %sub3A_588 : f32 to vector<16xf32>
        %sub3A_590 = arith.subf %sub3A_589, %mul3A_587 : vector<16xf32>
        %mul3A_591 = arith.mulf %bitcast3A_582, %sub3A_590 : vector<16xf32>
        %mul3A_592 = arith.constant 5.000000e-01 : f32
        %mul3A_593 = vector.broadcast %mul3A_592 : f32 to vector<16xf32>
        %mul3A_594 = arith.mulf %mul3A_593, %add3A_576 : vector<16xf32>
        %mul3A_595 = arith.mulf %mul3A_594, %mul3A_591 : vector<16xf32>
        %mul3A_596 = arith.mulf %mul3A_595, %mul3A_591 : vector<16xf32>
        %sub3A_597 = arith.constant 1.500000e+00 : f32
        %sub3A_598 = vector.broadcast %sub3A_597 : f32 to vector<16xf32>
        %sub3A_599 = arith.subf %sub3A_598, %mul3A_596 : vector<16xf32>
        %mul3A_600 = arith.mulf %mul3A_591, %sub3A_599 : vector<16xf32>
        %mul3A_601 = arith.constant 5.000000e-01 : f32
        %mul3A_602 = vector.broadcast %mul3A_601 : f32 to vector<16xf32>
        %mul3A_603 = arith.mulf %mul3A_602, %add3A_576 : vector<16xf32>
        %mul3A_604 = arith.mulf %mul3A_603, %mul3A_600 : vector<16xf32>
        %mul3A_605 = arith.mulf %mul3A_604, %mul3A_600 : vector<16xf32>
        %sub3A_606 = arith.constant 1.500000e+00 : f32
        %sub3A_607 = vector.broadcast %sub3A_606 : f32 to vector<16xf32>
        %sub3A_608 = arith.subf %sub3A_607, %mul3A_605 : vector<16xf32>
        %mul3A_609 = arith.mulf %mul3A_600, %sub3A_608 : vector<16xf32>
        %mul3A_610 = arith.mulf %add3A_576, %mul3A_609 : vector<16xf32>
        %sub3A_611 = arith.constant 5.000000e-01 : f32
        %sub3A_612 = vector.broadcast %sub3A_611 : f32 to vector<16xf32>
        %sub3A_613 = arith.subf %sub3A_612, %mul3A_610 : vector<16xf32>
        %max3A_614 = arith.constant 0.000000e+00 : f32
        %max3A_615 = vector.broadcast %max3A_614 : f32 to vector<16xf32>
        %max3A_616 = arith.maximumf %sub3A_613, %max3A_615 : vector<16xf32>
        %mul3A_617 = arith.mulf %max3A_616, %max3A_616 : vector<16xf32>
        %add3A_618 = arith.addf %add3A_556, %mul3A_617 : vector<16xf32>
        %add3A_619 = arith.constant 16 : i32
        %add3A_620 = vector.broadcast %add3A_619 : i32 to vector<16xi32>
        %add3A_621 = arith.addi %add3A_620, %iota3A : vector<16xi32>
        %broadcast_in_dim3A_622 = arith.constant 9.99999996E-13 : f32
        %broadcast_in_dim3A_623 = vector.broadcast %broadcast_in_dim3A_622 : f32 to vector<16xf32>
        %broadcast_in_dim3A_624 = arith.constant 0 : i32
        %broadcast_in_dim3A_625 = vector.broadcast %broadcast_in_dim3A_624 : i32 to vector<16xi32>
        %gather3A_626 = tpu.vector_load_idx %arg8[%broadcast_in_dim3A_413, %add3A_621, %broadcast_in_dim3A_625] : memref<16x128x16xf32, #tpu.memory_space<vmem>>[vector<16xi32>, vector<16xi32>, vector<16xi32>], vector<16xf32>,
        %sub3A_627 = arith.subf %gather3A_626, %gather3A : vector<16xf32>
        %mul3A_628 = arith.mulf %sub3A_627, %sub3A_627 : vector<16xf32>
        %add3A_629 = arith.addf %broadcast_in_dim3A_623, %mul3A_628 : vector<16xf32>
        %broadcast_in_dim3A_630 = arith.constant 1 : i32
        %broadcast_in_dim3A_631 = vector.broadcast %broadcast_in_dim3A_630 : i32 to vector<16xi32>
        %gather3A_632 = tpu.vector_load_idx %arg8[%broadcast_in_dim3A_413, %add3A_621, %broadcast_in_dim3A_631] : memref<16x128x16xf32, #tpu.memory_space<vmem>>[vector<16xi32>, vector<16xi32>, vector<16xi32>], vector<16xf32>,
        %sub3A_633 = arith.subf %gather3A_632, %gather3A_426 : vector<16xf32>
        %mul3A_634 = arith.mulf %sub3A_633, %sub3A_633 : vector<16xf32>
        %add3A_635 = arith.addf %add3A_629, %mul3A_634 : vector<16xf32>
        %broadcast_in_dim3A_636 = arith.constant 2 : i32
        %broadcast_in_dim3A_637 = vector.broadcast %broadcast_in_dim3A_636 : i32 to vector<16xi32>
        %gather3A_638 = tpu.vector_load_idx %arg8[%broadcast_in_dim3A_413, %add3A_621, %broadcast_in_dim3A_637] : memref<16x128x16xf32, #tpu.memory_space<vmem>>[vector<16xi32>, vector<16xi32>, vector<16xi32>], vector<16xf32>,
        %sub3A_639 = arith.subf %gather3A_638, %gather3A_433 : vector<16xf32>
        %mul3A_640 = arith.mulf %sub3A_639, %sub3A_639 : vector<16xf32>
        %add3A_641 = arith.addf %add3A_635, %mul3A_640 : vector<16xf32>
        %bitcast3A_642 = vector.bitcast %add3A_641 : vector<16xf32> to vector<16xi32>
        %shift_right_logical3A_643 = arith.constant 1 : i32
        %shift_right_logical3A_644 = vector.broadcast %shift_right_logical3A_643 : i32 to vector<16xi32>
        %shift_right_logical3A_645 = arith.shrui %bitcast3A_642, %shift_right_logical3A_644 : vector<16xi32>
        %sub3A_646 = arith.subi %broadcast_in_dim3A_3, %shift_right_logical3A_645 : vector<16xi32>
        %bitcast3A_647 = vector.bitcast %sub3A_646 : vector<16xi32> to vector<16xf32>
        %mul3A_648 = arith.constant 5.000000e-01 : f32
        %mul3A_649 = vector.broadcast %mul3A_648 : f32 to vector<16xf32>
        %mul3A_650 = arith.mulf %mul3A_649, %add3A_641 : vector<16xf32>
        %mul3A_651 = arith.mulf %mul3A_650, %bitcast3A_647 : vector<16xf32>
        %mul3A_652 = arith.mulf %mul3A_651, %bitcast3A_647 : vector<16xf32>
        %sub3A_653 = arith.constant 1.500000e+00 : f32
        %sub3A_654 = vector.broadcast %sub3A_653 : f32 to vector<16xf32>
        %sub3A_655 = arith.subf %sub3A_654, %mul3A_652 : vector<16xf32>
        %mul3A_656 = arith.mulf %bitcast3A_647, %sub3A_655 : vector<16xf32>
        %mul3A_657 = arith.constant 5.000000e-01 : f32
        %mul3A_658 = vector.broadcast %mul3A_657 : f32 to vector<16xf32>
        %mul3A_659 = arith.mulf %mul3A_658, %add3A_641 : vector<16xf32>
        %mul3A_660 = arith.mulf %mul3A_659, %mul3A_656 : vector<16xf32>
        %mul3A_661 = arith.mulf %mul3A_660, %mul3A_656 : vector<16xf32>
        %sub3A_662 = arith.constant 1.500000e+00 : f32
        %sub3A_663 = vector.broadcast %sub3A_662 : f32 to vector<16xf32>
        %sub3A_664 = arith.subf %sub3A_663, %mul3A_661 : vector<16xf32>
        %mul3A_665 = arith.mulf %mul3A_656, %sub3A_664 : vector<16xf32>
        %mul3A_666 = arith.constant 5.000000e-01 : f32
        %mul3A_667 = vector.broadcast %mul3A_666 : f32 to vector<16xf32>
        %mul3A_668 = arith.mulf %mul3A_667, %add3A_641 : vector<16xf32>
        %mul3A_669 = arith.mulf %mul3A_668, %mul3A_665 : vector<16xf32>
        %mul3A_670 = arith.mulf %mul3A_669, %mul3A_665 : vector<16xf32>
        %sub3A_671 = arith.constant 1.500000e+00 : f32
        %sub3A_672 = vector.broadcast %sub3A_671 : f32 to vector<16xf32>
        %sub3A_673 = arith.subf %sub3A_672, %mul3A_670 : vector<16xf32>
        %mul3A_674 = arith.mulf %mul3A_665, %sub3A_673 : vector<16xf32>
        %mul3A_675 = arith.mulf %add3A_641, %mul3A_674 : vector<16xf32>
        %sub3A_676 = arith.constant 5.000000e-01 : f32
        %sub3A_677 = vector.broadcast %sub3A_676 : f32 to vector<16xf32>
        %sub3A_678 = arith.subf %sub3A_677, %mul3A_675 : vector<16xf32>
        %max3A_679 = arith.constant 0.000000e+00 : f32
        %max3A_680 = vector.broadcast %max3A_679 : f32 to vector<16xf32>
        %max3A_681 = arith.maximumf %sub3A_678, %max3A_680 : vector<16xf32>
        %mul3A_682 = arith.mulf %max3A_681, %max3A_681 : vector<16xf32>
        %add3A_683 = arith.addf %add3A_618, %mul3A_682 : vector<16xf32>
        %broadcast_in_dim3A_684 = arith.constant 9.99999996E-13 : f32
        %broadcast_in_dim3A_685 = vector.broadcast %broadcast_in_dim3A_684 : f32 to vector<16xf32>
        %broadcast_in_dim3A_686 = arith.constant 3 : i32
        %broadcast_in_dim3A_687 = vector.broadcast %broadcast_in_dim3A_686 : i32 to vector<16xi32>
        %gather3A_688 = tpu.vector_load_idx %arg8[%broadcast_in_dim3A_413, %add3A_621, %broadcast_in_dim3A_687] : memref<16x128x16xf32, #tpu.memory_space<vmem>>[vector<16xi32>, vector<16xi32>, vector<16xi32>], vector<16xf32>,
        %sub3A_689 = arith.subf %gather3A_688, %gather3A : vector<16xf32>
        %mul3A_690 = arith.mulf %sub3A_689, %sub3A_689 : vector<16xf32>
        %add3A_691 = arith.addf %broadcast_in_dim3A_685, %mul3A_690 : vector<16xf32>
        %broadcast_in_dim3A_692 = arith.constant 4 : i32
        %broadcast_in_dim3A_693 = vector.broadcast %broadcast_in_dim3A_692 : i32 to vector<16xi32>
        %gather3A_694 = tpu.vector_load_idx %arg8[%broadcast_in_dim3A_413, %add3A_621, %broadcast_in_dim3A_693] : memref<16x128x16xf32, #tpu.memory_space<vmem>>[vector<16xi32>, vector<16xi32>, vector<16xi32>], vector<16xf32>,
        %sub3A_695 = arith.subf %gather3A_694, %gather3A_426 : vector<16xf32>
        %mul3A_696 = arith.mulf %sub3A_695, %sub3A_695 : vector<16xf32>
        %add3A_697 = arith.addf %add3A_691, %mul3A_696 : vector<16xf32>
        %broadcast_in_dim3A_698 = arith.constant 5 : i32
        %broadcast_in_dim3A_699 = vector.broadcast %broadcast_in_dim3A_698 : i32 to vector<16xi32>
        %gather3A_700 = tpu.vector_load_idx %arg8[%broadcast_in_dim3A_413, %add3A_621, %broadcast_in_dim3A_699] : memref<16x128x16xf32, #tpu.memory_space<vmem>>[vector<16xi32>, vector<16xi32>, vector<16xi32>], vector<16xf32>,
        %sub3A_701 = arith.subf %gather3A_700, %gather3A_433 : vector<16xf32>
        %mul3A_702 = arith.mulf %sub3A_701, %sub3A_701 : vector<16xf32>
        %add3A_703 = arith.addf %add3A_697, %mul3A_702 : vector<16xf32>
        %bitcast3A_704 = vector.bitcast %add3A_703 : vector<16xf32> to vector<16xi32>
        %shift_right_logical3A_705 = arith.constant 1 : i32
        %shift_right_logical3A_706 = vector.broadcast %shift_right_logical3A_705 : i32 to vector<16xi32>
        %shift_right_logical3A_707 = arith.shrui %bitcast3A_704, %shift_right_logical3A_706 : vector<16xi32>
        %sub3A_708 = arith.subi %broadcast_in_dim3A_3, %shift_right_logical3A_707 : vector<16xi32>
        %bitcast3A_709 = vector.bitcast %sub3A_708 : vector<16xi32> to vector<16xf32>
        %mul3A_710 = arith.constant 5.000000e-01 : f32
        %mul3A_711 = vector.broadcast %mul3A_710 : f32 to vector<16xf32>
        %mul3A_712 = arith.mulf %mul3A_711, %add3A_703 : vector<16xf32>
        %mul3A_713 = arith.mulf %mul3A_712, %bitcast3A_709 : vector<16xf32>
        %mul3A_714 = arith.mulf %mul3A_713, %bitcast3A_709 : vector<16xf32>
        %sub3A_715 = arith.constant 1.500000e+00 : f32
        %sub3A_716 = vector.broadcast %sub3A_715 : f32 to vector<16xf32>
        %sub3A_717 = arith.subf %sub3A_716, %mul3A_714 : vector<16xf32>
        %mul3A_718 = arith.mulf %bitcast3A_709, %sub3A_717 : vector<16xf32>
        %mul3A_719 = arith.constant 5.000000e-01 : f32
        %mul3A_720 = vector.broadcast %mul3A_719 : f32 to vector<16xf32>
        %mul3A_721 = arith.mulf %mul3A_720, %add3A_703 : vector<16xf32>
        %mul3A_722 = arith.mulf %mul3A_721, %mul3A_718 : vector<16xf32>
        %mul3A_723 = arith.mulf %mul3A_722, %mul3A_718 : vector<16xf32>
        %sub3A_724 = arith.constant 1.500000e+00 : f32
        %sub3A_725 = vector.broadcast %sub3A_724 : f32 to vector<16xf32>
        %sub3A_726 = arith.subf %sub3A_725, %mul3A_723 : vector<16xf32>
        %mul3A_727 = arith.mulf %mul3A_718, %sub3A_726 : vector<16xf32>
        %mul3A_728 = arith.constant 5.000000e-01 : f32
        %mul3A_729 = vector.broadcast %mul3A_728 : f32 to vector<16xf32>
        %mul3A_730 = arith.mulf %mul3A_729, %add3A_703 : vector<16xf32>
        %mul3A_731 = arith.mulf %mul3A_730, %mul3A_727 : vector<16xf32>
        %mul3A_732 = arith.mulf %mul3A_731, %mul3A_727 : vector<16xf32>
        %sub3A_733 = arith.constant 1.500000e+00 : f32
        %sub3A_734 = vector.broadcast %sub3A_733 : f32 to vector<16xf32>
        %sub3A_735 = arith.subf %sub3A_734, %mul3A_732 : vector<16xf32>
        %mul3A_736 = arith.mulf %mul3A_727, %sub3A_735 : vector<16xf32>
        %mul3A_737 = arith.mulf %add3A_703, %mul3A_736 : vector<16xf32>
        %sub3A_738 = arith.constant 5.000000e-01 : f32
        %sub3A_739 = vector.broadcast %sub3A_738 : f32 to vector<16xf32>
        %sub3A_740 = arith.subf %sub3A_739, %mul3A_737 : vector<16xf32>
        %max3A_741 = arith.constant 0.000000e+00 : f32
        %max3A_742 = vector.broadcast %max3A_741 : f32 to vector<16xf32>
        %max3A_743 = arith.maximumf %sub3A_740, %max3A_742 : vector<16xf32>
        %mul3A_744 = arith.mulf %max3A_743, %max3A_743 : vector<16xf32>
        %add3A_745 = arith.addf %add3A_683, %mul3A_744 : vector<16xf32>
        %broadcast_in_dim3A_746 = arith.constant 9.99999996E-13 : f32
        %broadcast_in_dim3A_747 = vector.broadcast %broadcast_in_dim3A_746 : f32 to vector<16xf32>
        %broadcast_in_dim3A_748 = arith.constant 6 : i32
        %broadcast_in_dim3A_749 = vector.broadcast %broadcast_in_dim3A_748 : i32 to vector<16xi32>
        %gather3A_750 = tpu.vector_load_idx %arg8[%broadcast_in_dim3A_413, %add3A_621, %broadcast_in_dim3A_749] : memref<16x128x16xf32, #tpu.memory_space<vmem>>[vector<16xi32>, vector<16xi32>, vector<16xi32>], vector<16xf32>,
        %sub3A_751 = arith.subf %gather3A_750, %gather3A : vector<16xf32>
        %mul3A_752 = arith.mulf %sub3A_751, %sub3A_751 : vector<16xf32>
        %add3A_753 = arith.addf %broadcast_in_dim3A_747, %mul3A_752 : vector<16xf32>
        %broadcast_in_dim3A_754 = arith.constant 7 : i32
        %broadcast_in_dim3A_755 = vector.broadcast %broadcast_in_dim3A_754 : i32 to vector<16xi32>
        %gather3A_756 = tpu.vector_load_idx %arg8[%broadcast_in_dim3A_413, %add3A_621, %broadcast_in_dim3A_755] : memref<16x128x16xf32, #tpu.memory_space<vmem>>[vector<16xi32>, vector<16xi32>, vector<16xi32>], vector<16xf32>,
        %sub3A_757 = arith.subf %gather3A_756, %gather3A_426 : vector<16xf32>
        %mul3A_758 = arith.mulf %sub3A_757, %sub3A_757 : vector<16xf32>
        %add3A_759 = arith.addf %add3A_753, %mul3A_758 : vector<16xf32>
        %broadcast_in_dim3A_760 = arith.constant 8 : i32
        %broadcast_in_dim3A_761 = vector.broadcast %broadcast_in_dim3A_760 : i32 to vector<16xi32>
        %gather3A_762 = tpu.vector_load_idx %arg8[%broadcast_in_dim3A_413, %add3A_621, %broadcast_in_dim3A_761] : memref<16x128x16xf32, #tpu.memory_space<vmem>>[vector<16xi32>, vector<16xi32>, vector<16xi32>], vector<16xf32>,
        %sub3A_763 = arith.subf %gather3A_762, %gather3A_433 : vector<16xf32>
        %mul3A_764 = arith.mulf %sub3A_763, %sub3A_763 : vector<16xf32>
        %add3A_765 = arith.addf %add3A_759, %mul3A_764 : vector<16xf32>
        %bitcast3A_766 = vector.bitcast %add3A_765 : vector<16xf32> to vector<16xi32>
        %shift_right_logical3A_767 = arith.constant 1 : i32
        %shift_right_logical3A_768 = vector.broadcast %shift_right_logical3A_767 : i32 to vector<16xi32>
        %shift_right_logical3A_769 = arith.shrui %bitcast3A_766, %shift_right_logical3A_768 : vector<16xi32>
        %sub3A_770 = arith.subi %broadcast_in_dim3A_3, %shift_right_logical3A_769 : vector<16xi32>
        %bitcast3A_771 = vector.bitcast %sub3A_770 : vector<16xi32> to vector<16xf32>
        %mul3A_772 = arith.constant 5.000000e-01 : f32
        %mul3A_773 = vector.broadcast %mul3A_772 : f32 to vector<16xf32>
        %mul3A_774 = arith.mulf %mul3A_773, %add3A_765 : vector<16xf32>
        %mul3A_775 = arith.mulf %mul3A_774, %bitcast3A_771 : vector<16xf32>
        %mul3A_776 = arith.mulf %mul3A_775, %bitcast3A_771 : vector<16xf32>
        %sub3A_777 = arith.constant 1.500000e+00 : f32
        %sub3A_778 = vector.broadcast %sub3A_777 : f32 to vector<16xf32>
        %sub3A_779 = arith.subf %sub3A_778, %mul3A_776 : vector<16xf32>
        %mul3A_780 = arith.mulf %bitcast3A_771, %sub3A_779 : vector<16xf32>
        %mul3A_781 = arith.constant 5.000000e-01 : f32
        %mul3A_782 = vector.broadcast %mul3A_781 : f32 to vector<16xf32>
        %mul3A_783 = arith.mulf %mul3A_782, %add3A_765 : vector<16xf32>
        %mul3A_784 = arith.mulf %mul3A_783, %mul3A_780 : vector<16xf32>
        %mul3A_785 = arith.mulf %mul3A_784, %mul3A_780 : vector<16xf32>
        %sub3A_786 = arith.constant 1.500000e+00 : f32
        %sub3A_787 = vector.broadcast %sub3A_786 : f32 to vector<16xf32>
        %sub3A_788 = arith.subf %sub3A_787, %mul3A_785 : vector<16xf32>
        %mul3A_789 = arith.mulf %mul3A_780, %sub3A_788 : vector<16xf32>
        %mul3A_790 = arith.constant 5.000000e-01 : f32
        %mul3A_791 = vector.broadcast %mul3A_790 : f32 to vector<16xf32>
        %mul3A_792 = arith.mulf %mul3A_791, %add3A_765 : vector<16xf32>
        %mul3A_793 = arith.mulf %mul3A_792, %mul3A_789 : vector<16xf32>
        %mul3A_794 = arith.mulf %mul3A_793, %mul3A_789 : vector<16xf32>
        %sub3A_795 = arith.constant 1.500000e+00 : f32
        %sub3A_796 = vector.broadcast %sub3A_795 : f32 to vector<16xf32>
        %sub3A_797 = arith.subf %sub3A_796, %mul3A_794 : vector<16xf32>
        %mul3A_798 = arith.mulf %mul3A_789, %sub3A_797 : vector<16xf32>
        %mul3A_799 = arith.mulf %add3A_765, %mul3A_798 : vector<16xf32>
        %sub3A_800 = arith.constant 5.000000e-01 : f32
        %sub3A_801 = vector.broadcast %sub3A_800 : f32 to vector<16xf32>
        %sub3A_802 = arith.subf %sub3A_801, %mul3A_799 : vector<16xf32>
        %max3A_803 = arith.constant 0.000000e+00 : f32
        %max3A_804 = vector.broadcast %max3A_803 : f32 to vector<16xf32>
        %max3A_805 = arith.maximumf %sub3A_802, %max3A_804 : vector<16xf32>
        %mul3A_806 = arith.mulf %max3A_805, %max3A_805 : vector<16xf32>
        %add3A_807 = arith.addf %add3A_745, %mul3A_806 : vector<16xf32>
        %add3A_808 = arith.constant 32 : i32
        %add3A_809 = vector.broadcast %add3A_808 : i32 to vector<16xi32>
        %add3A_810 = arith.addi %add3A_809, %iota3A : vector<16xi32>
        %broadcast_in_dim3A_811 = arith.constant 9.99999996E-13 : f32
        %broadcast_in_dim3A_812 = vector.broadcast %broadcast_in_dim3A_811 : f32 to vector<16xf32>
        %broadcast_in_dim3A_813 = arith.constant 0 : i32
        %broadcast_in_dim3A_814 = vector.broadcast %broadcast_in_dim3A_813 : i32 to vector<16xi32>
        %gather3A_815 = tpu.vector_load_idx %arg8[%broadcast_in_dim3A_413, %add3A_810, %broadcast_in_dim3A_814] : memref<16x128x16xf32, #tpu.memory_space<vmem>>[vector<16xi32>, vector<16xi32>, vector<16xi32>], vector<16xf32>,
        %sub3A_816 = arith.subf %gather3A_815, %gather3A : vector<16xf32>
        %mul3A_817 = arith.mulf %sub3A_816, %sub3A_816 : vector<16xf32>
        %add3A_818 = arith.addf %broadcast_in_dim3A_812, %mul3A_817 : vector<16xf32>
        %broadcast_in_dim3A_819 = arith.constant 1 : i32
        %broadcast_in_dim3A_820 = vector.broadcast %broadcast_in_dim3A_819 : i32 to vector<16xi32>
        %gather3A_821 = tpu.vector_load_idx %arg8[%broadcast_in_dim3A_413, %add3A_810, %broadcast_in_dim3A_820] : memref<16x128x16xf32, #tpu.memory_space<vmem>>[vector<16xi32>, vector<16xi32>, vector<16xi32>], vector<16xf32>,
        %sub3A_822 = arith.subf %gather3A_821, %gather3A_426 : vector<16xf32>
        %mul3A_823 = arith.mulf %sub3A_822, %sub3A_822 : vector<16xf32>
        %add3A_824 = arith.addf %add3A_818, %mul3A_823 : vector<16xf32>
        %broadcast_in_dim3A_825 = arith.constant 2 : i32
        %broadcast_in_dim3A_826 = vector.broadcast %broadcast_in_dim3A_825 : i32 to vector<16xi32>
        %gather3A_827 = tpu.vector_load_idx %arg8[%broadcast_in_dim3A_413, %add3A_810, %broadcast_in_dim3A_826] : memref<16x128x16xf32, #tpu.memory_space<vmem>>[vector<16xi32>, vector<16xi32>, vector<16xi32>], vector<16xf32>,
        %sub3A_828 = arith.subf %gather3A_827, %gather3A_433 : vector<16xf32>
        %mul3A_829 = arith.mulf %sub3A_828, %sub3A_828 : vector<16xf32>
        %add3A_830 = arith.addf %add3A_824, %mul3A_829 : vector<16xf32>
        %bitcast3A_831 = vector.bitcast %add3A_830 : vector<16xf32> to vector<16xi32>
        %shift_right_logical3A_832 = arith.constant 1 : i32
        %shift_right_logical3A_833 = vector.broadcast %shift_right_logical3A_832 : i32 to vector<16xi32>
        %shift_right_logical3A_834 = arith.shrui %bitcast3A_831, %shift_right_logical3A_833 : vector<16xi32>
        %sub3A_835 = arith.subi %broadcast_in_dim3A_3, %shift_right_logical3A_834 : vector<16xi32>
        %bitcast3A_836 = vector.bitcast %sub3A_835 : vector<16xi32> to vector<16xf32>
        %mul3A_837 = arith.constant 5.000000e-01 : f32
        %mul3A_838 = vector.broadcast %mul3A_837 : f32 to vector<16xf32>
        %mul3A_839 = arith.mulf %mul3A_838, %add3A_830 : vector<16xf32>
        %mul3A_840 = arith.mulf %mul3A_839, %bitcast3A_836 : vector<16xf32>
        %mul3A_841 = arith.mulf %mul3A_840, %bitcast3A_836 : vector<16xf32>
        %sub3A_842 = arith.constant 1.500000e+00 : f32
        %sub3A_843 = vector.broadcast %sub3A_842 : f32 to vector<16xf32>
        %sub3A_844 = arith.subf %sub3A_843, %mul3A_841 : vector<16xf32>
        %mul3A_845 = arith.mulf %bitcast3A_836, %sub3A_844 : vector<16xf32>
        %mul3A_846 = arith.constant 5.000000e-01 : f32
        %mul3A_847 = vector.broadcast %mul3A_846 : f32 to vector<16xf32>
        %mul3A_848 = arith.mulf %mul3A_847, %add3A_830 : vector<16xf32>
        %mul3A_849 = arith.mulf %mul3A_848, %mul3A_845 : vector<16xf32>
        %mul3A_850 = arith.mulf %mul3A_849, %mul3A_845 : vector<16xf32>
        %sub3A_851 = arith.constant 1.500000e+00 : f32
        %sub3A_852 = vector.broadcast %sub3A_851 : f32 to vector<16xf32>
        %sub3A_853 = arith.subf %sub3A_852, %mul3A_850 : vector<16xf32>
        %mul3A_854 = arith.mulf %mul3A_845, %sub3A_853 : vector<16xf32>
        %mul3A_855 = arith.constant 5.000000e-01 : f32
        %mul3A_856 = vector.broadcast %mul3A_855 : f32 to vector<16xf32>
        %mul3A_857 = arith.mulf %mul3A_856, %add3A_830 : vector<16xf32>
        %mul3A_858 = arith.mulf %mul3A_857, %mul3A_854 : vector<16xf32>
        %mul3A_859 = arith.mulf %mul3A_858, %mul3A_854 : vector<16xf32>
        %sub3A_860 = arith.constant 1.500000e+00 : f32
        %sub3A_861 = vector.broadcast %sub3A_860 : f32 to vector<16xf32>
        %sub3A_862 = arith.subf %sub3A_861, %mul3A_859 : vector<16xf32>
        %mul3A_863 = arith.mulf %mul3A_854, %sub3A_862 : vector<16xf32>
        %mul3A_864 = arith.mulf %add3A_830, %mul3A_863 : vector<16xf32>
        %sub3A_865 = arith.constant 5.000000e-01 : f32
        %sub3A_866 = vector.broadcast %sub3A_865 : f32 to vector<16xf32>
        %sub3A_867 = arith.subf %sub3A_866, %mul3A_864 : vector<16xf32>
        %max3A_868 = arith.constant 0.000000e+00 : f32
        %max3A_869 = vector.broadcast %max3A_868 : f32 to vector<16xf32>
        %max3A_870 = arith.maximumf %sub3A_867, %max3A_869 : vector<16xf32>
        %mul3A_871 = arith.mulf %max3A_870, %max3A_870 : vector<16xf32>
        %add3A_872 = arith.addf %add3A_807, %mul3A_871 : vector<16xf32>
        %broadcast_in_dim3A_873 = arith.constant 9.99999996E-13 : f32
        %broadcast_in_dim3A_874 = vector.broadcast %broadcast_in_dim3A_873 : f32 to vector<16xf32>
        %broadcast_in_dim3A_875 = arith.constant 3 : i32
        %broadcast_in_dim3A_876 = vector.broadcast %broadcast_in_dim3A_875 : i32 to vector<16xi32>
        %gather3A_877 = tpu.vector_load_idx %arg8[%broadcast_in_dim3A_413, %add3A_810, %broadcast_in_dim3A_876] : memref<16x128x16xf32, #tpu.memory_space<vmem>>[vector<16xi32>, vector<16xi32>, vector<16xi32>], vector<16xf32>,
        %sub3A_878 = arith.subf %gather3A_877, %gather3A : vector<16xf32>
        %mul3A_879 = arith.mulf %sub3A_878, %sub3A_878 : vector<16xf32>
        %add3A_880 = arith.addf %broadcast_in_dim3A_874, %mul3A_879 : vector<16xf32>
        %broadcast_in_dim3A_881 = arith.constant 4 : i32
        %broadcast_in_dim3A_882 = vector.broadcast %broadcast_in_dim3A_881 : i32 to vector<16xi32>
        %gather3A_883 = tpu.vector_load_idx %arg8[%broadcast_in_dim3A_413, %add3A_810, %broadcast_in_dim3A_882] : memref<16x128x16xf32, #tpu.memory_space<vmem>>[vector<16xi32>, vector<16xi32>, vector<16xi32>], vector<16xf32>,
        %sub3A_884 = arith.subf %gather3A_883, %gather3A_426 : vector<16xf32>
        %mul3A_885 = arith.mulf %sub3A_884, %sub3A_884 : vector<16xf32>
        %add3A_886 = arith.addf %add3A_880, %mul3A_885 : vector<16xf32>
        %broadcast_in_dim3A_887 = arith.constant 5 : i32
        %broadcast_in_dim3A_888 = vector.broadcast %broadcast_in_dim3A_887 : i32 to vector<16xi32>
        %gather3A_889 = tpu.vector_load_idx %arg8[%broadcast_in_dim3A_413, %add3A_810, %broadcast_in_dim3A_888] : memref<16x128x16xf32, #tpu.memory_space<vmem>>[vector<16xi32>, vector<16xi32>, vector<16xi32>], vector<16xf32>,
        %sub3A_890 = arith.subf %gather3A_889, %gather3A_433 : vector<16xf32>
        %mul3A_891 = arith.mulf %sub3A_890, %sub3A_890 : vector<16xf32>
        %add3A_892 = arith.addf %add3A_886, %mul3A_891 : vector<16xf32>
        %bitcast3A_893 = vector.bitcast %add3A_892 : vector<16xf32> to vector<16xi32>
        %shift_right_logical3A_894 = arith.constant 1 : i32
        %shift_right_logical3A_895 = vector.broadcast %shift_right_logical3A_894 : i32 to vector<16xi32>
        %shift_right_logical3A_896 = arith.shrui %bitcast3A_893, %shift_right_logical3A_895 : vector<16xi32>
        %sub3A_897 = arith.subi %broadcast_in_dim3A_3, %shift_right_logical3A_896 : vector<16xi32>
        %bitcast3A_898 = vector.bitcast %sub3A_897 : vector<16xi32> to vector<16xf32>
        %mul3A_899 = arith.constant 5.000000e-01 : f32
        %mul3A_900 = vector.broadcast %mul3A_899 : f32 to vector<16xf32>
        %mul3A_901 = arith.mulf %mul3A_900, %add3A_892 : vector<16xf32>
        %mul3A_902 = arith.mulf %mul3A_901, %bitcast3A_898 : vector<16xf32>
        %mul3A_903 = arith.mulf %mul3A_902, %bitcast3A_898 : vector<16xf32>
        %sub3A_904 = arith.constant 1.500000e+00 : f32
        %sub3A_905 = vector.broadcast %sub3A_904 : f32 to vector<16xf32>
        %sub3A_906 = arith.subf %sub3A_905, %mul3A_903 : vector<16xf32>
        %mul3A_907 = arith.mulf %bitcast3A_898, %sub3A_906 : vector<16xf32>
        %mul3A_908 = arith.constant 5.000000e-01 : f32
        %mul3A_909 = vector.broadcast %mul3A_908 : f32 to vector<16xf32>
        %mul3A_910 = arith.mulf %mul3A_909, %add3A_892 : vector<16xf32>
        %mul3A_911 = arith.mulf %mul3A_910, %mul3A_907 : vector<16xf32>
        %mul3A_912 = arith.mulf %mul3A_911, %mul3A_907 : vector<16xf32>
        %sub3A_913 = arith.constant 1.500000e+00 : f32
        %sub3A_914 = vector.broadcast %sub3A_913 : f32 to vector<16xf32>
        %sub3A_915 = arith.subf %sub3A_914, %mul3A_912 : vector<16xf32>
        %mul3A_916 = arith.mulf %mul3A_907, %sub3A_915 : vector<16xf32>
        %mul3A_917 = arith.constant 5.000000e-01 : f32
        %mul3A_918 = vector.broadcast %mul3A_917 : f32 to vector<16xf32>
        %mul3A_919 = arith.mulf %mul3A_918, %add3A_892 : vector<16xf32>
        %mul3A_920 = arith.mulf %mul3A_919, %mul3A_916 : vector<16xf32>
        %mul3A_921 = arith.mulf %mul3A_920, %mul3A_916 : vector<16xf32>
        %sub3A_922 = arith.constant 1.500000e+00 : f32
        %sub3A_923 = vector.broadcast %sub3A_922 : f32 to vector<16xf32>
        %sub3A_924 = arith.subf %sub3A_923, %mul3A_921 : vector<16xf32>
        %mul3A_925 = arith.mulf %mul3A_916, %sub3A_924 : vector<16xf32>
        %mul3A_926 = arith.mulf %add3A_892, %mul3A_925 : vector<16xf32>
        %sub3A_927 = arith.constant 5.000000e-01 : f32
        %sub3A_928 = vector.broadcast %sub3A_927 : f32 to vector<16xf32>
        %sub3A_929 = arith.subf %sub3A_928, %mul3A_926 : vector<16xf32>
        %max3A_930 = arith.constant 0.000000e+00 : f32
        %max3A_931 = vector.broadcast %max3A_930 : f32 to vector<16xf32>
        %max3A_932 = arith.maximumf %sub3A_929, %max3A_931 : vector<16xf32>
        %mul3A_933 = arith.mulf %max3A_932, %max3A_932 : vector<16xf32>
        %add3A_934 = arith.addf %add3A_872, %mul3A_933 : vector<16xf32>
        %broadcast_in_dim3A_935 = arith.constant 9.99999996E-13 : f32
        %broadcast_in_dim3A_936 = vector.broadcast %broadcast_in_dim3A_935 : f32 to vector<16xf32>
        %broadcast_in_dim3A_937 = arith.constant 6 : i32
        %broadcast_in_dim3A_938 = vector.broadcast %broadcast_in_dim3A_937 : i32 to vector<16xi32>
        %gather3A_939 = tpu.vector_load_idx %arg8[%broadcast_in_dim3A_413, %add3A_810, %broadcast_in_dim3A_938] : memref<16x128x16xf32, #tpu.memory_space<vmem>>[vector<16xi32>, vector<16xi32>, vector<16xi32>], vector<16xf32>,
        %sub3A_940 = arith.subf %gather3A_939, %gather3A : vector<16xf32>
        %mul3A_941 = arith.mulf %sub3A_940, %sub3A_940 : vector<16xf32>
        %add3A_942 = arith.addf %broadcast_in_dim3A_936, %mul3A_941 : vector<16xf32>
        %broadcast_in_dim3A_943 = arith.constant 7 : i32
        %broadcast_in_dim3A_944 = vector.broadcast %broadcast_in_dim3A_943 : i32 to vector<16xi32>
        %gather3A_945 = tpu.vector_load_idx %arg8[%broadcast_in_dim3A_413, %add3A_810, %broadcast_in_dim3A_944] : memref<16x128x16xf32, #tpu.memory_space<vmem>>[vector<16xi32>, vector<16xi32>, vector<16xi32>], vector<16xf32>,
        %sub3A_946 = arith.subf %gather3A_945, %gather3A_426 : vector<16xf32>
        %mul3A_947 = arith.mulf %sub3A_946, %sub3A_946 : vector<16xf32>
        %add3A_948 = arith.addf %add3A_942, %mul3A_947 : vector<16xf32>
        %broadcast_in_dim3A_949 = arith.constant 8 : i32
        %broadcast_in_dim3A_950 = vector.broadcast %broadcast_in_dim3A_949 : i32 to vector<16xi32>
        %gather3A_951 = tpu.vector_load_idx %arg8[%broadcast_in_dim3A_413, %add3A_810, %broadcast_in_dim3A_950] : memref<16x128x16xf32, #tpu.memory_space<vmem>>[vector<16xi32>, vector<16xi32>, vector<16xi32>], vector<16xf32>,
        %sub3A_952 = arith.subf %gather3A_951, %gather3A_433 : vector<16xf32>
        %mul3A_953 = arith.mulf %sub3A_952, %sub3A_952 : vector<16xf32>
        %add3A_954 = arith.addf %add3A_948, %mul3A_953 : vector<16xf32>
        %bitcast3A_955 = vector.bitcast %add3A_954 : vector<16xf32> to vector<16xi32>
        %shift_right_logical3A_956 = arith.constant 1 : i32
        %shift_right_logical3A_957 = vector.broadcast %shift_right_logical3A_956 : i32 to vector<16xi32>
        %shift_right_logical3A_958 = arith.shrui %bitcast3A_955, %shift_right_logical3A_957 : vector<16xi32>
        %sub3A_959 = arith.subi %broadcast_in_dim3A_3, %shift_right_logical3A_958 : vector<16xi32>
        %bitcast3A_960 = vector.bitcast %sub3A_959 : vector<16xi32> to vector<16xf32>
        %mul3A_961 = arith.constant 5.000000e-01 : f32
        %mul3A_962 = vector.broadcast %mul3A_961 : f32 to vector<16xf32>
        %mul3A_963 = arith.mulf %mul3A_962, %add3A_954 : vector<16xf32>
        %mul3A_964 = arith.mulf %mul3A_963, %bitcast3A_960 : vector<16xf32>
        %mul3A_965 = arith.mulf %mul3A_964, %bitcast3A_960 : vector<16xf32>
        %sub3A_966 = arith.constant 1.500000e+00 : f32
        %sub3A_967 = vector.broadcast %sub3A_966 : f32 to vector<16xf32>
        %sub3A_968 = arith.subf %sub3A_967, %mul3A_965 : vector<16xf32>
        %mul3A_969 = arith.mulf %bitcast3A_960, %sub3A_968 : vector<16xf32>
        %mul3A_970 = arith.constant 5.000000e-01 : f32
        %mul3A_971 = vector.broadcast %mul3A_970 : f32 to vector<16xf32>
        %mul3A_972 = arith.mulf %mul3A_971, %add3A_954 : vector<16xf32>
        %mul3A_973 = arith.mulf %mul3A_972, %mul3A_969 : vector<16xf32>
        %mul3A_974 = arith.mulf %mul3A_973, %mul3A_969 : vector<16xf32>
        %sub3A_975 = arith.constant 1.500000e+00 : f32
        %sub3A_976 = vector.broadcast %sub3A_975 : f32 to vector<16xf32>
        %sub3A_977 = arith.subf %sub3A_976, %mul3A_974 : vector<16xf32>
        %mul3A_978 = arith.mulf %mul3A_969, %sub3A_977 : vector<16xf32>
        %mul3A_979 = arith.constant 5.000000e-01 : f32
        %mul3A_980 = vector.broadcast %mul3A_979 : f32 to vector<16xf32>
        %mul3A_981 = arith.mulf %mul3A_980, %add3A_954 : vector<16xf32>
        %mul3A_982 = arith.mulf %mul3A_981, %mul3A_978 : vector<16xf32>
        %mul3A_983 = arith.mulf %mul3A_982, %mul3A_978 : vector<16xf32>
        %sub3A_984 = arith.constant 1.500000e+00 : f32
        %sub3A_985 = vector.broadcast %sub3A_984 : f32 to vector<16xf32>
        %sub3A_986 = arith.subf %sub3A_985, %mul3A_983 : vector<16xf32>
        %mul3A_987 = arith.mulf %mul3A_978, %sub3A_986 : vector<16xf32>
        %mul3A_988 = arith.mulf %add3A_954, %mul3A_987 : vector<16xf32>
        %sub3A_989 = arith.constant 5.000000e-01 : f32
        %sub3A_990 = vector.broadcast %sub3A_989 : f32 to vector<16xf32>
        %sub3A_991 = arith.subf %sub3A_990, %mul3A_988 : vector<16xf32>
        %max3A_992 = arith.constant 0.000000e+00 : f32
        %max3A_993 = vector.broadcast %max3A_992 : f32 to vector<16xf32>
        %max3A_994 = arith.maximumf %sub3A_991, %max3A_993 : vector<16xf32>
        %mul3A_995 = arith.mulf %max3A_994, %max3A_994 : vector<16xf32>
        %add3A_996 = arith.addf %add3A_934, %mul3A_995 : vector<16xf32>
        %add3A_997 = arith.constant 48 : i32
        %add3A_998 = vector.broadcast %add3A_997 : i32 to vector<16xi32>
        %add3A_999 = arith.addi %add3A_998, %iota3A : vector<16xi32>
        %broadcast_in_dim3A_1000 = arith.constant 9.99999996E-13 : f32
        %broadcast_in_dim3A_1001 = vector.broadcast %broadcast_in_dim3A_1000 : f32 to vector<16xf32>
        %broadcast_in_dim3A_1002 = arith.constant 0 : i32
        %broadcast_in_dim3A_1003 = vector.broadcast %broadcast_in_dim3A_1002 : i32 to vector<16xi32>
        %gather3A_1004 = tpu.vector_load_idx %arg8[%broadcast_in_dim3A_413, %add3A_999, %broadcast_in_dim3A_1003] : memref<16x128x16xf32, #tpu.memory_space<vmem>>[vector<16xi32>, vector<16xi32>, vector<16xi32>], vector<16xf32>,
        %sub3A_1005 = arith.subf %gather3A_1004, %gather3A : vector<16xf32>
        %mul3A_1006 = arith.mulf %sub3A_1005, %sub3A_1005 : vector<16xf32>
        %add3A_1007 = arith.addf %broadcast_in_dim3A_1001, %mul3A_1006 : vector<16xf32>
        %broadcast_in_dim3A_1008 = arith.constant 1 : i32
        %broadcast_in_dim3A_1009 = vector.broadcast %broadcast_in_dim3A_1008 : i32 to vector<16xi32>
        %gather3A_1010 = tpu.vector_load_idx %arg8[%broadcast_in_dim3A_413, %add3A_999, %broadcast_in_dim3A_1009] : memref<16x128x16xf32, #tpu.memory_space<vmem>>[vector<16xi32>, vector<16xi32>, vector<16xi32>], vector<16xf32>,
        %sub3A_1011 = arith.subf %gather3A_1010, %gather3A_426 : vector<16xf32>
        %mul3A_1012 = arith.mulf %sub3A_1011, %sub3A_1011 : vector<16xf32>
        %add3A_1013 = arith.addf %add3A_1007, %mul3A_1012 : vector<16xf32>
        %broadcast_in_dim3A_1014 = arith.constant 2 : i32
        %broadcast_in_dim3A_1015 = vector.broadcast %broadcast_in_dim3A_1014 : i32 to vector<16xi32>
        %gather3A_1016 = tpu.vector_load_idx %arg8[%broadcast_in_dim3A_413, %add3A_999, %broadcast_in_dim3A_1015] : memref<16x128x16xf32, #tpu.memory_space<vmem>>[vector<16xi32>, vector<16xi32>, vector<16xi32>], vector<16xf32>,
        %sub3A_1017 = arith.subf %gather3A_1016, %gather3A_433 : vector<16xf32>
        %mul3A_1018 = arith.mulf %sub3A_1017, %sub3A_1017 : vector<16xf32>
        %add3A_1019 = arith.addf %add3A_1013, %mul3A_1018 : vector<16xf32>
        %bitcast3A_1020 = vector.bitcast %add3A_1019 : vector<16xf32> to vector<16xi32>
        %shift_right_logical3A_1021 = arith.constant 1 : i32
        %shift_right_logical3A_1022 = vector.broadcast %shift_right_logical3A_1021 : i32 to vector<16xi32>
        %shift_right_logical3A_1023 = arith.shrui %bitcast3A_1020, %shift_right_logical3A_1022 : vector<16xi32>
        %sub3A_1024 = arith.subi %broadcast_in_dim3A_3, %shift_right_logical3A_1023 : vector<16xi32>
        %bitcast3A_1025 = vector.bitcast %sub3A_1024 : vector<16xi32> to vector<16xf32>
        %mul3A_1026 = arith.constant 5.000000e-01 : f32
        %mul3A_1027 = vector.broadcast %mul3A_1026 : f32 to vector<16xf32>
        %mul3A_1028 = arith.mulf %mul3A_1027, %add3A_1019 : vector<16xf32>
        %mul3A_1029 = arith.mulf %mul3A_1028, %bitcast3A_1025 : vector<16xf32>
        %mul3A_1030 = arith.mulf %mul3A_1029, %bitcast3A_1025 : vector<16xf32>
        %sub3A_1031 = arith.constant 1.500000e+00 : f32
        %sub3A_1032 = vector.broadcast %sub3A_1031 : f32 to vector<16xf32>
        %sub3A_1033 = arith.subf %sub3A_1032, %mul3A_1030 : vector<16xf32>
        %mul3A_1034 = arith.mulf %bitcast3A_1025, %sub3A_1033 : vector<16xf32>
        %mul3A_1035 = arith.constant 5.000000e-01 : f32
        %mul3A_1036 = vector.broadcast %mul3A_1035 : f32 to vector<16xf32>
        %mul3A_1037 = arith.mulf %mul3A_1036, %add3A_1019 : vector<16xf32>
        %mul3A_1038 = arith.mulf %mul3A_1037, %mul3A_1034 : vector<16xf32>
        %mul3A_1039 = arith.mulf %mul3A_1038, %mul3A_1034 : vector<16xf32>
        %sub3A_1040 = arith.constant 1.500000e+00 : f32
        %sub3A_1041 = vector.broadcast %sub3A_1040 : f32 to vector<16xf32>
        %sub3A_1042 = arith.subf %sub3A_1041, %mul3A_1039 : vector<16xf32>
        %mul3A_1043 = arith.mulf %mul3A_1034, %sub3A_1042 : vector<16xf32>
        %mul3A_1044 = arith.constant 5.000000e-01 : f32
        %mul3A_1045 = vector.broadcast %mul3A_1044 : f32 to vector<16xf32>
        %mul3A_1046 = arith.mulf %mul3A_1045, %add3A_1019 : vector<16xf32>
        %mul3A_1047 = arith.mulf %mul3A_1046, %mul3A_1043 : vector<16xf32>
        %mul3A_1048 = arith.mulf %mul3A_1047, %mul3A_1043 : vector<16xf32>
        %sub3A_1049 = arith.constant 1.500000e+00 : f32
        %sub3A_1050 = vector.broadcast %sub3A_1049 : f32 to vector<16xf32>
        %sub3A_1051 = arith.subf %sub3A_1050, %mul3A_1048 : vector<16xf32>
        %mul3A_1052 = arith.mulf %mul3A_1043, %sub3A_1051 : vector<16xf32>
        %mul3A_1053 = arith.mulf %add3A_1019, %mul3A_1052 : vector<16xf32>
        %sub3A_1054 = arith.constant 5.000000e-01 : f32
        %sub3A_1055 = vector.broadcast %sub3A_1054 : f32 to vector<16xf32>
        %sub3A_1056 = arith.subf %sub3A_1055, %mul3A_1053 : vector<16xf32>
        %max3A_1057 = arith.constant 0.000000e+00 : f32
        %max3A_1058 = vector.broadcast %max3A_1057 : f32 to vector<16xf32>
        %max3A_1059 = arith.maximumf %sub3A_1056, %max3A_1058 : vector<16xf32>
        %mul3A_1060 = arith.mulf %max3A_1059, %max3A_1059 : vector<16xf32>
        %add3A_1061 = arith.addf %add3A_996, %mul3A_1060 : vector<16xf32>
        %broadcast_in_dim3A_1062 = arith.constant 9.99999996E-13 : f32
        %broadcast_in_dim3A_1063 = vector.broadcast %broadcast_in_dim3A_1062 : f32 to vector<16xf32>
        %broadcast_in_dim3A_1064 = arith.constant 3 : i32
        %broadcast_in_dim3A_1065 = vector.broadcast %broadcast_in_dim3A_1064 : i32 to vector<16xi32>
        %gather3A_1066 = tpu.vector_load_idx %arg8[%broadcast_in_dim3A_413, %add3A_999, %broadcast_in_dim3A_1065] : memref<16x128x16xf32, #tpu.memory_space<vmem>>[vector<16xi32>, vector<16xi32>, vector<16xi32>], vector<16xf32>,
        %sub3A_1067 = arith.subf %gather3A_1066, %gather3A : vector<16xf32>
        %mul3A_1068 = arith.mulf %sub3A_1067, %sub3A_1067 : vector<16xf32>
        %add3A_1069 = arith.addf %broadcast_in_dim3A_1063, %mul3A_1068 : vector<16xf32>
        %broadcast_in_dim3A_1070 = arith.constant 4 : i32
        %broadcast_in_dim3A_1071 = vector.broadcast %broadcast_in_dim3A_1070 : i32 to vector<16xi32>
        %gather3A_1072 = tpu.vector_load_idx %arg8[%broadcast_in_dim3A_413, %add3A_999, %broadcast_in_dim3A_1071] : memref<16x128x16xf32, #tpu.memory_space<vmem>>[vector<16xi32>, vector<16xi32>, vector<16xi32>], vector<16xf32>,
        %sub3A_1073 = arith.subf %gather3A_1072, %gather3A_426 : vector<16xf32>
        %mul3A_1074 = arith.mulf %sub3A_1073, %sub3A_1073 : vector<16xf32>
        %add3A_1075 = arith.addf %add3A_1069, %mul3A_1074 : vector<16xf32>
        %broadcast_in_dim3A_1076 = arith.constant 5 : i32
        %broadcast_in_dim3A_1077 = vector.broadcast %broadcast_in_dim3A_1076 : i32 to vector<16xi32>
        %gather3A_1078 = tpu.vector_load_idx %arg8[%broadcast_in_dim3A_413, %add3A_999, %broadcast_in_dim3A_1077] : memref<16x128x16xf32, #tpu.memory_space<vmem>>[vector<16xi32>, vector<16xi32>, vector<16xi32>], vector<16xf32>,
        %sub3A_1079 = arith.subf %gather3A_1078, %gather3A_433 : vector<16xf32>
        %mul3A_1080 = arith.mulf %sub3A_1079, %sub3A_1079 : vector<16xf32>
        %add3A_1081 = arith.addf %add3A_1075, %mul3A_1080 : vector<16xf32>
        %bitcast3A_1082 = vector.bitcast %add3A_1081 : vector<16xf32> to vector<16xi32>
        %shift_right_logical3A_1083 = arith.constant 1 : i32
        %shift_right_logical3A_1084 = vector.broadcast %shift_right_logical3A_1083 : i32 to vector<16xi32>
        %shift_right_logical3A_1085 = arith.shrui %bitcast3A_1082, %shift_right_logical3A_1084 : vector<16xi32>
        %sub3A_1086 = arith.subi %broadcast_in_dim3A_3, %shift_right_logical3A_1085 : vector<16xi32>
        %bitcast3A_1087 = vector.bitcast %sub3A_1086 : vector<16xi32> to vector<16xf32>
        %mul3A_1088 = arith.constant 5.000000e-01 : f32
        %mul3A_1089 = vector.broadcast %mul3A_1088 : f32 to vector<16xf32>
        %mul3A_1090 = arith.mulf %mul3A_1089, %add3A_1081 : vector<16xf32>
        %mul3A_1091 = arith.mulf %mul3A_1090, %bitcast3A_1087 : vector<16xf32>
        %mul3A_1092 = arith.mulf %mul3A_1091, %bitcast3A_1087 : vector<16xf32>
        %sub3A_1093 = arith.constant 1.500000e+00 : f32
        %sub3A_1094 = vector.broadcast %sub3A_1093 : f32 to vector<16xf32>
        %sub3A_1095 = arith.subf %sub3A_1094, %mul3A_1092 : vector<16xf32>
        %mul3A_1096 = arith.mulf %bitcast3A_1087, %sub3A_1095 : vector<16xf32>
        %mul3A_1097 = arith.constant 5.000000e-01 : f32
        %mul3A_1098 = vector.broadcast %mul3A_1097 : f32 to vector<16xf32>
        %mul3A_1099 = arith.mulf %mul3A_1098, %add3A_1081 : vector<16xf32>
        %mul3A_1100 = arith.mulf %mul3A_1099, %mul3A_1096 : vector<16xf32>
        %mul3A_1101 = arith.mulf %mul3A_1100, %mul3A_1096 : vector<16xf32>
        %sub3A_1102 = arith.constant 1.500000e+00 : f32
        %sub3A_1103 = vector.broadcast %sub3A_1102 : f32 to vector<16xf32>
        %sub3A_1104 = arith.subf %sub3A_1103, %mul3A_1101 : vector<16xf32>
        %mul3A_1105 = arith.mulf %mul3A_1096, %sub3A_1104 : vector<16xf32>
        %mul3A_1106 = arith.constant 5.000000e-01 : f32
        %mul3A_1107 = vector.broadcast %mul3A_1106 : f32 to vector<16xf32>
        %mul3A_1108 = arith.mulf %mul3A_1107, %add3A_1081 : vector<16xf32>
        %mul3A_1109 = arith.mulf %mul3A_1108, %mul3A_1105 : vector<16xf32>
        %mul3A_1110 = arith.mulf %mul3A_1109, %mul3A_1105 : vector<16xf32>
        %sub3A_1111 = arith.constant 1.500000e+00 : f32
        %sub3A_1112 = vector.broadcast %sub3A_1111 : f32 to vector<16xf32>
        %sub3A_1113 = arith.subf %sub3A_1112, %mul3A_1110 : vector<16xf32>
        %mul3A_1114 = arith.mulf %mul3A_1105, %sub3A_1113 : vector<16xf32>
        %mul3A_1115 = arith.mulf %add3A_1081, %mul3A_1114 : vector<16xf32>
        %sub3A_1116 = arith.constant 5.000000e-01 : f32
        %sub3A_1117 = vector.broadcast %sub3A_1116 : f32 to vector<16xf32>
        %sub3A_1118 = arith.subf %sub3A_1117, %mul3A_1115 : vector<16xf32>
        %max3A_1119 = arith.constant 0.000000e+00 : f32
        %max3A_1120 = vector.broadcast %max3A_1119 : f32 to vector<16xf32>
        %max3A_1121 = arith.maximumf %sub3A_1118, %max3A_1120 : vector<16xf32>
        %mul3A_1122 = arith.mulf %max3A_1121, %max3A_1121 : vector<16xf32>
        %add3A_1123 = arith.addf %add3A_1061, %mul3A_1122 : vector<16xf32>
        %broadcast_in_dim3A_1124 = arith.constant 9.99999996E-13 : f32
        %broadcast_in_dim3A_1125 = vector.broadcast %broadcast_in_dim3A_1124 : f32 to vector<16xf32>
        %broadcast_in_dim3A_1126 = arith.constant 6 : i32
        %broadcast_in_dim3A_1127 = vector.broadcast %broadcast_in_dim3A_1126 : i32 to vector<16xi32>
        %gather3A_1128 = tpu.vector_load_idx %arg8[%broadcast_in_dim3A_413, %add3A_999, %broadcast_in_dim3A_1127] : memref<16x128x16xf32, #tpu.memory_space<vmem>>[vector<16xi32>, vector<16xi32>, vector<16xi32>], vector<16xf32>,
        %sub3A_1129 = arith.subf %gather3A_1128, %gather3A : vector<16xf32>
        %mul3A_1130 = arith.mulf %sub3A_1129, %sub3A_1129 : vector<16xf32>
        %add3A_1131 = arith.addf %broadcast_in_dim3A_1125, %mul3A_1130 : vector<16xf32>
        %broadcast_in_dim3A_1132 = arith.constant 7 : i32
        %broadcast_in_dim3A_1133 = vector.broadcast %broadcast_in_dim3A_1132 : i32 to vector<16xi32>
        %gather3A_1134 = tpu.vector_load_idx %arg8[%broadcast_in_dim3A_413, %add3A_999, %broadcast_in_dim3A_1133] : memref<16x128x16xf32, #tpu.memory_space<vmem>>[vector<16xi32>, vector<16xi32>, vector<16xi32>], vector<16xf32>,
        %sub3A_1135 = arith.subf %gather3A_1134, %gather3A_426 : vector<16xf32>
        %mul3A_1136 = arith.mulf %sub3A_1135, %sub3A_1135 : vector<16xf32>
        %add3A_1137 = arith.addf %add3A_1131, %mul3A_1136 : vector<16xf32>
        %broadcast_in_dim3A_1138 = arith.constant 8 : i32
        %broadcast_in_dim3A_1139 = vector.broadcast %broadcast_in_dim3A_1138 : i32 to vector<16xi32>
        %gather3A_1140 = tpu.vector_load_idx %arg8[%broadcast_in_dim3A_413, %add3A_999, %broadcast_in_dim3A_1139] : memref<16x128x16xf32, #tpu.memory_space<vmem>>[vector<16xi32>, vector<16xi32>, vector<16xi32>], vector<16xf32>,
        %sub3A_1141 = arith.subf %gather3A_1140, %gather3A_433 : vector<16xf32>
        %mul3A_1142 = arith.mulf %sub3A_1141, %sub3A_1141 : vector<16xf32>
        %add3A_1143 = arith.addf %add3A_1137, %mul3A_1142 : vector<16xf32>
        %bitcast3A_1144 = vector.bitcast %add3A_1143 : vector<16xf32> to vector<16xi32>
        %shift_right_logical3A_1145 = arith.constant 1 : i32
        %shift_right_logical3A_1146 = vector.broadcast %shift_right_logical3A_1145 : i32 to vector<16xi32>
        %shift_right_logical3A_1147 = arith.shrui %bitcast3A_1144, %shift_right_logical3A_1146 : vector<16xi32>
        %sub3A_1148 = arith.subi %broadcast_in_dim3A_3, %shift_right_logical3A_1147 : vector<16xi32>
        %bitcast3A_1149 = vector.bitcast %sub3A_1148 : vector<16xi32> to vector<16xf32>
        %mul3A_1150 = arith.constant 5.000000e-01 : f32
        %mul3A_1151 = vector.broadcast %mul3A_1150 : f32 to vector<16xf32>
        %mul3A_1152 = arith.mulf %mul3A_1151, %add3A_1143 : vector<16xf32>
        %mul3A_1153 = arith.mulf %mul3A_1152, %bitcast3A_1149 : vector<16xf32>
        %mul3A_1154 = arith.mulf %mul3A_1153, %bitcast3A_1149 : vector<16xf32>
        %sub3A_1155 = arith.constant 1.500000e+00 : f32
        %sub3A_1156 = vector.broadcast %sub3A_1155 : f32 to vector<16xf32>
        %sub3A_1157 = arith.subf %sub3A_1156, %mul3A_1154 : vector<16xf32>
        %mul3A_1158 = arith.mulf %bitcast3A_1149, %sub3A_1157 : vector<16xf32>
        %mul3A_1159 = arith.constant 5.000000e-01 : f32
        %mul3A_1160 = vector.broadcast %mul3A_1159 : f32 to vector<16xf32>
        %mul3A_1161 = arith.mulf %mul3A_1160, %add3A_1143 : vector<16xf32>
        %mul3A_1162 = arith.mulf %mul3A_1161, %mul3A_1158 : vector<16xf32>
        %mul3A_1163 = arith.mulf %mul3A_1162, %mul3A_1158 : vector<16xf32>
        %sub3A_1164 = arith.constant 1.500000e+00 : f32
        %sub3A_1165 = vector.broadcast %sub3A_1164 : f32 to vector<16xf32>
        %sub3A_1166 = arith.subf %sub3A_1165, %mul3A_1163 : vector<16xf32>
        %mul3A_1167 = arith.mulf %mul3A_1158, %sub3A_1166 : vector<16xf32>
        %mul3A_1168 = arith.constant 5.000000e-01 : f32
        %mul3A_1169 = vector.broadcast %mul3A_1168 : f32 to vector<16xf32>
        %mul3A_1170 = arith.mulf %mul3A_1169, %add3A_1143 : vector<16xf32>
        %mul3A_1171 = arith.mulf %mul3A_1170, %mul3A_1167 : vector<16xf32>
        %mul3A_1172 = arith.mulf %mul3A_1171, %mul3A_1167 : vector<16xf32>
        %sub3A_1173 = arith.constant 1.500000e+00 : f32
        %sub3A_1174 = vector.broadcast %sub3A_1173 : f32 to vector<16xf32>
        %sub3A_1175 = arith.subf %sub3A_1174, %mul3A_1172 : vector<16xf32>
        %mul3A_1176 = arith.mulf %mul3A_1167, %sub3A_1175 : vector<16xf32>
        %mul3A_1177 = arith.mulf %add3A_1143, %mul3A_1176 : vector<16xf32>
        %sub3A_1178 = arith.constant 5.000000e-01 : f32
        %sub3A_1179 = vector.broadcast %sub3A_1178 : f32 to vector<16xf32>
        %sub3A_1180 = arith.subf %sub3A_1179, %mul3A_1177 : vector<16xf32>
        %max3A_1181 = arith.constant 0.000000e+00 : f32
        %max3A_1182 = vector.broadcast %max3A_1181 : f32 to vector<16xf32>
        %max3A_1183 = arith.maximumf %sub3A_1180, %max3A_1182 : vector<16xf32>
        %mul3A_1184 = arith.mulf %max3A_1183, %max3A_1183 : vector<16xf32>
        %add3A_1185 = arith.addf %add3A_1123, %mul3A_1184 : vector<16xf32>
        %add3A_1186 = arith.constant 64 : i32
        %add3A_1187 = vector.broadcast %add3A_1186 : i32 to vector<16xi32>
        %add3A_1188 = arith.addi %add3A_1187, %iota3A : vector<16xi32>
        %broadcast_in_dim3A_1189 = arith.constant 9.99999996E-13 : f32
        %broadcast_in_dim3A_1190 = vector.broadcast %broadcast_in_dim3A_1189 : f32 to vector<16xf32>
        %broadcast_in_dim3A_1191 = arith.constant 0 : i32
        %broadcast_in_dim3A_1192 = vector.broadcast %broadcast_in_dim3A_1191 : i32 to vector<16xi32>
        %gather3A_1193 = tpu.vector_load_idx %arg8[%broadcast_in_dim3A_413, %add3A_1188, %broadcast_in_dim3A_1192] : memref<16x128x16xf32, #tpu.memory_space<vmem>>[vector<16xi32>, vector<16xi32>, vector<16xi32>], vector<16xf32>,
        %sub3A_1194 = arith.subf %gather3A_1193, %gather3A : vector<16xf32>
        %mul3A_1195 = arith.mulf %sub3A_1194, %sub3A_1194 : vector<16xf32>
        %add3A_1196 = arith.addf %broadcast_in_dim3A_1190, %mul3A_1195 : vector<16xf32>
        %broadcast_in_dim3A_1197 = arith.constant 1 : i32
        %broadcast_in_dim3A_1198 = vector.broadcast %broadcast_in_dim3A_1197 : i32 to vector<16xi32>
        %gather3A_1199 = tpu.vector_load_idx %arg8[%broadcast_in_dim3A_413, %add3A_1188, %broadcast_in_dim3A_1198] : memref<16x128x16xf32, #tpu.memory_space<vmem>>[vector<16xi32>, vector<16xi32>, vector<16xi32>], vector<16xf32>,
        %sub3A_1200 = arith.subf %gather3A_1199, %gather3A_426 : vector<16xf32>
        %mul3A_1201 = arith.mulf %sub3A_1200, %sub3A_1200 : vector<16xf32>
        %add3A_1202 = arith.addf %add3A_1196, %mul3A_1201 : vector<16xf32>
        %broadcast_in_dim3A_1203 = arith.constant 2 : i32
        %broadcast_in_dim3A_1204 = vector.broadcast %broadcast_in_dim3A_1203 : i32 to vector<16xi32>
        %gather3A_1205 = tpu.vector_load_idx %arg8[%broadcast_in_dim3A_413, %add3A_1188, %broadcast_in_dim3A_1204] : memref<16x128x16xf32, #tpu.memory_space<vmem>>[vector<16xi32>, vector<16xi32>, vector<16xi32>], vector<16xf32>,
        %sub3A_1206 = arith.subf %gather3A_1205, %gather3A_433 : vector<16xf32>
        %mul3A_1207 = arith.mulf %sub3A_1206, %sub3A_1206 : vector<16xf32>
        %add3A_1208 = arith.addf %add3A_1202, %mul3A_1207 : vector<16xf32>
        %bitcast3A_1209 = vector.bitcast %add3A_1208 : vector<16xf32> to vector<16xi32>
        %shift_right_logical3A_1210 = arith.constant 1 : i32
        %shift_right_logical3A_1211 = vector.broadcast %shift_right_logical3A_1210 : i32 to vector<16xi32>
        %shift_right_logical3A_1212 = arith.shrui %bitcast3A_1209, %shift_right_logical3A_1211 : vector<16xi32>
        %sub3A_1213 = arith.subi %broadcast_in_dim3A_3, %shift_right_logical3A_1212 : vector<16xi32>
        %bitcast3A_1214 = vector.bitcast %sub3A_1213 : vector<16xi32> to vector<16xf32>
        %mul3A_1215 = arith.constant 5.000000e-01 : f32
        %mul3A_1216 = vector.broadcast %mul3A_1215 : f32 to vector<16xf32>
        %mul3A_1217 = arith.mulf %mul3A_1216, %add3A_1208 : vector<16xf32>
        %mul3A_1218 = arith.mulf %mul3A_1217, %bitcast3A_1214 : vector<16xf32>
        %mul3A_1219 = arith.mulf %mul3A_1218, %bitcast3A_1214 : vector<16xf32>
        %sub3A_1220 = arith.constant 1.500000e+00 : f32
        %sub3A_1221 = vector.broadcast %sub3A_1220 : f32 to vector<16xf32>
        %sub3A_1222 = arith.subf %sub3A_1221, %mul3A_1219 : vector<16xf32>
        %mul3A_1223 = arith.mulf %bitcast3A_1214, %sub3A_1222 : vector<16xf32>
        %mul3A_1224 = arith.constant 5.000000e-01 : f32
        %mul3A_1225 = vector.broadcast %mul3A_1224 : f32 to vector<16xf32>
        %mul3A_1226 = arith.mulf %mul3A_1225, %add3A_1208 : vector<16xf32>
        %mul3A_1227 = arith.mulf %mul3A_1226, %mul3A_1223 : vector<16xf32>
        %mul3A_1228 = arith.mulf %mul3A_1227, %mul3A_1223 : vector<16xf32>
        %sub3A_1229 = arith.constant 1.500000e+00 : f32
        %sub3A_1230 = vector.broadcast %sub3A_1229 : f32 to vector<16xf32>
        %sub3A_1231 = arith.subf %sub3A_1230, %mul3A_1228 : vector<16xf32>
        %mul3A_1232 = arith.mulf %mul3A_1223, %sub3A_1231 : vector<16xf32>
        %mul3A_1233 = arith.constant 5.000000e-01 : f32
        %mul3A_1234 = vector.broadcast %mul3A_1233 : f32 to vector<16xf32>
        %mul3A_1235 = arith.mulf %mul3A_1234, %add3A_1208 : vector<16xf32>
        %mul3A_1236 = arith.mulf %mul3A_1235, %mul3A_1232 : vector<16xf32>
        %mul3A_1237 = arith.mulf %mul3A_1236, %mul3A_1232 : vector<16xf32>
        %sub3A_1238 = arith.constant 1.500000e+00 : f32
        %sub3A_1239 = vector.broadcast %sub3A_1238 : f32 to vector<16xf32>
        %sub3A_1240 = arith.subf %sub3A_1239, %mul3A_1237 : vector<16xf32>
        %mul3A_1241 = arith.mulf %mul3A_1232, %sub3A_1240 : vector<16xf32>
        %mul3A_1242 = arith.mulf %add3A_1208, %mul3A_1241 : vector<16xf32>
        %sub3A_1243 = arith.constant 5.000000e-01 : f32
        %sub3A_1244 = vector.broadcast %sub3A_1243 : f32 to vector<16xf32>
        %sub3A_1245 = arith.subf %sub3A_1244, %mul3A_1242 : vector<16xf32>
        %max3A_1246 = arith.constant 0.000000e+00 : f32
        %max3A_1247 = vector.broadcast %max3A_1246 : f32 to vector<16xf32>
        %max3A_1248 = arith.maximumf %sub3A_1245, %max3A_1247 : vector<16xf32>
        %mul3A_1249 = arith.mulf %max3A_1248, %max3A_1248 : vector<16xf32>
        %add3A_1250 = arith.addf %add3A_1185, %mul3A_1249 : vector<16xf32>
        %broadcast_in_dim3A_1251 = arith.constant 9.99999996E-13 : f32
        %broadcast_in_dim3A_1252 = vector.broadcast %broadcast_in_dim3A_1251 : f32 to vector<16xf32>
        %broadcast_in_dim3A_1253 = arith.constant 3 : i32
        %broadcast_in_dim3A_1254 = vector.broadcast %broadcast_in_dim3A_1253 : i32 to vector<16xi32>
        %gather3A_1255 = tpu.vector_load_idx %arg8[%broadcast_in_dim3A_413, %add3A_1188, %broadcast_in_dim3A_1254] : memref<16x128x16xf32, #tpu.memory_space<vmem>>[vector<16xi32>, vector<16xi32>, vector<16xi32>], vector<16xf32>,
        %sub3A_1256 = arith.subf %gather3A_1255, %gather3A : vector<16xf32>
        %mul3A_1257 = arith.mulf %sub3A_1256, %sub3A_1256 : vector<16xf32>
        %add3A_1258 = arith.addf %broadcast_in_dim3A_1252, %mul3A_1257 : vector<16xf32>
        %broadcast_in_dim3A_1259 = arith.constant 4 : i32
        %broadcast_in_dim3A_1260 = vector.broadcast %broadcast_in_dim3A_1259 : i32 to vector<16xi32>
        %gather3A_1261 = tpu.vector_load_idx %arg8[%broadcast_in_dim3A_413, %add3A_1188, %broadcast_in_dim3A_1260] : memref<16x128x16xf32, #tpu.memory_space<vmem>>[vector<16xi32>, vector<16xi32>, vector<16xi32>], vector<16xf32>,
        %sub3A_1262 = arith.subf %gather3A_1261, %gather3A_426 : vector<16xf32>
        %mul3A_1263 = arith.mulf %sub3A_1262, %sub3A_1262 : vector<16xf32>
        %add3A_1264 = arith.addf %add3A_1258, %mul3A_1263 : vector<16xf32>
        %broadcast_in_dim3A_1265 = arith.constant 5 : i32
        %broadcast_in_dim3A_1266 = vector.broadcast %broadcast_in_dim3A_1265 : i32 to vector<16xi32>
        %gather3A_1267 = tpu.vector_load_idx %arg8[%broadcast_in_dim3A_413, %add3A_1188, %broadcast_in_dim3A_1266] : memref<16x128x16xf32, #tpu.memory_space<vmem>>[vector<16xi32>, vector<16xi32>, vector<16xi32>], vector<16xf32>,
        %sub3A_1268 = arith.subf %gather3A_1267, %gather3A_433 : vector<16xf32>
        %mul3A_1269 = arith.mulf %sub3A_1268, %sub3A_1268 : vector<16xf32>
        %add3A_1270 = arith.addf %add3A_1264, %mul3A_1269 : vector<16xf32>
        %bitcast3A_1271 = vector.bitcast %add3A_1270 : vector<16xf32> to vector<16xi32>
        %shift_right_logical3A_1272 = arith.constant 1 : i32
        %shift_right_logical3A_1273 = vector.broadcast %shift_right_logical3A_1272 : i32 to vector<16xi32>
        %shift_right_logical3A_1274 = arith.shrui %bitcast3A_1271, %shift_right_logical3A_1273 : vector<16xi32>
        %sub3A_1275 = arith.subi %broadcast_in_dim3A_3, %shift_right_logical3A_1274 : vector<16xi32>
        %bitcast3A_1276 = vector.bitcast %sub3A_1275 : vector<16xi32> to vector<16xf32>
        %mul3A_1277 = arith.constant 5.000000e-01 : f32
        %mul3A_1278 = vector.broadcast %mul3A_1277 : f32 to vector<16xf32>
        %mul3A_1279 = arith.mulf %mul3A_1278, %add3A_1270 : vector<16xf32>
        %mul3A_1280 = arith.mulf %mul3A_1279, %bitcast3A_1276 : vector<16xf32>
        %mul3A_1281 = arith.mulf %mul3A_1280, %bitcast3A_1276 : vector<16xf32>
        %sub3A_1282 = arith.constant 1.500000e+00 : f32
        %sub3A_1283 = vector.broadcast %sub3A_1282 : f32 to vector<16xf32>
        %sub3A_1284 = arith.subf %sub3A_1283, %mul3A_1281 : vector<16xf32>
        %mul3A_1285 = arith.mulf %bitcast3A_1276, %sub3A_1284 : vector<16xf32>
        %mul3A_1286 = arith.constant 5.000000e-01 : f32
        %mul3A_1287 = vector.broadcast %mul3A_1286 : f32 to vector<16xf32>
        %mul3A_1288 = arith.mulf %mul3A_1287, %add3A_1270 : vector<16xf32>
        %mul3A_1289 = arith.mulf %mul3A_1288, %mul3A_1285 : vector<16xf32>
        %mul3A_1290 = arith.mulf %mul3A_1289, %mul3A_1285 : vector<16xf32>
        %sub3A_1291 = arith.constant 1.500000e+00 : f32
        %sub3A_1292 = vector.broadcast %sub3A_1291 : f32 to vector<16xf32>
        %sub3A_1293 = arith.subf %sub3A_1292, %mul3A_1290 : vector<16xf32>
        %mul3A_1294 = arith.mulf %mul3A_1285, %sub3A_1293 : vector<16xf32>
        %mul3A_1295 = arith.constant 5.000000e-01 : f32
        %mul3A_1296 = vector.broadcast %mul3A_1295 : f32 to vector<16xf32>
        %mul3A_1297 = arith.mulf %mul3A_1296, %add3A_1270 : vector<16xf32>
        %mul3A_1298 = arith.mulf %mul3A_1297, %mul3A_1294 : vector<16xf32>
        %mul3A_1299 = arith.mulf %mul3A_1298, %mul3A_1294 : vector<16xf32>
        %sub3A_1300 = arith.constant 1.500000e+00 : f32
        %sub3A_1301 = vector.broadcast %sub3A_1300 : f32 to vector<16xf32>
        %sub3A_1302 = arith.subf %sub3A_1301, %mul3A_1299 : vector<16xf32>
        %mul3A_1303 = arith.mulf %mul3A_1294, %sub3A_1302 : vector<16xf32>
        %mul3A_1304 = arith.mulf %add3A_1270, %mul3A_1303 : vector<16xf32>
        %sub3A_1305 = arith.constant 5.000000e-01 : f32
        %sub3A_1306 = vector.broadcast %sub3A_1305 : f32 to vector<16xf32>
        %sub3A_1307 = arith.subf %sub3A_1306, %mul3A_1304 : vector<16xf32>
        %max3A_1308 = arith.constant 0.000000e+00 : f32
        %max3A_1309 = vector.broadcast %max3A_1308 : f32 to vector<16xf32>
        %max3A_1310 = arith.maximumf %sub3A_1307, %max3A_1309 : vector<16xf32>
        %mul3A_1311 = arith.mulf %max3A_1310, %max3A_1310 : vector<16xf32>
        %add3A_1312 = arith.addf %add3A_1250, %mul3A_1311 : vector<16xf32>
        %broadcast_in_dim3A_1313 = arith.constant 9.99999996E-13 : f32
        %broadcast_in_dim3A_1314 = vector.broadcast %broadcast_in_dim3A_1313 : f32 to vector<16xf32>
        %broadcast_in_dim3A_1315 = arith.constant 6 : i32
        %broadcast_in_dim3A_1316 = vector.broadcast %broadcast_in_dim3A_1315 : i32 to vector<16xi32>
        %gather3A_1317 = tpu.vector_load_idx %arg8[%broadcast_in_dim3A_413, %add3A_1188, %broadcast_in_dim3A_1316] : memref<16x128x16xf32, #tpu.memory_space<vmem>>[vector<16xi32>, vector<16xi32>, vector<16xi32>], vector<16xf32>,
        %sub3A_1318 = arith.subf %gather3A_1317, %gather3A : vector<16xf32>
        %mul3A_1319 = arith.mulf %sub3A_1318, %sub3A_1318 : vector<16xf32>
        %add3A_1320 = arith.addf %broadcast_in_dim3A_1314, %mul3A_1319 : vector<16xf32>
        %broadcast_in_dim3A_1321 = arith.constant 7 : i32
        %broadcast_in_dim3A_1322 = vector.broadcast %broadcast_in_dim3A_1321 : i32 to vector<16xi32>
        %gather3A_1323 = tpu.vector_load_idx %arg8[%broadcast_in_dim3A_413, %add3A_1188, %broadcast_in_dim3A_1322] : memref<16x128x16xf32, #tpu.memory_space<vmem>>[vector<16xi32>, vector<16xi32>, vector<16xi32>], vector<16xf32>,
        %sub3A_1324 = arith.subf %gather3A_1323, %gather3A_426 : vector<16xf32>
        %mul3A_1325 = arith.mulf %sub3A_1324, %sub3A_1324 : vector<16xf32>
        %add3A_1326 = arith.addf %add3A_1320, %mul3A_1325 : vector<16xf32>
        %broadcast_in_dim3A_1327 = arith.constant 8 : i32
        %broadcast_in_dim3A_1328 = vector.broadcast %broadcast_in_dim3A_1327 : i32 to vector<16xi32>
        %gather3A_1329 = tpu.vector_load_idx %arg8[%broadcast_in_dim3A_413, %add3A_1188, %broadcast_in_dim3A_1328] : memref<16x128x16xf32, #tpu.memory_space<vmem>>[vector<16xi32>, vector<16xi32>, vector<16xi32>], vector<16xf32>,
        %sub3A_1330 = arith.subf %gather3A_1329, %gather3A_433 : vector<16xf32>
        %mul3A_1331 = arith.mulf %sub3A_1330, %sub3A_1330 : vector<16xf32>
        %add3A_1332 = arith.addf %add3A_1326, %mul3A_1331 : vector<16xf32>
        %bitcast3A_1333 = vector.bitcast %add3A_1332 : vector<16xf32> to vector<16xi32>
        %shift_right_logical3A_1334 = arith.constant 1 : i32
        %shift_right_logical3A_1335 = vector.broadcast %shift_right_logical3A_1334 : i32 to vector<16xi32>
        %shift_right_logical3A_1336 = arith.shrui %bitcast3A_1333, %shift_right_logical3A_1335 : vector<16xi32>
        %sub3A_1337 = arith.subi %broadcast_in_dim3A_3, %shift_right_logical3A_1336 : vector<16xi32>
        %bitcast3A_1338 = vector.bitcast %sub3A_1337 : vector<16xi32> to vector<16xf32>
        %mul3A_1339 = arith.constant 5.000000e-01 : f32
        %mul3A_1340 = vector.broadcast %mul3A_1339 : f32 to vector<16xf32>
        %mul3A_1341 = arith.mulf %mul3A_1340, %add3A_1332 : vector<16xf32>
        %mul3A_1342 = arith.mulf %mul3A_1341, %bitcast3A_1338 : vector<16xf32>
        %mul3A_1343 = arith.mulf %mul3A_1342, %bitcast3A_1338 : vector<16xf32>
        %sub3A_1344 = arith.constant 1.500000e+00 : f32
        %sub3A_1345 = vector.broadcast %sub3A_1344 : f32 to vector<16xf32>
        %sub3A_1346 = arith.subf %sub3A_1345, %mul3A_1343 : vector<16xf32>
        %mul3A_1347 = arith.mulf %bitcast3A_1338, %sub3A_1346 : vector<16xf32>
        %mul3A_1348 = arith.constant 5.000000e-01 : f32
        %mul3A_1349 = vector.broadcast %mul3A_1348 : f32 to vector<16xf32>
        %mul3A_1350 = arith.mulf %mul3A_1349, %add3A_1332 : vector<16xf32>
        %mul3A_1351 = arith.mulf %mul3A_1350, %mul3A_1347 : vector<16xf32>
        %mul3A_1352 = arith.mulf %mul3A_1351, %mul3A_1347 : vector<16xf32>
        %sub3A_1353 = arith.constant 1.500000e+00 : f32
        %sub3A_1354 = vector.broadcast %sub3A_1353 : f32 to vector<16xf32>
        %sub3A_1355 = arith.subf %sub3A_1354, %mul3A_1352 : vector<16xf32>
        %mul3A_1356 = arith.mulf %mul3A_1347, %sub3A_1355 : vector<16xf32>
        %mul3A_1357 = arith.constant 5.000000e-01 : f32
        %mul3A_1358 = vector.broadcast %mul3A_1357 : f32 to vector<16xf32>
        %mul3A_1359 = arith.mulf %mul3A_1358, %add3A_1332 : vector<16xf32>
        %mul3A_1360 = arith.mulf %mul3A_1359, %mul3A_1356 : vector<16xf32>
        %mul3A_1361 = arith.mulf %mul3A_1360, %mul3A_1356 : vector<16xf32>
        %sub3A_1362 = arith.constant 1.500000e+00 : f32
        %sub3A_1363 = vector.broadcast %sub3A_1362 : f32 to vector<16xf32>
        %sub3A_1364 = arith.subf %sub3A_1363, %mul3A_1361 : vector<16xf32>
        %mul3A_1365 = arith.mulf %mul3A_1356, %sub3A_1364 : vector<16xf32>
        %mul3A_1366 = arith.mulf %add3A_1332, %mul3A_1365 : vector<16xf32>
        %sub3A_1367 = arith.constant 5.000000e-01 : f32
        %sub3A_1368 = vector.broadcast %sub3A_1367 : f32 to vector<16xf32>
        %sub3A_1369 = arith.subf %sub3A_1368, %mul3A_1366 : vector<16xf32>
        %max3A_1370 = arith.constant 0.000000e+00 : f32
        %max3A_1371 = vector.broadcast %max3A_1370 : f32 to vector<16xf32>
        %max3A_1372 = arith.maximumf %sub3A_1369, %max3A_1371 : vector<16xf32>
        %mul3A_1373 = arith.mulf %max3A_1372, %max3A_1372 : vector<16xf32>
        %add3A_1374 = arith.addf %add3A_1312, %mul3A_1373 : vector<16xf32>
        %add3A_1375 = arith.constant 80 : i32
        %add3A_1376 = vector.broadcast %add3A_1375 : i32 to vector<16xi32>
        %add3A_1377 = arith.addi %add3A_1376, %iota3A : vector<16xi32>
        %broadcast_in_dim3A_1378 = arith.constant 9.99999996E-13 : f32
        %broadcast_in_dim3A_1379 = vector.broadcast %broadcast_in_dim3A_1378 : f32 to vector<16xf32>
        %broadcast_in_dim3A_1380 = arith.constant 0 : i32
        %broadcast_in_dim3A_1381 = vector.broadcast %broadcast_in_dim3A_1380 : i32 to vector<16xi32>
        %gather3A_1382 = tpu.vector_load_idx %arg8[%broadcast_in_dim3A_413, %add3A_1377, %broadcast_in_dim3A_1381] : memref<16x128x16xf32, #tpu.memory_space<vmem>>[vector<16xi32>, vector<16xi32>, vector<16xi32>], vector<16xf32>,
        %sub3A_1383 = arith.subf %gather3A_1382, %gather3A : vector<16xf32>
        %mul3A_1384 = arith.mulf %sub3A_1383, %sub3A_1383 : vector<16xf32>
        %add3A_1385 = arith.addf %broadcast_in_dim3A_1379, %mul3A_1384 : vector<16xf32>
        %broadcast_in_dim3A_1386 = arith.constant 1 : i32
        %broadcast_in_dim3A_1387 = vector.broadcast %broadcast_in_dim3A_1386 : i32 to vector<16xi32>
        %gather3A_1388 = tpu.vector_load_idx %arg8[%broadcast_in_dim3A_413, %add3A_1377, %broadcast_in_dim3A_1387] : memref<16x128x16xf32, #tpu.memory_space<vmem>>[vector<16xi32>, vector<16xi32>, vector<16xi32>], vector<16xf32>,
        %sub3A_1389 = arith.subf %gather3A_1388, %gather3A_426 : vector<16xf32>
        %mul3A_1390 = arith.mulf %sub3A_1389, %sub3A_1389 : vector<16xf32>
        %add3A_1391 = arith.addf %add3A_1385, %mul3A_1390 : vector<16xf32>
        %broadcast_in_dim3A_1392 = arith.constant 2 : i32
        %broadcast_in_dim3A_1393 = vector.broadcast %broadcast_in_dim3A_1392 : i32 to vector<16xi32>
        %gather3A_1394 = tpu.vector_load_idx %arg8[%broadcast_in_dim3A_413, %add3A_1377, %broadcast_in_dim3A_1393] : memref<16x128x16xf32, #tpu.memory_space<vmem>>[vector<16xi32>, vector<16xi32>, vector<16xi32>], vector<16xf32>,
        %sub3A_1395 = arith.subf %gather3A_1394, %gather3A_433 : vector<16xf32>
        %mul3A_1396 = arith.mulf %sub3A_1395, %sub3A_1395 : vector<16xf32>
        %add3A_1397 = arith.addf %add3A_1391, %mul3A_1396 : vector<16xf32>
        %bitcast3A_1398 = vector.bitcast %add3A_1397 : vector<16xf32> to vector<16xi32>
        %shift_right_logical3A_1399 = arith.constant 1 : i32
        %shift_right_logical3A_1400 = vector.broadcast %shift_right_logical3A_1399 : i32 to vector<16xi32>
        %shift_right_logical3A_1401 = arith.shrui %bitcast3A_1398, %shift_right_logical3A_1400 : vector<16xi32>
        %sub3A_1402 = arith.subi %broadcast_in_dim3A_3, %shift_right_logical3A_1401 : vector<16xi32>
        %bitcast3A_1403 = vector.bitcast %sub3A_1402 : vector<16xi32> to vector<16xf32>
        %mul3A_1404 = arith.constant 5.000000e-01 : f32
        %mul3A_1405 = vector.broadcast %mul3A_1404 : f32 to vector<16xf32>
        %mul3A_1406 = arith.mulf %mul3A_1405, %add3A_1397 : vector<16xf32>
        %mul3A_1407 = arith.mulf %mul3A_1406, %bitcast3A_1403 : vector<16xf32>
        %mul3A_1408 = arith.mulf %mul3A_1407, %bitcast3A_1403 : vector<16xf32>
        %sub3A_1409 = arith.constant 1.500000e+00 : f32
        %sub3A_1410 = vector.broadcast %sub3A_1409 : f32 to vector<16xf32>
        %sub3A_1411 = arith.subf %sub3A_1410, %mul3A_1408 : vector<16xf32>
        %mul3A_1412 = arith.mulf %bitcast3A_1403, %sub3A_1411 : vector<16xf32>
        %mul3A_1413 = arith.constant 5.000000e-01 : f32
        %mul3A_1414 = vector.broadcast %mul3A_1413 : f32 to vector<16xf32>
        %mul3A_1415 = arith.mulf %mul3A_1414, %add3A_1397 : vector<16xf32>
        %mul3A_1416 = arith.mulf %mul3A_1415, %mul3A_1412 : vector<16xf32>
        %mul3A_1417 = arith.mulf %mul3A_1416, %mul3A_1412 : vector<16xf32>
        %sub3A_1418 = arith.constant 1.500000e+00 : f32
        %sub3A_1419 = vector.broadcast %sub3A_1418 : f32 to vector<16xf32>
        %sub3A_1420 = arith.subf %sub3A_1419, %mul3A_1417 : vector<16xf32>
        %mul3A_1421 = arith.mulf %mul3A_1412, %sub3A_1420 : vector<16xf32>
        %mul3A_1422 = arith.constant 5.000000e-01 : f32
        %mul3A_1423 = vector.broadcast %mul3A_1422 : f32 to vector<16xf32>
        %mul3A_1424 = arith.mulf %mul3A_1423, %add3A_1397 : vector<16xf32>
        %mul3A_1425 = arith.mulf %mul3A_1424, %mul3A_1421 : vector<16xf32>
        %mul3A_1426 = arith.mulf %mul3A_1425, %mul3A_1421 : vector<16xf32>
        %sub3A_1427 = arith.constant 1.500000e+00 : f32
        %sub3A_1428 = vector.broadcast %sub3A_1427 : f32 to vector<16xf32>
        %sub3A_1429 = arith.subf %sub3A_1428, %mul3A_1426 : vector<16xf32>
        %mul3A_1430 = arith.mulf %mul3A_1421, %sub3A_1429 : vector<16xf32>
        %mul3A_1431 = arith.mulf %add3A_1397, %mul3A_1430 : vector<16xf32>
        %sub3A_1432 = arith.constant 5.000000e-01 : f32
        %sub3A_1433 = vector.broadcast %sub3A_1432 : f32 to vector<16xf32>
        %sub3A_1434 = arith.subf %sub3A_1433, %mul3A_1431 : vector<16xf32>
        %max3A_1435 = arith.constant 0.000000e+00 : f32
        %max3A_1436 = vector.broadcast %max3A_1435 : f32 to vector<16xf32>
        %max3A_1437 = arith.maximumf %sub3A_1434, %max3A_1436 : vector<16xf32>
        %mul3A_1438 = arith.mulf %max3A_1437, %max3A_1437 : vector<16xf32>
        %add3A_1439 = arith.addf %add3A_1374, %mul3A_1438 : vector<16xf32>
        %broadcast_in_dim3A_1440 = arith.constant 9.99999996E-13 : f32
        %broadcast_in_dim3A_1441 = vector.broadcast %broadcast_in_dim3A_1440 : f32 to vector<16xf32>
        %broadcast_in_dim3A_1442 = arith.constant 3 : i32
        %broadcast_in_dim3A_1443 = vector.broadcast %broadcast_in_dim3A_1442 : i32 to vector<16xi32>
        %gather3A_1444 = tpu.vector_load_idx %arg8[%broadcast_in_dim3A_413, %add3A_1377, %broadcast_in_dim3A_1443] : memref<16x128x16xf32, #tpu.memory_space<vmem>>[vector<16xi32>, vector<16xi32>, vector<16xi32>], vector<16xf32>,
        %sub3A_1445 = arith.subf %gather3A_1444, %gather3A : vector<16xf32>
        %mul3A_1446 = arith.mulf %sub3A_1445, %sub3A_1445 : vector<16xf32>
        %add3A_1447 = arith.addf %broadcast_in_dim3A_1441, %mul3A_1446 : vector<16xf32>
        %broadcast_in_dim3A_1448 = arith.constant 4 : i32
        %broadcast_in_dim3A_1449 = vector.broadcast %broadcast_in_dim3A_1448 : i32 to vector<16xi32>
        %gather3A_1450 = tpu.vector_load_idx %arg8[%broadcast_in_dim3A_413, %add3A_1377, %broadcast_in_dim3A_1449] : memref<16x128x16xf32, #tpu.memory_space<vmem>>[vector<16xi32>, vector<16xi32>, vector<16xi32>], vector<16xf32>,
        %sub3A_1451 = arith.subf %gather3A_1450, %gather3A_426 : vector<16xf32>
        %mul3A_1452 = arith.mulf %sub3A_1451, %sub3A_1451 : vector<16xf32>
        %add3A_1453 = arith.addf %add3A_1447, %mul3A_1452 : vector<16xf32>
        %broadcast_in_dim3A_1454 = arith.constant 5 : i32
        %broadcast_in_dim3A_1455 = vector.broadcast %broadcast_in_dim3A_1454 : i32 to vector<16xi32>
        %gather3A_1456 = tpu.vector_load_idx %arg8[%broadcast_in_dim3A_413, %add3A_1377, %broadcast_in_dim3A_1455] : memref<16x128x16xf32, #tpu.memory_space<vmem>>[vector<16xi32>, vector<16xi32>, vector<16xi32>], vector<16xf32>,
        %sub3A_1457 = arith.subf %gather3A_1456, %gather3A_433 : vector<16xf32>
        %mul3A_1458 = arith.mulf %sub3A_1457, %sub3A_1457 : vector<16xf32>
        %add3A_1459 = arith.addf %add3A_1453, %mul3A_1458 : vector<16xf32>
        %bitcast3A_1460 = vector.bitcast %add3A_1459 : vector<16xf32> to vector<16xi32>
        %shift_right_logical3A_1461 = arith.constant 1 : i32
        %shift_right_logical3A_1462 = vector.broadcast %shift_right_logical3A_1461 : i32 to vector<16xi32>
        %shift_right_logical3A_1463 = arith.shrui %bitcast3A_1460, %shift_right_logical3A_1462 : vector<16xi32>
        %sub3A_1464 = arith.subi %broadcast_in_dim3A_3, %shift_right_logical3A_1463 : vector<16xi32>
        %bitcast3A_1465 = vector.bitcast %sub3A_1464 : vector<16xi32> to vector<16xf32>
        %mul3A_1466 = arith.constant 5.000000e-01 : f32
        %mul3A_1467 = vector.broadcast %mul3A_1466 : f32 to vector<16xf32>
        %mul3A_1468 = arith.mulf %mul3A_1467, %add3A_1459 : vector<16xf32>
        %mul3A_1469 = arith.mulf %mul3A_1468, %bitcast3A_1465 : vector<16xf32>
        %mul3A_1470 = arith.mulf %mul3A_1469, %bitcast3A_1465 : vector<16xf32>
        %sub3A_1471 = arith.constant 1.500000e+00 : f32
        %sub3A_1472 = vector.broadcast %sub3A_1471 : f32 to vector<16xf32>
        %sub3A_1473 = arith.subf %sub3A_1472, %mul3A_1470 : vector<16xf32>
        %mul3A_1474 = arith.mulf %bitcast3A_1465, %sub3A_1473 : vector<16xf32>
        %mul3A_1475 = arith.constant 5.000000e-01 : f32
        %mul3A_1476 = vector.broadcast %mul3A_1475 : f32 to vector<16xf32>
        %mul3A_1477 = arith.mulf %mul3A_1476, %add3A_1459 : vector<16xf32>
        %mul3A_1478 = arith.mulf %mul3A_1477, %mul3A_1474 : vector<16xf32>
        %mul3A_1479 = arith.mulf %mul3A_1478, %mul3A_1474 : vector<16xf32>
        %sub3A_1480 = arith.constant 1.500000e+00 : f32
        %sub3A_1481 = vector.broadcast %sub3A_1480 : f32 to vector<16xf32>
        %sub3A_1482 = arith.subf %sub3A_1481, %mul3A_1479 : vector<16xf32>
        %mul3A_1483 = arith.mulf %mul3A_1474, %sub3A_1482 : vector<16xf32>
        %mul3A_1484 = arith.constant 5.000000e-01 : f32
        %mul3A_1485 = vector.broadcast %mul3A_1484 : f32 to vector<16xf32>
        %mul3A_1486 = arith.mulf %mul3A_1485, %add3A_1459 : vector<16xf32>
        %mul3A_1487 = arith.mulf %mul3A_1486, %mul3A_1483 : vector<16xf32>
        %mul3A_1488 = arith.mulf %mul3A_1487, %mul3A_1483 : vector<16xf32>
        %sub3A_1489 = arith.constant 1.500000e+00 : f32
        %sub3A_1490 = vector.broadcast %sub3A_1489 : f32 to vector<16xf32>
        %sub3A_1491 = arith.subf %sub3A_1490, %mul3A_1488 : vector<16xf32>
        %mul3A_1492 = arith.mulf %mul3A_1483, %sub3A_1491 : vector<16xf32>
        %mul3A_1493 = arith.mulf %add3A_1459, %mul3A_1492 : vector<16xf32>
        %sub3A_1494 = arith.constant 5.000000e-01 : f32
        %sub3A_1495 = vector.broadcast %sub3A_1494 : f32 to vector<16xf32>
        %sub3A_1496 = arith.subf %sub3A_1495, %mul3A_1493 : vector<16xf32>
        %max3A_1497 = arith.constant 0.000000e+00 : f32
        %max3A_1498 = vector.broadcast %max3A_1497 : f32 to vector<16xf32>
        %max3A_1499 = arith.maximumf %sub3A_1496, %max3A_1498 : vector<16xf32>
        %mul3A_1500 = arith.mulf %max3A_1499, %max3A_1499 : vector<16xf32>
        %add3A_1501 = arith.addf %add3A_1439, %mul3A_1500 : vector<16xf32>
        %broadcast_in_dim3A_1502 = arith.constant 9.99999996E-13 : f32
        %broadcast_in_dim3A_1503 = vector.broadcast %broadcast_in_dim3A_1502 : f32 to vector<16xf32>
        %broadcast_in_dim3A_1504 = arith.constant 6 : i32
        %broadcast_in_dim3A_1505 = vector.broadcast %broadcast_in_dim3A_1504 : i32 to vector<16xi32>
        %gather3A_1506 = tpu.vector_load_idx %arg8[%broadcast_in_dim3A_413, %add3A_1377, %broadcast_in_dim3A_1505] : memref<16x128x16xf32, #tpu.memory_space<vmem>>[vector<16xi32>, vector<16xi32>, vector<16xi32>], vector<16xf32>,
        %sub3A_1507 = arith.subf %gather3A_1506, %gather3A : vector<16xf32>
        %mul3A_1508 = arith.mulf %sub3A_1507, %sub3A_1507 : vector<16xf32>
        %add3A_1509 = arith.addf %broadcast_in_dim3A_1503, %mul3A_1508 : vector<16xf32>
        %broadcast_in_dim3A_1510 = arith.constant 7 : i32
        %broadcast_in_dim3A_1511 = vector.broadcast %broadcast_in_dim3A_1510 : i32 to vector<16xi32>
        %gather3A_1512 = tpu.vector_load_idx %arg8[%broadcast_in_dim3A_413, %add3A_1377, %broadcast_in_dim3A_1511] : memref<16x128x16xf32, #tpu.memory_space<vmem>>[vector<16xi32>, vector<16xi32>, vector<16xi32>], vector<16xf32>,
        %sub3A_1513 = arith.subf %gather3A_1512, %gather3A_426 : vector<16xf32>
        %mul3A_1514 = arith.mulf %sub3A_1513, %sub3A_1513 : vector<16xf32>
        %add3A_1515 = arith.addf %add3A_1509, %mul3A_1514 : vector<16xf32>
        %broadcast_in_dim3A_1516 = arith.constant 8 : i32
        %broadcast_in_dim3A_1517 = vector.broadcast %broadcast_in_dim3A_1516 : i32 to vector<16xi32>
        %gather3A_1518 = tpu.vector_load_idx %arg8[%broadcast_in_dim3A_413, %add3A_1377, %broadcast_in_dim3A_1517] : memref<16x128x16xf32, #tpu.memory_space<vmem>>[vector<16xi32>, vector<16xi32>, vector<16xi32>], vector<16xf32>,
        %sub3A_1519 = arith.subf %gather3A_1518, %gather3A_433 : vector<16xf32>
        %mul3A_1520 = arith.mulf %sub3A_1519, %sub3A_1519 : vector<16xf32>
        %add3A_1521 = arith.addf %add3A_1515, %mul3A_1520 : vector<16xf32>
        %bitcast3A_1522 = vector.bitcast %add3A_1521 : vector<16xf32> to vector<16xi32>
        %shift_right_logical3A_1523 = arith.constant 1 : i32
        %shift_right_logical3A_1524 = vector.broadcast %shift_right_logical3A_1523 : i32 to vector<16xi32>
        %shift_right_logical3A_1525 = arith.shrui %bitcast3A_1522, %shift_right_logical3A_1524 : vector<16xi32>
        %sub3A_1526 = arith.subi %broadcast_in_dim3A_3, %shift_right_logical3A_1525 : vector<16xi32>
        %bitcast3A_1527 = vector.bitcast %sub3A_1526 : vector<16xi32> to vector<16xf32>
        %mul3A_1528 = arith.constant 5.000000e-01 : f32
        %mul3A_1529 = vector.broadcast %mul3A_1528 : f32 to vector<16xf32>
        %mul3A_1530 = arith.mulf %mul3A_1529, %add3A_1521 : vector<16xf32>
        %mul3A_1531 = arith.mulf %mul3A_1530, %bitcast3A_1527 : vector<16xf32>
        %mul3A_1532 = arith.mulf %mul3A_1531, %bitcast3A_1527 : vector<16xf32>
        %sub3A_1533 = arith.constant 1.500000e+00 : f32
        %sub3A_1534 = vector.broadcast %sub3A_1533 : f32 to vector<16xf32>
        %sub3A_1535 = arith.subf %sub3A_1534, %mul3A_1532 : vector<16xf32>
        %mul3A_1536 = arith.mulf %bitcast3A_1527, %sub3A_1535 : vector<16xf32>
        %mul3A_1537 = arith.constant 5.000000e-01 : f32
        %mul3A_1538 = vector.broadcast %mul3A_1537 : f32 to vector<16xf32>
        %mul3A_1539 = arith.mulf %mul3A_1538, %add3A_1521 : vector<16xf32>
        %mul3A_1540 = arith.mulf %mul3A_1539, %mul3A_1536 : vector<16xf32>
        %mul3A_1541 = arith.mulf %mul3A_1540, %mul3A_1536 : vector<16xf32>
        %sub3A_1542 = arith.constant 1.500000e+00 : f32
        %sub3A_1543 = vector.broadcast %sub3A_1542 : f32 to vector<16xf32>
        %sub3A_1544 = arith.subf %sub3A_1543, %mul3A_1541 : vector<16xf32>
        %mul3A_1545 = arith.mulf %mul3A_1536, %sub3A_1544 : vector<16xf32>
        %mul3A_1546 = arith.constant 5.000000e-01 : f32
        %mul3A_1547 = vector.broadcast %mul3A_1546 : f32 to vector<16xf32>
        %mul3A_1548 = arith.mulf %mul3A_1547, %add3A_1521 : vector<16xf32>
        %mul3A_1549 = arith.mulf %mul3A_1548, %mul3A_1545 : vector<16xf32>
        %mul3A_1550 = arith.mulf %mul3A_1549, %mul3A_1545 : vector<16xf32>
        %sub3A_1551 = arith.constant 1.500000e+00 : f32
        %sub3A_1552 = vector.broadcast %sub3A_1551 : f32 to vector<16xf32>
        %sub3A_1553 = arith.subf %sub3A_1552, %mul3A_1550 : vector<16xf32>
        %mul3A_1554 = arith.mulf %mul3A_1545, %sub3A_1553 : vector<16xf32>
        %mul3A_1555 = arith.mulf %add3A_1521, %mul3A_1554 : vector<16xf32>
        %sub3A_1556 = arith.constant 5.000000e-01 : f32
        %sub3A_1557 = vector.broadcast %sub3A_1556 : f32 to vector<16xf32>
        %sub3A_1558 = arith.subf %sub3A_1557, %mul3A_1555 : vector<16xf32>
        %max3A_1559 = arith.constant 0.000000e+00 : f32
        %max3A_1560 = vector.broadcast %max3A_1559 : f32 to vector<16xf32>
        %max3A_1561 = arith.maximumf %sub3A_1558, %max3A_1560 : vector<16xf32>
        %mul3A_1562 = arith.mulf %max3A_1561, %max3A_1561 : vector<16xf32>
        %add3A_1563 = arith.addf %add3A_1501, %mul3A_1562 : vector<16xf32>
        %add3A_1564 = arith.constant 96 : i32
        %add3A_1565 = vector.broadcast %add3A_1564 : i32 to vector<16xi32>
        %add3A_1566 = arith.addi %add3A_1565, %iota3A : vector<16xi32>
        %broadcast_in_dim3A_1567 = arith.constant 9.99999996E-13 : f32
        %broadcast_in_dim3A_1568 = vector.broadcast %broadcast_in_dim3A_1567 : f32 to vector<16xf32>
        %broadcast_in_dim3A_1569 = arith.constant 0 : i32
        %broadcast_in_dim3A_1570 = vector.broadcast %broadcast_in_dim3A_1569 : i32 to vector<16xi32>
        %gather3A_1571 = tpu.vector_load_idx %arg8[%broadcast_in_dim3A_413, %add3A_1566, %broadcast_in_dim3A_1570] : memref<16x128x16xf32, #tpu.memory_space<vmem>>[vector<16xi32>, vector<16xi32>, vector<16xi32>], vector<16xf32>,
        %sub3A_1572 = arith.subf %gather3A_1571, %gather3A : vector<16xf32>
        %mul3A_1573 = arith.mulf %sub3A_1572, %sub3A_1572 : vector<16xf32>
        %add3A_1574 = arith.addf %broadcast_in_dim3A_1568, %mul3A_1573 : vector<16xf32>
        %broadcast_in_dim3A_1575 = arith.constant 1 : i32
        %broadcast_in_dim3A_1576 = vector.broadcast %broadcast_in_dim3A_1575 : i32 to vector<16xi32>
        %gather3A_1577 = tpu.vector_load_idx %arg8[%broadcast_in_dim3A_413, %add3A_1566, %broadcast_in_dim3A_1576] : memref<16x128x16xf32, #tpu.memory_space<vmem>>[vector<16xi32>, vector<16xi32>, vector<16xi32>], vector<16xf32>,
        %sub3A_1578 = arith.subf %gather3A_1577, %gather3A_426 : vector<16xf32>
        %mul3A_1579 = arith.mulf %sub3A_1578, %sub3A_1578 : vector<16xf32>
        %add3A_1580 = arith.addf %add3A_1574, %mul3A_1579 : vector<16xf32>
        %broadcast_in_dim3A_1581 = arith.constant 2 : i32
        %broadcast_in_dim3A_1582 = vector.broadcast %broadcast_in_dim3A_1581 : i32 to vector<16xi32>
        %gather3A_1583 = tpu.vector_load_idx %arg8[%broadcast_in_dim3A_413, %add3A_1566, %broadcast_in_dim3A_1582] : memref<16x128x16xf32, #tpu.memory_space<vmem>>[vector<16xi32>, vector<16xi32>, vector<16xi32>], vector<16xf32>,
        %sub3A_1584 = arith.subf %gather3A_1583, %gather3A_433 : vector<16xf32>
        %mul3A_1585 = arith.mulf %sub3A_1584, %sub3A_1584 : vector<16xf32>
        %add3A_1586 = arith.addf %add3A_1580, %mul3A_1585 : vector<16xf32>
        %bitcast3A_1587 = vector.bitcast %add3A_1586 : vector<16xf32> to vector<16xi32>
        %shift_right_logical3A_1588 = arith.constant 1 : i32
        %shift_right_logical3A_1589 = vector.broadcast %shift_right_logical3A_1588 : i32 to vector<16xi32>
        %shift_right_logical3A_1590 = arith.shrui %bitcast3A_1587, %shift_right_logical3A_1589 : vector<16xi32>
        %sub3A_1591 = arith.subi %broadcast_in_dim3A_3, %shift_right_logical3A_1590 : vector<16xi32>
        %bitcast3A_1592 = vector.bitcast %sub3A_1591 : vector<16xi32> to vector<16xf32>
        %mul3A_1593 = arith.constant 5.000000e-01 : f32
        %mul3A_1594 = vector.broadcast %mul3A_1593 : f32 to vector<16xf32>
        %mul3A_1595 = arith.mulf %mul3A_1594, %add3A_1586 : vector<16xf32>
        %mul3A_1596 = arith.mulf %mul3A_1595, %bitcast3A_1592 : vector<16xf32>
        %mul3A_1597 = arith.mulf %mul3A_1596, %bitcast3A_1592 : vector<16xf32>
        %sub3A_1598 = arith.constant 1.500000e+00 : f32
        %sub3A_1599 = vector.broadcast %sub3A_1598 : f32 to vector<16xf32>
        %sub3A_1600 = arith.subf %sub3A_1599, %mul3A_1597 : vector<16xf32>
        %mul3A_1601 = arith.mulf %bitcast3A_1592, %sub3A_1600 : vector<16xf32>
        %mul3A_1602 = arith.constant 5.000000e-01 : f32
        %mul3A_1603 = vector.broadcast %mul3A_1602 : f32 to vector<16xf32>
        %mul3A_1604 = arith.mulf %mul3A_1603, %add3A_1586 : vector<16xf32>
        %mul3A_1605 = arith.mulf %mul3A_1604, %mul3A_1601 : vector<16xf32>
        %mul3A_1606 = arith.mulf %mul3A_1605, %mul3A_1601 : vector<16xf32>
        %sub3A_1607 = arith.constant 1.500000e+00 : f32
        %sub3A_1608 = vector.broadcast %sub3A_1607 : f32 to vector<16xf32>
        %sub3A_1609 = arith.subf %sub3A_1608, %mul3A_1606 : vector<16xf32>
        %mul3A_1610 = arith.mulf %mul3A_1601, %sub3A_1609 : vector<16xf32>
        %mul3A_1611 = arith.constant 5.000000e-01 : f32
        %mul3A_1612 = vector.broadcast %mul3A_1611 : f32 to vector<16xf32>
        %mul3A_1613 = arith.mulf %mul3A_1612, %add3A_1586 : vector<16xf32>
        %mul3A_1614 = arith.mulf %mul3A_1613, %mul3A_1610 : vector<16xf32>
        %mul3A_1615 = arith.mulf %mul3A_1614, %mul3A_1610 : vector<16xf32>
        %sub3A_1616 = arith.constant 1.500000e+00 : f32
        %sub3A_1617 = vector.broadcast %sub3A_1616 : f32 to vector<16xf32>
        %sub3A_1618 = arith.subf %sub3A_1617, %mul3A_1615 : vector<16xf32>
        %mul3A_1619 = arith.mulf %mul3A_1610, %sub3A_1618 : vector<16xf32>
        %mul3A_1620 = arith.mulf %add3A_1586, %mul3A_1619 : vector<16xf32>
        %sub3A_1621 = arith.constant 5.000000e-01 : f32
        %sub3A_1622 = vector.broadcast %sub3A_1621 : f32 to vector<16xf32>
        %sub3A_1623 = arith.subf %sub3A_1622, %mul3A_1620 : vector<16xf32>
        %max3A_1624 = arith.constant 0.000000e+00 : f32
        %max3A_1625 = vector.broadcast %max3A_1624 : f32 to vector<16xf32>
        %max3A_1626 = arith.maximumf %sub3A_1623, %max3A_1625 : vector<16xf32>
        %mul3A_1627 = arith.mulf %max3A_1626, %max3A_1626 : vector<16xf32>
        %add3A_1628 = arith.addf %add3A_1563, %mul3A_1627 : vector<16xf32>
        %broadcast_in_dim3A_1629 = arith.constant 9.99999996E-13 : f32
        %broadcast_in_dim3A_1630 = vector.broadcast %broadcast_in_dim3A_1629 : f32 to vector<16xf32>
        %broadcast_in_dim3A_1631 = arith.constant 3 : i32
        %broadcast_in_dim3A_1632 = vector.broadcast %broadcast_in_dim3A_1631 : i32 to vector<16xi32>
        %gather3A_1633 = tpu.vector_load_idx %arg8[%broadcast_in_dim3A_413, %add3A_1566, %broadcast_in_dim3A_1632] : memref<16x128x16xf32, #tpu.memory_space<vmem>>[vector<16xi32>, vector<16xi32>, vector<16xi32>], vector<16xf32>,
        %sub3A_1634 = arith.subf %gather3A_1633, %gather3A : vector<16xf32>
        %mul3A_1635 = arith.mulf %sub3A_1634, %sub3A_1634 : vector<16xf32>
        %add3A_1636 = arith.addf %broadcast_in_dim3A_1630, %mul3A_1635 : vector<16xf32>
        %broadcast_in_dim3A_1637 = arith.constant 4 : i32
        %broadcast_in_dim3A_1638 = vector.broadcast %broadcast_in_dim3A_1637 : i32 to vector<16xi32>
        %gather3A_1639 = tpu.vector_load_idx %arg8[%broadcast_in_dim3A_413, %add3A_1566, %broadcast_in_dim3A_1638] : memref<16x128x16xf32, #tpu.memory_space<vmem>>[vector<16xi32>, vector<16xi32>, vector<16xi32>], vector<16xf32>,
        %sub3A_1640 = arith.subf %gather3A_1639, %gather3A_426 : vector<16xf32>
        %mul3A_1641 = arith.mulf %sub3A_1640, %sub3A_1640 : vector<16xf32>
        %add3A_1642 = arith.addf %add3A_1636, %mul3A_1641 : vector<16xf32>
        %broadcast_in_dim3A_1643 = arith.constant 5 : i32
        %broadcast_in_dim3A_1644 = vector.broadcast %broadcast_in_dim3A_1643 : i32 to vector<16xi32>
        %gather3A_1645 = tpu.vector_load_idx %arg8[%broadcast_in_dim3A_413, %add3A_1566, %broadcast_in_dim3A_1644] : memref<16x128x16xf32, #tpu.memory_space<vmem>>[vector<16xi32>, vector<16xi32>, vector<16xi32>], vector<16xf32>,
        %sub3A_1646 = arith.subf %gather3A_1645, %gather3A_433 : vector<16xf32>
        %mul3A_1647 = arith.mulf %sub3A_1646, %sub3A_1646 : vector<16xf32>
        %add3A_1648 = arith.addf %add3A_1642, %mul3A_1647 : vector<16xf32>
        %bitcast3A_1649 = vector.bitcast %add3A_1648 : vector<16xf32> to vector<16xi32>
        %shift_right_logical3A_1650 = arith.constant 1 : i32
        %shift_right_logical3A_1651 = vector.broadcast %shift_right_logical3A_1650 : i32 to vector<16xi32>
        %shift_right_logical3A_1652 = arith.shrui %bitcast3A_1649, %shift_right_logical3A_1651 : vector<16xi32>
        %sub3A_1653 = arith.subi %broadcast_in_dim3A_3, %shift_right_logical3A_1652 : vector<16xi32>
        %bitcast3A_1654 = vector.bitcast %sub3A_1653 : vector<16xi32> to vector<16xf32>
        %mul3A_1655 = arith.constant 5.000000e-01 : f32
        %mul3A_1656 = vector.broadcast %mul3A_1655 : f32 to vector<16xf32>
        %mul3A_1657 = arith.mulf %mul3A_1656, %add3A_1648 : vector<16xf32>
        %mul3A_1658 = arith.mulf %mul3A_1657, %bitcast3A_1654 : vector<16xf32>
        %mul3A_1659 = arith.mulf %mul3A_1658, %bitcast3A_1654 : vector<16xf32>
        %sub3A_1660 = arith.constant 1.500000e+00 : f32
        %sub3A_1661 = vector.broadcast %sub3A_1660 : f32 to vector<16xf32>
        %sub3A_1662 = arith.subf %sub3A_1661, %mul3A_1659 : vector<16xf32>
        %mul3A_1663 = arith.mulf %bitcast3A_1654, %sub3A_1662 : vector<16xf32>
        %mul3A_1664 = arith.constant 5.000000e-01 : f32
        %mul3A_1665 = vector.broadcast %mul3A_1664 : f32 to vector<16xf32>
        %mul3A_1666 = arith.mulf %mul3A_1665, %add3A_1648 : vector<16xf32>
        %mul3A_1667 = arith.mulf %mul3A_1666, %mul3A_1663 : vector<16xf32>
        %mul3A_1668 = arith.mulf %mul3A_1667, %mul3A_1663 : vector<16xf32>
        %sub3A_1669 = arith.constant 1.500000e+00 : f32
        %sub3A_1670 = vector.broadcast %sub3A_1669 : f32 to vector<16xf32>
        %sub3A_1671 = arith.subf %sub3A_1670, %mul3A_1668 : vector<16xf32>
        %mul3A_1672 = arith.mulf %mul3A_1663, %sub3A_1671 : vector<16xf32>
        %mul3A_1673 = arith.constant 5.000000e-01 : f32
        %mul3A_1674 = vector.broadcast %mul3A_1673 : f32 to vector<16xf32>
        %mul3A_1675 = arith.mulf %mul3A_1674, %add3A_1648 : vector<16xf32>
        %mul3A_1676 = arith.mulf %mul3A_1675, %mul3A_1672 : vector<16xf32>
        %mul3A_1677 = arith.mulf %mul3A_1676, %mul3A_1672 : vector<16xf32>
        %sub3A_1678 = arith.constant 1.500000e+00 : f32
        %sub3A_1679 = vector.broadcast %sub3A_1678 : f32 to vector<16xf32>
        %sub3A_1680 = arith.subf %sub3A_1679, %mul3A_1677 : vector<16xf32>
        %mul3A_1681 = arith.mulf %mul3A_1672, %sub3A_1680 : vector<16xf32>
        %mul3A_1682 = arith.mulf %add3A_1648, %mul3A_1681 : vector<16xf32>
        %sub3A_1683 = arith.constant 5.000000e-01 : f32
        %sub3A_1684 = vector.broadcast %sub3A_1683 : f32 to vector<16xf32>
        %sub3A_1685 = arith.subf %sub3A_1684, %mul3A_1682 : vector<16xf32>
        %max3A_1686 = arith.constant 0.000000e+00 : f32
        %max3A_1687 = vector.broadcast %max3A_1686 : f32 to vector<16xf32>
        %max3A_1688 = arith.maximumf %sub3A_1685, %max3A_1687 : vector<16xf32>
        %mul3A_1689 = arith.mulf %max3A_1688, %max3A_1688 : vector<16xf32>
        %add3A_1690 = arith.addf %add3A_1628, %mul3A_1689 : vector<16xf32>
        %broadcast_in_dim3A_1691 = arith.constant 9.99999996E-13 : f32
        %broadcast_in_dim3A_1692 = vector.broadcast %broadcast_in_dim3A_1691 : f32 to vector<16xf32>
        %broadcast_in_dim3A_1693 = arith.constant 6 : i32
        %broadcast_in_dim3A_1694 = vector.broadcast %broadcast_in_dim3A_1693 : i32 to vector<16xi32>
        %gather3A_1695 = tpu.vector_load_idx %arg8[%broadcast_in_dim3A_413, %add3A_1566, %broadcast_in_dim3A_1694] : memref<16x128x16xf32, #tpu.memory_space<vmem>>[vector<16xi32>, vector<16xi32>, vector<16xi32>], vector<16xf32>,
        %sub3A_1696 = arith.subf %gather3A_1695, %gather3A : vector<16xf32>
        %mul3A_1697 = arith.mulf %sub3A_1696, %sub3A_1696 : vector<16xf32>
        %add3A_1698 = arith.addf %broadcast_in_dim3A_1692, %mul3A_1697 : vector<16xf32>
        %broadcast_in_dim3A_1699 = arith.constant 7 : i32
        %broadcast_in_dim3A_1700 = vector.broadcast %broadcast_in_dim3A_1699 : i32 to vector<16xi32>
        %gather3A_1701 = tpu.vector_load_idx %arg8[%broadcast_in_dim3A_413, %add3A_1566, %broadcast_in_dim3A_1700] : memref<16x128x16xf32, #tpu.memory_space<vmem>>[vector<16xi32>, vector<16xi32>, vector<16xi32>], vector<16xf32>,
        %sub3A_1702 = arith.subf %gather3A_1701, %gather3A_426 : vector<16xf32>
        %mul3A_1703 = arith.mulf %sub3A_1702, %sub3A_1702 : vector<16xf32>
        %add3A_1704 = arith.addf %add3A_1698, %mul3A_1703 : vector<16xf32>
        %broadcast_in_dim3A_1705 = arith.constant 8 : i32
        %broadcast_in_dim3A_1706 = vector.broadcast %broadcast_in_dim3A_1705 : i32 to vector<16xi32>
        %gather3A_1707 = tpu.vector_load_idx %arg8[%broadcast_in_dim3A_413, %add3A_1566, %broadcast_in_dim3A_1706] : memref<16x128x16xf32, #tpu.memory_space<vmem>>[vector<16xi32>, vector<16xi32>, vector<16xi32>], vector<16xf32>,
        %sub3A_1708 = arith.subf %gather3A_1707, %gather3A_433 : vector<16xf32>
        %mul3A_1709 = arith.mulf %sub3A_1708, %sub3A_1708 : vector<16xf32>
        %add3A_1710 = arith.addf %add3A_1704, %mul3A_1709 : vector<16xf32>
        %bitcast3A_1711 = vector.bitcast %add3A_1710 : vector<16xf32> to vector<16xi32>
        %shift_right_logical3A_1712 = arith.constant 1 : i32
        %shift_right_logical3A_1713 = vector.broadcast %shift_right_logical3A_1712 : i32 to vector<16xi32>
        %shift_right_logical3A_1714 = arith.shrui %bitcast3A_1711, %shift_right_logical3A_1713 : vector<16xi32>
        %sub3A_1715 = arith.subi %broadcast_in_dim3A_3, %shift_right_logical3A_1714 : vector<16xi32>
        %bitcast3A_1716 = vector.bitcast %sub3A_1715 : vector<16xi32> to vector<16xf32>
        %mul3A_1717 = arith.constant 5.000000e-01 : f32
        %mul3A_1718 = vector.broadcast %mul3A_1717 : f32 to vector<16xf32>
        %mul3A_1719 = arith.mulf %mul3A_1718, %add3A_1710 : vector<16xf32>
        %mul3A_1720 = arith.mulf %mul3A_1719, %bitcast3A_1716 : vector<16xf32>
        %mul3A_1721 = arith.mulf %mul3A_1720, %bitcast3A_1716 : vector<16xf32>
        %sub3A_1722 = arith.constant 1.500000e+00 : f32
        %sub3A_1723 = vector.broadcast %sub3A_1722 : f32 to vector<16xf32>
        %sub3A_1724 = arith.subf %sub3A_1723, %mul3A_1721 : vector<16xf32>
        %mul3A_1725 = arith.mulf %bitcast3A_1716, %sub3A_1724 : vector<16xf32>
        %mul3A_1726 = arith.constant 5.000000e-01 : f32
        %mul3A_1727 = vector.broadcast %mul3A_1726 : f32 to vector<16xf32>
        %mul3A_1728 = arith.mulf %mul3A_1727, %add3A_1710 : vector<16xf32>
        %mul3A_1729 = arith.mulf %mul3A_1728, %mul3A_1725 : vector<16xf32>
        %mul3A_1730 = arith.mulf %mul3A_1729, %mul3A_1725 : vector<16xf32>
        %sub3A_1731 = arith.constant 1.500000e+00 : f32
        %sub3A_1732 = vector.broadcast %sub3A_1731 : f32 to vector<16xf32>
        %sub3A_1733 = arith.subf %sub3A_1732, %mul3A_1730 : vector<16xf32>
        %mul3A_1734 = arith.mulf %mul3A_1725, %sub3A_1733 : vector<16xf32>
        %mul3A_1735 = arith.constant 5.000000e-01 : f32
        %mul3A_1736 = vector.broadcast %mul3A_1735 : f32 to vector<16xf32>
        %mul3A_1737 = arith.mulf %mul3A_1736, %add3A_1710 : vector<16xf32>
        %mul3A_1738 = arith.mulf %mul3A_1737, %mul3A_1734 : vector<16xf32>
        %mul3A_1739 = arith.mulf %mul3A_1738, %mul3A_1734 : vector<16xf32>
        %sub3A_1740 = arith.constant 1.500000e+00 : f32
        %sub3A_1741 = vector.broadcast %sub3A_1740 : f32 to vector<16xf32>
        %sub3A_1742 = arith.subf %sub3A_1741, %mul3A_1739 : vector<16xf32>
        %mul3A_1743 = arith.mulf %mul3A_1734, %sub3A_1742 : vector<16xf32>
        %mul3A_1744 = arith.mulf %add3A_1710, %mul3A_1743 : vector<16xf32>
        %sub3A_1745 = arith.constant 5.000000e-01 : f32
        %sub3A_1746 = vector.broadcast %sub3A_1745 : f32 to vector<16xf32>
        %sub3A_1747 = arith.subf %sub3A_1746, %mul3A_1744 : vector<16xf32>
        %max3A_1748 = arith.constant 0.000000e+00 : f32
        %max3A_1749 = vector.broadcast %max3A_1748 : f32 to vector<16xf32>
        %max3A_1750 = arith.maximumf %sub3A_1747, %max3A_1749 : vector<16xf32>
        %mul3A_1751 = arith.mulf %max3A_1750, %max3A_1750 : vector<16xf32>
        %add3A_1752 = arith.addf %add3A_1690, %mul3A_1751 : vector<16xf32>
        %add3A_1753 = arith.constant 112 : i32
        %add3A_1754 = vector.broadcast %add3A_1753 : i32 to vector<16xi32>
        %add3A_1755 = arith.addi %add3A_1754, %iota3A : vector<16xi32>
        %broadcast_in_dim3A_1756 = arith.constant 9.99999996E-13 : f32
        %broadcast_in_dim3A_1757 = vector.broadcast %broadcast_in_dim3A_1756 : f32 to vector<16xf32>
        %broadcast_in_dim3A_1758 = arith.constant 0 : i32
        %broadcast_in_dim3A_1759 = vector.broadcast %broadcast_in_dim3A_1758 : i32 to vector<16xi32>
        %gather3A_1760 = tpu.vector_load_idx %arg8[%broadcast_in_dim3A_413, %add3A_1755, %broadcast_in_dim3A_1759] : memref<16x128x16xf32, #tpu.memory_space<vmem>>[vector<16xi32>, vector<16xi32>, vector<16xi32>], vector<16xf32>,
        %sub3A_1761 = arith.subf %gather3A_1760, %gather3A : vector<16xf32>
        %mul3A_1762 = arith.mulf %sub3A_1761, %sub3A_1761 : vector<16xf32>
        %add3A_1763 = arith.addf %broadcast_in_dim3A_1757, %mul3A_1762 : vector<16xf32>
        %broadcast_in_dim3A_1764 = arith.constant 1 : i32
        %broadcast_in_dim3A_1765 = vector.broadcast %broadcast_in_dim3A_1764 : i32 to vector<16xi32>
        %gather3A_1766 = tpu.vector_load_idx %arg8[%broadcast_in_dim3A_413, %add3A_1755, %broadcast_in_dim3A_1765] : memref<16x128x16xf32, #tpu.memory_space<vmem>>[vector<16xi32>, vector<16xi32>, vector<16xi32>], vector<16xf32>,
        %sub3A_1767 = arith.subf %gather3A_1766, %gather3A_426 : vector<16xf32>
        %mul3A_1768 = arith.mulf %sub3A_1767, %sub3A_1767 : vector<16xf32>
        %add3A_1769 = arith.addf %add3A_1763, %mul3A_1768 : vector<16xf32>
        %broadcast_in_dim3A_1770 = arith.constant 2 : i32
        %broadcast_in_dim3A_1771 = vector.broadcast %broadcast_in_dim3A_1770 : i32 to vector<16xi32>
        %gather3A_1772 = tpu.vector_load_idx %arg8[%broadcast_in_dim3A_413, %add3A_1755, %broadcast_in_dim3A_1771] : memref<16x128x16xf32, #tpu.memory_space<vmem>>[vector<16xi32>, vector<16xi32>, vector<16xi32>], vector<16xf32>,
        %sub3A_1773 = arith.subf %gather3A_1772, %gather3A_433 : vector<16xf32>
        %mul3A_1774 = arith.mulf %sub3A_1773, %sub3A_1773 : vector<16xf32>
        %add3A_1775 = arith.addf %add3A_1769, %mul3A_1774 : vector<16xf32>
        %bitcast3A_1776 = vector.bitcast %add3A_1775 : vector<16xf32> to vector<16xi32>
        %shift_right_logical3A_1777 = arith.constant 1 : i32
        %shift_right_logical3A_1778 = vector.broadcast %shift_right_logical3A_1777 : i32 to vector<16xi32>
        %shift_right_logical3A_1779 = arith.shrui %bitcast3A_1776, %shift_right_logical3A_1778 : vector<16xi32>
        %sub3A_1780 = arith.subi %broadcast_in_dim3A_3, %shift_right_logical3A_1779 : vector<16xi32>
        %bitcast3A_1781 = vector.bitcast %sub3A_1780 : vector<16xi32> to vector<16xf32>
        %mul3A_1782 = arith.constant 5.000000e-01 : f32
        %mul3A_1783 = vector.broadcast %mul3A_1782 : f32 to vector<16xf32>
        %mul3A_1784 = arith.mulf %mul3A_1783, %add3A_1775 : vector<16xf32>
        %mul3A_1785 = arith.mulf %mul3A_1784, %bitcast3A_1781 : vector<16xf32>
        %mul3A_1786 = arith.mulf %mul3A_1785, %bitcast3A_1781 : vector<16xf32>
        %sub3A_1787 = arith.constant 1.500000e+00 : f32
        %sub3A_1788 = vector.broadcast %sub3A_1787 : f32 to vector<16xf32>
        %sub3A_1789 = arith.subf %sub3A_1788, %mul3A_1786 : vector<16xf32>
        %mul3A_1790 = arith.mulf %bitcast3A_1781, %sub3A_1789 : vector<16xf32>
        %mul3A_1791 = arith.constant 5.000000e-01 : f32
        %mul3A_1792 = vector.broadcast %mul3A_1791 : f32 to vector<16xf32>
        %mul3A_1793 = arith.mulf %mul3A_1792, %add3A_1775 : vector<16xf32>
        %mul3A_1794 = arith.mulf %mul3A_1793, %mul3A_1790 : vector<16xf32>
        %mul3A_1795 = arith.mulf %mul3A_1794, %mul3A_1790 : vector<16xf32>
        %sub3A_1796 = arith.constant 1.500000e+00 : f32
        %sub3A_1797 = vector.broadcast %sub3A_1796 : f32 to vector<16xf32>
        %sub3A_1798 = arith.subf %sub3A_1797, %mul3A_1795 : vector<16xf32>
        %mul3A_1799 = arith.mulf %mul3A_1790, %sub3A_1798 : vector<16xf32>
        %mul3A_1800 = arith.constant 5.000000e-01 : f32
        %mul3A_1801 = vector.broadcast %mul3A_1800 : f32 to vector<16xf32>
        %mul3A_1802 = arith.mulf %mul3A_1801, %add3A_1775 : vector<16xf32>
        %mul3A_1803 = arith.mulf %mul3A_1802, %mul3A_1799 : vector<16xf32>
        %mul3A_1804 = arith.mulf %mul3A_1803, %mul3A_1799 : vector<16xf32>
        %sub3A_1805 = arith.constant 1.500000e+00 : f32
        %sub3A_1806 = vector.broadcast %sub3A_1805 : f32 to vector<16xf32>
        %sub3A_1807 = arith.subf %sub3A_1806, %mul3A_1804 : vector<16xf32>
        %mul3A_1808 = arith.mulf %mul3A_1799, %sub3A_1807 : vector<16xf32>
        %mul3A_1809 = arith.mulf %add3A_1775, %mul3A_1808 : vector<16xf32>
        %sub3A_1810 = arith.constant 5.000000e-01 : f32
        %sub3A_1811 = vector.broadcast %sub3A_1810 : f32 to vector<16xf32>
        %sub3A_1812 = arith.subf %sub3A_1811, %mul3A_1809 : vector<16xf32>
        %max3A_1813 = arith.constant 0.000000e+00 : f32
        %max3A_1814 = vector.broadcast %max3A_1813 : f32 to vector<16xf32>
        %max3A_1815 = arith.maximumf %sub3A_1812, %max3A_1814 : vector<16xf32>
        %mul3A_1816 = arith.mulf %max3A_1815, %max3A_1815 : vector<16xf32>
        %add3A_1817 = arith.addf %add3A_1752, %mul3A_1816 : vector<16xf32>
        %broadcast_in_dim3A_1818 = arith.constant 9.99999996E-13 : f32
        %broadcast_in_dim3A_1819 = vector.broadcast %broadcast_in_dim3A_1818 : f32 to vector<16xf32>
        %broadcast_in_dim3A_1820 = arith.constant 3 : i32
        %broadcast_in_dim3A_1821 = vector.broadcast %broadcast_in_dim3A_1820 : i32 to vector<16xi32>
        %gather3A_1822 = tpu.vector_load_idx %arg8[%broadcast_in_dim3A_413, %add3A_1755, %broadcast_in_dim3A_1821] : memref<16x128x16xf32, #tpu.memory_space<vmem>>[vector<16xi32>, vector<16xi32>, vector<16xi32>], vector<16xf32>,
        %sub3A_1823 = arith.subf %gather3A_1822, %gather3A : vector<16xf32>
        %mul3A_1824 = arith.mulf %sub3A_1823, %sub3A_1823 : vector<16xf32>
        %add3A_1825 = arith.addf %broadcast_in_dim3A_1819, %mul3A_1824 : vector<16xf32>
        %broadcast_in_dim3A_1826 = arith.constant 4 : i32
        %broadcast_in_dim3A_1827 = vector.broadcast %broadcast_in_dim3A_1826 : i32 to vector<16xi32>
        %gather3A_1828 = tpu.vector_load_idx %arg8[%broadcast_in_dim3A_413, %add3A_1755, %broadcast_in_dim3A_1827] : memref<16x128x16xf32, #tpu.memory_space<vmem>>[vector<16xi32>, vector<16xi32>, vector<16xi32>], vector<16xf32>,
        %sub3A_1829 = arith.subf %gather3A_1828, %gather3A_426 : vector<16xf32>
        %mul3A_1830 = arith.mulf %sub3A_1829, %sub3A_1829 : vector<16xf32>
        %add3A_1831 = arith.addf %add3A_1825, %mul3A_1830 : vector<16xf32>
        %broadcast_in_dim3A_1832 = arith.constant 5 : i32
        %broadcast_in_dim3A_1833 = vector.broadcast %broadcast_in_dim3A_1832 : i32 to vector<16xi32>
        %gather3A_1834 = tpu.vector_load_idx %arg8[%broadcast_in_dim3A_413, %add3A_1755, %broadcast_in_dim3A_1833] : memref<16x128x16xf32, #tpu.memory_space<vmem>>[vector<16xi32>, vector<16xi32>, vector<16xi32>], vector<16xf32>,
        %sub3A_1835 = arith.subf %gather3A_1834, %gather3A_433 : vector<16xf32>
        %mul3A_1836 = arith.mulf %sub3A_1835, %sub3A_1835 : vector<16xf32>
        %add3A_1837 = arith.addf %add3A_1831, %mul3A_1836 : vector<16xf32>
        %bitcast3A_1838 = vector.bitcast %add3A_1837 : vector<16xf32> to vector<16xi32>
        %shift_right_logical3A_1839 = arith.constant 1 : i32
        %shift_right_logical3A_1840 = vector.broadcast %shift_right_logical3A_1839 : i32 to vector<16xi32>
        %shift_right_logical3A_1841 = arith.shrui %bitcast3A_1838, %shift_right_logical3A_1840 : vector<16xi32>
        %sub3A_1842 = arith.subi %broadcast_in_dim3A_3, %shift_right_logical3A_1841 : vector<16xi32>
        %bitcast3A_1843 = vector.bitcast %sub3A_1842 : vector<16xi32> to vector<16xf32>
        %mul3A_1844 = arith.constant 5.000000e-01 : f32
        %mul3A_1845 = vector.broadcast %mul3A_1844 : f32 to vector<16xf32>
        %mul3A_1846 = arith.mulf %mul3A_1845, %add3A_1837 : vector<16xf32>
        %mul3A_1847 = arith.mulf %mul3A_1846, %bitcast3A_1843 : vector<16xf32>
        %mul3A_1848 = arith.mulf %mul3A_1847, %bitcast3A_1843 : vector<16xf32>
        %sub3A_1849 = arith.constant 1.500000e+00 : f32
        %sub3A_1850 = vector.broadcast %sub3A_1849 : f32 to vector<16xf32>
        %sub3A_1851 = arith.subf %sub3A_1850, %mul3A_1848 : vector<16xf32>
        %mul3A_1852 = arith.mulf %bitcast3A_1843, %sub3A_1851 : vector<16xf32>
        %mul3A_1853 = arith.constant 5.000000e-01 : f32
        %mul3A_1854 = vector.broadcast %mul3A_1853 : f32 to vector<16xf32>
        %mul3A_1855 = arith.mulf %mul3A_1854, %add3A_1837 : vector<16xf32>
        %mul3A_1856 = arith.mulf %mul3A_1855, %mul3A_1852 : vector<16xf32>
        %mul3A_1857 = arith.mulf %mul3A_1856, %mul3A_1852 : vector<16xf32>
        %sub3A_1858 = arith.constant 1.500000e+00 : f32
        %sub3A_1859 = vector.broadcast %sub3A_1858 : f32 to vector<16xf32>
        %sub3A_1860 = arith.subf %sub3A_1859, %mul3A_1857 : vector<16xf32>
        %mul3A_1861 = arith.mulf %mul3A_1852, %sub3A_1860 : vector<16xf32>
        %mul3A_1862 = arith.constant 5.000000e-01 : f32
        %mul3A_1863 = vector.broadcast %mul3A_1862 : f32 to vector<16xf32>
        %mul3A_1864 = arith.mulf %mul3A_1863, %add3A_1837 : vector<16xf32>
        %mul3A_1865 = arith.mulf %mul3A_1864, %mul3A_1861 : vector<16xf32>
        %mul3A_1866 = arith.mulf %mul3A_1865, %mul3A_1861 : vector<16xf32>
        %sub3A_1867 = arith.constant 1.500000e+00 : f32
        %sub3A_1868 = vector.broadcast %sub3A_1867 : f32 to vector<16xf32>
        %sub3A_1869 = arith.subf %sub3A_1868, %mul3A_1866 : vector<16xf32>
        %mul3A_1870 = arith.mulf %mul3A_1861, %sub3A_1869 : vector<16xf32>
        %mul3A_1871 = arith.mulf %add3A_1837, %mul3A_1870 : vector<16xf32>
        %sub3A_1872 = arith.constant 5.000000e-01 : f32
        %sub3A_1873 = vector.broadcast %sub3A_1872 : f32 to vector<16xf32>
        %sub3A_1874 = arith.subf %sub3A_1873, %mul3A_1871 : vector<16xf32>
        %max3A_1875 = arith.constant 0.000000e+00 : f32
        %max3A_1876 = vector.broadcast %max3A_1875 : f32 to vector<16xf32>
        %max3A_1877 = arith.maximumf %sub3A_1874, %max3A_1876 : vector<16xf32>
        %mul3A_1878 = arith.mulf %max3A_1877, %max3A_1877 : vector<16xf32>
        %add3A_1879 = arith.addf %add3A_1817, %mul3A_1878 : vector<16xf32>
        %broadcast_in_dim3A_1880 = arith.constant 9.99999996E-13 : f32
        %broadcast_in_dim3A_1881 = vector.broadcast %broadcast_in_dim3A_1880 : f32 to vector<16xf32>
        %broadcast_in_dim3A_1882 = arith.constant 6 : i32
        %broadcast_in_dim3A_1883 = vector.broadcast %broadcast_in_dim3A_1882 : i32 to vector<16xi32>
        %gather3A_1884 = tpu.vector_load_idx %arg8[%broadcast_in_dim3A_413, %add3A_1755, %broadcast_in_dim3A_1883] : memref<16x128x16xf32, #tpu.memory_space<vmem>>[vector<16xi32>, vector<16xi32>, vector<16xi32>], vector<16xf32>,
        %sub3A_1885 = arith.subf %gather3A_1884, %gather3A : vector<16xf32>
        %mul3A_1886 = arith.mulf %sub3A_1885, %sub3A_1885 : vector<16xf32>
        %add3A_1887 = arith.addf %broadcast_in_dim3A_1881, %mul3A_1886 : vector<16xf32>
        %broadcast_in_dim3A_1888 = arith.constant 7 : i32
        %broadcast_in_dim3A_1889 = vector.broadcast %broadcast_in_dim3A_1888 : i32 to vector<16xi32>
        %gather3A_1890 = tpu.vector_load_idx %arg8[%broadcast_in_dim3A_413, %add3A_1755, %broadcast_in_dim3A_1889] : memref<16x128x16xf32, #tpu.memory_space<vmem>>[vector<16xi32>, vector<16xi32>, vector<16xi32>], vector<16xf32>,
        %sub3A_1891 = arith.subf %gather3A_1890, %gather3A_426 : vector<16xf32>
        %mul3A_1892 = arith.mulf %sub3A_1891, %sub3A_1891 : vector<16xf32>
        %add3A_1893 = arith.addf %add3A_1887, %mul3A_1892 : vector<16xf32>
        %broadcast_in_dim3A_1894 = arith.constant 8 : i32
        %broadcast_in_dim3A_1895 = vector.broadcast %broadcast_in_dim3A_1894 : i32 to vector<16xi32>
        %gather3A_1896 = tpu.vector_load_idx %arg8[%broadcast_in_dim3A_413, %add3A_1755, %broadcast_in_dim3A_1895] : memref<16x128x16xf32, #tpu.memory_space<vmem>>[vector<16xi32>, vector<16xi32>, vector<16xi32>], vector<16xf32>,
        %sub3A_1897 = arith.subf %gather3A_1896, %gather3A_433 : vector<16xf32>
        %mul3A_1898 = arith.mulf %sub3A_1897, %sub3A_1897 : vector<16xf32>
        %add3A_1899 = arith.addf %add3A_1893, %mul3A_1898 : vector<16xf32>
        %bitcast3A_1900 = vector.bitcast %add3A_1899 : vector<16xf32> to vector<16xi32>
        %shift_right_logical3A_1901 = arith.constant 1 : i32
        %shift_right_logical3A_1902 = vector.broadcast %shift_right_logical3A_1901 : i32 to vector<16xi32>
        %shift_right_logical3A_1903 = arith.shrui %bitcast3A_1900, %shift_right_logical3A_1902 : vector<16xi32>
        %sub3A_1904 = arith.subi %broadcast_in_dim3A_3, %shift_right_logical3A_1903 : vector<16xi32>
        %bitcast3A_1905 = vector.bitcast %sub3A_1904 : vector<16xi32> to vector<16xf32>
        %mul3A_1906 = arith.constant 5.000000e-01 : f32
        %mul3A_1907 = vector.broadcast %mul3A_1906 : f32 to vector<16xf32>
        %mul3A_1908 = arith.mulf %mul3A_1907, %add3A_1899 : vector<16xf32>
        %mul3A_1909 = arith.mulf %mul3A_1908, %bitcast3A_1905 : vector<16xf32>
        %mul3A_1910 = arith.mulf %mul3A_1909, %bitcast3A_1905 : vector<16xf32>
        %sub3A_1911 = arith.constant 1.500000e+00 : f32
        %sub3A_1912 = vector.broadcast %sub3A_1911 : f32 to vector<16xf32>
        %sub3A_1913 = arith.subf %sub3A_1912, %mul3A_1910 : vector<16xf32>
        %mul3A_1914 = arith.mulf %bitcast3A_1905, %sub3A_1913 : vector<16xf32>
        %mul3A_1915 = arith.constant 5.000000e-01 : f32
        %mul3A_1916 = vector.broadcast %mul3A_1915 : f32 to vector<16xf32>
        %mul3A_1917 = arith.mulf %mul3A_1916, %add3A_1899 : vector<16xf32>
        %mul3A_1918 = arith.mulf %mul3A_1917, %mul3A_1914 : vector<16xf32>
        %mul3A_1919 = arith.mulf %mul3A_1918, %mul3A_1914 : vector<16xf32>
        %sub3A_1920 = arith.constant 1.500000e+00 : f32
        %sub3A_1921 = vector.broadcast %sub3A_1920 : f32 to vector<16xf32>
        %sub3A_1922 = arith.subf %sub3A_1921, %mul3A_1919 : vector<16xf32>
        %mul3A_1923 = arith.mulf %mul3A_1914, %sub3A_1922 : vector<16xf32>
        %mul3A_1924 = arith.constant 5.000000e-01 : f32
        %mul3A_1925 = vector.broadcast %mul3A_1924 : f32 to vector<16xf32>
        %mul3A_1926 = arith.mulf %mul3A_1925, %add3A_1899 : vector<16xf32>
        %mul3A_1927 = arith.mulf %mul3A_1926, %mul3A_1923 : vector<16xf32>
        %mul3A_1928 = arith.mulf %mul3A_1927, %mul3A_1923 : vector<16xf32>
        %sub3A_1929 = arith.constant 1.500000e+00 : f32
        %sub3A_1930 = vector.broadcast %sub3A_1929 : f32 to vector<16xf32>
        %sub3A_1931 = arith.subf %sub3A_1930, %mul3A_1928 : vector<16xf32>
        %mul3A_1932 = arith.mulf %mul3A_1923, %sub3A_1931 : vector<16xf32>
        %mul3A_1933 = arith.mulf %add3A_1899, %mul3A_1932 : vector<16xf32>
        %sub3A_1934 = arith.constant 5.000000e-01 : f32
        %sub3A_1935 = vector.broadcast %sub3A_1934 : f32 to vector<16xf32>
        %sub3A_1936 = arith.subf %sub3A_1935, %mul3A_1933 : vector<16xf32>
        %max3A_1937 = arith.constant 0.000000e+00 : f32
        %max3A_1938 = vector.broadcast %max3A_1937 : f32 to vector<16xf32>
        %max3A_1939 = arith.maximumf %sub3A_1936, %max3A_1938 : vector<16xf32>
        %mul3A_1940 = arith.mulf %max3A_1939, %max3A_1939 : vector<16xf32>
        %add3A_1941 = arith.addf %add3A_1879, %mul3A_1940 : vector<16xf32>
        scf.yield %add3A_1941 : vector<16xf32>
      }
      %scan3A_410 = arith.constant 16 : i32
      scf.yield %scan3A_409 : vector<16xf32>
    }
    %scan3A_10 = arith.constant 16 : i32
    %swap3A = arith.constant 0 : index
    %swap3A_11 = tpu.vector_load %arg9[%swap3A] {strides = array<i32>} : memref<16xf32, #tpu.memory_space<vmem>>, vector<16xf32>,
    tpu.vector_store %arg9[%swap3A], %scan3A_9 {strides = array<i32>} : memref<16xf32, #tpu.memory_space<vmem>>, vector<16xf32>,
    "tpu.region"() ({
      %run_scoped3A = tpu.sem_alloc : memref<!tpu.dma_semaphore, #tpu.memory_space<semaphore_mem>>
      %dma_start3A = arith.constant 0 : i32
      %dma_start3A_12 = tpu.memref_slice %arg4[%add3A, %dma_start3A] : memref<32x16xf32, #tpu.memory_space<hbm>> -> memref<1x16xf32, #tpu.memory_space<hbm>>
      %dma_start3A_13 = tpu.memref_squeeze %dma_start3A_12 : memref<1x16xf32, #tpu.memory_space<hbm>> -> memref<16xf32, #tpu.memory_space<hbm>>
      %dma_start3A_14 = arith.constant 0 : i32
      %dma_start3A_15 = tpu.memref_slice %arg4[%add3A, %dma_start3A_14] : memref<32x16xf32, #tpu.memory_space<hbm>> -> memref<1x16xf32, #tpu.memory_space<hbm>>
      %dma_start3A_16 = tpu.memref_squeeze %dma_start3A_15 : memref<1x16xf32, #tpu.memory_space<hbm>> -> memref<16xf32, #tpu.memory_space<hbm>>
      tpu.enqueue_dma source(%arg9 : memref<16xf32, #tpu.memory_space<vmem>>) target(%dma_start3A_16 : memref<16xf32, #tpu.memory_space<hbm>>) target_semaphore(%run_scoped3A : memref<!tpu.dma_semaphore, #tpu.memory_space<semaphore_mem>>)
      %dma_wait3A = arith.constant 0 : i32
      %dma_wait3A_17 = tpu.memref_slice %arg4[%add3A, %dma_wait3A] : memref<32x16xf32, #tpu.memory_space<hbm>> -> memref<1x16xf32, #tpu.memory_space<hbm>>
      %dma_wait3A_18 = tpu.memref_squeeze %dma_wait3A_17 : memref<1x16xf32, #tpu.memory_space<hbm>> -> memref<16xf32, #tpu.memory_space<hbm>>
      %dma_wait3A_19 = arith.constant 0 : i32
      %dma_wait3A_20 = tpu.memref_slice %arg4[%add3A, %dma_wait3A_19] : memref<32x16xf32, #tpu.memory_space<hbm>> -> memref<1x16xf32, #tpu.memory_space<hbm>>
      %dma_wait3A_21 = tpu.memref_squeeze %dma_wait3A_20 : memref<1x16xf32, #tpu.memory_space<hbm>> -> memref<16xf32, #tpu.memory_space<hbm>>
      tpu.wait_dma2 semaphore(%run_scoped3A : memref<!tpu.dma_semaphore, #tpu.memory_space<semaphore_mem>>) src(%arg9 : memref<16xf32, #tpu.memory_space<vmem>>) dst(%dma_wait3A_21 : memref<16xf32, #tpu.memory_space<hbm>>)
      tpu.yield
    }) : () -> ()
    return
  }
}

#map = affine_map<(d0, d1) -> (0, 0, 0)>
#map1 = affine_map<(d0, d1) -> (0)>
#map2 = affine_map<(d0, d1) -> (0, 0)>
module attributes {stable_mosaic.version = 14 : i64} {
  func.func @_prep_body(%arg0: i32, %arg1: i32, %arg2: memref<16x4096x4xf32, #tpu.memory_space<hbm>>, %arg3: memref<24576xi32, #tpu.memory_space<hbm>>, %arg4: memref<16x8192x4xf32, #tpu.memory_space<hbm>>, %arg5: memref<16x4x8192xf32, #tpu.memory_space<hbm>>, %arg6: memref<131072x16xf32, #tpu.memory_space<hbm>>, %arg7: memref<4096x4xf32, #tpu.memory_space<vmem>>, %arg8: memref<768xi32, #tpu.memory_space<vmem>>, %arg9: memref<256x4xf32, #tpu.memory_space<vmem>>, %arg10: memref<4x256xf32, #tpu.memory_space<vmem>>, %arg11: memref<256x16xf32, #tpu.memory_space<vmem>>) attributes {dimension_semantics = [#tpu.dimension_semantics<core_parallel>, #tpu.dimension_semantics<subcore_parallel>], iteration_bounds = array<i64: 2, 16>, scalar_prefetch = 0 : i64, scratch_operands = 5 : i64, tpu.core_type = #tpu.core_type<sc_vector_subcore>, window_params = [{transform_indices = #map}, {transform_indices = #map1}, {transform_indices = #map}, {transform_indices = #map}, {transform_indices = #map2}]} {
    %mul3A = arith.constant 2 : i32
    %mul3A_0 = arith.muli %arg1, %mul3A : i32
    %add3A = arith.addi %mul3A_0, %arg0 : i32
    %mul3A_1 = arith.constant 256 : i32
    %mul3A_2 = arith.muli %add3A, %mul3A_1 : i32
    %iota3A = tpu.iota {dimensions = array<i32: 0>} : vector<16xi32>
    %broadcast_in_dim3A = arith.constant 1.000000e+00 : f32
    %broadcast_in_dim3A_3 = vector.broadcast %broadcast_in_dim3A : f32 to vector<16xf32>
    %mul3A_4 = arith.constant 3 : i32
    %mul3A_5 = arith.muli %mul3A_2, %mul3A_4 : i32
    "tpu.region"() ({
      %run_scoped3A = tpu.sem_alloc : memref<!tpu.dma_semaphore, #tpu.memory_space<semaphore_mem>>
      %dma_start3A = tpu.memref_slice %arg3[%mul3A_5] : memref<24576xi32, #tpu.memory_space<hbm>> -> memref<768xi32, #tpu.memory_space<hbm>>
      %dma_start3A_11 = tpu.memref_slice %arg3[%mul3A_5] : memref<24576xi32, #tpu.memory_space<hbm>> -> memref<768xi32, #tpu.memory_space<hbm>>
      tpu.enqueue_dma source(%dma_start3A_11 : memref<768xi32, #tpu.memory_space<hbm>>) target(%arg8 : memref<768xi32, #tpu.memory_space<vmem>>) target_semaphore(%run_scoped3A : memref<!tpu.dma_semaphore, #tpu.memory_space<semaphore_mem>>)
      %dma_wait3A = tpu.memref_slice %arg3[%mul3A_5] : memref<24576xi32, #tpu.memory_space<hbm>> -> memref<768xi32, #tpu.memory_space<hbm>>
      %dma_wait3A_12 = tpu.memref_slice %arg3[%mul3A_5] : memref<24576xi32, #tpu.memory_space<hbm>> -> memref<768xi32, #tpu.memory_space<hbm>>
      tpu.wait_dma2 semaphore(%run_scoped3A : memref<!tpu.dma_semaphore, #tpu.memory_space<semaphore_mem>>) src(%dma_wait3A_12 : memref<768xi32, #tpu.memory_space<hbm>>) dst(%arg8 : memref<768xi32, #tpu.memory_space<vmem>>)
      tpu.yield
    }) : () -> ()
    %scan3A = arith.constant 0 : i32
    %scan3A_6 = arith.constant 0 : i32
    %scan3A_7 = arith.constant 16 : i32
    %scan3A_8 = arith.addi %scan3A_6, %scan3A_7 : i32
    %scan3A_9 = arith.constant 1 : i32
    scf.for %scan3A_11 = %scan3A_6 to %scan3A_8 step %scan3A_9  : i32 {
      "tpu.region"() ({
        %run_scoped3A = tpu.sem_alloc : memref<!tpu.dma_semaphore, #tpu.memory_space<semaphore_mem>>
        %dma_start3A = arith.constant 0 : i32
        %dma_start3A_21 = arith.constant 0 : i32
        %dma_start3A_22 = tpu.memref_slice %arg2[%scan3A_11, %dma_start3A, %dma_start3A_21] : memref<16x4096x4xf32, #tpu.memory_space<hbm>> -> memref<1x4096x4xf32, #tpu.memory_space<hbm>>
        %dma_start3A_23 = tpu.memref_squeeze %dma_start3A_22 : memref<1x4096x4xf32, #tpu.memory_space<hbm>> -> memref<4096x4xf32, #tpu.memory_space<hbm>>
        %dma_start3A_24 = arith.constant 0 : i32
        %dma_start3A_25 = arith.constant 0 : i32
        %dma_start3A_26 = tpu.memref_slice %arg2[%scan3A_11, %dma_start3A_24, %dma_start3A_25] : memref<16x4096x4xf32, #tpu.memory_space<hbm>> -> memref<1x4096x4xf32, #tpu.memory_space<hbm>>
        %dma_start3A_27 = tpu.memref_squeeze %dma_start3A_26 : memref<1x4096x4xf32, #tpu.memory_space<hbm>> -> memref<4096x4xf32, #tpu.memory_space<hbm>>
        tpu.enqueue_dma source(%dma_start3A_27 : memref<4096x4xf32, #tpu.memory_space<hbm>>) target(%arg7 : memref<4096x4xf32, #tpu.memory_space<vmem>>) target_semaphore(%run_scoped3A : memref<!tpu.dma_semaphore, #tpu.memory_space<semaphore_mem>>)
        %dma_wait3A = arith.constant 0 : i32
        %dma_wait3A_28 = arith.constant 0 : i32
        %dma_wait3A_29 = tpu.memref_slice %arg2[%scan3A_11, %dma_wait3A, %dma_wait3A_28] : memref<16x4096x4xf32, #tpu.memory_space<hbm>> -> memref<1x4096x4xf32, #tpu.memory_space<hbm>>
        %dma_wait3A_30 = tpu.memref_squeeze %dma_wait3A_29 : memref<1x4096x4xf32, #tpu.memory_space<hbm>> -> memref<4096x4xf32, #tpu.memory_space<hbm>>
        %dma_wait3A_31 = arith.constant 0 : i32
        %dma_wait3A_32 = arith.constant 0 : i32
        %dma_wait3A_33 = tpu.memref_slice %arg2[%scan3A_11, %dma_wait3A_31, %dma_wait3A_32] : memref<16x4096x4xf32, #tpu.memory_space<hbm>> -> memref<1x4096x4xf32, #tpu.memory_space<hbm>>
        %dma_wait3A_34 = tpu.memref_squeeze %dma_wait3A_33 : memref<1x4096x4xf32, #tpu.memory_space<hbm>> -> memref<4096x4xf32, #tpu.memory_space<hbm>>
        tpu.wait_dma2 semaphore(%run_scoped3A : memref<!tpu.dma_semaphore, #tpu.memory_space<semaphore_mem>>) src(%dma_wait3A_34 : memref<4096x4xf32, #tpu.memory_space<hbm>>) dst(%arg7 : memref<4096x4xf32, #tpu.memory_space<vmem>>)
        tpu.yield
      }) : () -> ()
      %scan3A_12 = arith.constant 0 : i32
      %scan3A_13 = arith.constant 0 : i32
      %scan3A_14 = arith.constant 16 : i32
      %scan3A_15 = arith.addi %scan3A_13, %scan3A_14 : i32
      %scan3A_16 = arith.constant 1 : i32
      scf.for %scan3A_21 = %scan3A_13 to %scan3A_15 step %scan3A_16  : i32 {
        %mul3A_22 = arith.constant 16 : i32
        %mul3A_23 = arith.muli %scan3A_21, %mul3A_22 : i32
        %add3A_24 = vector.broadcast %mul3A_23 : i32 to vector<16xi32>
        %add3A_25 = arith.addi %add3A_24, %iota3A : vector<16xi32>
        %mul3A_26 = arith.constant 3 : i32
        %mul3A_27 = vector.broadcast %mul3A_26 : i32 to vector<16xi32>
        %mul3A_28 = arith.muli %add3A_25, %mul3A_27 : vector<16xi32>
        %add3A_29 = arith.constant 0 : i32
        %add3A_30 = vector.broadcast %add3A_29 : i32 to vector<16xi32>
        %add3A_31 = arith.addi %mul3A_28, %add3A_30 : vector<16xi32>
        %gather3A = tpu.vector_load_idx %arg8[%add3A_31] : memref<768xi32, #tpu.memory_space<vmem>>[vector<16xi32>], vector<16xi32>,
        %broadcast_in_dim3A_32 = arith.constant 0 : i32
        %broadcast_in_dim3A_33 = vector.broadcast %broadcast_in_dim3A_32 : i32 to vector<16xi32>
        %gather3A_34 = tpu.vector_load_idx %arg7[%gather3A, %broadcast_in_dim3A_33] : memref<4096x4xf32, #tpu.memory_space<vmem>>[vector<16xi32>, vector<16xi32>], vector<16xf32>,
        %broadcast_in_dim3A_35 = arith.constant 1 : i32
        %broadcast_in_dim3A_36 = vector.broadcast %broadcast_in_dim3A_35 : i32 to vector<16xi32>
        %gather3A_37 = tpu.vector_load_idx %arg7[%gather3A, %broadcast_in_dim3A_36] : memref<4096x4xf32, #tpu.memory_space<vmem>>[vector<16xi32>, vector<16xi32>], vector<16xf32>,
        %broadcast_in_dim3A_38 = arith.constant 2 : i32
        %broadcast_in_dim3A_39 = vector.broadcast %broadcast_in_dim3A_38 : i32 to vector<16xi32>
        %gather3A_40 = tpu.vector_load_idx %arg7[%gather3A, %broadcast_in_dim3A_39] : memref<4096x4xf32, #tpu.memory_space<vmem>>[vector<16xi32>, vector<16xi32>], vector<16xf32>,
        %mul3A_41 = arith.constant 3 : i32
        %mul3A_42 = vector.broadcast %mul3A_41 : i32 to vector<16xi32>
        %mul3A_43 = arith.muli %add3A_25, %mul3A_42 : vector<16xi32>
        %add3A_44 = arith.constant 1 : i32
        %add3A_45 = vector.broadcast %add3A_44 : i32 to vector<16xi32>
        %add3A_46 = arith.addi %mul3A_43, %add3A_45 : vector<16xi32>
        %gather3A_47 = tpu.vector_load_idx %arg8[%add3A_46] : memref<768xi32, #tpu.memory_space<vmem>>[vector<16xi32>], vector<16xi32>,
        %broadcast_in_dim3A_48 = arith.constant 0 : i32
        %broadcast_in_dim3A_49 = vector.broadcast %broadcast_in_dim3A_48 : i32 to vector<16xi32>
        %gather3A_50 = tpu.vector_load_idx %arg7[%gather3A_47, %broadcast_in_dim3A_49] : memref<4096x4xf32, #tpu.memory_space<vmem>>[vector<16xi32>, vector<16xi32>], vector<16xf32>,
        %broadcast_in_dim3A_51 = arith.constant 1 : i32
        %broadcast_in_dim3A_52 = vector.broadcast %broadcast_in_dim3A_51 : i32 to vector<16xi32>
        %gather3A_53 = tpu.vector_load_idx %arg7[%gather3A_47, %broadcast_in_dim3A_52] : memref<4096x4xf32, #tpu.memory_space<vmem>>[vector<16xi32>, vector<16xi32>], vector<16xf32>,
        %broadcast_in_dim3A_54 = arith.constant 2 : i32
        %broadcast_in_dim3A_55 = vector.broadcast %broadcast_in_dim3A_54 : i32 to vector<16xi32>
        %gather3A_56 = tpu.vector_load_idx %arg7[%gather3A_47, %broadcast_in_dim3A_55] : memref<4096x4xf32, #tpu.memory_space<vmem>>[vector<16xi32>, vector<16xi32>], vector<16xf32>,
        %mul3A_57 = arith.constant 3 : i32
        %mul3A_58 = vector.broadcast %mul3A_57 : i32 to vector<16xi32>
        %mul3A_59 = arith.muli %add3A_25, %mul3A_58 : vector<16xi32>
        %add3A_60 = arith.constant 2 : i32
        %add3A_61 = vector.broadcast %add3A_60 : i32 to vector<16xi32>
        %add3A_62 = arith.addi %mul3A_59, %add3A_61 : vector<16xi32>
        %gather3A_63 = tpu.vector_load_idx %arg8[%add3A_62] : memref<768xi32, #tpu.memory_space<vmem>>[vector<16xi32>], vector<16xi32>,
        %broadcast_in_dim3A_64 = arith.constant 0 : i32
        %broadcast_in_dim3A_65 = vector.broadcast %broadcast_in_dim3A_64 : i32 to vector<16xi32>
        %gather3A_66 = tpu.vector_load_idx %arg7[%gather3A_63, %broadcast_in_dim3A_65] : memref<4096x4xf32, #tpu.memory_space<vmem>>[vector<16xi32>, vector<16xi32>], vector<16xf32>,
        %broadcast_in_dim3A_67 = arith.constant 1 : i32
        %broadcast_in_dim3A_68 = vector.broadcast %broadcast_in_dim3A_67 : i32 to vector<16xi32>
        %gather3A_69 = tpu.vector_load_idx %arg7[%gather3A_63, %broadcast_in_dim3A_68] : memref<4096x4xf32, #tpu.memory_space<vmem>>[vector<16xi32>, vector<16xi32>], vector<16xf32>,
        %broadcast_in_dim3A_70 = arith.constant 2 : i32
        %broadcast_in_dim3A_71 = vector.broadcast %broadcast_in_dim3A_70 : i32 to vector<16xi32>
        %gather3A_72 = tpu.vector_load_idx %arg7[%gather3A_63, %broadcast_in_dim3A_71] : memref<4096x4xf32, #tpu.memory_space<vmem>>[vector<16xi32>, vector<16xi32>], vector<16xf32>,
        %add3A_73 = arith.addf %gather3A_34, %gather3A_50 : vector<16xf32>
        %add3A_74 = arith.addf %add3A_73, %gather3A_66 : vector<16xf32>
        %mul3A_75 = arith.constant 0.333333343 : f32
        %mul3A_76 = vector.broadcast %mul3A_75 : f32 to vector<16xf32>
        %mul3A_77 = arith.mulf %add3A_74, %mul3A_76 : vector<16xf32>
        %add3A_78 = arith.addf %gather3A_37, %gather3A_53 : vector<16xf32>
        %add3A_79 = arith.addf %add3A_78, %gather3A_69 : vector<16xf32>
        %mul3A_80 = arith.constant 0.333333343 : f32
        %mul3A_81 = vector.broadcast %mul3A_80 : f32 to vector<16xf32>
        %mul3A_82 = arith.mulf %add3A_79, %mul3A_81 : vector<16xf32>
        %add3A_83 = arith.addf %gather3A_40, %gather3A_56 : vector<16xf32>
        %add3A_84 = arith.addf %add3A_83, %gather3A_72 : vector<16xf32>
        %mul3A_85 = arith.constant 0.333333343 : f32
        %mul3A_86 = vector.broadcast %mul3A_85 : f32 to vector<16xf32>
        %mul3A_87 = arith.mulf %add3A_84, %mul3A_86 : vector<16xf32>
        %mul3A_88 = arith.mulf %mul3A_77, %mul3A_77 : vector<16xf32>
        %mul3A_89 = arith.mulf %mul3A_82, %mul3A_82 : vector<16xf32>
        %add3A_90 = arith.addf %mul3A_88, %mul3A_89 : vector<16xf32>
        %mul3A_91 = arith.mulf %mul3A_87, %mul3A_87 : vector<16xf32>
        %add3A_92 = arith.addf %add3A_90, %mul3A_91 : vector<16xf32>
        %mul3A_93 = arith.constant 5.000000e-01 : f32
        %mul3A_94 = vector.broadcast %mul3A_93 : f32 to vector<16xf32>
        %mul3A_95 = arith.mulf %mul3A_94, %add3A_92 : vector<16xf32>
        %neg3A = arith.constant 0.000000e+00 : f32
        %neg3A_96 = vector.broadcast %neg3A : f32 to vector<16xf32>
        %neg3A_97 = arith.subf %neg3A_96, %mul3A_77 : vector<16xf32>
        %neg3A_98 = arith.constant 0.000000e+00 : f32
        %neg3A_99 = vector.broadcast %neg3A_98 : f32 to vector<16xf32>
        %neg3A_100 = arith.subf %neg3A_99, %mul3A_82 : vector<16xf32>
        %neg3A_101 = arith.constant 0.000000e+00 : f32
        %neg3A_102 = vector.broadcast %neg3A_101 : f32 to vector<16xf32>
        %neg3A_103 = arith.subf %neg3A_102, %mul3A_87 : vector<16xf32>
        %broadcast_in_dim3A_104 = arith.constant 0 : i32
        %broadcast_in_dim3A_105 = vector.broadcast %broadcast_in_dim3A_104 : i32 to vector<16xi32>
        tpu.vector_store_idx %arg9[%add3A_25, %broadcast_in_dim3A_105], %neg3A_97 : memref<256x4xf32, #tpu.memory_space<vmem>>[vector<16xi32>, vector<16xi32>], vector<16xf32>,
        %broadcast_in_dim3A_106 = arith.constant 1 : i32
        %broadcast_in_dim3A_107 = vector.broadcast %broadcast_in_dim3A_106 : i32 to vector<16xi32>
        tpu.vector_store_idx %arg9[%add3A_25, %broadcast_in_dim3A_107], %neg3A_100 : memref<256x4xf32, #tpu.memory_space<vmem>>[vector<16xi32>, vector<16xi32>], vector<16xf32>,
        %broadcast_in_dim3A_108 = arith.constant 2 : i32
        %broadcast_in_dim3A_109 = vector.broadcast %broadcast_in_dim3A_108 : i32 to vector<16xi32>
        tpu.vector_store_idx %arg9[%add3A_25, %broadcast_in_dim3A_109], %neg3A_103 : memref<256x4xf32, #tpu.memory_space<vmem>>[vector<16xi32>, vector<16xi32>], vector<16xf32>,
        %broadcast_in_dim3A_110 = arith.constant 3 : i32
        %broadcast_in_dim3A_111 = vector.broadcast %broadcast_in_dim3A_110 : i32 to vector<16xi32>
        tpu.vector_store_idx %arg9[%add3A_25, %broadcast_in_dim3A_111], %broadcast_in_dim3A_3 : memref<256x4xf32, #tpu.memory_space<vmem>>[vector<16xi32>, vector<16xi32>], vector<16xf32>,
        %broadcast_in_dim3A_112 = arith.constant 0 : i32
        %broadcast_in_dim3A_113 = vector.broadcast %broadcast_in_dim3A_112 : i32 to vector<16xi32>
        tpu.vector_store_idx %arg10[%broadcast_in_dim3A_113, %add3A_25], %mul3A_77 : memref<4x256xf32, #tpu.memory_space<vmem>>[vector<16xi32>, vector<16xi32>], vector<16xf32>,
        %broadcast_in_dim3A_114 = arith.constant 1 : i32
        %broadcast_in_dim3A_115 = vector.broadcast %broadcast_in_dim3A_114 : i32 to vector<16xi32>
        tpu.vector_store_idx %arg10[%broadcast_in_dim3A_115, %add3A_25], %mul3A_82 : memref<4x256xf32, #tpu.memory_space<vmem>>[vector<16xi32>, vector<16xi32>], vector<16xf32>,
        %broadcast_in_dim3A_116 = arith.constant 2 : i32
        %broadcast_in_dim3A_117 = vector.broadcast %broadcast_in_dim3A_116 : i32 to vector<16xi32>
        tpu.vector_store_idx %arg10[%broadcast_in_dim3A_117, %add3A_25], %mul3A_87 : memref<4x256xf32, #tpu.memory_space<vmem>>[vector<16xi32>, vector<16xi32>], vector<16xf32>,
        %broadcast_in_dim3A_118 = arith.constant 3 : i32
        %broadcast_in_dim3A_119 = vector.broadcast %broadcast_in_dim3A_118 : i32 to vector<16xi32>
        tpu.vector_store_idx %arg10[%broadcast_in_dim3A_119, %add3A_25], %mul3A_95 : memref<4x256xf32, #tpu.memory_space<vmem>>[vector<16xi32>, vector<16xi32>], vector<16xf32>,
        %broadcast_in_dim3A_120 = arith.constant 0 : i32
        %broadcast_in_dim3A_121 = vector.broadcast %broadcast_in_dim3A_120 : i32 to vector<16xi32>
        tpu.vector_store_idx %arg11[%add3A_25, %broadcast_in_dim3A_121], %gather3A_34 : memref<256x16xf32, #tpu.memory_space<vmem>>[vector<16xi32>, vector<16xi32>], vector<16xf32>,
        %broadcast_in_dim3A_122 = arith.constant 1 : i32
        %broadcast_in_dim3A_123 = vector.broadcast %broadcast_in_dim3A_122 : i32 to vector<16xi32>
        tpu.vector_store_idx %arg11[%add3A_25, %broadcast_in_dim3A_123], %gather3A_37 : memref<256x16xf32, #tpu.memory_space<vmem>>[vector<16xi32>, vector<16xi32>], vector<16xf32>,
        %broadcast_in_dim3A_124 = arith.constant 2 : i32
        %broadcast_in_dim3A_125 = vector.broadcast %broadcast_in_dim3A_124 : i32 to vector<16xi32>
        tpu.vector_store_idx %arg11[%add3A_25, %broadcast_in_dim3A_125], %gather3A_40 : memref<256x16xf32, #tpu.memory_space<vmem>>[vector<16xi32>, vector<16xi32>], vector<16xf32>,
        %broadcast_in_dim3A_126 = arith.constant 3 : i32
        %broadcast_in_dim3A_127 = vector.broadcast %broadcast_in_dim3A_126 : i32 to vector<16xi32>
        tpu.vector_store_idx %arg11[%add3A_25, %broadcast_in_dim3A_127], %gather3A_50 : memref<256x16xf32, #tpu.memory_space<vmem>>[vector<16xi32>, vector<16xi32>], vector<16xf32>,
        %broadcast_in_dim3A_128 = arith.constant 4 : i32
        %broadcast_in_dim3A_129 = vector.broadcast %broadcast_in_dim3A_128 : i32 to vector<16xi32>
        tpu.vector_store_idx %arg11[%add3A_25, %broadcast_in_dim3A_129], %gather3A_53 : memref<256x16xf32, #tpu.memory_space<vmem>>[vector<16xi32>, vector<16xi32>], vector<16xf32>,
        %broadcast_in_dim3A_130 = arith.constant 5 : i32
        %broadcast_in_dim3A_131 = vector.broadcast %broadcast_in_dim3A_130 : i32 to vector<16xi32>
        tpu.vector_store_idx %arg11[%add3A_25, %broadcast_in_dim3A_131], %gather3A_56 : memref<256x16xf32, #tpu.memory_space<vmem>>[vector<16xi32>, vector<16xi32>], vector<16xf32>,
        %broadcast_in_dim3A_132 = arith.constant 6 : i32
        %broadcast_in_dim3A_133 = vector.broadcast %broadcast_in_dim3A_132 : i32 to vector<16xi32>
        tpu.vector_store_idx %arg11[%add3A_25, %broadcast_in_dim3A_133], %gather3A_66 : memref<256x16xf32, #tpu.memory_space<vmem>>[vector<16xi32>, vector<16xi32>], vector<16xf32>,
        %broadcast_in_dim3A_134 = arith.constant 7 : i32
        %broadcast_in_dim3A_135 = vector.broadcast %broadcast_in_dim3A_134 : i32 to vector<16xi32>
        tpu.vector_store_idx %arg11[%add3A_25, %broadcast_in_dim3A_135], %gather3A_69 : memref<256x16xf32, #tpu.memory_space<vmem>>[vector<16xi32>, vector<16xi32>], vector<16xf32>,
        %broadcast_in_dim3A_136 = arith.constant 8 : i32
        %broadcast_in_dim3A_137 = vector.broadcast %broadcast_in_dim3A_136 : i32 to vector<16xi32>
        tpu.vector_store_idx %arg11[%add3A_25, %broadcast_in_dim3A_137], %gather3A_72 : memref<256x16xf32, #tpu.memory_space<vmem>>[vector<16xi32>, vector<16xi32>], vector<16xf32>,
        %broadcast_in_dim3A_138 = arith.constant 12 : i32
        %broadcast_in_dim3A_139 = vector.broadcast %broadcast_in_dim3A_138 : i32 to vector<16xi32>
        tpu.vector_store_idx %arg11[%add3A_25, %broadcast_in_dim3A_139], %mul3A_77 : memref<256x16xf32, #tpu.memory_space<vmem>>[vector<16xi32>, vector<16xi32>], vector<16xf32>,
        %broadcast_in_dim3A_140 = arith.constant 13 : i32
        %broadcast_in_dim3A_141 = vector.broadcast %broadcast_in_dim3A_140 : i32 to vector<16xi32>
        tpu.vector_store_idx %arg11[%add3A_25, %broadcast_in_dim3A_141], %mul3A_82 : memref<256x16xf32, #tpu.memory_space<vmem>>[vector<16xi32>, vector<16xi32>], vector<16xf32>,
        %broadcast_in_dim3A_142 = arith.constant 14 : i32
        %broadcast_in_dim3A_143 = vector.broadcast %broadcast_in_dim3A_142 : i32 to vector<16xi32>
        tpu.vector_store_idx %arg11[%add3A_25, %broadcast_in_dim3A_143], %mul3A_87 : memref<256x16xf32, #tpu.memory_space<vmem>>[vector<16xi32>, vector<16xi32>], vector<16xf32>,
      }
      %scan3A_17 = arith.constant 16 : i32
      "tpu.region"() ({
        %run_scoped3A = tpu.sem_alloc : memref<!tpu.dma_semaphore, #tpu.memory_space<semaphore_mem>>
        %dma_start3A = arith.constant 0 : i32
        %dma_start3A_21 = tpu.memref_slice %arg4[%scan3A_11, %mul3A_2, %dma_start3A] : memref<16x8192x4xf32, #tpu.memory_space<hbm>> -> memref<1x256x4xf32, #tpu.memory_space<hbm>>
        %dma_start3A_22 = tpu.memref_squeeze %dma_start3A_21 : memref<1x256x4xf32, #tpu.memory_space<hbm>> -> memref<256x4xf32, #tpu.memory_space<hbm>>
        %dma_start3A_23 = arith.constant 0 : i32
        %dma_start3A_24 = tpu.memref_slice %arg4[%scan3A_11, %mul3A_2, %dma_start3A_23] : memref<16x8192x4xf32, #tpu.memory_space<hbm>> -> memref<1x256x4xf32, #tpu.memory_space<hbm>>
        %dma_start3A_25 = tpu.memref_squeeze %dma_start3A_24 : memref<1x256x4xf32, #tpu.memory_space<hbm>> -> memref<256x4xf32, #tpu.memory_space<hbm>>
        tpu.enqueue_dma source(%arg9 : memref<256x4xf32, #tpu.memory_space<vmem>>) target(%dma_start3A_25 : memref<256x4xf32, #tpu.memory_space<hbm>>) target_semaphore(%run_scoped3A : memref<!tpu.dma_semaphore, #tpu.memory_space<semaphore_mem>>)
        %dma_wait3A = arith.constant 0 : i32
        %dma_wait3A_26 = tpu.memref_slice %arg4[%scan3A_11, %mul3A_2, %dma_wait3A] : memref<16x8192x4xf32, #tpu.memory_space<hbm>> -> memref<1x256x4xf32, #tpu.memory_space<hbm>>
        %dma_wait3A_27 = tpu.memref_squeeze %dma_wait3A_26 : memref<1x256x4xf32, #tpu.memory_space<hbm>> -> memref<256x4xf32, #tpu.memory_space<hbm>>
        %dma_wait3A_28 = arith.constant 0 : i32
        %dma_wait3A_29 = tpu.memref_slice %arg4[%scan3A_11, %mul3A_2, %dma_wait3A_28] : memref<16x8192x4xf32, #tpu.memory_space<hbm>> -> memref<1x256x4xf32, #tpu.memory_space<hbm>>
        %dma_wait3A_30 = tpu.memref_squeeze %dma_wait3A_29 : memref<1x256x4xf32, #tpu.memory_space<hbm>> -> memref<256x4xf32, #tpu.memory_space<hbm>>
        tpu.wait_dma2 semaphore(%run_scoped3A : memref<!tpu.dma_semaphore, #tpu.memory_space<semaphore_mem>>) src(%arg9 : memref<256x4xf32, #tpu.memory_space<vmem>>) dst(%dma_wait3A_30 : memref<256x4xf32, #tpu.memory_space<hbm>>)
        tpu.yield
      }) : () -> ()
      "tpu.region"() ({
        %run_scoped3A = tpu.sem_alloc : memref<!tpu.dma_semaphore, #tpu.memory_space<semaphore_mem>>
        %dma_start3A = arith.constant 0 : i32
        %dma_start3A_21 = tpu.memref_slice %arg5[%scan3A_11, %dma_start3A, %mul3A_2] : memref<16x4x8192xf32, #tpu.memory_space<hbm>> -> memref<1x4x256xf32, #tpu.memory_space<hbm>>
        %dma_start3A_22 = tpu.memref_squeeze %dma_start3A_21 : memref<1x4x256xf32, #tpu.memory_space<hbm>> -> memref<4x256xf32, #tpu.memory_space<hbm>>
        %dma_start3A_23 = arith.constant 0 : i32
        %dma_start3A_24 = tpu.memref_slice %arg5[%scan3A_11, %dma_start3A_23, %mul3A_2] : memref<16x4x8192xf32, #tpu.memory_space<hbm>> -> memref<1x4x256xf32, #tpu.memory_space<hbm>>
        %dma_start3A_25 = tpu.memref_squeeze %dma_start3A_24 : memref<1x4x256xf32, #tpu.memory_space<hbm>> -> memref<4x256xf32, #tpu.memory_space<hbm>>
        tpu.enqueue_dma source(%arg10 : memref<4x256xf32, #tpu.memory_space<vmem>>) target(%dma_start3A_25 : memref<4x256xf32, #tpu.memory_space<hbm>>) target_semaphore(%run_scoped3A : memref<!tpu.dma_semaphore, #tpu.memory_space<semaphore_mem>>)
        %dma_wait3A = arith.constant 0 : i32
        %dma_wait3A_26 = tpu.memref_slice %arg5[%scan3A_11, %dma_wait3A, %mul3A_2] : memref<16x4x8192xf32, #tpu.memory_space<hbm>> -> memref<1x4x256xf32, #tpu.memory_space<hbm>>
        %dma_wait3A_27 = tpu.memref_squeeze %dma_wait3A_26 : memref<1x4x256xf32, #tpu.memory_space<hbm>> -> memref<4x256xf32, #tpu.memory_space<hbm>>
        %dma_wait3A_28 = arith.constant 0 : i32
        %dma_wait3A_29 = tpu.memref_slice %arg5[%scan3A_11, %dma_wait3A_28, %mul3A_2] : memref<16x4x8192xf32, #tpu.memory_space<hbm>> -> memref<1x4x256xf32, #tpu.memory_space<hbm>>
        %dma_wait3A_30 = tpu.memref_squeeze %dma_wait3A_29 : memref<1x4x256xf32, #tpu.memory_space<hbm>> -> memref<4x256xf32, #tpu.memory_space<hbm>>
        tpu.wait_dma2 semaphore(%run_scoped3A : memref<!tpu.dma_semaphore, #tpu.memory_space<semaphore_mem>>) src(%arg10 : memref<4x256xf32, #tpu.memory_space<vmem>>) dst(%dma_wait3A_30 : memref<4x256xf32, #tpu.memory_space<hbm>>)
        tpu.yield
      }) : () -> ()
      %mul3A_18 = arith.constant 8192 : i32
      %mul3A_19 = arith.muli %scan3A_11, %mul3A_18 : i32
      %add3A_20 = arith.addi %mul3A_19, %mul3A_2 : i32
      "tpu.region"() ({
        %run_scoped3A = tpu.sem_alloc : memref<!tpu.dma_semaphore, #tpu.memory_space<semaphore_mem>>
        %dma_start3A = arith.constant 0 : i32
        %dma_start3A_21 = tpu.memref_slice %arg6[%add3A_20, %dma_start3A] : memref<131072x16xf32, #tpu.memory_space<hbm>> -> memref<256x16xf32, #tpu.memory_space<hbm>>
        %dma_start3A_22 = arith.constant 0 : i32
        %dma_start3A_23 = tpu.memref_slice %arg6[%add3A_20, %dma_start3A_22] : memref<131072x16xf32, #tpu.memory_space<hbm>> -> memref<256x16xf32, #tpu.memory_space<hbm>>
        tpu.enqueue_dma source(%arg11 : memref<256x16xf32, #tpu.memory_space<vmem>>) target(%dma_start3A_23 : memref<256x16xf32, #tpu.memory_space<hbm>>) target_semaphore(%run_scoped3A : memref<!tpu.dma_semaphore, #tpu.memory_space<semaphore_mem>>)
        %dma_wait3A = arith.constant 0 : i32
        %dma_wait3A_24 = tpu.memref_slice %arg6[%add3A_20, %dma_wait3A] : memref<131072x16xf32, #tpu.memory_space<hbm>> -> memref<256x16xf32, #tpu.memory_space<hbm>>
        %dma_wait3A_25 = arith.constant 0 : i32
        %dma_wait3A_26 = tpu.memref_slice %arg6[%add3A_20, %dma_wait3A_25] : memref<131072x16xf32, #tpu.memory_space<hbm>> -> memref<256x16xf32, #tpu.memory_space<hbm>>
        tpu.wait_dma2 semaphore(%run_scoped3A : memref<!tpu.dma_semaphore, #tpu.memory_space<semaphore_mem>>) src(%arg11 : memref<256x16xf32, #tpu.memory_space<vmem>>) dst(%dma_wait3A_26 : memref<256x16xf32, #tpu.memory_space<hbm>>)
        tpu.yield
      }) : () -> ()
    }
    %scan3A_10 = arith.constant 16 : i32
    return
  }
}

module attributes {stable_mosaic.version = 14 : i64} {
  func.func @_knn_body(%arg0: i32, %arg1: i32, %arg2: memref<1x256x4xf32, #tpu.memory_space<vmem>>, %arg3: memref<1x4x8192xf32, #tpu.memory_space<vmem>>, %arg4: memref<1x256x8xi32, #tpu.memory_space<vmem>>, %arg5: memref<256x8192xf32, #tpu.memory_space<vmem>>) attributes {dimension_semantics = [#tpu.dimension_semantics<arbitrary>, #tpu.dimension_semantics<arbitrary>], iteration_bounds = array<i64: 16, 32>, scalar_prefetch = 0 : i64, scratch_operands = 1 : i64, tpu.core_type = #tpu.core_type<tc>, window_params = [{transform_indices = @transform_0, window_bounds = array<i64: 1, 256, 4>}, {transform_indices = @transform_1, window_bounds = array<i64: 1, 4, 8192>}, {transform_indices = @transform_2, window_bounds = array<i64: 1, 256, 8>}]} {
    %get3A = arith.constant 0 : index
    %get3A_0 = arith.constant 0 : index
    %get3A_1 = arith.constant 0 : index
    %get3A_2 = vector.load %arg2[%get3A, %get3A_0, %get3A_1] : memref<1x256x4xf32, #tpu.memory_space<vmem>>, vector<1x256x4xf32>
    %get3A_3 = vector.shape_cast %get3A_2 : vector<1x256x4xf32> to vector<256x4xf32>
    %get3A_4 = arith.constant 0 : index
    %get3A_5 = arith.constant 0 : index
    %get3A_6 = arith.constant 0 : index
    %get3A_7 = vector.load %arg3[%get3A_4, %get3A_5, %get3A_6] : memref<1x4x8192xf32, #tpu.memory_space<vmem>>, vector<1x4x8192xf32>
    %get3A_8 = vector.shape_cast %get3A_7 : vector<1x4x8192xf32> to vector<4x8192xf32>
    %dot_general3A = arith.constant dense<0.000000e+00> : vector<256x8192xf32>
    %dot_general3A_9 = tpu.matmul %get3A_3, %get3A_8, %dot_general3A {dimension_numbers = #tpu.dot_dimension_numbers<[1], [0], [0], [1], [0, 0, 1, 1], [], []>, transpose_lhs_hint = false} : vector<256x4xf32>, vector<4x8192xf32>, vector<256x8192xf32> -> vector<256x8192xf32>
    %swap3A = arith.constant 0 : index
    %swap3A_10 = arith.constant 0 : index
    %swap3A_11 = vector.load %arg5[%swap3A, %swap3A_10] : memref<256x8192xf32, #tpu.memory_space<vmem>>, vector<256x8192xf32>
    tpu.vector_store %arg5[%swap3A, %swap3A_10], %dot_general3A_9 {strides = array<i32>} : memref<256x8192xf32, #tpu.memory_space<vmem>>, vector<256x8192xf32>,
    %iota3A = tpu.iota {dimensions = array<i32: 0>} : vector<256x256xi32>
    %iota3A_12 = tpu.iota {dimensions = array<i32: 1>} : vector<256x256xi32>
    %eq3A = arith.cmpi eq, %iota3A, %iota3A_12 : vector<256x256xi32>
    %mul3A = arith.constant 256 : i32
    %mul3A_13 = arith.muli %arg1, %mul3A : i32
    %get3A_14 = arith.constant 0 : index
    %get3A_15 = arith.index_cast %mul3A_13 : i32 to index
    %get3A_16 = vector.load %arg5[%get3A_14, %get3A_15] : memref<256x8192xf32, #tpu.memory_space<vmem>>, vector<256x256xf32>
    %jit3A = arith.constant 1.000000e+30 : f32
    %broadcast_in_dim3A = vector.broadcast %jit3A : f32 to vector<256x256xf32>
    %select_n3A = arith.select %eq3A, %broadcast_in_dim3A, %get3A_16 : vector<256x256xi1>, vector<256x256xf32>
    %mul3A_17 = arith.constant 256 : i32
    %mul3A_18 = arith.muli %arg1, %mul3A_17 : i32
    %swap3A_19 = arith.constant 0 : index
    %swap3A_20 = arith.index_cast %mul3A_18 : i32 to index
    %swap3A_21 = vector.load %arg5[%swap3A_19, %swap3A_20] : memref<256x8192xf32, #tpu.memory_space<vmem>>, vector<256x256xf32>
    tpu.vector_store %arg5[%swap3A_19, %swap3A_20], %select_n3A {strides = array<i32>} : memref<256x8192xf32, #tpu.memory_space<vmem>>, vector<256x256xf32>,
    %iota3A_22 = tpu.iota {dimensions = array<i32: 1>} : vector<256x128xi32>
    %broadcast_in_dim3A_23 = arith.constant 1.000000e+30 : f32
    %broadcast_in_dim3A_24 = vector.broadcast %broadcast_in_dim3A_23 : f32 to vector<256x128xf32>
    %broadcast_in_dim3A_25 = arith.constant 0 : i32
    %broadcast_in_dim3A_26 = vector.broadcast %broadcast_in_dim3A_25 : i32 to vector<256x128xi32>
    %scan3A = arith.constant 0 : i32
    %scan3A_27 = arith.constant 4 : i32
    %scan3A_28 = arith.addi %scan3A, %scan3A_27 : i32
    %scan3A_29 = arith.constant 1 : i32
    %scan3A_30:6 = scf.for %scan3A_251 = %scan3A to %scan3A_28 step %scan3A_29 iter_args(%scan3A_252 = %broadcast_in_dim3A_24, %scan3A_253 = %broadcast_in_dim3A_24, %scan3A_254 = %broadcast_in_dim3A_24, %scan3A_255 = %broadcast_in_dim3A_26, %scan3A_256 = %broadcast_in_dim3A_26, %scan3A_257 = %broadcast_in_dim3A_26) -> (vector<256x128xf32>, vector<256x128xf32>, vector<256x128xf32>, vector<256x128xi32>, vector<256x128xi32>, vector<256x128xi32>)  : i32 {
      %mul3A_258 = arith.constant 16 : i32
      %mul3A_259 = arith.muli %scan3A_251, %mul3A_258 : i32
      %add3A_260 = arith.constant 0 : i32
      %add3A_261 = arith.addi %mul3A_259, %add3A_260 : i32
      %mul3A_262 = arith.constant 128 : i32
      %mul3A_263 = arith.muli %add3A_261, %mul3A_262 : i32
      %get3A_264 = arith.constant 0 : index
      %get3A_265 = arith.index_cast %mul3A_263 : i32 to index
      %get3A_266 = vector.load %arg5[%get3A_264, %get3A_265] : memref<256x8192xf32, #tpu.memory_space<vmem>>, vector<256x128xf32>
      %broadcast_in_dim3A_267 = vector.broadcast %add3A_261 : i32 to vector<256x128xi32>
      %lt3A = arith.cmpf olt, %get3A_266, %scan3A_252 : vector<256x128xf32>
      %max3A = arith.maximumf %scan3A_252, %get3A_266 : vector<256x128xf32>
      %select_n3A_268 = arith.select %lt3A, %scan3A_255, %broadcast_in_dim3A_267 : vector<256x128xi1>, vector<256x128xi32>
      %min3A = arith.minimumf %scan3A_252, %get3A_266 : vector<256x128xf32>
      %select_n3A_269 = arith.select %lt3A, %broadcast_in_dim3A_267, %scan3A_255 : vector<256x128xi1>, vector<256x128xi32>
      %lt3A_270 = arith.cmpf olt, %max3A, %scan3A_253 : vector<256x128xf32>
      %max3A_271 = arith.maximumf %scan3A_253, %max3A : vector<256x128xf32>
      %select_n3A_272 = arith.select %lt3A_270, %scan3A_256, %select_n3A_268 : vector<256x128xi1>, vector<256x128xi32>
      %min3A_273 = arith.minimumf %scan3A_253, %max3A : vector<256x128xf32>
      %select_n3A_274 = arith.select %lt3A_270, %select_n3A_268, %scan3A_256 : vector<256x128xi1>, vector<256x128xi32>
      %lt3A_275 = arith.cmpf olt, %max3A_271, %scan3A_254 : vector<256x128xf32>
      %min3A_276 = arith.minimumf %scan3A_254, %max3A_271 : vector<256x128xf32>
      %select_n3A_277 = arith.select %lt3A_275, %select_n3A_272, %scan3A_257 : vector<256x128xi1>, vector<256x128xi32>
      %mul3A_278 = arith.constant 16 : i32
      %mul3A_279 = arith.muli %scan3A_251, %mul3A_278 : i32
      %add3A_280 = arith.constant 1 : i32
      %add3A_281 = arith.addi %mul3A_279, %add3A_280 : i32
      %mul3A_282 = arith.constant 128 : i32
      %mul3A_283 = arith.muli %add3A_281, %mul3A_282 : i32
      %get3A_284 = arith.constant 0 : index
      %get3A_285 = arith.index_cast %mul3A_283 : i32 to index
      %get3A_286 = vector.load %arg5[%get3A_284, %get3A_285] : memref<256x8192xf32, #tpu.memory_space<vmem>>, vector<256x128xf32>
      %broadcast_in_dim3A_287 = vector.broadcast %add3A_281 : i32 to vector<256x128xi32>
      %lt3A_288 = arith.cmpf olt, %get3A_286, %min3A : vector<256x128xf32>
      %max3A_289 = arith.maximumf %min3A, %get3A_286 : vector<256x128xf32>
      %select_n3A_290 = arith.select %lt3A_288, %select_n3A_269, %broadcast_in_dim3A_287 : vector<256x128xi1>, vector<256x128xi32>
      %min3A_291 = arith.minimumf %min3A, %get3A_286 : vector<256x128xf32>
      %select_n3A_292 = arith.select %lt3A_288, %broadcast_in_dim3A_287, %select_n3A_269 : vector<256x128xi1>, vector<256x128xi32>
      %lt3A_293 = arith.cmpf olt, %max3A_289, %min3A_273 : vector<256x128xf32>
      %max3A_294 = arith.maximumf %min3A_273, %max3A_289 : vector<256x128xf32>
      %select_n3A_295 = arith.select %lt3A_293, %select_n3A_274, %select_n3A_290 : vector<256x128xi1>, vector<256x128xi32>
      %min3A_296 = arith.minimumf %min3A_273, %max3A_289 : vector<256x128xf32>
      %select_n3A_297 = arith.select %lt3A_293, %select_n3A_290, %select_n3A_274 : vector<256x128xi1>, vector<256x128xi32>
      %lt3A_298 = arith.cmpf olt, %max3A_294, %min3A_276 : vector<256x128xf32>
      %min3A_299 = arith.minimumf %min3A_276, %max3A_294 : vector<256x128xf32>
      %select_n3A_300 = arith.select %lt3A_298, %select_n3A_295, %select_n3A_277 : vector<256x128xi1>, vector<256x128xi32>
      %mul3A_301 = arith.constant 16 : i32
      %mul3A_302 = arith.muli %scan3A_251, %mul3A_301 : i32
      %add3A_303 = arith.constant 2 : i32
      %add3A_304 = arith.addi %mul3A_302, %add3A_303 : i32
      %mul3A_305 = arith.constant 128 : i32
      %mul3A_306 = arith.muli %add3A_304, %mul3A_305 : i32
      %get3A_307 = arith.constant 0 : index
      %get3A_308 = arith.index_cast %mul3A_306 : i32 to index
      %get3A_309 = vector.load %arg5[%get3A_307, %get3A_308] : memref<256x8192xf32, #tpu.memory_space<vmem>>, vector<256x128xf32>
      %broadcast_in_dim3A_310 = vector.broadcast %add3A_304 : i32 to vector<256x128xi32>
      %lt3A_311 = arith.cmpf olt, %get3A_309, %min3A_291 : vector<256x128xf32>
      %max3A_312 = arith.maximumf %min3A_291, %get3A_309 : vector<256x128xf32>
      %select_n3A_313 = arith.select %lt3A_311, %select_n3A_292, %broadcast_in_dim3A_310 : vector<256x128xi1>, vector<256x128xi32>
      %min3A_314 = arith.minimumf %min3A_291, %get3A_309 : vector<256x128xf32>
      %select_n3A_315 = arith.select %lt3A_311, %broadcast_in_dim3A_310, %select_n3A_292 : vector<256x128xi1>, vector<256x128xi32>
      %lt3A_316 = arith.cmpf olt, %max3A_312, %min3A_296 : vector<256x128xf32>
      %max3A_317 = arith.maximumf %min3A_296, %max3A_312 : vector<256x128xf32>
      %select_n3A_318 = arith.select %lt3A_316, %select_n3A_297, %select_n3A_313 : vector<256x128xi1>, vector<256x128xi32>
      %min3A_319 = arith.minimumf %min3A_296, %max3A_312 : vector<256x128xf32>
      %select_n3A_320 = arith.select %lt3A_316, %select_n3A_313, %select_n3A_297 : vector<256x128xi1>, vector<256x128xi32>
      %lt3A_321 = arith.cmpf olt, %max3A_317, %min3A_299 : vector<256x128xf32>
      %min3A_322 = arith.minimumf %min3A_299, %max3A_317 : vector<256x128xf32>
      %select_n3A_323 = arith.select %lt3A_321, %select_n3A_318, %select_n3A_300 : vector<256x128xi1>, vector<256x128xi32>
      %mul3A_324 = arith.constant 16 : i32
      %mul3A_325 = arith.muli %scan3A_251, %mul3A_324 : i32
      %add3A_326 = arith.constant 3 : i32
      %add3A_327 = arith.addi %mul3A_325, %add3A_326 : i32
      %mul3A_328 = arith.constant 128 : i32
      %mul3A_329 = arith.muli %add3A_327, %mul3A_328 : i32
      %get3A_330 = arith.constant 0 : index
      %get3A_331 = arith.index_cast %mul3A_329 : i32 to index
      %get3A_332 = vector.load %arg5[%get3A_330, %get3A_331] : memref<256x8192xf32, #tpu.memory_space<vmem>>, vector<256x128xf32>
      %broadcast_in_dim3A_333 = vector.broadcast %add3A_327 : i32 to vector<256x128xi32>
      %lt3A_334 = arith.cmpf olt, %get3A_332, %min3A_314 : vector<256x128xf32>
      %max3A_335 = arith.maximumf %min3A_314, %get3A_332 : vector<256x128xf32>
      %select_n3A_336 = arith.select %lt3A_334, %select_n3A_315, %broadcast_in_dim3A_333 : vector<256x128xi1>, vector<256x128xi32>
      %min3A_337 = arith.minimumf %min3A_314, %get3A_332 : vector<256x128xf32>
      %select_n3A_338 = arith.select %lt3A_334, %broadcast_in_dim3A_333, %select_n3A_315 : vector<256x128xi1>, vector<256x128xi32>
      %lt3A_339 = arith.cmpf olt, %max3A_335, %min3A_319 : vector<256x128xf32>
      %max3A_340 = arith.maximumf %min3A_319, %max3A_335 : vector<256x128xf32>
      %select_n3A_341 = arith.select %lt3A_339, %select_n3A_320, %select_n3A_336 : vector<256x128xi1>, vector<256x128xi32>
      %min3A_342 = arith.minimumf %min3A_319, %max3A_335 : vector<256x128xf32>
      %select_n3A_343 = arith.select %lt3A_339, %select_n3A_336, %select_n3A_320 : vector<256x128xi1>, vector<256x128xi32>
      %lt3A_344 = arith.cmpf olt, %max3A_340, %min3A_322 : vector<256x128xf32>
      %min3A_345 = arith.minimumf %min3A_322, %max3A_340 : vector<256x128xf32>
      %select_n3A_346 = arith.select %lt3A_344, %select_n3A_341, %select_n3A_323 : vector<256x128xi1>, vector<256x128xi32>
      %mul3A_347 = arith.constant 16 : i32
      %mul3A_348 = arith.muli %scan3A_251, %mul3A_347 : i32
      %add3A_349 = arith.constant 4 : i32
      %add3A_350 = arith.addi %mul3A_348, %add3A_349 : i32
      %mul3A_351 = arith.constant 128 : i32
      %mul3A_352 = arith.muli %add3A_350, %mul3A_351 : i32
      %get3A_353 = arith.constant 0 : index
      %get3A_354 = arith.index_cast %mul3A_352 : i32 to index
      %get3A_355 = vector.load %arg5[%get3A_353, %get3A_354] : memref<256x8192xf32, #tpu.memory_space<vmem>>, vector<256x128xf32>
      %broadcast_in_dim3A_356 = vector.broadcast %add3A_350 : i32 to vector<256x128xi32>
      %lt3A_357 = arith.cmpf olt, %get3A_355, %min3A_337 : vector<256x128xf32>
      %max3A_358 = arith.maximumf %min3A_337, %get3A_355 : vector<256x128xf32>
      %select_n3A_359 = arith.select %lt3A_357, %select_n3A_338, %broadcast_in_dim3A_356 : vector<256x128xi1>, vector<256x128xi32>
      %min3A_360 = arith.minimumf %min3A_337, %get3A_355 : vector<256x128xf32>
      %select_n3A_361 = arith.select %lt3A_357, %broadcast_in_dim3A_356, %select_n3A_338 : vector<256x128xi1>, vector<256x128xi32>
      %lt3A_362 = arith.cmpf olt, %max3A_358, %min3A_342 : vector<256x128xf32>
      %max3A_363 = arith.maximumf %min3A_342, %max3A_358 : vector<256x128xf32>
      %select_n3A_364 = arith.select %lt3A_362, %select_n3A_343, %select_n3A_359 : vector<256x128xi1>, vector<256x128xi32>
      %min3A_365 = arith.minimumf %min3A_342, %max3A_358 : vector<256x128xf32>
      %select_n3A_366 = arith.select %lt3A_362, %select_n3A_359, %select_n3A_343 : vector<256x128xi1>, vector<256x128xi32>
      %lt3A_367 = arith.cmpf olt, %max3A_363, %min3A_345 : vector<256x128xf32>
      %min3A_368 = arith.minimumf %min3A_345, %max3A_363 : vector<256x128xf32>
      %select_n3A_369 = arith.select %lt3A_367, %select_n3A_364, %select_n3A_346 : vector<256x128xi1>, vector<256x128xi32>
      %mul3A_370 = arith.constant 16 : i32
      %mul3A_371 = arith.muli %scan3A_251, %mul3A_370 : i32
      %add3A_372 = arith.constant 5 : i32
      %add3A_373 = arith.addi %mul3A_371, %add3A_372 : i32
      %mul3A_374 = arith.constant 128 : i32
      %mul3A_375 = arith.muli %add3A_373, %mul3A_374 : i32
      %get3A_376 = arith.constant 0 : index
      %get3A_377 = arith.index_cast %mul3A_375 : i32 to index
      %get3A_378 = vector.load %arg5[%get3A_376, %get3A_377] : memref<256x8192xf32, #tpu.memory_space<vmem>>, vector<256x128xf32>
      %broadcast_in_dim3A_379 = vector.broadcast %add3A_373 : i32 to vector<256x128xi32>
      %lt3A_380 = arith.cmpf olt, %get3A_378, %min3A_360 : vector<256x128xf32>
      %max3A_381 = arith.maximumf %min3A_360, %get3A_378 : vector<256x128xf32>
      %select_n3A_382 = arith.select %lt3A_380, %select_n3A_361, %broadcast_in_dim3A_379 : vector<256x128xi1>, vector<256x128xi32>
      %min3A_383 = arith.minimumf %min3A_360, %get3A_378 : vector<256x128xf32>
      %select_n3A_384 = arith.select %lt3A_380, %broadcast_in_dim3A_379, %select_n3A_361 : vector<256x128xi1>, vector<256x128xi32>
      %lt3A_385 = arith.cmpf olt, %max3A_381, %min3A_365 : vector<256x128xf32>
      %max3A_386 = arith.maximumf %min3A_365, %max3A_381 : vector<256x128xf32>
      %select_n3A_387 = arith.select %lt3A_385, %select_n3A_366, %select_n3A_382 : vector<256x128xi1>, vector<256x128xi32>
      %min3A_388 = arith.minimumf %min3A_365, %max3A_381 : vector<256x128xf32>
      %select_n3A_389 = arith.select %lt3A_385, %select_n3A_382, %select_n3A_366 : vector<256x128xi1>, vector<256x128xi32>
      %lt3A_390 = arith.cmpf olt, %max3A_386, %min3A_368 : vector<256x128xf32>
      %min3A_391 = arith.minimumf %min3A_368, %max3A_386 : vector<256x128xf32>
      %select_n3A_392 = arith.select %lt3A_390, %select_n3A_387, %select_n3A_369 : vector<256x128xi1>, vector<256x128xi32>
      %mul3A_393 = arith.constant 16 : i32
      %mul3A_394 = arith.muli %scan3A_251, %mul3A_393 : i32
      %add3A_395 = arith.constant 6 : i32
      %add3A_396 = arith.addi %mul3A_394, %add3A_395 : i32
      %mul3A_397 = arith.constant 128 : i32
      %mul3A_398 = arith.muli %add3A_396, %mul3A_397 : i32
      %get3A_399 = arith.constant 0 : index
      %get3A_400 = arith.index_cast %mul3A_398 : i32 to index
      %get3A_401 = vector.load %arg5[%get3A_399, %get3A_400] : memref<256x8192xf32, #tpu.memory_space<vmem>>, vector<256x128xf32>
      %broadcast_in_dim3A_402 = vector.broadcast %add3A_396 : i32 to vector<256x128xi32>
      %lt3A_403 = arith.cmpf olt, %get3A_401, %min3A_383 : vector<256x128xf32>
      %max3A_404 = arith.maximumf %min3A_383, %get3A_401 : vector<256x128xf32>
      %select_n3A_405 = arith.select %lt3A_403, %select_n3A_384, %broadcast_in_dim3A_402 : vector<256x128xi1>, vector<256x128xi32>
      %min3A_406 = arith.minimumf %min3A_383, %get3A_401 : vector<256x128xf32>
      %select_n3A_407 = arith.select %lt3A_403, %broadcast_in_dim3A_402, %select_n3A_384 : vector<256x128xi1>, vector<256x128xi32>
      %lt3A_408 = arith.cmpf olt, %max3A_404, %min3A_388 : vector<256x128xf32>
      %max3A_409 = arith.maximumf %min3A_388, %max3A_404 : vector<256x128xf32>
      %select_n3A_410 = arith.select %lt3A_408, %select_n3A_389, %select_n3A_405 : vector<256x128xi1>, vector<256x128xi32>
      %min3A_411 = arith.minimumf %min3A_388, %max3A_404 : vector<256x128xf32>
      %select_n3A_412 = arith.select %lt3A_408, %select_n3A_405, %select_n3A_389 : vector<256x128xi1>, vector<256x128xi32>
      %lt3A_413 = arith.cmpf olt, %max3A_409, %min3A_391 : vector<256x128xf32>
      %min3A_414 = arith.minimumf %min3A_391, %max3A_409 : vector<256x128xf32>
      %select_n3A_415 = arith.select %lt3A_413, %select_n3A_410, %select_n3A_392 : vector<256x128xi1>, vector<256x128xi32>
      %mul3A_416 = arith.constant 16 : i32
      %mul3A_417 = arith.muli %scan3A_251, %mul3A_416 : i32
      %add3A_418 = arith.constant 7 : i32
      %add3A_419 = arith.addi %mul3A_417, %add3A_418 : i32
      %mul3A_420 = arith.constant 128 : i32
      %mul3A_421 = arith.muli %add3A_419, %mul3A_420 : i32
      %get3A_422 = arith.constant 0 : index
      %get3A_423 = arith.index_cast %mul3A_421 : i32 to index
      %get3A_424 = vector.load %arg5[%get3A_422, %get3A_423] : memref<256x8192xf32, #tpu.memory_space<vmem>>, vector<256x128xf32>
      %broadcast_in_dim3A_425 = vector.broadcast %add3A_419 : i32 to vector<256x128xi32>
      %lt3A_426 = arith.cmpf olt, %get3A_424, %min3A_406 : vector<256x128xf32>
      %max3A_427 = arith.maximumf %min3A_406, %get3A_424 : vector<256x128xf32>
      %select_n3A_428 = arith.select %lt3A_426, %select_n3A_407, %broadcast_in_dim3A_425 : vector<256x128xi1>, vector<256x128xi32>
      %min3A_429 = arith.minimumf %min3A_406, %get3A_424 : vector<256x128xf32>
      %select_n3A_430 = arith.select %lt3A_426, %broadcast_in_dim3A_425, %select_n3A_407 : vector<256x128xi1>, vector<256x128xi32>
      %lt3A_431 = arith.cmpf olt, %max3A_427, %min3A_411 : vector<256x128xf32>
      %max3A_432 = arith.maximumf %min3A_411, %max3A_427 : vector<256x128xf32>
      %select_n3A_433 = arith.select %lt3A_431, %select_n3A_412, %select_n3A_428 : vector<256x128xi1>, vector<256x128xi32>
      %min3A_434 = arith.minimumf %min3A_411, %max3A_427 : vector<256x128xf32>
      %select_n3A_435 = arith.select %lt3A_431, %select_n3A_428, %select_n3A_412 : vector<256x128xi1>, vector<256x128xi32>
      %lt3A_436 = arith.cmpf olt, %max3A_432, %min3A_414 : vector<256x128xf32>
      %min3A_437 = arith.minimumf %min3A_414, %max3A_432 : vector<256x128xf32>
      %select_n3A_438 = arith.select %lt3A_436, %select_n3A_433, %select_n3A_415 : vector<256x128xi1>, vector<256x128xi32>
      %mul3A_439 = arith.constant 16 : i32
      %mul3A_440 = arith.muli %scan3A_251, %mul3A_439 : i32
      %add3A_441 = arith.constant 8 : i32
      %add3A_442 = arith.addi %mul3A_440, %add3A_441 : i32
      %mul3A_443 = arith.constant 128 : i32
      %mul3A_444 = arith.muli %add3A_442, %mul3A_443 : i32
      %get3A_445 = arith.constant 0 : index
      %get3A_446 = arith.index_cast %mul3A_444 : i32 to index
      %get3A_447 = vector.load %arg5[%get3A_445, %get3A_446] : memref<256x8192xf32, #tpu.memory_space<vmem>>, vector<256x128xf32>
      %broadcast_in_dim3A_448 = vector.broadcast %add3A_442 : i32 to vector<256x128xi32>
      %lt3A_449 = arith.cmpf olt, %get3A_447, %min3A_429 : vector<256x128xf32>
      %max3A_450 = arith.maximumf %min3A_429, %get3A_447 : vector<256x128xf32>
      %select_n3A_451 = arith.select %lt3A_449, %select_n3A_430, %broadcast_in_dim3A_448 : vector<256x128xi1>, vector<256x128xi32>
      %min3A_452 = arith.minimumf %min3A_429, %get3A_447 : vector<256x128xf32>
      %select_n3A_453 = arith.select %lt3A_449, %broadcast_in_dim3A_448, %select_n3A_430 : vector<256x128xi1>, vector<256x128xi32>
      %lt3A_454 = arith.cmpf olt, %max3A_450, %min3A_434 : vector<256x128xf32>
      %max3A_455 = arith.maximumf %min3A_434, %max3A_450 : vector<256x128xf32>
      %select_n3A_456 = arith.select %lt3A_454, %select_n3A_435, %select_n3A_451 : vector<256x128xi1>, vector<256x128xi32>
      %min3A_457 = arith.minimumf %min3A_434, %max3A_450 : vector<256x128xf32>
      %select_n3A_458 = arith.select %lt3A_454, %select_n3A_451, %select_n3A_435 : vector<256x128xi1>, vector<256x128xi32>
      %lt3A_459 = arith.cmpf olt, %max3A_455, %min3A_437 : vector<256x128xf32>
      %min3A_460 = arith.minimumf %min3A_437, %max3A_455 : vector<256x128xf32>
      %select_n3A_461 = arith.select %lt3A_459, %select_n3A_456, %select_n3A_438 : vector<256x128xi1>, vector<256x128xi32>
      %mul3A_462 = arith.constant 16 : i32
      %mul3A_463 = arith.muli %scan3A_251, %mul3A_462 : i32
      %add3A_464 = arith.constant 9 : i32
      %add3A_465 = arith.addi %mul3A_463, %add3A_464 : i32
      %mul3A_466 = arith.constant 128 : i32
      %mul3A_467 = arith.muli %add3A_465, %mul3A_466 : i32
      %get3A_468 = arith.constant 0 : index
      %get3A_469 = arith.index_cast %mul3A_467 : i32 to index
      %get3A_470 = vector.load %arg5[%get3A_468, %get3A_469] : memref<256x8192xf32, #tpu.memory_space<vmem>>, vector<256x128xf32>
      %broadcast_in_dim3A_471 = vector.broadcast %add3A_465 : i32 to vector<256x128xi32>
      %lt3A_472 = arith.cmpf olt, %get3A_470, %min3A_452 : vector<256x128xf32>
      %max3A_473 = arith.maximumf %min3A_452, %get3A_470 : vector<256x128xf32>
      %select_n3A_474 = arith.select %lt3A_472, %select_n3A_453, %broadcast_in_dim3A_471 : vector<256x128xi1>, vector<256x128xi32>
      %min3A_475 = arith.minimumf %min3A_452, %get3A_470 : vector<256x128xf32>
      %select_n3A_476 = arith.select %lt3A_472, %broadcast_in_dim3A_471, %select_n3A_453 : vector<256x128xi1>, vector<256x128xi32>
      %lt3A_477 = arith.cmpf olt, %max3A_473, %min3A_457 : vector<256x128xf32>
      %max3A_478 = arith.maximumf %min3A_457, %max3A_473 : vector<256x128xf32>
      %select_n3A_479 = arith.select %lt3A_477, %select_n3A_458, %select_n3A_474 : vector<256x128xi1>, vector<256x128xi32>
      %min3A_480 = arith.minimumf %min3A_457, %max3A_473 : vector<256x128xf32>
      %select_n3A_481 = arith.select %lt3A_477, %select_n3A_474, %select_n3A_458 : vector<256x128xi1>, vector<256x128xi32>
      %lt3A_482 = arith.cmpf olt, %max3A_478, %min3A_460 : vector<256x128xf32>
      %min3A_483 = arith.minimumf %min3A_460, %max3A_478 : vector<256x128xf32>
      %select_n3A_484 = arith.select %lt3A_482, %select_n3A_479, %select_n3A_461 : vector<256x128xi1>, vector<256x128xi32>
      %mul3A_485 = arith.constant 16 : i32
      %mul3A_486 = arith.muli %scan3A_251, %mul3A_485 : i32
      %add3A_487 = arith.constant 10 : i32
      %add3A_488 = arith.addi %mul3A_486, %add3A_487 : i32
      %mul3A_489 = arith.constant 128 : i32
      %mul3A_490 = arith.muli %add3A_488, %mul3A_489 : i32
      %get3A_491 = arith.constant 0 : index
      %get3A_492 = arith.index_cast %mul3A_490 : i32 to index
      %get3A_493 = vector.load %arg5[%get3A_491, %get3A_492] : memref<256x8192xf32, #tpu.memory_space<vmem>>, vector<256x128xf32>
      %broadcast_in_dim3A_494 = vector.broadcast %add3A_488 : i32 to vector<256x128xi32>
      %lt3A_495 = arith.cmpf olt, %get3A_493, %min3A_475 : vector<256x128xf32>
      %max3A_496 = arith.maximumf %min3A_475, %get3A_493 : vector<256x128xf32>
      %select_n3A_497 = arith.select %lt3A_495, %select_n3A_476, %broadcast_in_dim3A_494 : vector<256x128xi1>, vector<256x128xi32>
      %min3A_498 = arith.minimumf %min3A_475, %get3A_493 : vector<256x128xf32>
      %select_n3A_499 = arith.select %lt3A_495, %broadcast_in_dim3A_494, %select_n3A_476 : vector<256x128xi1>, vector<256x128xi32>
      %lt3A_500 = arith.cmpf olt, %max3A_496, %min3A_480 : vector<256x128xf32>
      %max3A_501 = arith.maximumf %min3A_480, %max3A_496 : vector<256x128xf32>
      %select_n3A_502 = arith.select %lt3A_500, %select_n3A_481, %select_n3A_497 : vector<256x128xi1>, vector<256x128xi32>
      %min3A_503 = arith.minimumf %min3A_480, %max3A_496 : vector<256x128xf32>
      %select_n3A_504 = arith.select %lt3A_500, %select_n3A_497, %select_n3A_481 : vector<256x128xi1>, vector<256x128xi32>
      %lt3A_505 = arith.cmpf olt, %max3A_501, %min3A_483 : vector<256x128xf32>
      %min3A_506 = arith.minimumf %min3A_483, %max3A_501 : vector<256x128xf32>
      %select_n3A_507 = arith.select %lt3A_505, %select_n3A_502, %select_n3A_484 : vector<256x128xi1>, vector<256x128xi32>
      %mul3A_508 = arith.constant 16 : i32
      %mul3A_509 = arith.muli %scan3A_251, %mul3A_508 : i32
      %add3A_510 = arith.constant 11 : i32
      %add3A_511 = arith.addi %mul3A_509, %add3A_510 : i32
      %mul3A_512 = arith.constant 128 : i32
      %mul3A_513 = arith.muli %add3A_511, %mul3A_512 : i32
      %get3A_514 = arith.constant 0 : index
      %get3A_515 = arith.index_cast %mul3A_513 : i32 to index
      %get3A_516 = vector.load %arg5[%get3A_514, %get3A_515] : memref<256x8192xf32, #tpu.memory_space<vmem>>, vector<256x128xf32>
      %broadcast_in_dim3A_517 = vector.broadcast %add3A_511 : i32 to vector<256x128xi32>
      %lt3A_518 = arith.cmpf olt, %get3A_516, %min3A_498 : vector<256x128xf32>
      %max3A_519 = arith.maximumf %min3A_498, %get3A_516 : vector<256x128xf32>
      %select_n3A_520 = arith.select %lt3A_518, %select_n3A_499, %broadcast_in_dim3A_517 : vector<256x128xi1>, vector<256x128xi32>
      %min3A_521 = arith.minimumf %min3A_498, %get3A_516 : vector<256x128xf32>
      %select_n3A_522 = arith.select %lt3A_518, %broadcast_in_dim3A_517, %select_n3A_499 : vector<256x128xi1>, vector<256x128xi32>
      %lt3A_523 = arith.cmpf olt, %max3A_519, %min3A_503 : vector<256x128xf32>
      %max3A_524 = arith.maximumf %min3A_503, %max3A_519 : vector<256x128xf32>
      %select_n3A_525 = arith.select %lt3A_523, %select_n3A_504, %select_n3A_520 : vector<256x128xi1>, vector<256x128xi32>
      %min3A_526 = arith.minimumf %min3A_503, %max3A_519 : vector<256x128xf32>
      %select_n3A_527 = arith.select %lt3A_523, %select_n3A_520, %select_n3A_504 : vector<256x128xi1>, vector<256x128xi32>
      %lt3A_528 = arith.cmpf olt, %max3A_524, %min3A_506 : vector<256x128xf32>
      %min3A_529 = arith.minimumf %min3A_506, %max3A_524 : vector<256x128xf32>
      %select_n3A_530 = arith.select %lt3A_528, %select_n3A_525, %select_n3A_507 : vector<256x128xi1>, vector<256x128xi32>
      %mul3A_531 = arith.constant 16 : i32
      %mul3A_532 = arith.muli %scan3A_251, %mul3A_531 : i32
      %add3A_533 = arith.constant 12 : i32
      %add3A_534 = arith.addi %mul3A_532, %add3A_533 : i32
      %mul3A_535 = arith.constant 128 : i32
      %mul3A_536 = arith.muli %add3A_534, %mul3A_535 : i32
      %get3A_537 = arith.constant 0 : index
      %get3A_538 = arith.index_cast %mul3A_536 : i32 to index
      %get3A_539 = vector.load %arg5[%get3A_537, %get3A_538] : memref<256x8192xf32, #tpu.memory_space<vmem>>, vector<256x128xf32>
      %broadcast_in_dim3A_540 = vector.broadcast %add3A_534 : i32 to vector<256x128xi32>
      %lt3A_541 = arith.cmpf olt, %get3A_539, %min3A_521 : vector<256x128xf32>
      %max3A_542 = arith.maximumf %min3A_521, %get3A_539 : vector<256x128xf32>
      %select_n3A_543 = arith.select %lt3A_541, %select_n3A_522, %broadcast_in_dim3A_540 : vector<256x128xi1>, vector<256x128xi32>
      %min3A_544 = arith.minimumf %min3A_521, %get3A_539 : vector<256x128xf32>
      %select_n3A_545 = arith.select %lt3A_541, %broadcast_in_dim3A_540, %select_n3A_522 : vector<256x128xi1>, vector<256x128xi32>
      %lt3A_546 = arith.cmpf olt, %max3A_542, %min3A_526 : vector<256x128xf32>
      %max3A_547 = arith.maximumf %min3A_526, %max3A_542 : vector<256x128xf32>
      %select_n3A_548 = arith.select %lt3A_546, %select_n3A_527, %select_n3A_543 : vector<256x128xi1>, vector<256x128xi32>
      %min3A_549 = arith.minimumf %min3A_526, %max3A_542 : vector<256x128xf32>
      %select_n3A_550 = arith.select %lt3A_546, %select_n3A_543, %select_n3A_527 : vector<256x128xi1>, vector<256x128xi32>
      %lt3A_551 = arith.cmpf olt, %max3A_547, %min3A_529 : vector<256x128xf32>
      %min3A_552 = arith.minimumf %min3A_529, %max3A_547 : vector<256x128xf32>
      %select_n3A_553 = arith.select %lt3A_551, %select_n3A_548, %select_n3A_530 : vector<256x128xi1>, vector<256x128xi32>
      %mul3A_554 = arith.constant 16 : i32
      %mul3A_555 = arith.muli %scan3A_251, %mul3A_554 : i32
      %add3A_556 = arith.constant 13 : i32
      %add3A_557 = arith.addi %mul3A_555, %add3A_556 : i32
      %mul3A_558 = arith.constant 128 : i32
      %mul3A_559 = arith.muli %add3A_557, %mul3A_558 : i32
      %get3A_560 = arith.constant 0 : index
      %get3A_561 = arith.index_cast %mul3A_559 : i32 to index
      %get3A_562 = vector.load %arg5[%get3A_560, %get3A_561] : memref<256x8192xf32, #tpu.memory_space<vmem>>, vector<256x128xf32>
      %broadcast_in_dim3A_563 = vector.broadcast %add3A_557 : i32 to vector<256x128xi32>
      %lt3A_564 = arith.cmpf olt, %get3A_562, %min3A_544 : vector<256x128xf32>
      %max3A_565 = arith.maximumf %min3A_544, %get3A_562 : vector<256x128xf32>
      %select_n3A_566 = arith.select %lt3A_564, %select_n3A_545, %broadcast_in_dim3A_563 : vector<256x128xi1>, vector<256x128xi32>
      %min3A_567 = arith.minimumf %min3A_544, %get3A_562 : vector<256x128xf32>
      %select_n3A_568 = arith.select %lt3A_564, %broadcast_in_dim3A_563, %select_n3A_545 : vector<256x128xi1>, vector<256x128xi32>
      %lt3A_569 = arith.cmpf olt, %max3A_565, %min3A_549 : vector<256x128xf32>
      %max3A_570 = arith.maximumf %min3A_549, %max3A_565 : vector<256x128xf32>
      %select_n3A_571 = arith.select %lt3A_569, %select_n3A_550, %select_n3A_566 : vector<256x128xi1>, vector<256x128xi32>
      %min3A_572 = arith.minimumf %min3A_549, %max3A_565 : vector<256x128xf32>
      %select_n3A_573 = arith.select %lt3A_569, %select_n3A_566, %select_n3A_550 : vector<256x128xi1>, vector<256x128xi32>
      %lt3A_574 = arith.cmpf olt, %max3A_570, %min3A_552 : vector<256x128xf32>
      %min3A_575 = arith.minimumf %min3A_552, %max3A_570 : vector<256x128xf32>
      %select_n3A_576 = arith.select %lt3A_574, %select_n3A_571, %select_n3A_553 : vector<256x128xi1>, vector<256x128xi32>
      %mul3A_577 = arith.constant 16 : i32
      %mul3A_578 = arith.muli %scan3A_251, %mul3A_577 : i32
      %add3A_579 = arith.constant 14 : i32
      %add3A_580 = arith.addi %mul3A_578, %add3A_579 : i32
      %mul3A_581 = arith.constant 128 : i32
      %mul3A_582 = arith.muli %add3A_580, %mul3A_581 : i32
      %get3A_583 = arith.constant 0 : index
      %get3A_584 = arith.index_cast %mul3A_582 : i32 to index
      %get3A_585 = vector.load %arg5[%get3A_583, %get3A_584] : memref<256x8192xf32, #tpu.memory_space<vmem>>, vector<256x128xf32>
      %broadcast_in_dim3A_586 = vector.broadcast %add3A_580 : i32 to vector<256x128xi32>
      %lt3A_587 = arith.cmpf olt, %get3A_585, %min3A_567 : vector<256x128xf32>
      %max3A_588 = arith.maximumf %min3A_567, %get3A_585 : vector<256x128xf32>
      %select_n3A_589 = arith.select %lt3A_587, %select_n3A_568, %broadcast_in_dim3A_586 : vector<256x128xi1>, vector<256x128xi32>
      %min3A_590 = arith.minimumf %min3A_567, %get3A_585 : vector<256x128xf32>
      %select_n3A_591 = arith.select %lt3A_587, %broadcast_in_dim3A_586, %select_n3A_568 : vector<256x128xi1>, vector<256x128xi32>
      %lt3A_592 = arith.cmpf olt, %max3A_588, %min3A_572 : vector<256x128xf32>
      %max3A_593 = arith.maximumf %min3A_572, %max3A_588 : vector<256x128xf32>
      %select_n3A_594 = arith.select %lt3A_592, %select_n3A_573, %select_n3A_589 : vector<256x128xi1>, vector<256x128xi32>
      %min3A_595 = arith.minimumf %min3A_572, %max3A_588 : vector<256x128xf32>
      %select_n3A_596 = arith.select %lt3A_592, %select_n3A_589, %select_n3A_573 : vector<256x128xi1>, vector<256x128xi32>
      %lt3A_597 = arith.cmpf olt, %max3A_593, %min3A_575 : vector<256x128xf32>
      %min3A_598 = arith.minimumf %min3A_575, %max3A_593 : vector<256x128xf32>
      %select_n3A_599 = arith.select %lt3A_597, %select_n3A_594, %select_n3A_576 : vector<256x128xi1>, vector<256x128xi32>
      %mul3A_600 = arith.constant 16 : i32
      %mul3A_601 = arith.muli %scan3A_251, %mul3A_600 : i32
      %add3A_602 = arith.constant 15 : i32
      %add3A_603 = arith.addi %mul3A_601, %add3A_602 : i32
      %mul3A_604 = arith.constant 128 : i32
      %mul3A_605 = arith.muli %add3A_603, %mul3A_604 : i32
      %get3A_606 = arith.constant 0 : index
      %get3A_607 = arith.index_cast %mul3A_605 : i32 to index
      %get3A_608 = vector.load %arg5[%get3A_606, %get3A_607] : memref<256x8192xf32, #tpu.memory_space<vmem>>, vector<256x128xf32>
      %broadcast_in_dim3A_609 = vector.broadcast %add3A_603 : i32 to vector<256x128xi32>
      %lt3A_610 = arith.cmpf olt, %get3A_608, %min3A_590 : vector<256x128xf32>
      %max3A_611 = arith.maximumf %min3A_590, %get3A_608 : vector<256x128xf32>
      %select_n3A_612 = arith.select %lt3A_610, %select_n3A_591, %broadcast_in_dim3A_609 : vector<256x128xi1>, vector<256x128xi32>
      %min3A_613 = arith.minimumf %min3A_590, %get3A_608 : vector<256x128xf32>
      %select_n3A_614 = arith.select %lt3A_610, %broadcast_in_dim3A_609, %select_n3A_591 : vector<256x128xi1>, vector<256x128xi32>
      %lt3A_615 = arith.cmpf olt, %max3A_611, %min3A_595 : vector<256x128xf32>
      %max3A_616 = arith.maximumf %min3A_595, %max3A_611 : vector<256x128xf32>
      %select_n3A_617 = arith.select %lt3A_615, %select_n3A_596, %select_n3A_612 : vector<256x128xi1>, vector<256x128xi32>
      %min3A_618 = arith.minimumf %min3A_595, %max3A_611 : vector<256x128xf32>
      %select_n3A_619 = arith.select %lt3A_615, %select_n3A_612, %select_n3A_596 : vector<256x128xi1>, vector<256x128xi32>
      %lt3A_620 = arith.cmpf olt, %max3A_616, %min3A_598 : vector<256x128xf32>
      %min3A_621 = arith.minimumf %min3A_598, %max3A_616 : vector<256x128xf32>
      %select_n3A_622 = arith.select %lt3A_620, %select_n3A_617, %select_n3A_599 : vector<256x128xi1>, vector<256x128xi32>
      scf.yield %min3A_613, %min3A_618, %min3A_621, %select_n3A_614, %select_n3A_619, %select_n3A_622 : vector<256x128xf32>, vector<256x128xf32>, vector<256x128xf32>, vector<256x128xi32>, vector<256x128xi32>, vector<256x128xi32>
    }
    %scan3A_31 = arith.constant 4 : i32
    %mul3A_32 = arith.constant 128 : i32
    %mul3A_33 = vector.broadcast %mul3A_32 : i32 to vector<256x128xi32>
    %mul3A_34 = arith.muli %scan3A_30#3, %mul3A_33 : vector<256x128xi32>
    %add3A = arith.addi %mul3A_34, %iota3A_22 : vector<256x128xi32>
    %reduce_min3A = arith.constant dense<0x7F800000> : vector<256xf32>
    %reduce_min3A_35 = vector.multi_reduction <minimumf>, %scan3A_30#0, %reduce_min3A [1] : vector<256x128xf32> to vector<256xf32>
    %broadcast_in_dim3A_36 = vector.shape_cast %reduce_min3A_35 : vector<256xf32> to vector<256x1xf32>
    %le3A = vector.broadcast %broadcast_in_dim3A_36 : vector<256x1xf32> to vector<256x128xf32>
    %le3A_37 = arith.cmpf ole, %scan3A_30#0, %le3A : vector<256x128xf32>
    %jit3A_38 = arith.constant 1073741824 : i32
    %broadcast_in_dim3A_39 = vector.broadcast %jit3A_38 : i32 to vector<256x128xi32>
    %select_n3A_40 = arith.select %le3A_37, %add3A, %broadcast_in_dim3A_39 : vector<256x128xi1>, vector<256x128xi32>
    %reduce_min3A_41 = arith.constant dense<2147483647> : vector<256xi32>
    %reduce_min3A_42 = vector.multi_reduction <minsi>, %select_n3A_40, %reduce_min3A_41 [1] : vector<256x128xi32> to vector<256xi32>
    %swap3A_43 = arith.constant 0 : index
    %swap3A_44 = arith.constant 0 : index
    %swap3A_45 = arith.constant 0 : index
    %swap3A_46 = vector.load %arg4[%swap3A_43, %swap3A_44, %swap3A_45] : memref<1x256x8xi32, #tpu.memory_space<vmem>>, vector<1x256x1xi32>
    %swap3A_47 = vector.shape_cast %swap3A_46 : vector<1x256x1xi32> to vector<256xi32>
    %swap3A_48 = vector.shape_cast %reduce_min3A_42 : vector<256xi32> to vector<1x256x1xi32>
    tpu.vector_store %arg4[%swap3A_43, %swap3A_44, %swap3A_45], %swap3A_48 {strides = array<i32>} : memref<1x256x8xi32, #tpu.memory_space<vmem>>, vector<1x256x1xi32>,
    %broadcast_in_dim3A_49 = vector.shape_cast %reduce_min3A_42 : vector<256xi32> to vector<256x1xi32>
    %eq3A_50 = vector.broadcast %broadcast_in_dim3A_49 : vector<256x1xi32> to vector<256x128xi32>
    %eq3A_51 = arith.cmpi eq, %add3A, %eq3A_50 : vector<256x128xi32>
    %select_n3A_52 = arith.select %eq3A_51, %scan3A_30#1, %scan3A_30#0 : vector<256x128xi1>, vector<256x128xf32>
    %select_n3A_53 = arith.select %eq3A_51, %scan3A_30#4, %scan3A_30#3 : vector<256x128xi1>, vector<256x128xi32>
    %select_n3A_54 = arith.select %eq3A_51, %scan3A_30#2, %scan3A_30#1 : vector<256x128xi1>, vector<256x128xf32>
    %select_n3A_55 = arith.select %eq3A_51, %scan3A_30#5, %scan3A_30#4 : vector<256x128xi1>, vector<256x128xi32>
    %jit3A_56 = arith.constant 1.000000e+30 : f32
    %broadcast_in_dim3A_57 = vector.broadcast %jit3A_56 : f32 to vector<256x128xf32>
    %select_n3A_58 = arith.select %eq3A_51, %broadcast_in_dim3A_57, %scan3A_30#2 : vector<256x128xi1>, vector<256x128xf32>
    %mul3A_59 = arith.constant 128 : i32
    %mul3A_60 = vector.broadcast %mul3A_59 : i32 to vector<256x128xi32>
    %mul3A_61 = arith.muli %select_n3A_53, %mul3A_60 : vector<256x128xi32>
    %add3A_62 = arith.addi %mul3A_61, %iota3A_22 : vector<256x128xi32>
    %reduce_min3A_63 = arith.constant dense<0x7F800000> : vector<256xf32>
    %reduce_min3A_64 = vector.multi_reduction <minimumf>, %select_n3A_52, %reduce_min3A_63 [1] : vector<256x128xf32> to vector<256xf32>
    %broadcast_in_dim3A_65 = vector.shape_cast %reduce_min3A_64 : vector<256xf32> to vector<256x1xf32>
    %le3A_66 = vector.broadcast %broadcast_in_dim3A_65 : vector<256x1xf32> to vector<256x128xf32>
    %le3A_67 = arith.cmpf ole, %select_n3A_52, %le3A_66 : vector<256x128xf32>
    %jit3A_68 = arith.constant 1073741824 : i32
    %broadcast_in_dim3A_69 = vector.broadcast %jit3A_68 : i32 to vector<256x128xi32>
    %select_n3A_70 = arith.select %le3A_67, %add3A_62, %broadcast_in_dim3A_69 : vector<256x128xi1>, vector<256x128xi32>
    %reduce_min3A_71 = arith.constant dense<2147483647> : vector<256xi32>
    %reduce_min3A_72 = vector.multi_reduction <minsi>, %select_n3A_70, %reduce_min3A_71 [1] : vector<256x128xi32> to vector<256xi32>
    %swap3A_73 = arith.constant 0 : index
    %swap3A_74 = arith.constant 0 : index
    %swap3A_75 = arith.constant 1 : index
    %swap3A_76 = vector.load %arg4[%swap3A_73, %swap3A_74, %swap3A_75] : memref<1x256x8xi32, #tpu.memory_space<vmem>>, vector<1x256x1xi32>
    %swap3A_77 = vector.shape_cast %swap3A_76 : vector<1x256x1xi32> to vector<256xi32>
    %swap3A_78 = vector.shape_cast %reduce_min3A_72 : vector<256xi32> to vector<1x256x1xi32>
    tpu.vector_store %arg4[%swap3A_73, %swap3A_74, %swap3A_75], %swap3A_78 {strides = array<i32>} : memref<1x256x8xi32, #tpu.memory_space<vmem>>, vector<1x256x1xi32>,
    %broadcast_in_dim3A_79 = vector.shape_cast %reduce_min3A_72 : vector<256xi32> to vector<256x1xi32>
    %eq3A_80 = vector.broadcast %broadcast_in_dim3A_79 : vector<256x1xi32> to vector<256x128xi32>
    %eq3A_81 = arith.cmpi eq, %add3A_62, %eq3A_80 : vector<256x128xi32>
    %select_n3A_82 = arith.select %eq3A_81, %select_n3A_54, %select_n3A_52 : vector<256x128xi1>, vector<256x128xf32>
    %select_n3A_83 = arith.select %eq3A_81, %select_n3A_55, %select_n3A_53 : vector<256x128xi1>, vector<256x128xi32>
    %select_n3A_84 = arith.select %eq3A_81, %select_n3A_58, %select_n3A_54 : vector<256x128xi1>, vector<256x128xf32>
    %select_n3A_85 = arith.select %eq3A_81, %scan3A_30#5, %select_n3A_55 : vector<256x128xi1>, vector<256x128xi32>
    %jit3A_86 = arith.constant 1.000000e+30 : f32
    %broadcast_in_dim3A_87 = vector.broadcast %jit3A_86 : f32 to vector<256x128xf32>
    %select_n3A_88 = arith.select %eq3A_81, %broadcast_in_dim3A_87, %select_n3A_58 : vector<256x128xi1>, vector<256x128xf32>
    %mul3A_89 = arith.constant 128 : i32
    %mul3A_90 = vector.broadcast %mul3A_89 : i32 to vector<256x128xi32>
    %mul3A_91 = arith.muli %select_n3A_83, %mul3A_90 : vector<256x128xi32>
    %add3A_92 = arith.addi %mul3A_91, %iota3A_22 : vector<256x128xi32>
    %reduce_min3A_93 = arith.constant dense<0x7F800000> : vector<256xf32>
    %reduce_min3A_94 = vector.multi_reduction <minimumf>, %select_n3A_82, %reduce_min3A_93 [1] : vector<256x128xf32> to vector<256xf32>
    %broadcast_in_dim3A_95 = vector.shape_cast %reduce_min3A_94 : vector<256xf32> to vector<256x1xf32>
    %le3A_96 = vector.broadcast %broadcast_in_dim3A_95 : vector<256x1xf32> to vector<256x128xf32>
    %le3A_97 = arith.cmpf ole, %select_n3A_82, %le3A_96 : vector<256x128xf32>
    %jit3A_98 = arith.constant 1073741824 : i32
    %broadcast_in_dim3A_99 = vector.broadcast %jit3A_98 : i32 to vector<256x128xi32>
    %select_n3A_100 = arith.select %le3A_97, %add3A_92, %broadcast_in_dim3A_99 : vector<256x128xi1>, vector<256x128xi32>
    %reduce_min3A_101 = arith.constant dense<2147483647> : vector<256xi32>
    %reduce_min3A_102 = vector.multi_reduction <minsi>, %select_n3A_100, %reduce_min3A_101 [1] : vector<256x128xi32> to vector<256xi32>
    %swap3A_103 = arith.constant 0 : index
    %swap3A_104 = arith.constant 0 : index
    %swap3A_105 = arith.constant 2 : index
    %swap3A_106 = vector.load %arg4[%swap3A_103, %swap3A_104, %swap3A_105] : memref<1x256x8xi32, #tpu.memory_space<vmem>>, vector<1x256x1xi32>
    %swap3A_107 = vector.shape_cast %swap3A_106 : vector<1x256x1xi32> to vector<256xi32>
    %swap3A_108 = vector.shape_cast %reduce_min3A_102 : vector<256xi32> to vector<1x256x1xi32>
    tpu.vector_store %arg4[%swap3A_103, %swap3A_104, %swap3A_105], %swap3A_108 {strides = array<i32>} : memref<1x256x8xi32, #tpu.memory_space<vmem>>, vector<1x256x1xi32>,
    %broadcast_in_dim3A_109 = vector.shape_cast %reduce_min3A_102 : vector<256xi32> to vector<256x1xi32>
    %eq3A_110 = vector.broadcast %broadcast_in_dim3A_109 : vector<256x1xi32> to vector<256x128xi32>
    %eq3A_111 = arith.cmpi eq, %add3A_92, %eq3A_110 : vector<256x128xi32>
    %select_n3A_112 = arith.select %eq3A_111, %select_n3A_84, %select_n3A_82 : vector<256x128xi1>, vector<256x128xf32>
    %select_n3A_113 = arith.select %eq3A_111, %select_n3A_85, %select_n3A_83 : vector<256x128xi1>, vector<256x128xi32>
    %select_n3A_114 = arith.select %eq3A_111, %select_n3A_88, %select_n3A_84 : vector<256x128xi1>, vector<256x128xf32>
    %select_n3A_115 = arith.select %eq3A_111, %scan3A_30#5, %select_n3A_85 : vector<256x128xi1>, vector<256x128xi32>
    %jit3A_116 = arith.constant 1.000000e+30 : f32
    %broadcast_in_dim3A_117 = vector.broadcast %jit3A_116 : f32 to vector<256x128xf32>
    %select_n3A_118 = arith.select %eq3A_111, %broadcast_in_dim3A_117, %select_n3A_88 : vector<256x128xi1>, vector<256x128xf32>
    %mul3A_119 = arith.constant 128 : i32
    %mul3A_120 = vector.broadcast %mul3A_119 : i32 to vector<256x128xi32>
    %mul3A_121 = arith.muli %select_n3A_113, %mul3A_120 : vector<256x128xi32>
    %add3A_122 = arith.addi %mul3A_121, %iota3A_22 : vector<256x128xi32>
    %reduce_min3A_123 = arith.constant dense<0x7F800000> : vector<256xf32>
    %reduce_min3A_124 = vector.multi_reduction <minimumf>, %select_n3A_112, %reduce_min3A_123 [1] : vector<256x128xf32> to vector<256xf32>
    %broadcast_in_dim3A_125 = vector.shape_cast %reduce_min3A_124 : vector<256xf32> to vector<256x1xf32>
    %le3A_126 = vector.broadcast %broadcast_in_dim3A_125 : vector<256x1xf32> to vector<256x128xf32>
    %le3A_127 = arith.cmpf ole, %select_n3A_112, %le3A_126 : vector<256x128xf32>
    %jit3A_128 = arith.constant 1073741824 : i32
    %broadcast_in_dim3A_129 = vector.broadcast %jit3A_128 : i32 to vector<256x128xi32>
    %select_n3A_130 = arith.select %le3A_127, %add3A_122, %broadcast_in_dim3A_129 : vector<256x128xi1>, vector<256x128xi32>
    %reduce_min3A_131 = arith.constant dense<2147483647> : vector<256xi32>
    %reduce_min3A_132 = vector.multi_reduction <minsi>, %select_n3A_130, %reduce_min3A_131 [1] : vector<256x128xi32> to vector<256xi32>
    %swap3A_133 = arith.constant 0 : index
    %swap3A_134 = arith.constant 0 : index
    %swap3A_135 = arith.constant 3 : index
    %swap3A_136 = vector.load %arg4[%swap3A_133, %swap3A_134, %swap3A_135] : memref<1x256x8xi32, #tpu.memory_space<vmem>>, vector<1x256x1xi32>
    %swap3A_137 = vector.shape_cast %swap3A_136 : vector<1x256x1xi32> to vector<256xi32>
    %swap3A_138 = vector.shape_cast %reduce_min3A_132 : vector<256xi32> to vector<1x256x1xi32>
    tpu.vector_store %arg4[%swap3A_133, %swap3A_134, %swap3A_135], %swap3A_138 {strides = array<i32>} : memref<1x256x8xi32, #tpu.memory_space<vmem>>, vector<1x256x1xi32>,
    %broadcast_in_dim3A_139 = vector.shape_cast %reduce_min3A_132 : vector<256xi32> to vector<256x1xi32>
    %eq3A_140 = vector.broadcast %broadcast_in_dim3A_139 : vector<256x1xi32> to vector<256x128xi32>
    %eq3A_141 = arith.cmpi eq, %add3A_122, %eq3A_140 : vector<256x128xi32>
    %select_n3A_142 = arith.select %eq3A_141, %select_n3A_114, %select_n3A_112 : vector<256x128xi1>, vector<256x128xf32>
    %select_n3A_143 = arith.select %eq3A_141, %select_n3A_115, %select_n3A_113 : vector<256x128xi1>, vector<256x128xi32>
    %select_n3A_144 = arith.select %eq3A_141, %select_n3A_118, %select_n3A_114 : vector<256x128xi1>, vector<256x128xf32>
    %select_n3A_145 = arith.select %eq3A_141, %scan3A_30#5, %select_n3A_115 : vector<256x128xi1>, vector<256x128xi32>
    %jit3A_146 = arith.constant 1.000000e+30 : f32
    %broadcast_in_dim3A_147 = vector.broadcast %jit3A_146 : f32 to vector<256x128xf32>
    %select_n3A_148 = arith.select %eq3A_141, %broadcast_in_dim3A_147, %select_n3A_118 : vector<256x128xi1>, vector<256x128xf32>
    %mul3A_149 = arith.constant 128 : i32
    %mul3A_150 = vector.broadcast %mul3A_149 : i32 to vector<256x128xi32>
    %mul3A_151 = arith.muli %select_n3A_143, %mul3A_150 : vector<256x128xi32>
    %add3A_152 = arith.addi %mul3A_151, %iota3A_22 : vector<256x128xi32>
    %reduce_min3A_153 = arith.constant dense<0x7F800000> : vector<256xf32>
    %reduce_min3A_154 = vector.multi_reduction <minimumf>, %select_n3A_142, %reduce_min3A_153 [1] : vector<256x128xf32> to vector<256xf32>
    %broadcast_in_dim3A_155 = vector.shape_cast %reduce_min3A_154 : vector<256xf32> to vector<256x1xf32>
    %le3A_156 = vector.broadcast %broadcast_in_dim3A_155 : vector<256x1xf32> to vector<256x128xf32>
    %le3A_157 = arith.cmpf ole, %select_n3A_142, %le3A_156 : vector<256x128xf32>
    %jit3A_158 = arith.constant 1073741824 : i32
    %broadcast_in_dim3A_159 = vector.broadcast %jit3A_158 : i32 to vector<256x128xi32>
    %select_n3A_160 = arith.select %le3A_157, %add3A_152, %broadcast_in_dim3A_159 : vector<256x128xi1>, vector<256x128xi32>
    %reduce_min3A_161 = arith.constant dense<2147483647> : vector<256xi32>
    %reduce_min3A_162 = vector.multi_reduction <minsi>, %select_n3A_160, %reduce_min3A_161 [1] : vector<256x128xi32> to vector<256xi32>
    %swap3A_163 = arith.constant 0 : index
    %swap3A_164 = arith.constant 0 : index
    %swap3A_165 = arith.constant 4 : index
    %swap3A_166 = vector.load %arg4[%swap3A_163, %swap3A_164, %swap3A_165] : memref<1x256x8xi32, #tpu.memory_space<vmem>>, vector<1x256x1xi32>
    %swap3A_167 = vector.shape_cast %swap3A_166 : vector<1x256x1xi32> to vector<256xi32>
    %swap3A_168 = vector.shape_cast %reduce_min3A_162 : vector<256xi32> to vector<1x256x1xi32>
    tpu.vector_store %arg4[%swap3A_163, %swap3A_164, %swap3A_165], %swap3A_168 {strides = array<i32>} : memref<1x256x8xi32, #tpu.memory_space<vmem>>, vector<1x256x1xi32>,
    %broadcast_in_dim3A_169 = vector.shape_cast %reduce_min3A_162 : vector<256xi32> to vector<256x1xi32>
    %eq3A_170 = vector.broadcast %broadcast_in_dim3A_169 : vector<256x1xi32> to vector<256x128xi32>
    %eq3A_171 = arith.cmpi eq, %add3A_152, %eq3A_170 : vector<256x128xi32>
    %select_n3A_172 = arith.select %eq3A_171, %select_n3A_144, %select_n3A_142 : vector<256x128xi1>, vector<256x128xf32>
    %select_n3A_173 = arith.select %eq3A_171, %select_n3A_145, %select_n3A_143 : vector<256x128xi1>, vector<256x128xi32>
    %select_n3A_174 = arith.select %eq3A_171, %select_n3A_148, %select_n3A_144 : vector<256x128xi1>, vector<256x128xf32>
    %select_n3A_175 = arith.select %eq3A_171, %scan3A_30#5, %select_n3A_145 : vector<256x128xi1>, vector<256x128xi32>
    %jit3A_176 = arith.constant 1.000000e+30 : f32
    %broadcast_in_dim3A_177 = vector.broadcast %jit3A_176 : f32 to vector<256x128xf32>
    %select_n3A_178 = arith.select %eq3A_171, %broadcast_in_dim3A_177, %select_n3A_148 : vector<256x128xi1>, vector<256x128xf32>
    %mul3A_179 = arith.constant 128 : i32
    %mul3A_180 = vector.broadcast %mul3A_179 : i32 to vector<256x128xi32>
    %mul3A_181 = arith.muli %select_n3A_173, %mul3A_180 : vector<256x128xi32>
    %add3A_182 = arith.addi %mul3A_181, %iota3A_22 : vector<256x128xi32>
    %reduce_min3A_183 = arith.constant dense<0x7F800000> : vector<256xf32>
    %reduce_min3A_184 = vector.multi_reduction <minimumf>, %select_n3A_172, %reduce_min3A_183 [1] : vector<256x128xf32> to vector<256xf32>
    %broadcast_in_dim3A_185 = vector.shape_cast %reduce_min3A_184 : vector<256xf32> to vector<256x1xf32>
    %le3A_186 = vector.broadcast %broadcast_in_dim3A_185 : vector<256x1xf32> to vector<256x128xf32>
    %le3A_187 = arith.cmpf ole, %select_n3A_172, %le3A_186 : vector<256x128xf32>
    %jit3A_188 = arith.constant 1073741824 : i32
    %broadcast_in_dim3A_189 = vector.broadcast %jit3A_188 : i32 to vector<256x128xi32>
    %select_n3A_190 = arith.select %le3A_187, %add3A_182, %broadcast_in_dim3A_189 : vector<256x128xi1>, vector<256x128xi32>
    %reduce_min3A_191 = arith.constant dense<2147483647> : vector<256xi32>
    %reduce_min3A_192 = vector.multi_reduction <minsi>, %select_n3A_190, %reduce_min3A_191 [1] : vector<256x128xi32> to vector<256xi32>
    %swap3A_193 = arith.constant 0 : index
    %swap3A_194 = arith.constant 0 : index
    %swap3A_195 = arith.constant 5 : index
    %swap3A_196 = vector.load %arg4[%swap3A_193, %swap3A_194, %swap3A_195] : memref<1x256x8xi32, #tpu.memory_space<vmem>>, vector<1x256x1xi32>
    %swap3A_197 = vector.shape_cast %swap3A_196 : vector<1x256x1xi32> to vector<256xi32>
    %swap3A_198 = vector.shape_cast %reduce_min3A_192 : vector<256xi32> to vector<1x256x1xi32>
    tpu.vector_store %arg4[%swap3A_193, %swap3A_194, %swap3A_195], %swap3A_198 {strides = array<i32>} : memref<1x256x8xi32, #tpu.memory_space<vmem>>, vector<1x256x1xi32>,
    %broadcast_in_dim3A_199 = vector.shape_cast %reduce_min3A_192 : vector<256xi32> to vector<256x1xi32>
    %eq3A_200 = vector.broadcast %broadcast_in_dim3A_199 : vector<256x1xi32> to vector<256x128xi32>
    %eq3A_201 = arith.cmpi eq, %add3A_182, %eq3A_200 : vector<256x128xi32>
    %select_n3A_202 = arith.select %eq3A_201, %select_n3A_174, %select_n3A_172 : vector<256x128xi1>, vector<256x128xf32>
    %select_n3A_203 = arith.select %eq3A_201, %select_n3A_175, %select_n3A_173 : vector<256x128xi1>, vector<256x128xi32>
    %select_n3A_204 = arith.select %eq3A_201, %select_n3A_178, %select_n3A_174 : vector<256x128xi1>, vector<256x128xf32>
    %select_n3A_205 = arith.select %eq3A_201, %scan3A_30#5, %select_n3A_175 : vector<256x128xi1>, vector<256x128xi32>
    %mul3A_206 = arith.constant 128 : i32
    %mul3A_207 = vector.broadcast %mul3A_206 : i32 to vector<256x128xi32>
    %mul3A_208 = arith.muli %select_n3A_203, %mul3A_207 : vector<256x128xi32>
    %add3A_209 = arith.addi %mul3A_208, %iota3A_22 : vector<256x128xi32>
    %reduce_min3A_210 = arith.constant dense<0x7F800000> : vector<256xf32>
    %reduce_min3A_211 = vector.multi_reduction <minimumf>, %select_n3A_202, %reduce_min3A_210 [1] : vector<256x128xf32> to vector<256xf32>
    %broadcast_in_dim3A_212 = vector.shape_cast %reduce_min3A_211 : vector<256xf32> to vector<256x1xf32>
    %le3A_213 = vector.broadcast %broadcast_in_dim3A_212 : vector<256x1xf32> to vector<256x128xf32>
    %le3A_214 = arith.cmpf ole, %select_n3A_202, %le3A_213 : vector<256x128xf32>
    %jit3A_215 = arith.constant 1073741824 : i32
    %broadcast_in_dim3A_216 = vector.broadcast %jit3A_215 : i32 to vector<256x128xi32>
    %select_n3A_217 = arith.select %le3A_214, %add3A_209, %broadcast_in_dim3A_216 : vector<256x128xi1>, vector<256x128xi32>
    %reduce_min3A_218 = arith.constant dense<2147483647> : vector<256xi32>
    %reduce_min3A_219 = vector.multi_reduction <minsi>, %select_n3A_217, %reduce_min3A_218 [1] : vector<256x128xi32> to vector<256xi32>
    %swap3A_220 = arith.constant 0 : index
    %swap3A_221 = arith.constant 0 : index
    %swap3A_222 = arith.constant 6 : index
    %swap3A_223 = vector.load %arg4[%swap3A_220, %swap3A_221, %swap3A_222] : memref<1x256x8xi32, #tpu.memory_space<vmem>>, vector<1x256x1xi32>
    %swap3A_224 = vector.shape_cast %swap3A_223 : vector<1x256x1xi32> to vector<256xi32>
    %swap3A_225 = vector.shape_cast %reduce_min3A_219 : vector<256xi32> to vector<1x256x1xi32>
    tpu.vector_store %arg4[%swap3A_220, %swap3A_221, %swap3A_222], %swap3A_225 {strides = array<i32>} : memref<1x256x8xi32, #tpu.memory_space<vmem>>, vector<1x256x1xi32>,
    %broadcast_in_dim3A_226 = vector.shape_cast %reduce_min3A_219 : vector<256xi32> to vector<256x1xi32>
    %eq3A_227 = vector.broadcast %broadcast_in_dim3A_226 : vector<256x1xi32> to vector<256x128xi32>
    %eq3A_228 = arith.cmpi eq, %add3A_209, %eq3A_227 : vector<256x128xi32>
    %select_n3A_229 = arith.select %eq3A_228, %select_n3A_204, %select_n3A_202 : vector<256x128xi1>, vector<256x128xf32>
    %select_n3A_230 = arith.select %eq3A_228, %select_n3A_205, %select_n3A_203 : vector<256x128xi1>, vector<256x128xi32>
    %mul3A_231 = arith.constant 128 : i32
    %mul3A_232 = vector.broadcast %mul3A_231 : i32 to vector<256x128xi32>
    %mul3A_233 = arith.muli %select_n3A_230, %mul3A_232 : vector<256x128xi32>
    %add3A_234 = arith.addi %mul3A_233, %iota3A_22 : vector<256x128xi32>
    %reduce_min3A_235 = arith.constant dense<0x7F800000> : vector<256xf32>
    %reduce_min3A_236 = vector.multi_reduction <minimumf>, %select_n3A_229, %reduce_min3A_235 [1] : vector<256x128xf32> to vector<256xf32>
    %broadcast_in_dim3A_237 = vector.shape_cast %reduce_min3A_236 : vector<256xf32> to vector<256x1xf32>
    %le3A_238 = vector.broadcast %broadcast_in_dim3A_237 : vector<256x1xf32> to vector<256x128xf32>
    %le3A_239 = arith.cmpf ole, %select_n3A_229, %le3A_238 : vector<256x128xf32>
    %jit3A_240 = arith.constant 1073741824 : i32
    %broadcast_in_dim3A_241 = vector.broadcast %jit3A_240 : i32 to vector<256x128xi32>
    %select_n3A_242 = arith.select %le3A_239, %add3A_234, %broadcast_in_dim3A_241 : vector<256x128xi1>, vector<256x128xi32>
    %reduce_min3A_243 = arith.constant dense<2147483647> : vector<256xi32>
    %reduce_min3A_244 = vector.multi_reduction <minsi>, %select_n3A_242, %reduce_min3A_243 [1] : vector<256x128xi32> to vector<256xi32>
    %swap3A_245 = arith.constant 0 : index
    %swap3A_246 = arith.constant 0 : index
    %swap3A_247 = arith.constant 7 : index
    %swap3A_248 = vector.load %arg4[%swap3A_245, %swap3A_246, %swap3A_247] : memref<1x256x8xi32, #tpu.memory_space<vmem>>, vector<1x256x1xi32>
    %swap3A_249 = vector.shape_cast %swap3A_248 : vector<1x256x1xi32> to vector<256xi32>
    %swap3A_250 = vector.shape_cast %reduce_min3A_244 : vector<256xi32> to vector<1x256x1xi32>
    tpu.vector_store %arg4[%swap3A_245, %swap3A_246, %swap3A_247], %swap3A_250 {strides = array<i32>} : memref<1x256x8xi32, #tpu.memory_space<vmem>>, vector<1x256x1xi32>,
    return
  }
  func.func @transform_0(%arg0: i32, %arg1: i32) -> (i32, i32, i32) {
    %c0_i32 = arith.constant 0 : i32
    %c0_i32_0 = arith.constant 0 : i32
    return %arg0, %arg1, %c0_i32 : i32, i32, i32
  }
  func.func @transform_1(%arg0: i32, %arg1: i32) -> (i32, i32, i32) {
    %c0_i32 = arith.constant 0 : i32
    %c0_i32_0 = arith.constant 0 : i32
    %c0_i32_1 = arith.constant 0 : i32
    return %arg0, %c0_i32, %c0_i32_0 : i32, i32, i32
  }
  func.func @transform_2(%arg0: i32, %arg1: i32) -> (i32, i32, i32) {
    %c0_i32 = arith.constant 0 : i32
    %c0_i32_0 = arith.constant 0 : i32
    return %arg0, %arg1, %c0_i32 : i32, i32, i32
  }
}

</mosaic_0001>

<sc_bundles>
// kernel: kernel.5.cloned.1.call-start
scs
__scs_entry_jumppad:
0x0: {  	(pc) =	sbr.rel $0x88, $3  }
0x1: {  	(tag) =	ssettag $0x0;
	lr =	simm.s32 $0x1  }
0x2: {  	[smem:$0x3F9F] =	sst lr;
	_ =	strace $0xD0000000  }
0x3: {  	_ = 	snop  }
0x4: {  	_ = 	snop  }
0x5: {  	_ = 	snop  }
0x6: {  	_ = 	snop  }
0x7: {  	_ = 	snop  }
__scs_overlays_trampoline_lowered:
0x8: {  	[smem:$0x3FAE] =	sst s0  }
0x9: {  	[smem:$0x3FAF] =	sst s1  }
0xa: {  	[smem:$0x3FB0] =	sst s2  }
0xb: {  	[smem:$0x3FB1] =	sst s3  }
0xc: {  	[smem:$0x3FB2] =	sst s4  }
0xd: {  	[smem:$0x3FB3] =	sst s5  }
0xe: {  	[smem:$0x3FB4] =	sst s6  }
0xf: {  	[smem:$0x3FB5] =	sst s7  }
0x10: {  	[smem:$0x3FB6] =	sst s8  }
0x11: {  	[smem:$0x3FB7] =	sst s9;
	s0 =	simm.s32 @!p0 $0x0  }
0x12: {  	s1 =	sld [smem:$0x3F9D];
	s0 =	simm.s32 @p0 $0x1  }
0x13: {  	[smem:$0x3FB8] =	sst s0;
	s0 =	simm.s32 @!p1 $0x0  }
0x14: {  	s2 =	sld [smem:$0x3F9C];
	s0 =	simm.s32 @p1 $0x1  }
0x15: {  	[smem:$0x3FB9] =	sst s0;
	s0 =	simm.s32 @!p2 $0x0  }
0x16: {  	s3 =	sld [smem:$0x3FDB];
	s0 =	simm.s32 @p2 $0x1  }
0x17: {  	s4 =	simm.s32 $0x1BF5;
	[smem:$0x3FBB] =	sst s0  }
0x18: {  	s0 =	sld [smem:$0x3F9E];
	_ =	swait.ge [sflag:s4], $0x0  }
0x19: {  	s7 =	sld [smem:$0x3F9F]  }
0x1a: {  	s8 =	sadd.s32 $0xFFFFE003, lr  }
0x1b: {  	s9 =	sadd.s32 $0xFFFFFEF7, lr;
	s5 =	simm.s32 $0xFFFFFFFF;
	p2 =	slt.u32 s8, $0xFFFFF086  }
0x1c: {  	p1 =	slt.u32 s9, $0xF7A;
	s5 =	simm.s32 @!p2 $0x0  }
0x1d: {  	s5 =	simm.s32 @p1 $0x1;
	p0 =	seq.s32 s7, s2  }
0x1e: {  	s7 =	smul.u32 @!p0 $0xF7A, s2;
	p2 =	seq.s32 @!p0 s5, $0x0  }
0x1f: {  	s9 =	smul.u32 $0xF7A, s1;
	s8 =	simm.s32 @!p0 $0x1BF5;
	p2 =	por !p2, p0  }
0x20: {  	[sflag:s8] =	ssyncset.s32 @!p0 $0xFFFFF086;
	s6 =	sadd.s32 @!p0 s3, s7;
	s7 =	simm.s32 @!p0 $0x108  }
0x21: {  	s3 =	sadd.s32 s3, s9;
	s6 =	sadd.s32 @!p0 $0x88, s6;
	s7 =	simm.s32 @p2 $0x1082  }
0x22: {  	[simem:s7], [sflag:s8] =	dma.local @!p0 [hbm:s6], $0xF7A  }
0x23: {  	s9 =	sor.u32 $0xD0000000, s2;
	s6 =	simm.s32 $0x108;
	_ =	swait.ge @!p0 [sflag:s8], $0x0  }
0x24: {  	s3 =	sadd.s32 $0x88, s3;
	s6 =	simm.s32 @!p1 $0x1082;
	[sflag:s4] =	ssyncset.s32 $0xFFFFF086  }
0x25: {  	[simem:s6], [sflag:s4] =	dma.local [hbm:s3], $0xF7A  }
0x26: {  	[smem:$0x3F9F] =	sst s1;
	(tag) =	ssettag s2;
	_ =	strace s9  }
0x27: {  	s1 =	sld [smem:$0x3FAF]  }
0x28: {  	s2 =	sld [smem:$0x3FB0]  }
0x29: {  	s4 =	sld [smem:$0x3FB2]  }
0x2a: {  	p0 =	seq.s32 s5, $0x0;
	s5 =	sld [smem:$0x3FB3]  }
0x2b: {  	s6 =	sld [smem:$0x3FB4]  }
0x2c: {  	s7 =	sld [smem:$0x3FB5]  }
0x2d: {  	s3 =	simm.s32 $0x108;
	s8 =	sld [smem:$0x3FB6]  }
0x2e: {  	s3 =	simm.s32 @!p0 $0x1082;
	s9 =	sld [smem:$0x3FB7]  }
0x2f: {  	lr =	sadd.s32 s0, s3;
	s0 =	sld [smem:$0x3FAE]  }
0x30: {  	s3 =	sld [smem:$0x3FB1]  }
0x31: {  	[smem:$0x3FBA] =	sst s10  }
0x32: {  	s10 =	sld [smem:$0x3FB8];
	_ =	sdelay $0x3  }
0x33: {  	p0 =	seq.s32 s10, $0x1;
	s10 =	sld [smem:$0x3FBA];
	_ =	sdelay $0x3  }
0x34: {  	[smem:$0x3FBA] =	sst s10  }
0x35: {  	s10 =	sld [smem:$0x3FB9];
	_ =	sdelay $0x3  }
0x36: {  	p1 =	seq.s32 s10, $0x1;
	s10 =	sld [smem:$0x3FBA];
	_ =	sdelay $0x3  }
0x37: {  	[smem:$0x3FBA] =	sst s10  }
0x38: {  	s10 =	sld [smem:$0x3FBB]  }
0x39: {  	_ = 	snop;
	(pc) =	sbr.ind lr, $3  }
0x3a: {  	_ = 	snop  }
0x3b: {  	_ = 	snop  }
0x3c: {  	p2 =	seq.s32 s10, $0x1;
	s10 =	sld [smem:$0x3FBA]  }
0x3d: {  	_ =	shalt  }
0x3e: {  	_ =	shalt  }
0x3f: {  	_ =	shalt  }
0x40: {  	_ =	shalt  }
0x41: {  	_ =	shalt  }
0x42: {  	_ =	shalt  }
0x43: {  	_ =	shalt  }
0x44: {  	_ =	shalt  }
0x45: {  	_ =	shalt  }
0x46: {  	_ =	shalt  }
0x47: {  	_ =	shalt  }
0x48: {  	_ =	shalt  }
0x49: {  	_ =	shalt  }
0x4a: {  	_ =	shalt  }
0x4b: {  	_ =	shalt  }
0x4c: {  	_ =	shalt  }
0x4d: {  	_ =	shalt  }
0x4e: {  	_ =	shalt  }
0x4f: {  	_ =	shalt  }
0x50: {  	_ =	shalt  }
0x51: {  	_ =	shalt  }
0x52: {  	_ =	shalt  }
0x53: {  	_ =	shalt  }
0x54: {  	_ =	shalt  }
0x55: {  	_ =	shalt  }
0x56: {  	_ =	shalt  }
0x57: {  	_ =	shalt  }
0x58: {  	_ =	shalt  }
0x59: {  	_ =	shalt  }
0x5a: {  	_ =	shalt  }
0x5b: {  	_ =	shalt  }
0x5c: {  	_ =	shalt  }
0x5d: {  	_ =	shalt  }
0x5e: {  	_ =	shalt  }
0x5f: {  	_ =	shalt  }
0x60: {  	_ =	shalt  }
0x61: {  	_ =	shalt  }
0x62: {  	_ =	shalt  }
0x63: {  	_ =	shalt  }
0x64: {  	_ =	shalt  }
0x65: {  	_ =	shalt  }
0x66: {  	_ =	shalt  }
0x67: {  	_ =	shalt  }
0x68: {  	_ =	shalt  }
0x69: {  	_ =	shalt  }
0x6a: {  	_ =	shalt  }
0x6b: {  	_ =	shalt  }
0x6c: {  	_ =	shalt  }
0x6d: {  	_ =	shalt  }
0x6e: {  	_ =	shalt  }
0x6f: {  	_ =	shalt  }
0x70: {  	_ =	shalt  }
0x71: {  	_ =	shalt  }
0x72: {  	_ =	shalt  }
0x73: {  	_ =	shalt  }
0x74: {  	_ =	shalt  }
0x75: {  	_ =	shalt  }
0x76: {  	_ =	shalt  }
0x77: {  	_ =	shalt  }
0x78: {  	_ =	shalt  }
0x79: {  	_ =	shalt  }
0x7a: {  	_ =	shalt  }
0x7b: {  	_ =	shalt  }
0x7c: {  	_ =	shalt  }
0x7d: {  	_ =	shalt  }
0x7e: {  	_ =	shalt  }
0x7f: {  	_ =	shalt  }
0x80: {  	_ =	shalt  }
0x81: {  	_ =	shalt  }
0x82: {  	_ =	shalt  }
0x83: {  	_ =	shalt  }
0x84: {  	_ =	shalt  }
0x85: {  	_ =	shalt  }
0x86: {  	_ =	shalt  }
0x87: {  	_ =	shalt  }
.Lfunc_end0:
.L_simem_size_0:
called_computation_lowered:
.L_overlay_start_0:
0x88: {  	s2 =	sld [smem:$0x3FD9]  }
0x89: {  	s3 =	sld [smem:$0x3FFE];
	_ =	sdelay $0x1  }
0x8a: {  	s1 =	srdreg.scid  }
0x8b: {  	s0 =	sand.u32 $0x1, s1  }
0x8c: {  	s17 =	sshll.u32 s0, $0xA;
	s2 =	sadd.s32 s3, s2  }
0x8d: {  	s2 =	sadd.s32 s2, s17  }
0x8e: {  	[smem:$0x3FC6] =	sst s2  }
0x8f: {  	_ = 	snop  }
0x90: {  	s2 =	sld [smem:$0x3FC8];
	(tm) =	ssettm $0x1  }
0x91: {  	s18 =	sld [smem:$0x3FFB];
	_ =	sdelay $0x3  }
0x92: {  	_ =	strace s18  }
0x93: {  	s3 =	sld [smem:$0x3FFC];
	_ =	sdelay $0x3  }
0x94: {  	_ =	strace s3  }
0x95: {  	s3 =	sld [smem:$0x3FFD];
	_ =	sdelay $0x3  }
0x96: {  	_ =	strace s3  }
0x97: {  	_ =	strace $0x8FFFFFFF  }
0x98: {  	s19 =	sld [smem:$0x3FDB];
	_ =	sdelay $0x1  }
0x99: {  	s4 =	simm.s32 $_scs_section_size  }
0x9a: {  	s5 =	simm.s32 $_size__tile_overlayer_lowered;
	s6 =	simm.s32 $_tile_overlayer_lowered  }
0x9b: {  	s22 =	simm.s32 $0x1BFF;
	s21 =	sshll.u32 s6, $0x1;
	s3 =	sadd.s32 s4, s19  }
0x9c: {  	s7 =	simm.s32 $0x0;
	s20 =	sshll.u32 s5, $0x1;
	s5 =	sadd.s32 s21, s3  }
0x9d: {  	[timem:s7], [sflag:s22] =	dma.local [hbm:s5], s20  }
0x9e: {  	_ =	swait.ge [sflag:s22], s20  }
0x9f: {  	s4 =	ssub.s32 $0x0, s20;
	[sflag:s22] =	ssyncset.done $0x0  }
0xa0: {  	[sflag:s22] =	ssyncadd.s32 s4;
	_ =	sdelay $0x1  }
0xa1: {  	s23 =	simm.s32 $0x1B8B  }
0xa2: {  	_ =	swait.ge [sflag:s23], $0x1  }
0xa3: {  	[sflag:s23] =	ssyncset.done $0x0  }
0xa4: {  	s25 =	simm.s32 $0x1B8E;
	s24 =	sld [smem:$0x3FFE];
	[sflag:s23] =	ssyncadd.s32 $0xFFFFFFFF  }
0xa5: {  	s26 =	simm.s32 $execute0_lowered;
	[smem:$0x3FD2] =	sst s25  }
0xa6: {  	s5 =	sshll.u32 s26, $0x1;
	_ =	strace $0x80000046;
	[dreg:$0x1] =	wrdreg $0xFFFFFFFF  }
0xa7: {  	s28 =	simm.s32 $_size_execute0_lowered;
	s3 =	sadd.s32 s3, s5;
	[dreg:$0x0] =	wrdreg $0x0  }
0xa8: {  	s5 =	sshll.u32 s28, $0x1;
	[dreg:$0x2] =	wrdreg s3  }
0xa9: {  	[dreg:$0x3] =	wrdreg s5  }
0xaa: {  	[dreg:$0x4] =	wrdreg $0xC0  }
0xab: {  	_ =	task [dreg:s7], $0x5FFFF  }
0xac: {  	[dreg:$0x1] =	wrdreg $0xFFFFFFFF  }
0xad: {  	[dreg:$0x0] =	wrdreg $0x60  }
0xae: {  	[dreg:$0x2] =	wrdreg s24  }
0xaf: {  	[dreg:$0x3] =	wrdreg s2  }
0xb0: {  	[dreg:$0x4] =	wrdreg $0x9  }
0xb1: {  	_ =	task.clear_ibuf [dreg:s7], $0x5FFFF;
	_ =	strace $0x90000046  }
0xb2: {  	s29 =	simm.s32 $0x9;
	_ =	strace $0x80000048  }
0xb3: {  	_ =	swait.ge [sflag:s29], $0x1  }
0xb4: {  	[sflag:s29] =	ssyncadd.s32 $0xFFFFFFFF  }
0xb5: {  	_ =	strace $0x90000048  }
0xb6: {  	_ =	sfence  }
0xb7: {  	s30 =	sld [smem:$0x0];
	_ =	sdelay $0x2  }
0xb8: {  	s31 =	sshll.u32 s1, $0xD;
	s1 =	sshrl.u32 s1, $0x2  }
0xb9: {  	s3 =	sand.u32 $0x4000, s31;
	s1 =	sadd.s32 s1, s30  }
0xba: {  	s0 =	sor.u32 s3, s0;
	s1 =	sshll.u32 s1, $0x11  }
0xbb: {  	s0 =	sor.u32 s1, s0  }
0xbc: {  	s0 =	sadd.s32 $0x8F2B, s0  }
0xbd: {  	[sflag:s0] =	ssyncadd.remote.s32 $0x1  }
0xbe: {  	_ =	sfence.sel $0xFFFF  }
0xbf: {  	[dreg:$0x0] =	wrdreg $0xFFFFFFFF;
	(pc) =	sbr.abs _section_cstart, $3  }
0xc0: {  	[dreg:$0x1] =	wrdreg $0xFFFFFFFF  }
0xc1: {  	_ =	task.clear_ibuf [dreg:s7], $0x2FFFF;
	_ =	strace $0x9FFFFFFF  }
0xc2: {  	(tm) =	ssettm $0x7FFFFFFF  }
0xc3: {  	_ =	shalt  }
tec
execute0_lowered:
.L_overlay_start_1:
0x0: {  	(tag) =	ssettag $0x1  }
0x1: {  	s4 =	rddreg [dreg:$0x0];
	s1 =	srdreg.scid  }
0x2: {  	s0 =	stileid.u32;
	s5 =	rddreg [dreg:$0x1];
	s2 =	simm.s32 $0x0  }
0x3: {  	s12 =	simm.s32 $0x8B00;
	s13 =	simm.s32 $0x8F00;
	s14 =	simm.s32 $0x100  }
0x4: {  	s15 =	simm.s32 $0x2000;
	s6 =	sand.u32 $0x1, s1;
	s1 =	rddreg [dreg:$0x2]  }
0x5: {  	s16 =	simm.s32 $0x0;
	s3 =	sshll.u32 s0, $0x1;
	[smem:$0x7FF] =	sst s2  }
0x6: {  	s7 =	sor.u32 s6, s3;
	_ =	strace $0x80000047;
	s3 =	sadd.s32 $0x800, s4  }
0x7: {  	s6 =	ssub.s32 $0x2, s6;
	s8 =	sshll.u32 s7, $0x8;
	s9 =	sshll.u32 s7, $0x5  }
0x8: {  	s10 =	smul.u32 $0x60, s7;
	s7 =	sshll.u32 s7, $0x9;
	s11 =	sshrl.u32 s6, $0x1  }
0x9: {  	v0 =	vlaneseq.u32;
	s8 =	sadd.s32 s8, s4;
	s9 =	sadd.s32 s9, s4;
	s7 =	sadd.s32 s7, s4  }
0xa: {  	v5 =	vand.u32 $0x7, v0;
	s11 =	ssub.s32 s6, s11;
	s4 =	sadd.s32 s5, s10;
	s5 =	sadd.s32 $0x20800, s8  }
0xb: {  	v1 =	vimm.f32 $1.000000000e+00;
	v2 =	vor.u32 $0xFFFFFFF8, v5;
	s6 =	sadd.s32 $0x10800, s9;
	s7 =	sadd.s32 $0x40800, s7;
	s8 =	smax.u32 s11, $0x1  }
0xc: {  	v3 =	vor.u32 $0x100, v5;
	v4 =	vor.u32 $0x200, v5;
	v5 =	vor.u32 $0x300, v5;
	s9 =	simm.s32 $0x8000;
	s10 =	simm.s32 $0x1;
	s11 =	simm.s32 $0x8300  }
.LBB2_1:
0xd: {  	[tilespmem:s9], [sflag:$0x1] =	stream.linear.gather [hbm4b:s4+s2], $0x300, $0x38;
	[tilespmem:$0x9F00] =	vst v63  }
0xe: {  	_ =	swait.ge [sflag:s10], $0x300  }
0xf: {  	[sflag:s10] =	ssyncset.done $0x0  }
0x10: {  	s17 =	simm.s32 $0x0;
	[sflag:s10] =	ssyncadd.s32 $0xFFFFFD00  }
.LBB2_2:
0x11: {  	s19 =	simm.s32 $0x0  }
0x12: {  	v6 =	vor.u32 s19, v0  }
0x13: {  	s18 =	sshll.u32 s17, $0xC;
	v7 =	vmul.u32 $0x3, v6  }
0x14: {  	s20 =	sadd.s32 s3, s18  }
0x15: {  	[tilespmem:s19], [sflag:$0x1] =	stream.linear.gather [hbm4b:s20+s19], $0x8000, $0x38;
	v8 =	vadd.s32 $0x1, v7;
	[tilespmem:$0x9F00] =	vst v63  }
0x16: {  	_ =	swait.ge [sflag:s10], $0x8000  }
0x17: {  	[sflag:s10] =	ssyncset.done $0x0;
	v9 =	vadd.s32 $0x2, v7  }
0x18: {  	[sflag:s10] =	ssyncadd.s32 $0xFFFF8000  }
0x19: {  	v7 =	vld.idx.msk [tilespmem:v7+s9+$0x0], $0xffff  }
0x1a: {  	v8 =	vld.idx.msk [tilespmem:v8+s9+$0x0], $0xffff;
	_ =	sdelay $0x1  }
0x1b: {  	v9 =	vld.idx.msk [tilespmem:v9+s9+$0x0], $0xffff;
	_ =	sdelay $0x1  }
0x1c: {  	v7 =	vshll.u32 v7, $0x3  }
0x1d: {  	v8 =	vshll.u32 v8, $0x3  }
0x1e: {  	v10 =	vor.u32 $0x1, v7  }
0x1f: {  	v9 =	vshll.u32 v9, $0x3  }
0x20: {  	v18 =	vor.u32 $0x2, v7  }
0x21: {  	v11 =	vor.u32 $0x2, v8;
	v17 =	vld.idx.msk [tilespmem:v7+s2+$0x0], $0xffff  }
0x22: {  	v14 =	vor.u32 $0x1, v8;
	v12 =	vld.idx.msk [tilespmem:v8+s2+$0x0], $0xffff  }
0x23: {  	v20 =	vor.u32 $0x1, v9;
	v16 =	vld.idx.msk [tilespmem:v10+s2+$0x0], $0xffff  }
0x24: {  	v19 =	vor.u32 $0x2, v9;
	v10 =	vld.idx.msk [tilespmem:v9+s2+$0x0], $0xffff  }
0x25: {  	s31 =	simm.s32 $0x10;
	v18 =	vld.idx.msk [tilespmem:v18+s2+$0x0], $0xffff  }
0x26: {  	v7 =	vor.u32 s31, v0;
	v13 =	vld.idx.msk [tilespmem:v11+s2+$0x0], $0xffff  }
0x27: {  	v9 =	vmul.u32 $0x3, v7;
	v15 =	vld.idx.msk [tilespmem:v14+s2+$0x0], $0xffff  }
0x28: {  	s19 =	simm.s32 $0x20;
	v8 =	vand.u32 $0xF8, v6;
	v11 =	vand.u32 $0xF8, v7;
	v14 =	vld.idx.msk [tilespmem:v20+s2+$0x0], $0xffff;
	v20 =	vadd.f32 v12, v17  }
.LBB2_3:
0x29: {  	p0 =	sne.s32 s19, $0xF0;
	v21 =	vadd.s32 $0x1, v9;
	v19 =	vld.idx.msk [tilespmem:v19+s2+$0x0], $0xffff;
	s20 =	smov.u32 s19;
	s19 =	sadd.s32 $0x10, s19  }
0x2a: {  	v20 =	vadd.f32 v10, v20  }
0x2b: {  	v22 =	vadd.s32 $0x2, v9  }
0x2c: {  	v23 =	vadd.f32 v15, v16  }
0x2d: {  	v24 =	vadd.f32 v13, v18  }
0x2e: {  	v25 =	vshll.u32 v6, $0x3;
	v23 =	vadd.f32 v14, v23  }
0x2f: {  	v26 =	vor.u32 $0x1, v25;
	v20 =	vmul.f32 $3.333333430e-01, v20;
	v24 =	vadd.f32 v19, v24  }
0x30: {  	v28 =	vand.u32 v2, v6;
	v27 =	vor.u32 $0x2, v25;
	v23 =	vmul.f32 $3.333333430e-01, v23  }
0x31: {  	v30 =	vor.u32 $0x3, v25;
	v29 =	vsub.f32 $0.0e+00, v20;
	v24 =	vmul.f32 $3.333333430e-01, v24  }
0x32: {  	v31 =	vmul.f32 v20, v20;
	v32 =	vmul.f32 v23, v23;
	v33 =	vsub.f32 $0.0e+00, v23  }
0x33: {  	v34 =	vsub.f32 $0.0e+00, v24;
	[tilespmem:v25+s11+$0x0] =	vst.idx.msk $0xffff, v29;
	v25 =	vor.u32 v3, v8;
	v29 =	vor.u32 v4, v8  }
0x34: {  	v31 =	vadd.f32 v32, v31;
	v32 =	vmul.f32 v24, v24;
	[tilespmem:v26+s11+$0x0] =	vst.idx.msk $0xffff, v33  }
0x35: {  	v26 =	vor.u32 v5, v8;
	v8 =	vmov v11;
	[tilespmem:v27+s11+$0x0] =	vst.idx.msk $0xffff, v34  }
0x36: {  	v11 =	vadd.f32 v32, v31;
	v27 =	vshll.u32 v6, $0x4;
	v6 =	vmov v7;
	[tilespmem:v30+s11+$0x0] =	vst.idx.msk $0xffff, v1  }
0x37: {  	v7 =	vor.u32 $0x1, v27;
	[tilespmem:v28+s12+$0x0] =	vst.idx.msk $0xffff, v20  }
0x38: {  	v11 =	vmul.f32 $5.000000000e-01, v11;
	[tilespmem:v25+s12+$0x0] =	vst.idx.msk $0xffff, v23;
	v25 =	vor.u32 $0x2, v27  }
0x39: {  	v28 =	vor.u32 $0x3, v27;
	[tilespmem:v29+s12+$0x0] =	vst.idx.msk $0xffff, v24  }
0x3a: {  	[tilespmem:v26+s12+$0x0] =	vst.idx.msk $0xffff, v11;
	v11 =	vor.u32 $0x4, v27  }
0x3b: {  	[tilespmem:v27+s13+$0x0] =	vst.idx.msk $0xffff, v17;
	v17 =	vor.u32 $0x5, v27  }
0x3c: {  	[tilespmem:v7+s13+$0x0] =	vst.idx.msk $0xffff, v16;
	v7 =	vor.u32 $0x6, v27  }
0x3d: {  	v16 =	vor.u32 $0x7, v27;
	[tilespmem:v25+s13+$0x0] =	vst.idx.msk $0xffff, v18  }
0x3e: {  	[tilespmem:v28+s13+$0x0] =	vst.idx.msk $0xffff, v12;
	v12 =	vor.u32 $0x8, v27  }
0x3f: {  	[tilespmem:v11+s13+$0x0] =	vst.idx.msk $0xffff, v15;
	v11 =	vor.u32 $0xC, v27  }
0x40: {  	[tilespmem:v17+s13+$0x0] =	vst.idx.msk $0xffff, v13;
	v13 =	vor.u32 $0xD, v27  }
0x41: {  	[tilespmem:v7+s13+$0x0] =	vst.idx.msk $0xffff, v10;
	v7 =	vor.u32 $0xE, v27  }
0x42: {  	[tilespmem:v16+s13+$0x0] =	vst.idx.msk $0xffff, v14  }
0x43: {  	[tilespmem:v12+s13+$0x0] =	vst.idx.msk $0xffff, v19  }
0x44: {  	[tilespmem:v11+s13+$0x0] =	vst.idx.msk $0xffff, v20  }
0x45: {  	[tilespmem:v13+s13+$0x0] =	vst.idx.msk $0xffff, v23  }
0x46: {  	[tilespmem:v7+s13+$0x0] =	vst.idx.msk $0xffff, v24  }
0x47: {  	v7 =	vld.idx.msk [tilespmem:v21+s9+$0x0], $0xffff  }
0x48: {  	v9 =	vld.idx.msk [tilespmem:v9+s9+$0x0], $0xffff;
	_ =	sdelay $0x1  }
0x49: {  	v10 =	vld.idx.msk [tilespmem:v22+s9+$0x0], $0xffff;
	_ =	sdelay $0x2  }
0x4a: {  	v7 =	vshll.u32 v7, $0x3  }
0x4b: {  	v9 =	vshll.u32 v9, $0x3;
	v11 =	vor.u32 $0x1, v7;
	v13 =	vor.u32 $0x2, v7  }
0x4c: {  	v14 =	vor.u32 $0x1, v9;
	v18 =	vor.u32 $0x2, v9  }
0x4d: {  	v10 =	vshll.u32 v10, $0x3  }
0x4e: {  	v20 =	vor.u32 $0x1, v10;
	v19 =	vor.u32 $0x2, v10  }
0x4f: {  	v12 =	vld.idx.msk [tilespmem:v7+s2+$0x0], $0xffff  }
0x50: {  	v17 =	vld.idx.msk [tilespmem:v9+s2+$0x0], $0xffff  }
0x51: {  	v16 =	vld.idx.msk [tilespmem:v14+s2+$0x0], $0xffff  }
.Ltmp0:
0x52: {  	v10 =	vld.idx.msk [tilespmem:v10+s2+$0x0], $0xffff;
	(pc) =	sbr.rel @p0 .LBB2_3-.Ltmp0, $4  }
0x53: {  	v13 =	vld.idx.msk [tilespmem:v13+s2+$0x0], $0xffff  }
0x54: {  	v7 =	vor.u32 s20, v0;
	v15 =	vld.idx.msk [tilespmem:v11+s2+$0x0], $0xffff  }
0x55: {  	v9 =	vmul.u32 $0x3, v7;
	v11 =	vand.u32 $0xF8, v7;
	v18 =	vld.idx.msk [tilespmem:v18+s2+$0x0], $0xffff  }
0x56: {  	v14 =	vld.idx.msk [tilespmem:v20+s2+$0x0], $0xffff;
	v20 =	vadd.f32 v12, v17  }
0x57: {  	_ =	sdelay $0x3  }
0x58: {  	v19 =	vld.idx.msk [tilespmem:v19+s2+$0x0], $0xffff;
	_ =	sdelay $0x1  }
0x59: {  	v21 =	vadd.f32 v15, v16  }
0x5a: {  	v20 =	vadd.f32 v10, v20;
	v22 =	vadd.f32 v13, v18  }
0x5b: {  	v23 =	vshll.u32 v6, $0x3;
	v21 =	vadd.f32 v14, v21  }
0x5c: {  	v24 =	vor.u32 $0x1, v23;
	v20 =	vmul.f32 $3.333333430e-01, v20;
	v22 =	vadd.f32 v19, v22  }
0x5d: {  	v26 =	vand.u32 v2, v6;
	v25 =	vor.u32 $0x2, v23;
	v21 =	vmul.f32 $3.333333430e-01, v21  }
0x5e: {  	v28 =	vor.u32 $0x3, v23;
	v27 =	vsub.f32 $0.0e+00, v20;
	v22 =	vmul.f32 $3.333333430e-01, v22  }
0x5f: {  	v29 =	vmul.f32 v20, v20;
	v30 =	vmul.f32 v21, v21;
	v31 =	vsub.f32 $0.0e+00, v21  }
0x60: {  	v53 =	vor.u32 v3, v8;
	v54 =	vor.u32 v4, v8;
	[tilespmem:v23+s11+$0x0] =	vst.idx.msk $0xffff, v27;
	v32 =	vsub.f32 $0.0e+00, v22  }
0x61: {  	v55 =	vmul.f32 v22, v22;
	v29 =	vadd.f32 v30, v29;
	[tilespmem:v24+s11+$0x0] =	vst.idx.msk $0xffff, v31  }
0x62: {  	v56 =	vor.u32 v5, v8;
	[tilespmem:v25+s11+$0x0] =	vst.idx.msk $0xffff, v32  }
0x63: {  	v6 =	vshll.u32 v6, $0x4;
	v57 =	vadd.f32 v55, v29;
	[tilespmem:v28+s11+$0x0] =	vst.idx.msk $0xffff, v1  }
0x64: {  	v58 =	vor.u32 $0x1, v6;
	[tilespmem:v26+s12+$0x0] =	vst.idx.msk $0xffff, v20  }
0x65: {  	v59 =	vor.u32 $0x2, v6;
	v24 =	vmul.f32 $5.000000000e-01, v57;
	[tilespmem:v53+s12+$0x0] =	vst.idx.msk $0xffff, v21  }
0x66: {  	v60 =	vor.u32 $0x3, v6;
	[tilespmem:v54+s12+$0x0] =	vst.idx.msk $0xffff, v22  }
0x67: {  	v61 =	vor.u32 $0x4, v6;
	[tilespmem:v56+s12+$0x0] =	vst.idx.msk $0xffff, v24  }
0x68: {  	v62 =	vor.u32 $0x5, v6;
	[tilespmem:v6+s13+$0x0] =	vst.idx.msk $0xffff, v17  }
0x69: {  	v63 =	vor.u32 $0x6, v6;
	[tilespmem:v58+s13+$0x0] =	vst.idx.msk $0xffff, v16  }
0x6a: {  	v24 =	vor.u32 $0x7, v6;
	[tilespmem:v59+s13+$0x0] =	vst.idx.msk $0xffff, v18  }
0x6b: {  	v25 =	vor.u32 $0x8, v6;
	[tilespmem:v60+s13+$0x0] =	vst.idx.msk $0xffff, v12  }
0x6c: {  	v26 =	vor.u32 $0xC, v6;
	[tilespmem:v61+s13+$0x0] =	vst.idx.msk $0xffff, v15  }
0x6d: {  	v27 =	vor.u32 $0xD, v6;
	[tilespmem:v62+s13+$0x0] =	vst.idx.msk $0xffff, v13  }
0x6e: {  	v6 =	vor.u32 $0xE, v6;
	[tilespmem:v63+s13+$0x0] =	vst.idx.msk $0xffff, v10  }
0x6f: {  	v28 =	vadd.s32 $0x1, v9;
	[tilespmem:v24+s13+$0x0] =	vst.idx.msk $0xffff, v14  }
0x70: {  	[tilespmem:v25+s13+$0x0] =	vst.idx.msk $0xffff, v19  }
0x71: {  	v29 =	vadd.s32 $0x2, v9;
	[tilespmem:v26+s13+$0x0] =	vst.idx.msk $0xffff, v20  }
0x72: {  	[tilespmem:v27+s13+$0x0] =	vst.idx.msk $0xffff, v21  }
0x73: {  	[tilespmem:v6+s13+$0x0] =	vst.idx.msk $0xffff, v22  }
0x74: {  	v6 =	vld.idx.msk [tilespmem:v28+s9+$0x0], $0xffff  }
0x75: {  	v30 =	vld.idx.msk [tilespmem:v9+s9+$0x0], $0xffff  }
0x76: {  	v8 =	vld.idx.msk [tilespmem:v29+s9+$0x0], $0xffff;
	_ =	sdelay $0x2  }
0x77: {  	v6 =	vshll.u32 v6, $0x3  }
0x78: {  	v9 =	vshll.u32 v30, $0x3  }
0x79: {  	v8 =	vshll.u32 v8, $0x3  }
0x7a: {  	v31 =	vor.u32 $0x1, v9  }
0x7b: {  	v32 =	vor.u32 $0x2, v6  }
0x7c: {  	v33 =	vor.u32 $0x1, v6;
	v6 =	vld.idx.msk [tilespmem:v6+s2+$0x0], $0xffff  }
0x7d: {  	v34 =	vor.u32 $0x2, v9;
	v9 =	vld.idx.msk [tilespmem:v9+s2+$0x0], $0xffff  }
0x7e: {  	v35 =	vor.u32 $0x1, v8;
	v36 =	vor.u32 $0x2, v8;
	v8 =	vld.idx.msk [tilespmem:v8+s2+$0x0], $0xffff  }
0x7f: {  	v10 =	vld.idx.msk [tilespmem:v31+s2+$0x0], $0xffff  }
0x80: {  	v12 =	vld.idx.msk [tilespmem:v32+s2+$0x0], $0xffff  }
0x81: {  	v13 =	vld.idx.msk [tilespmem:v33+s2+$0x0], $0xffff  }
0x82: {  	v14 =	vld.idx.msk [tilespmem:v34+s2+$0x0], $0xffff  }
0x83: {  	v15 =	vld.idx.msk [tilespmem:v35+s2+$0x0], $0xffff  }
0x84: {  	v16 =	vld.idx.msk [tilespmem:v36+s2+$0x0], $0xffff  }
0x85: {  	v37 =	vadd.f32 v6, v9  }
0x86: {  	v38 =	vadd.f32 v13, v10  }
0x87: {  	v39 =	vadd.f32 v12, v14;
	v17 =	vadd.f32 v8, v37  }
0x88: {  	v40 =	vshll.u32 v7, $0x3;
	v18 =	vadd.f32 v15, v38  }
0x89: {  	v41 =	vor.u32 $0x1, v40;
	v19 =	vadd.f32 v16, v39;
	v17 =	vmul.f32 $3.333333430e-01, v17  }
0x8a: {  	v43 =	vand.u32 v2, v7;
	v42 =	vor.u32 $0x2, v40;
	v18 =	vmul.f32 $3.333333430e-01, v18  }
0x8b: {  	v45 =	vor.u32 $0x3, v40;
	v19 =	vmul.f32 $3.333333430e-01, v19;
	v44 =	vsub.f32 $0.0e+00, v17  }
0x8c: {  	v46 =	vmul.f32 v17, v17;
	v47 =	vmul.f32 v18, v18;
	v48 =	vsub.f32 $0.0e+00, v18  }
0x8d: {  	v50 =	vor.u32 v3, v11;
	v51 =	vor.u32 v4, v11;
	v49 =	vsub.f32 $0.0e+00, v19;
	[tilespmem:v40+s11+$0x0] =	vst.idx.msk $0xffff, v44  }
0x8e: {  	v52 =	vmul.f32 v19, v19;
	v26 =	vadd.f32 v47, v46;
	[tilespmem:v41+s11+$0x0] =	vst.idx.msk $0xffff, v48  }
0x8f: {  	v53 =	vor.u32 v5, v11;
	[tilespmem:v42+s11+$0x0] =	vst.idx.msk $0xffff, v49  }
0x90: {  	v7 =	vshll.u32 v7, $0x4;
	v54 =	vadd.f32 v52, v26;
	[tilespmem:v45+s11+$0x0] =	vst.idx.msk $0xffff, v1  }
0x91: {  	v55 =	vor.u32 $0x1, v7;
	[tilespmem:v43+s12+$0x0] =	vst.idx.msk $0xffff, v17  }
0x92: {  	v56 =	vor.u32 $0x2, v7;
	v21 =	vmul.f32 $5.000000000e-01, v54;
	[tilespmem:v50+s12+$0x0] =	vst.idx.msk $0xffff, v18  }
0x93: {  	v57 =	vor.u32 $0x3, v7;
	[tilespmem:v51+s12+$0x0] =	vst.idx.msk $0xffff, v19  }
0x94: {  	v58 =	vor.u32 $0x4, v7;
	[tilespmem:v53+s12+$0x0] =	vst.idx.msk $0xffff, v21  }
0x95: {  	v59 =	vor.u32 $0x5, v7;
	[tilespmem:v7+s13+$0x0] =	vst.idx.msk $0xffff, v9  }
0x96: {  	v60 =	vor.u32 $0x6, v7;
	[tilespmem:v55+s13+$0x0] =	vst.idx.msk $0xffff, v10  }
0x97: {  	v61 =	vor.u32 $0x7, v7;
	[tilespmem:v56+s13+$0x0] =	vst.idx.msk $0xffff, v14  }
0x98: {  	[tilespmem:v57+s13+$0x0] =	vst.idx.msk $0xffff, v6;
	v6 =	vor.u32 $0x8, v7  }
0x99: {  	v62 =	vor.u32 $0xC, v7;
	[tilespmem:v58+s13+$0x0] =	vst.idx.msk $0xffff, v13  }
0x9a: {  	v63 =	vor.u32 $0xD, v7;
	[tilespmem:v59+s13+$0x0] =	vst.idx.msk $0xffff, v12  }
0x9b: {  	v7 =	vor.u32 $0xE, v7;
	[tilespmem:v60+s13+$0x0] =	vst.idx.msk $0xffff, v8  }
0x9c: {  	[tilespmem:v61+s13+$0x0] =	vst.idx.msk $0xffff, v15  }
0x9d: {  	[tilespmem:v6+s13+$0x0] =	vst.idx.msk $0xffff, v16  }
0x9e: {  	[tilespmem:v62+s13+$0x0] =	vst.idx.msk $0xffff, v17  }
0x9f: {  	s19 =	sshll.u32 s17, $0xD;
	[tilespmem:v63+s13+$0x0] =	vst.idx.msk $0xffff, v18  }
0xa0: {  	s19 =	sadd.s32 s19, s5;
	[tilespmem:v7+s13+$0x0] =	vst.idx.msk $0xffff, v19  }
0xa1: {  	[hbm4b:s19+s2] =	stream.linear.scatter [tilespmem:s11], [sflag:$0x1], $0x800, $0x38;
	[tilespmem:$0x9F00] =	vst v63  }
0xa2: {  	_ =	swait.ge [sflag:s10], $0x800  }
0xa3: {  	[sflag:s10] =	ssyncset.done $0x0  }
0xa4: {  	s18 =	sadd.s32 s18, s6;
	[sflag:s10] =	ssyncadd.s32 $0xFFFFF800  }
0xa5: {  	[hbm4b:s18+s14] =	stream.strided.scatter [tilespmem:s12], [sflag:$0x1], $0x400, s15, s14, $0x38;
	[tilespmem:$0x9F00] =	vst v63  }
0xa6: {  	s31 =	sshll.u32 s17, $0xE;
	s17 =	sadd.s32 $0x1, s17;
	_ =	swait.ge [sflag:s10], $0x400  }
0xa7: {  	p0 =	sne.s32 s17, $0x10;
	[sflag:s10] =	ssyncset.done $0x0  }
.Ltmp1:
0xa8: {  	s18 =	sadd.s32 s31, s7;
	[sflag:s10] =	ssyncadd.s32 $0xFFFFFC00;
	(pc) =	sbr.rel @p0 .LBB2_2-.Ltmp1, $4  }
0xa9: {  	[hbm4b:s18+s2] =	stream.linear.scatter [tilespmem:s13], [sflag:$0x1], $0x1000, $0x38;
	[tilespmem:$0x9F00] =	vst v63  }
0xaa: {  	_ =	swait.ge [sflag:s10], $0x1000  }
0xab: {  	[sflag:s10] =	ssyncset.done $0x0  }
0xac: {  	[sflag:s10] =	ssyncadd.s32 $0xFFFFF000  }
0xad: {  	s16 =	sadd.s32 $0x1, s16  }
0xae: {  	p0 =	sne.s32 s16, s8  }
.Ltmp2:
0xaf: {  	_ = 	snop;
	(pc) =	sbr.rel @p0 .LBB2_1-.Ltmp2, $1  }
0xb0: {  	_ =	sdelay $0x3  }
0xb1: {  	_ =	sfence.sel $0x180000  }
0xb2: {  	[bflag:$0x0] =	sbarrier.arrive $0xFFFF  }
0xb3: {  	p0 =	sne.s32 s0, $0x0;
	_ =	strace $0x90000047  }
0xb4: {  	s0 =	sadd.s32 @!p0 $0x100000, s1;
	[bflag:$0x2] =	sbarrier.arrive $0xFFFF  }
0xb5: {  	[sflag:s0] =	ssyncadd.tile.s32 @!p0 $0x1;
	_ =	shalt  }
.Lfunc_end2:
_tile_overlayer_lowered:
.L_overlay_start_2:
0xb6: {  	(tag) =	ssettag $0x2  }
0xb7: {  	s0 =	rddreg [dreg:$0x0];
	s2 =	stileid.u32  }
0xb8: {  	s1 =	rddreg [dreg:$0x1];
	p0 =	sne.s32 s2, $0x0  }
0xb9: {  	s3 =	rddreg [dreg:$0x2];
	[bflag:$0x3] =	sbarrier.arrive $0xFFFF;
	s2 =	simm.s32 @!p0 $0x1C01  }
0xba: {  	[timem:s3], [sflag:s2] =	dma.local @!p0 [hbm:s0], s1  }
0xbb: {  	s0 =	simm.s32 @!p0 $0x1  }
0xbc: {  	_ =	swait.ge @!p0 [sflag:s0], s1  }
0xbd: {  	s1 =	ssub.s32 @!p0 $0x0, s1;
	[sflag:s0] =	ssyncset.done @!p0 $0x0  }
0xbe: {  	[sflag:s0] =	ssyncadd.s32 @!p0 s1  }
0xbf: {  	[bflag:$0x3] =	sbarrier.arrive $0xFFFF  }
0xc0: {  	_ =	shalt  }

// kernel: kernel.8.cloned.1.call-start
scs
__scs_entry_jumppad:
0x0: {  	(pc) =	sbr.rel $0x88, $3  }
0x1: {  	(tag) =	ssettag $0x0;
	lr =	simm.s32 $0x1  }
0x2: {  	[smem:$0x3F9F] =	sst lr;
	_ =	strace $0xD0000000  }
0x3: {  	_ = 	snop  }
0x4: {  	_ = 	snop  }
0x5: {  	_ = 	snop  }
0x6: {  	_ = 	snop  }
0x7: {  	_ = 	snop  }
__scs_overlays_trampoline_lowered:
0x8: {  	[smem:$0x3FAE] =	sst s0  }
0x9: {  	[smem:$0x3FAF] =	sst s1  }
0xa: {  	[smem:$0x3FB0] =	sst s2  }
0xb: {  	[smem:$0x3FB1] =	sst s3  }
0xc: {  	[smem:$0x3FB2] =	sst s4  }
0xd: {  	[smem:$0x3FB3] =	sst s5  }
0xe: {  	[smem:$0x3FB4] =	sst s6  }
0xf: {  	[smem:$0x3FB5] =	sst s7  }
0x10: {  	[smem:$0x3FB6] =	sst s8  }
0x11: {  	[smem:$0x3FB7] =	sst s9;
	s0 =	simm.s32 @!p0 $0x0  }
0x12: {  	s1 =	sld [smem:$0x3F9D];
	s0 =	simm.s32 @p0 $0x1  }
0x13: {  	[smem:$0x3FB8] =	sst s0;
	s0 =	simm.s32 @!p1 $0x0  }
0x14: {  	s2 =	sld [smem:$0x3F9C];
	s0 =	simm.s32 @p1 $0x1  }
0x15: {  	[smem:$0x3FB9] =	sst s0;
	s0 =	simm.s32 @!p2 $0x0  }
0x16: {  	s3 =	sld [smem:$0x3FDB];
	s0 =	simm.s32 @p2 $0x1  }
0x17: {  	s4 =	simm.s32 $0x1BF5;
	[smem:$0x3FBB] =	sst s0  }
0x18: {  	s0 =	sld [smem:$0x3F9E];
	_ =	swait.ge [sflag:s4], $0x0  }
0x19: {  	s7 =	sld [smem:$0x3F9F]  }
0x1a: {  	s8 =	sadd.s32 $0xFFFFE003, lr  }
0x1b: {  	s9 =	sadd.s32 $0xFFFFFEF7, lr;
	s5 =	simm.s32 $0xFFFFFFFF;
	p2 =	slt.u32 s8, $0xFFFFF086  }
0x1c: {  	p1 =	slt.u32 s9, $0xF7A;
	s5 =	simm.s32 @!p2 $0x0  }
0x1d: {  	s5 =	simm.s32 @p1 $0x1;
	p0 =	seq.s32 s7, s2  }
0x1e: {  	s7 =	smul.u32 @!p0 $0xF7A, s2;
	p2 =	seq.s32 @!p0 s5, $0x0  }
0x1f: {  	s9 =	smul.u32 $0xF7A, s1;
	s8 =	simm.s32 @!p0 $0x1BF5;
	p2 =	por !p2, p0  }
0x20: {  	[sflag:s8] =	ssyncset.s32 @!p0 $0xFFFFF086;
	s6 =	sadd.s32 @!p0 s3, s7;
	s7 =	simm.s32 @!p0 $0x108  }
0x21: {  	s3 =	sadd.s32 s3, s9;
	s6 =	sadd.s32 @!p0 $0x88, s6;
	s7 =	simm.s32 @p2 $0x1082  }
0x22: {  	[simem:s7], [sflag:s8] =	dma.local @!p0 [hbm:s6], $0xF7A  }
0x23: {  	s9 =	sor.u32 $0xD0000000, s2;
	s6 =	simm.s32 $0x108;
	_ =	swait.ge @!p0 [sflag:s8], $0x0  }
0x24: {  	s3 =	sadd.s32 $0x88, s3;
	s6 =	simm.s32 @!p1 $0x1082;
	[sflag:s4] =	ssyncset.s32 $0xFFFFF086  }
0x25: {  	[simem:s6], [sflag:s4] =	dma.local [hbm:s3], $0xF7A  }
0x26: {  	[smem:$0x3F9F] =	sst s1;
	(tag) =	ssettag s2;
	_ =	strace s9  }
0x27: {  	s1 =	sld [smem:$0x3FAF]  }
0x28: {  	s2 =	sld [smem:$0x3FB0]  }
0x29: {  	s4 =	sld [smem:$0x3FB2]  }
0x2a: {  	p0 =	seq.s32 s5, $0x0;
	s5 =	sld [smem:$0x3FB3]  }
0x2b: {  	s6 =	sld [smem:$0x3FB4]  }
0x2c: {  	s7 =	sld [smem:$0x3FB5]  }
0x2d: {  	s3 =	simm.s32 $0x108;
	s8 =	sld [smem:$0x3FB6]  }
0x2e: {  	s3 =	simm.s32 @!p0 $0x1082;
	s9 =	sld [smem:$0x3FB7]  }
0x2f: {  	lr =	sadd.s32 s0, s3;
	s0 =	sld [smem:$0x3FAE]  }
0x30: {  	s3 =	sld [smem:$0x3FB1]  }
0x31: {  	[smem:$0x3FBA] =	sst s10  }
0x32: {  	s10 =	sld [smem:$0x3FB8];
	_ =	sdelay $0x3  }
0x33: {  	p0 =	seq.s32 s10, $0x1;
	s10 =	sld [smem:$0x3FBA];
	_ =	sdelay $0x3  }
0x34: {  	[smem:$0x3FBA] =	sst s10  }
0x35: {  	s10 =	sld [smem:$0x3FB9];
	_ =	sdelay $0x3  }
0x36: {  	p1 =	seq.s32 s10, $0x1;
	s10 =	sld [smem:$0x3FBA];
	_ =	sdelay $0x3  }
0x37: {  	[smem:$0x3FBA] =	sst s10  }
0x38: {  	s10 =	sld [smem:$0x3FBB]  }
0x39: {  	_ = 	snop;
	(pc) =	sbr.ind lr, $3  }
0x3a: {  	_ = 	snop  }
0x3b: {  	_ = 	snop  }
0x3c: {  	p2 =	seq.s32 s10, $0x1;
	s10 =	sld [smem:$0x3FBA]  }
0x3d: {  	_ =	shalt  }
0x3e: {  	_ =	shalt  }
0x3f: {  	_ =	shalt  }
0x40: {  	_ =	shalt  }
0x41: {  	_ =	shalt  }
0x42: {  	_ =	shalt  }
0x43: {  	_ =	shalt  }
0x44: {  	_ =	shalt  }
0x45: {  	_ =	shalt  }
0x46: {  	_ =	shalt  }
0x47: {  	_ =	shalt  }
0x48: {  	_ =	shalt  }
0x49: {  	_ =	shalt  }
0x4a: {  	_ =	shalt  }
0x4b: {  	_ =	shalt  }
0x4c: {  	_ =	shalt  }
0x4d: {  	_ =	shalt  }
0x4e: {  	_ =	shalt  }
0x4f: {  	_ =	shalt  }
0x50: {  	_ =	shalt  }
0x51: {  	_ =	shalt  }
0x52: {  	_ =	shalt  }
0x53: {  	_ =	shalt  }
0x54: {  	_ =	shalt  }
0x55: {  	_ =	shalt  }
0x56: {  	_ =	shalt  }
0x57: {  	_ =	shalt  }
0x58: {  	_ =	shalt  }
0x59: {  	_ =	shalt  }
0x5a: {  	_ =	shalt  }
0x5b: {  	_ =	shalt  }
0x5c: {  	_ =	shalt  }
0x5d: {  	_ =	shalt  }
0x5e: {  	_ =	shalt  }
0x5f: {  	_ =	shalt  }
0x60: {  	_ =	shalt  }
0x61: {  	_ =	shalt  }
0x62: {  	_ =	shalt  }
0x63: {  	_ =	shalt  }
0x64: {  	_ =	shalt  }
0x65: {  	_ =	shalt  }
0x66: {  	_ =	shalt  }
0x67: {  	_ =	shalt  }
0x68: {  	_ =	shalt  }
0x69: {  	_ =	shalt  }
0x6a: {  	_ =	shalt  }
0x6b: {  	_ =	shalt  }
0x6c: {  	_ =	shalt  }
0x6d: {  	_ =	shalt  }
0x6e: {  	_ =	shalt  }
0x6f: {  	_ =	shalt  }
0x70: {  	_ =	shalt  }
0x71: {  	_ =	shalt  }
0x72: {  	_ =	shalt  }
0x73: {  	_ =	shalt  }
0x74: {  	_ =	shalt  }
0x75: {  	_ =	shalt  }
0x76: {  	_ =	shalt  }
0x77: {  	_ =	shalt  }
0x78: {  	_ =	shalt  }
0x79: {  	_ =	shalt  }
0x7a: {  	_ =	shalt  }
0x7b: {  	_ =	shalt  }
0x7c: {  	_ =	shalt  }
0x7d: {  	_ =	shalt  }
0x7e: {  	_ =	shalt  }
0x7f: {  	_ =	shalt  }
0x80: {  	_ =	shalt  }
0x81: {  	_ =	shalt  }
0x82: {  	_ =	shalt  }
0x83: {  	_ =	shalt  }
0x84: {  	_ =	shalt  }
0x85: {  	_ =	shalt  }
0x86: {  	_ =	shalt  }
0x87: {  	_ =	shalt  }
.Lfunc_end0:
.L_simem_size_0:
called_computation.1_lowered:
.L_overlay_start_0:
0x88: {  	s2 =	sld [smem:$0x3FD9]  }
0x89: {  	s3 =	sld [smem:$0x3FFE];
	_ =	sdelay $0x1  }
0x8a: {  	s1 =	srdreg.scid  }
0x8b: {  	s0 =	sand.u32 $0x1, s1  }
0x8c: {  	s16 =	sshll.u32 s0, $0xA;
	s2 =	sadd.s32 s3, s2  }
0x8d: {  	s2 =	sadd.s32 s2, s16  }
0x8e: {  	[smem:$0x3FC6] =	sst s2  }
0x8f: {  	_ = 	snop  }
0x90: {  	(tm) =	ssettm $0x1  }
0x91: {  	s17 =	sld [smem:$0x3FFB];
	_ =	sdelay $0x3  }
0x92: {  	_ =	strace s17  }
0x93: {  	s2 =	sld [smem:$0x3FFC];
	_ =	sdelay $0x3  }
0x94: {  	_ =	strace s2  }
0x95: {  	s2 =	sld [smem:$0x3FFD];
	_ =	sdelay $0x3  }
0x96: {  	_ =	strace s2  }
0x97: {  	_ =	strace $0x8FFFFFFF  }
0x98: {  	s18 =	sld [smem:$0x3FDB];
	_ =	sdelay $0x1  }
0x99: {  	s19 =	simm.s32 $_scs_section_size  }
0x9a: {  	s4 =	simm.s32 $_size__tile_overlayer_lowered;
	s5 =	simm.s32 $_tile_overlayer_lowered  }
0x9b: {  	s22 =	simm.s32 $0x1BFF;
	s21 =	sshll.u32 s5, $0x1;
	s2 =	sadd.s32 s19, s18  }
0x9c: {  	s6 =	simm.s32 $0x0;
	s20 =	sshll.u32 s4, $0x1;
	s4 =	sadd.s32 s21, s2  }
0x9d: {  	[timem:s6], [sflag:s22] =	dma.local [hbm:s4], s20  }
0x9e: {  	_ =	swait.ge [sflag:s22], s20  }
0x9f: {  	s3 =	ssub.s32 $0x0, s20;
	[sflag:s22] =	ssyncset.done $0x0  }
0xa0: {  	[sflag:s22] =	ssyncadd.s32 s3;
	_ =	sdelay $0x1  }
0xa1: {  	s23 =	simm.s32 $0x1B8B  }
0xa2: {  	_ =	swait.ge [sflag:s23], $0x1  }
0xa3: {  	[sflag:s23] =	ssyncset.done $0x0  }
0xa4: {  	s25 =	simm.s32 $0x1B8E;
	s24 =	sld [smem:$0x3FFE];
	[sflag:s23] =	ssyncadd.s32 $0xFFFFFFFF  }
0xa5: {  	s26 =	simm.s32 $execute0_lowered;
	[smem:$0x3FD2] =	sst s25  }
0xa6: {  	s4 =	sshll.u32 s26, $0x1;
	_ =	strace $0x80000049;
	[dreg:$0x1] =	wrdreg $0xFFFFFFFF  }
0xa7: {  	s28 =	simm.s32 $_size_execute0_lowered;
	s2 =	sadd.s32 s2, s4;
	[dreg:$0x0] =	wrdreg $0x0  }
0xa8: {  	s4 =	sshll.u32 s28, $0x1;
	[dreg:$0x2] =	wrdreg s2  }
0xa9: {  	[dreg:$0x3] =	wrdreg s4  }
0xaa: {  	[dreg:$0x4] =	wrdreg $0xC0  }
0xab: {  	_ =	task [dreg:s6], $0x5FFFF  }
0xac: {  	[dreg:$0x1] =	wrdreg $0xFFFFFFFF  }
0xad: {  	[dreg:$0x0] =	wrdreg $0x60  }
0xae: {  	[dreg:$0x2] =	wrdreg s24  }
0xaf: {  	[dreg:$0x3] =	wrdreg $0x9  }
0xb0: {  	_ =	task.clear_ibuf [dreg:s6], $0x4FFFF;
	_ =	strace $0x90000049  }
0xb1: {  	s29 =	simm.s32 $0x9;
	_ =	strace $0x8000004B  }
0xb2: {  	_ =	swait.ge [sflag:s29], $0x1  }
0xb3: {  	[sflag:s29] =	ssyncadd.s32 $0xFFFFFFFF  }
0xb4: {  	_ =	strace $0x9000004B  }
0xb5: {  	_ =	sfence  }
0xb6: {  	s30 =	sld [smem:$0x0];
	_ =	sdelay $0x2  }
0xb7: {  	s31 =	sshll.u32 s1, $0xD;
	s1 =	sshrl.u32 s1, $0x2  }
0xb8: {  	s3 =	sand.u32 $0x4000, s31;
	s1 =	sadd.s32 s1, s30  }
0xb9: {  	s0 =	sor.u32 s3, s0;
	s1 =	sshll.u32 s1, $0x11  }
0xba: {  	s0 =	sor.u32 s1, s0  }
0xbb: {  	s0 =	sadd.s32 $0x8F2B, s0  }
0xbc: {  	[sflag:s0] =	ssyncadd.remote.s32 $0x1  }
0xbd: {  	_ =	sfence.sel $0xFFFF  }
0xbe: {  	[dreg:$0x0] =	wrdreg $0xFFFFFFFF;
	(pc) =	sbr.abs _section_cstart, $3  }
0xbf: {  	[dreg:$0x1] =	wrdreg $0xFFFFFFFF  }
0xc0: {  	_ =	task.clear_ibuf [dreg:s6], $0x2FFFF;
	_ =	strace $0x9FFFFFFF  }
0xc1: {  	(tm) =	ssettm $0x7FFFFFFF  }
tec
execute0_lowered:
.L_overlay_start_1:
0x0: {  	(tag) =	ssettag $0x1  }
0x1: {  	v5 =	vlaneseq.u32;
	s2 =	simm.s32 $0x0  }
0x2: {  	v7 =	vor.u32 $0x10, v5;
	[smem:$0x7FF] =	sst s2  }
0x3: {  	s0 =	rddreg [dreg:$0x0];
	v8 =	vor.u32 $0x20, v5;
	_ =	strace $0x8000004A;
	[tilespmem:$0x1FD30] =	vst v7  }
0x4: {  	v9 =	vor.u32 $0x30, v5;
	[tilespmem:$0x1FD40] =	vst v8  }
0x5: {  	v10 =	vor.u32 $0x40, v5;
	[tilespmem:$0x1FD50] =	vst v9  }
0x6: {  	v12 =	vor.u32 $0x50, v5;
	[tilespmem:$0x1FD60] =	vst v10  }
0x7: {  	v13 =	vor.u32 $0x60, v5;
	[tilespmem:$0x1FD70] =	vst v12  }
0x8: {  	v6 =	vmul.u32 $0x8, v5;
	v14 =	vor.u32 $0x70, v5;
	[tilespmem:$0x1FD80] =	vst v13  }
0x9: {  	v11 =	vmul.u32 $0x10, v5;
	[tilespmem:$0x1FD90] =	vst v14  }
0xa: {  	[tilespmem:$0x1FD20] =	vst v6  }
0xb: {  	v0 =	vor.u32 $0x3, v11;
	[tilespmem:$0x1FDC0] =	vst v11  }
0xc: {  	v39 =	vor.u32 $0x6, v11;
	[tilespmem:$0x1FC40] =	vst v0  }
0xd: {  	v40 =	vor.u32 $0x7, v11;
	[tilespmem:$0x1FC50] =	vst v39  }
0xe: {  	v41 =	vor.u32 $0x100, v11;
	[tilespmem:$0x1FC60] =	vst v40  }
0xf: {  	v42 =	vor.u32 $0x101, v11;
	[tilespmem:$0x1FC70] =	vst v41  }
0x10: {  	v43 =	vor.u32 $0x103, v11;
	[tilespmem:$0x1FC80] =	vst v42  }
0x11: {  	v44 =	vor.u32 $0x106, v11;
	[tilespmem:$0x1FC90] =	vst v43  }
0x12: {  	v45 =	vor.u32 $0x200, v11;
	[tilespmem:$0x1FCA0] =	vst v44  }
0x13: {  	v46 =	vor.u32 $0x203, v11;
	[tilespmem:$0x1FCB0] =	vst v45  }
0x14: {  	v47 =	vor.u32 $0x206, v11;
	[tilespmem:$0x1FCC0] =	vst v46  }
0x15: {  	v49 =	vor.u32 $0x300, v11;
	[tilespmem:$0x1FCD0] =	vst v47  }
0x16: {  	v50 =	vor.u32 $0x303, v11;
	[tilespmem:$0x1FCE0] =	vst v49  }
0x17: {  	v53 =	vor.u32 $0x306, v11;
	[tilespmem:$0x1FCF0] =	vst v50  }
0x18: {  	v56 =	vor.u32 $0x400, v11;
	[tilespmem:$0x1FD00] =	vst v53  }
0x19: {  	v27 =	vor.u32 $0x505, v11;
	[tilespmem:$0x1FD10] =	vst v56  }
0x1a: {  	v28 =	vor.u32 $0x502, v11;
	[tilespmem:$0x1FDA0] =	vst v27  }
0x1b: {  	v30 =	vor.u32 $0x408, v11;
	[tilespmem:$0x1FDB0] =	vst v28  }
0x1c: {  	v15 =	vor.u32 $0x405, v11;
	[tilespmem:$0x1FDE0] =	vst v30  }
0x1d: {  	v31 =	vor.u32 $0x501, v11;
	[tilespmem:$0x1FE00] =	vst v15  }
0x1e: {  	v16 =	vor.u32 $0x407, v11;
	[tilespmem:$0x1FE10] =	vst v31  }
0x1f: {  	v33 =	vor.u32 $0x500, v11;
	[tilespmem:$0x1FE20] =	vst v16  }
0x20: {  	v35 =	vor.u32 $0x404, v11;
	[tilespmem:$0x1FE40] =	vst v33  }
0x21: {  	v29 =	vor.u32 $0x402, v11;
	[tilespmem:$0x1FE50] =	vst v35  }
0x22: {  	v17 =	vor.u32 $0x308, v11;
	[tilespmem:$0x1FE70] =	vst v29  }
0x23: {  	v18 =	vor.u32 $0x208, v11;
	[tilespmem:$0x1FE80] =	vst v17  }
0x24: {  	v48 =	vor.u32 $0x205, v11;
	[tilespmem:$0x1FEB0] =	vst v18  }
0x25: {  	v19 =	vor.u32 $0x202, v11;
	[tilespmem:$0x1FED0] =	vst v48  }
0x26: {  	v20 =	vor.u32 $0x108, v11;
	[tilespmem:$0x1FEE0] =	vst v19  }
0x27: {  	v21 =	vor.u32 $0x105, v11;
	[tilespmem:$0x1FF00] =	vst v20  }
0x28: {  	v22 =	vor.u32 $0x102, v11;
	[tilespmem:$0x1FF10] =	vst v21  }
0x29: {  	v23 =	vor.u32 $0x8, v11;
	[tilespmem:$0x1FF20] =	vst v22  }
0x2a: {  	v51 =	vor.u32 $0x2, v11;
	[tilespmem:$0x1FF30] =	vst v23  }
0x2b: {  	v52 =	vor.u32 $0x5, v11;
	[tilespmem:$0x1FF50] =	vst v51  }
0x2c: {  	v54 =	vor.u32 $0x304, v11;
	[tilespmem:$0x1FF60] =	vst v52  }
0x2d: {  	v55 =	vor.u32 $0x301, v11;
	[tilespmem:$0x1FF70] =	vst v54  }
0x2e: {  	v57 =	vor.u32 $0x204, v11;
	[tilespmem:$0x1FF80] =	vst v55  }
0x2f: {  	v59 =	vor.u32 $0x207, v11;
	[tilespmem:$0x1FF90] =	vst v57  }
0x30: {  	v58 =	vor.u32 $0x201, v11;
	[tilespmem:$0x1FFA0] =	vst v59  }
0x31: {  	s1 =	srdreg.scid;
	s3 =	stileid.u32;
	s8 =	simm.s32 $0x2;
	v60 =	vor.u32 $0x104, v11;
	[tilespmem:$0x1FFB0] =	vst v58  }
0x32: {  	s9 =	simm.s32 $0x800;
	s10 =	simm.s32 $0x1800;
	s11 =	simm.s32 $0x80;
	v61 =	vor.u32 $0x107, v11;
	[tilespmem:$0x1FFC0] =	vst v60  }
0x33: {  	s12 =	simm.s32 $0x2000;
	s29 =	simm.s32 $0x6000;
	s30 =	simm.s32 $0x1C80;
	v62 =	vor.u32 $0x1, v11;
	[tilespmem:$0x1FFD0] =	vst v61  }
0x34: {  	s31 =	simm.s32 $0x6800;
	s13 =	simm.s32 $0x1E00;
	s14 =	simm.s32 $0x8000;
	v63 =	vor.u32 $0x4, v11;
	[tilespmem:$0x1FFE0] =	vst v62  }
0x35: {  	s15 =	simm.s32 $0x1E80;
	s16 =	simm.s32 $0x8800;
	s17 =	simm.s32 $0x1F00;
	v40 =	vor.u32 $0x504, v11;
	[tilespmem:$0x1FFF0] =	vst v63  }
0x36: {  	s18 =	simm.s32 $0x9000;
	s19 =	simm.s32 $0x1F80;
	s20 =	simm.s32 $0x9800;
	v41 =	vor.u32 $0x503, v11;
	[tilespmem:$0x1FDD0] =	vst v40  }
0x37: {  	s21 =	simm.s32 $0x1;
	s1 =	sand.u32 $0x1, s1;
	s3 =	sshll.u32 s3, $0x1;
	v42 =	vor.u32 $0x506, v11;
	[tilespmem:$0x1FDF0] =	vst v41  }
0x38: {  	s23 =	simm.s32 $0x0;
	s4 =	sor.u32 s1, s3;
	s3 =	sadd.s32 $0x40800, s0;
	v45 =	vor.u32 $0x406, v11;
	[tilespmem:$0x1FE30] =	vst v42  }
0x39: {  	s1 =	ssub.s32 $0x2, s1;
	s5 =	sshll.u32 s4, $0x8;
	s6 =	sshll.u32 s4, $0x1;
	v46 =	vor.u32 $0x305, v11;
	[tilespmem:$0x1FE60] =	vst v45  }
0x3a: {  	s7 =	sshrl.u32 s1, $0x1;
	s26 =	sshll.u32 s4, $0x9;
	s5 =	sadd.s32 s5, s0;
	v47 =	vor.u32 $0x302, v11;
	[tilespmem:$0x1FE90] =	vst v46  }
0x3b: {  	s0 =	sadd.s32 s6, s0;
	s1 =	ssub.s32 s1, s7;
	v49 =	vor.u32 $0x401, v11;
	s6 =	simm.s32 $0x1D80;
	[tilespmem:$0x1FEA0] =	vst v47  }
0x3c: {  	v50 =	vor.u32 $0x403, v11;
	s7 =	simm.s32 $0x7800;
	s4 =	sadd.s32 $0x800, s5;
	s0 =	sadd.s32 $0x20800, s0;
	[tilespmem:$0x1FEC0] =	vst v49  }
0x3d: {  	v53 =	vor.u32 $0x307, v11;
	s5 =	sadd.s32 s3, s26;
	s28 =	smax.u32 s1, $0x1;
	[tilespmem:$0x1FEF0] =	vst v50;
	[dreg:$0x2] =	wrdreg s0  }
0x3e: {  	s1 =	simm.s32 $0x7000;
	[tilespmem:$0x1FF40] =	vst v53;
	[dreg:$0x3] =	wrdreg s28;
	s0 =	simm.s32 $0x1D00  }
.LBB2_1:
0x3f: {  	[dreg:$0x4] =	wrdreg s23;
	v0 =	vimm.f32 $0.0e+00;
	s22 =	simm.s32 $0x0  }
.LBB2_2:
0x40: {  	s23 =	sshll.u32 s22, $0xD  }
0x41: {  	[tilespmem:$0x1FC30] =	vst v0;
	s25 =	simm.s32 $0x0;
	s24 =	sadd.s32 s23, s4  }
0x42: {  	[tilespmem:s25], [sflag:$0x2] =	stream.linear.gather [hbm4b:s24+s25], $0x800, $0x38;
	[tilespmem:$0xA010] =	vst v63  }
0x43: {  	v0 =	vmov s25;
	_ =	swait.ge [sflag:s8], $0x800  }
0x44: {  	s28 =	sshll.u32 s22, $0xE;
	v0 =	vshll.u32 v0, $0x3;
	[sflag:s8] =	ssyncset.done $0x0  }
0x45: {  	s24 =	sadd.s32 s28, s5;
	v1 =	vor.u32 v6, v0;
	[sflag:s8] =	ssyncadd.s32 $0xFFFFF800  }
0x46: {  	[tilespmem:s9], [sflag:$0x2] =	stream.linear.gather [hbm4b:s24+s25], $0x1000, $0x38;
	[tilespmem:$0xA010] =	vst v63  }
0x47: {  	_ =	swait.ge [sflag:s8], $0x1000  }
0x48: {  	[sflag:s8] =	ssyncset.done $0x0  }
0x49: {  	[sflag:s8] =	ssyncadd.s32 $0xFFFFF000  }
0x4a: {  	s26 =	simm.s32 $0x0;
	v2 =	vld.idx.msk [tilespmem:v1+s2+$0x0], $0xffff  }
0x4b: {  	v3 =	vor.u32 s26, v5  }
0x4c: {  	v4 =	vor.u32 $0x1, v1;
	_ =	sdelay $0x1  }
0x4d: {  	v0 =	vmov s23  }
0x4e: {  	v2 =	vadd.s32 v0, v2  }
0x4f: {  	[tilespmem:v3+s10+$0x0] =	vst.idx.msk $0xffff, v2  }
0x50: {  	v2 =	vld.idx.msk [tilespmem:v4+s2+$0x0], $0xffff  }
0x51: {  	v3 =	vor.u32 s26, v7  }
0x52: {  	v4 =	vor.u32 $0x2, v1;
	_ =	sdelay $0x2  }
0x53: {  	v2 =	vadd.s32 v0, v2  }
0x54: {  	[tilespmem:v3+s10+$0x0] =	vst.idx.msk $0xffff, v2  }
0x55: {  	v2 =	vld.idx.msk [tilespmem:v4+s2+$0x0], $0xffff  }
0x56: {  	v3 =	vor.u32 s26, v8  }
0x57: {  	v4 =	vor.u32 $0x3, v1;
	_ =	sdelay $0x2  }
0x58: {  	v2 =	vadd.s32 v0, v2  }
0x59: {  	[tilespmem:v3+s10+$0x0] =	vst.idx.msk $0xffff, v2  }
0x5a: {  	v2 =	vld.idx.msk [tilespmem:v4+s2+$0x0], $0xffff  }
0x5b: {  	v3 =	vor.u32 s26, v9  }
0x5c: {  	v4 =	vor.u32 $0x4, v1;
	_ =	sdelay $0x2  }
0x5d: {  	v2 =	vadd.s32 v0, v2  }
0x5e: {  	[tilespmem:v3+s10+$0x0] =	vst.idx.msk $0xffff, v2  }
0x5f: {  	v2 =	vld.idx.msk [tilespmem:v4+s2+$0x0], $0xffff  }
0x60: {  	v3 =	vor.u32 s26, v10  }
0x61: {  	v4 =	vor.u32 $0x5, v1;
	_ =	sdelay $0x2  }
0x62: {  	v2 =	vadd.s32 v0, v2  }
0x63: {  	[tilespmem:v3+s10+$0x0] =	vst.idx.msk $0xffff, v2  }
0x64: {  	v2 =	vld.idx.msk [tilespmem:v4+s2+$0x0], $0xffff  }
0x65: {  	v3 =	vor.u32 s26, v12  }
0x66: {  	v4 =	vor.u32 $0x6, v1;
	_ =	sdelay $0x2  }
0x67: {  	v2 =	vadd.s32 v0, v2  }
0x68: {  	[tilespmem:v3+s10+$0x0] =	vst.idx.msk $0xffff, v2  }
0x69: {  	v2 =	vld.idx.msk [tilespmem:v4+s2+$0x0], $0xffff  }
0x6a: {  	v3 =	vor.u32 s26, v13  }
0x6b: {  	v1 =	vor.u32 $0x7, v1;
	_ =	sdelay $0x2  }
0x6c: {  	v2 =	vadd.s32 v0, v2  }
0x6d: {  	s23 =	simm.s32 $0x10;
	[tilespmem:v3+s10+$0x0] =	vst.idx.msk $0xffff, v2  }
0x6e: {  	v3 =	vld.idx.msk [tilespmem:v1+s2+$0x0], $0xffff;
	v1 =	vmov s23  }
0x6f: {  	v2 =	vor.u32 s26, v14;
	v1 =	vshll.u32 v1, $0x3  }
0x70: {  	v1 =	vor.u32 v6, v1;
	_ =	sdelay $0x2  }
0x71: {  	s24 =	simm.s32 $0x1;
	s25 =	simm.s32 $0x2;
	v3 =	vadd.s32 v0, v3  }
.LBB2_3:
0x72: {  	p0 =	sne.s32 s25, $0xF;
	[tilespmem:v2+s10+$0x0] =	vst.idx.msk $0xffff, v3;
	s28 =	smov.u32 s25;
	s25 =	sadd.s32 $0x1, s25  }
0x73: {  	v2 =	vld.idx.msk [tilespmem:v1+s2+$0x0], $0xffff  }
0x74: {  	s26 =	sshll.u32 s24, $0x7;
	s24 =	smov.u32 s28  }
0x75: {  	v3 =	vor.u32 s26, v5  }
0x76: {  	v4 =	vor.u32 $0x1, v1;
	_ =	sdelay $0x2  }
0x77: {  	v2 =	vadd.s32 v0, v2  }
0x78: {  	[tilespmem:v3+s10+$0x0] =	vst.idx.msk $0xffff, v2  }
0x79: {  	v2 =	vld.idx.msk [tilespmem:v4+s2+$0x0], $0xffff;
	_ =	sdelay $0x1  }
0x7a: {  	v3 =	vor.u32 s26, v7  }
0x7b: {  	v4 =	vor.u32 $0x2, v1;
	_ =	sdelay $0x2  }
0x7c: {  	v2 =	vadd.s32 v0, v2  }
0x7d: {  	[tilespmem:v3+s10+$0x0] =	vst.idx.msk $0xffff, v2  }
0x7e: {  	v2 =	vld.idx.msk [tilespmem:v4+s2+$0x0], $0xffff;
	_ =	sdelay $0x1  }
0x7f: {  	v3 =	vor.u32 s26, v8  }
0x80: {  	v4 =	vor.u32 $0x3, v1;
	_ =	sdelay $0x2  }
0x81: {  	v2 =	vadd.s32 v0, v2  }
0x82: {  	[tilespmem:v3+s10+$0x0] =	vst.idx.msk $0xffff, v2  }
0x83: {  	v2 =	vld.idx.msk [tilespmem:v4+s2+$0x0], $0xffff;
	_ =	sdelay $0x1  }
0x84: {  	v3 =	vor.u32 s26, v9  }
0x85: {  	v4 =	vor.u32 $0x4, v1;
	_ =	sdelay $0x2  }
0x86: {  	v2 =	vadd.s32 v0, v2  }
0x87: {  	[tilespmem:v3+s10+$0x0] =	vst.idx.msk $0xffff, v2  }
0x88: {  	v2 =	vld.idx.msk [tilespmem:v4+s2+$0x0], $0xffff;
	_ =	sdelay $0x1  }
0x89: {  	v3 =	vor.u32 s26, v10  }
0x8a: {  	v4 =	vor.u32 $0x5, v1;
	_ =	sdelay $0x2  }
0x8b: {  	v2 =	vadd.s32 v0, v2  }
0x8c: {  	[tilespmem:v3+s10+$0x0] =	vst.idx.msk $0xffff, v2  }
0x8d: {  	v2 =	vld.idx.msk [tilespmem:v4+s2+$0x0], $0xffff;
	_ =	sdelay $0x1  }
0x8e: {  	v3 =	vor.u32 s26, v12  }
0x8f: {  	v4 =	vor.u32 $0x6, v1;
	_ =	sdelay $0x2  }
0x90: {  	v2 =	vadd.s32 v0, v2  }
0x91: {  	[tilespmem:v3+s10+$0x0] =	vst.idx.msk $0xffff, v2  }
0x92: {  	v2 =	vld.idx.msk [tilespmem:v4+s2+$0x0], $0xffff;
	_ =	sdelay $0x1  }
0x93: {  	v3 =	vor.u32 s26, v13  }
0x94: {  	v1 =	vor.u32 $0x7, v1;
	_ =	sdelay $0x2  }
0x95: {  	v2 =	vadd.s32 v0, v2  }
0x96: {  	[tilespmem:v3+s10+$0x0] =	vst.idx.msk $0xffff, v2  }
0x97: {  	s23 =	sadd.s32 $0x10, s23;
	v3 =	vld.idx.msk [tilespmem:v1+s2+$0x0], $0xffff  }
0x98: {  	v1 =	vmov s23  }
.Ltmp0:
0x99: {  	v2 =	vor.u32 s26, v14;
	v1 =	vshll.u32 v1, $0x3;
	(pc) =	sbr.rel @p0 .LBB2_3-.Ltmp0, $2  }
0x9a: {  	v1 =	vor.u32 v6, v1;
	_ =	sdelay $0x2  }
0x9b: {  	v3 =	vadd.s32 v0, v3  }
0x9c: {  	_ =	sdelay $0x3  }
0x9d: {  	[tilespmem:v2+s10+$0x0] =	vst.idx.msk $0xffff, v3  }
0x9e: {  	s23 =	sshll.u32 s24, $0x7;
	v2 =	vld.idx.msk [tilespmem:v1+s2+$0x0], $0xffff  }
0x9f: {  	v3 =	vor.u32 s23, v5  }
0xa0: {  	v4 =	vor.u32 $0x1, v1;
	_ =	sdelay $0x2  }
0xa1: {  	v2 =	vadd.s32 v0, v2  }
0xa2: {  	[tilespmem:v3+s10+$0x0] =	vst.idx.msk $0xffff, v2  }
0xa3: {  	v2 =	vld.idx.msk [tilespmem:v4+s2+$0x0], $0xffff  }
0xa4: {  	v3 =	vor.u32 s23, v7  }
0xa5: {  	v4 =	vor.u32 $0x2, v1;
	_ =	sdelay $0x2  }
0xa6: {  	v2 =	vadd.s32 v0, v2  }
0xa7: {  	[tilespmem:v3+s10+$0x0] =	vst.idx.msk $0xffff, v2  }
0xa8: {  	v2 =	vld.idx.msk [tilespmem:v4+s2+$0x0], $0xffff  }
0xa9: {  	v3 =	vor.u32 s23, v8  }
0xaa: {  	v4 =	vor.u32 $0x3, v1;
	_ =	sdelay $0x2  }
0xab: {  	v2 =	vadd.s32 v0, v2  }
0xac: {  	[tilespmem:v3+s10+$0x0] =	vst.idx.msk $0xffff, v2  }
0xad: {  	v2 =	vld.idx.msk [tilespmem:v4+s2+$0x0], $0xffff  }
0xae: {  	v3 =	vor.u32 s23, v9  }
0xaf: {  	v4 =	vor.u32 $0x4, v1;
	_ =	sdelay $0x2  }
0xb0: {  	v2 =	vadd.s32 v0, v2  }
0xb1: {  	[tilespmem:v3+s10+$0x0] =	vst.idx.msk $0xffff, v2  }
0xb2: {  	v2 =	vld.idx.msk [tilespmem:v4+s2+$0x0], $0xffff  }
0xb3: {  	v3 =	vor.u32 s23, v10  }
0xb4: {  	v4 =	vor.u32 $0x5, v1;
	_ =	sdelay $0x2  }
0xb5: {  	v2 =	vadd.s32 v0, v2  }
0xb6: {  	[tilespmem:v3+s10+$0x0] =	vst.idx.msk $0xffff, v2  }
0xb7: {  	v2 =	vld.idx.msk [tilespmem:v4+s2+$0x0], $0xffff  }
0xb8: {  	v3 =	vor.u32 s23, v12  }
0xb9: {  	v4 =	vor.u32 $0x6, v1;
	_ =	sdelay $0x2  }
0xba: {  	v2 =	vadd.s32 v0, v2  }
0xbb: {  	[tilespmem:v3+s10+$0x0] =	vst.idx.msk $0xffff, v2  }
0xbc: {  	v2 =	vld.idx.msk [tilespmem:v4+s2+$0x0], $0xffff  }
0xbd: {  	v3 =	vor.u32 s23, v13  }
0xbe: {  	v1 =	vor.u32 $0x7, v1;
	_ =	sdelay $0x2  }
0xbf: {  	v2 =	vadd.s32 v0, v2  }
0xc0: {  	[tilespmem:v3+s10+$0x0] =	vst.idx.msk $0xffff, v2  }
0xc1: {  	v1 =	vld.idx.msk [tilespmem:v1+s2+$0x0], $0xffff  }
0xc2: {  	v2 =	vor.u32 s23, v14;
	_ =	sdelay $0x3  }
0xc3: {  	v0 =	vadd.s32 v0, v1  }
0xc4: {  	[tilespmem:v2+s10+$0x0] =	vst.idx.msk $0xffff, v0  }
0xc5: {  	[tilespmem:s12], [sflag:$0x1] =	stream.indirect.gather [hbm4b:s3+s11], $0x10, s10, s11, $0xb8;
	[tilespmem:$0xA010] =	vst v63  }
0xc6: {  	s24 =	simm.s32 $0x1880;
	s25 =	simm.s32 $0x2800  }
0xc7: {  	[tilespmem:s25], [sflag:$0x1] =	stream.indirect.gather [hbm4b:s3+s11], $0x10, s24, s11, $0xb8;
	[tilespmem:$0xA010] =	vst v63  }
0xc8: {  	s26 =	simm.s32 $0x1900;
	s28 =	simm.s32 $0x3000  }
0xc9: {  	[tilespmem:s28], [sflag:$0x1] =	stream.indirect.gather [hbm4b:s3+s11], $0x10, s26, s11, $0xb8;
	[tilespmem:$0xA010] =	vst v63  }
0xca: {  	s24 =	simm.s32 $0x1980;
	s25 =	simm.s32 $0x3800  }
0xcb: {  	[tilespmem:s25], [sflag:$0x1] =	stream.indirect.gather [hbm4b:s3+s11], $0x10, s24, s11, $0xb8;
	[tilespmem:$0xA010] =	vst v63  }
0xcc: {  	s26 =	simm.s32 $0x1A00;
	s28 =	simm.s32 $0x4000  }
0xcd: {  	[tilespmem:s28], [sflag:$0x1] =	stream.indirect.gather [hbm4b:s3+s11], $0x10, s26, s11, $0xb8;
	[tilespmem:$0xA010] =	vst v63  }
0xce: {  	s24 =	simm.s32 $0x1A80;
	s25 =	simm.s32 $0x4800  }
0xcf: {  	[tilespmem:s25], [sflag:$0x1] =	stream.indirect.gather [hbm4b:s3+s11], $0x10, s24, s11, $0xb8;
	[tilespmem:$0xA010] =	vst v63  }
0xd0: {  	s26 =	simm.s32 $0x1B00;
	s28 =	simm.s32 $0x5000  }
0xd1: {  	[tilespmem:s28], [sflag:$0x1] =	stream.indirect.gather [hbm4b:s3+s11], $0x10, s26, s11, $0xb8;
	[tilespmem:$0xA010] =	vst v63  }
0xd2: {  	s24 =	simm.s32 $0x1B80;
	s25 =	simm.s32 $0x5800  }
0xd3: {  	[tilespmem:s25], [sflag:$0x1] =	stream.indirect.gather [hbm4b:s3+s11], $0x10, s24, s11, $0xb8;
	[tilespmem:$0xA010] =	vst v63  }
0xd4: {  	s26 =	simm.s32 $0x1C00  }
0xd5: {  	[tilespmem:s29], [sflag:$0x1] =	stream.indirect.gather [hbm4b:s3+s11], $0x10, s26, s11, $0xb8;
	[tilespmem:$0xA010] =	vst v63  }
0xd6: {  	_ = 	snop  }
0xd7: {  	[tilespmem:s31], [sflag:$0x1] =	stream.indirect.gather [hbm4b:s3+s11], $0x10, s30, s11, $0xb8;
	[tilespmem:$0xA010] =	vst v63  }
0xd8: {  	_ = 	snop  }
0xd9: {  	[tilespmem:s1], [sflag:$0x1] =	stream.indirect.gather [hbm4b:s3+s11], $0x10, s0, s11, $0xb8;
	[tilespmem:$0xA010] =	vst v63  }
0xda: {  	_ = 	snop  }
0xdb: {  	[tilespmem:s7], [sflag:$0x1] =	stream.indirect.gather [hbm4b:s3+s11], $0x10, s6, s11, $0xb8;
	[tilespmem:$0xA010] =	vst v63  }
0xdc: {  	_ = 	snop  }
0xdd: {  	[tilespmem:s14], [sflag:$0x1] =	stream.indirect.gather [hbm4b:s3+s11], $0x10, s13, s11, $0xb8;
	[tilespmem:$0xA010] =	vst v63  }
0xde: {  	_ = 	snop  }
0xdf: {  	[tilespmem:s16], [sflag:$0x1] =	stream.indirect.gather [hbm4b:s3+s11], $0x10, s15, s11, $0xb8;
	[tilespmem:$0xA010] =	vst v63  }
0xe0: {  	_ = 	snop  }
0xe1: {  	[tilespmem:s18], [sflag:$0x1] =	stream.indirect.gather [hbm4b:s3+s11], $0x10, s17, s11, $0xb8;
	[tilespmem:$0xA010] =	vst v63  }
0xe2: {  	_ = 	snop  }
0xe3: {  	[tilespmem:s20], [sflag:$0x1] =	stream.indirect.gather [hbm4b:s3+s11], $0x10, s19, s11, $0xb8;
	[tilespmem:$0xA010] =	vst v63  }
0xe4: {  	_ =	swait.ge [sflag:s21], $0x800  }
0xe5: {  	[sflag:s21] =	ssyncset.done $0x0  }
0xe6: {  	[sflag:s21] =	ssyncadd.s32 $0xFFFFF800  }
0xe7: {  	_ =	swait.ge [sflag:s21], $0x800  }
0xe8: {  	[sflag:s21] =	ssyncset.done $0x0  }
0xe9: {  	[sflag:s21] =	ssyncadd.s32 $0xFFFFF800  }
0xea: {  	_ =	swait.ge [sflag:s21], $0x800  }
0xeb: {  	[sflag:s21] =	ssyncset.done $0x0  }
0xec: {  	[sflag:s21] =	ssyncadd.s32 $0xFFFFF800  }
0xed: {  	_ =	swait.ge [sflag:s21], $0x800  }
0xee: {  	[sflag:s21] =	ssyncset.done $0x0  }
0xef: {  	[sflag:s21] =	ssyncadd.s32 $0xFFFFF800  }
0xf0: {  	_ =	swait.ge [sflag:s21], $0x800  }
0xf1: {  	[sflag:s21] =	ssyncset.done $0x0  }
0xf2: {  	[sflag:s21] =	ssyncadd.s32 $0xFFFFF800  }
0xf3: {  	_ =	swait.ge [sflag:s21], $0x800  }
0xf4: {  	[sflag:s21] =	ssyncset.done $0x0  }
0xf5: {  	[sflag:s21] =	ssyncadd.s32 $0xFFFFF800  }
0xf6: {  	_ =	swait.ge [sflag:s21], $0x800  }
0xf7: {  	[sflag:s21] =	ssyncset.done $0x0  }
0xf8: {  	[sflag:s21] =	ssyncadd.s32 $0xFFFFF800  }
0xf9: {  	_ =	swait.ge [sflag:s21], $0x800  }
0xfa: {  	[sflag:s21] =	ssyncset.done $0x0  }
0xfb: {  	[sflag:s21] =	ssyncadd.s32 $0xFFFFF800  }
0xfc: {  	_ =	swait.ge [sflag:s21], $0x800  }
0xfd: {  	[sflag:s21] =	ssyncset.done $0x0  }
0xfe: {  	[sflag:s21] =	ssyncadd.s32 $0xFFFFF800  }
0xff: {  	_ =	swait.ge [sflag:s21], $0x800  }
0x100: {  	[sflag:s21] =	ssyncset.done $0x0  }
0x101: {  	[sflag:s21] =	ssyncadd.s32 $0xFFFFF800  }
0x102: {  	_ =	swait.ge [sflag:s21], $0x800  }
0x103: {  	[sflag:s21] =	ssyncset.done $0x0  }
0x104: {  	[sflag:s21] =	ssyncadd.s32 $0xFFFFF800  }
0x105: {  	_ =	swait.ge [sflag:s21], $0x800  }
0x106: {  	[sflag:s21] =	ssyncset.done $0x0  }
0x107: {  	[sflag:s21] =	ssyncadd.s32 $0xFFFFF800  }
0x108: {  	_ =	swait.ge [sflag:s21], $0x800  }
0x109: {  	[sflag:s21] =	ssyncset.done $0x0  }
0x10a: {  	[sflag:s21] =	ssyncadd.s32 $0xFFFFF800  }
0x10b: {  	_ =	swait.ge [sflag:s21], $0x800  }
0x10c: {  	[sflag:s21] =	ssyncset.done $0x0  }
0x10d: {  	[sflag:s21] =	ssyncadd.s32 $0xFFFFF800  }
0x10e: {  	v0 =	vor.u32 $0x708, v11;
	_ =	swait.ge [sflag:s21], $0x800  }
0x10f: {  	v1 =	vor.u32 $0x705, v11;
	[sflag:s21] =	ssyncset.done $0x0;
	[tilespmem:$0x1F7F0] =	vst v0  }
0x110: {  	[tilespmem:$0x1F800] =	vst v1;
	[sflag:s21] =	ssyncadd.s32 $0xFFFFF800  }
0x111: {  	v2 =	vor.u32 $0x707, v11;
	s28 =	simm.s32 $0x0;
	_ =	swait.ge [sflag:s21], $0x800  }
0x112: {  	v4 =	vor.u32 $0x704, v11;
	[tilespmem:$0x1F810] =	vst v2;
	v2 =	vor.u32 s28, v2  }
0x113: {  	v5 =	vor.u32 $0x706, v11;
	[tilespmem:$0x1F830] =	vst v4;
	v4 =	vor.u32 s28, v4  }
0x114: {  	v6 =	vor.u32 $0x608, v11;
	[tilespmem:$0x1F840] =	vst v5;
	v5 =	vor.u32 s28, v5  }
0x115: {  	v7 =	vor.u32 $0x701, v11;
	[sflag:s21] =	ssyncset.done $0x0;
	[tilespmem:$0x1F850] =	vst v6;
	v6 =	vor.u32 s28, v6  }
0x116: {  	v8 =	vor.u32 $0x703, v11;
	[tilespmem:$0x1F860] =	vst v7;
	v7 =	vor.u32 s28, v7;
	[sflag:s21] =	ssyncadd.s32 $0xFFFFF800  }
0x117: {  	v9 =	vor.u32 $0x605, v11;
	[tilespmem:$0x1F870] =	vst v8;
	v32 =	vld.idx.msk [tilespmem:v2+s12+$0x0], $0xffff;
	v2 =	vor.u32 s28, v8  }
0x118: {  	v10 =	vor.u32 $0x607, v11;
	[tilespmem:$0x1F880] =	vst v9;
	v8 =	vor.u32 s28, v9;
	v34 =	vld.idx.msk [tilespmem:v4+s12+$0x0], $0xffff  }
0x119: {  	v12 =	vor.u32 $0x604, v11;
	[tilespmem:$0x1F890] =	vst v10;
	v9 =	vor.u32 $0x700, v11;
	v4 =	vor.u32 s28, v10;
	v24 =	vld.idx.msk [tilespmem:v5+s12+$0x0], $0xffff  }
0x11a: {  	[tilespmem:$0x1F8C0] =	vst v12;
	v10 =	vor.u32 $0x602, v11;
	v5 =	vld.idx.msk [tilespmem:v6+s12+$0x0], $0xffff;
	v6 =	vor.u32 s28, v9  }
0x11b: {  	v36 =	vld.idx.msk [tilespmem:v7+s12+$0x0], $0xffff;
	[tilespmem:$0x1F8A0] =	vst v9;
	v9 =	vor.u32 s28, v10  }
0x11c: {  	v0 =	vor.u32 s28, v0;
	v7 =	vor.u32 s28, v12;
	v12 =	vor.u32 $0x508, v11;
	[tilespmem:$0x1F8B0] =	vst v10;
	v25 =	vld.idx.msk [tilespmem:v2+s12+$0x0], $0xffff  }
0x11d: {  	v10 =	vor.u32 $0x606, v11;
	[tilespmem:$0x1F8E0] =	vst v12;
	v2 =	vld.idx.msk [tilespmem:v8+s12+$0x0], $0xffff  }
0x11e: {  	[tilespmem:$0x1F8D0] =	vst v10;
	v8 =	vor.u32 s28, v10;
	v10 =	vor.u32 s28, v12;
	v12 =	vor.u32 $0x601, v11;
	v37 =	vld.idx.msk [tilespmem:v4+s12+$0x0], $0xffff  }
0x11f: {  	[tilespmem:$0x1F8F0] =	vst v12;
	v4 =	vor.u32 s28, v12;
	v12 =	vor.u32 $0x603, v11;
	v26 =	vld.idx.msk [tilespmem:v6+s12+$0x0], $0xffff  }
0x120: {  	v56 =	vld.idx.msk [tilespmem:v9+s12+$0x0], $0xffff;
	v9 =	vmov v11;
	v6 =	vor.u32 s28, v12  }
0x121: {  	v3 =	vor.u32 $0x702, v11;
	v0 =	vld.idx.msk [tilespmem:v0+s12+$0x0], $0xffff;
	v11 =	vor.u32 s28, v27;
	[tilespmem:$0x1F900] =	vst v12;
	v12 =	vor.u32 $0x507, v9  }
0x122: {  	v38 =	vld.idx.msk [tilespmem:v7+s12+$0x0], $0xffff;
	[tilespmem:$0x1F910] =	vst v12;
	v7 =	vor.u32 s28, v12;
	v12 =	vor.u32 $0x600, v9  }
0x123: {  	v27 =	vld.idx.msk [tilespmem:v8+s12+$0x0], $0xffff;
	v8 =	vor.u32 s28, v12  }
0x124: {  	v39 =	vld.idx.msk [tilespmem:v4+s12+$0x0], $0xffff;
	v4 =	vor.u32 s28, v40  }
0x125: {  	[tilespmem:$0x1F920] =	vst v12;
	v12 =	vor.u32 s28, v28;
	v28 =	vld.idx.msk [tilespmem:v6+s12+$0x0], $0xffff;
	v6 =	vor.u32 s28, v42  }
0x126: {  	v13 =	vld.idx.msk [tilespmem:v11+s12+$0x0], $0xffff;
	v11 =	vor.u32 s28, v30  }
0x127: {  	s23 =	simm.s32 $0x0;
	v40 =	vld.idx.msk [tilespmem:v7+s12+$0x0], $0xffff;
	v7 =	vor.u32 s28, v31  }
0x128: {  	v14 =	vmov s23;
	v30 =	vld.idx.msk [tilespmem:v8+s12+$0x0], $0xffff;
	v8 =	vor.u32 s28, v41  }
0x129: {  	v41 =	vld.idx.msk [tilespmem:v4+s12+$0x0], $0xffff;
	v4 =	vshll.u32 v14, $0x4;
	v14 =	vor.u32 s28, v16  }
0x12a: {  	v31 =	vld.idx.msk [tilespmem:v6+s12+$0x0], $0xffff;
	v4 =	vor.u32 v9, v4;
	v6 =	vor.u32 s28, v33  }
0x12b: {  	v16 =	vld.idx.msk [tilespmem:v11+s12+$0x0], $0xffff;
	v11 =	vor.u32 $0xE, v4  }
0x12c: {  	v42 =	vld.idx.msk [tilespmem:v7+s12+$0x0], $0xffff;
	v7 =	vor.u32 $0xD, v4  }
0x12d: {  	v4 =	vor.u32 $0xC, v4;
	v33 =	vld.idx.msk [tilespmem:v8+s12+$0x0], $0xffff  }
0x12e: {  	v8 =	vor.u32 s28, v29;
	v43 =	vld.idx.msk [tilespmem:v14+s12+$0x0], $0xffff  }
0x12f: {  	v14 =	vor.u32 s28, v35;
	v35 =	vld.idx.msk [tilespmem:v6+s12+$0x0], $0xffff  }
0x130: {  	v6 =	vor.u32 s28, v45;
	v44 =	vld.idx.msk [tilespmem:v11+s9+$0x0], $0xffff  }
0x131: {  	v45 =	vld.idx.msk [tilespmem:v7+s9+$0x0], $0xffff;
	v7 =	vor.u32 s28, v17  }
0x132: {  	v29 =	vld.idx.msk [tilespmem:v4+s9+$0x0], $0xffff;
	v4 =	vor.u32 s28, v49  }
0x133: {  	v17 =	vld.idx.msk [tilespmem:v8+s12+$0x0], $0xffff;
	v8 =	vor.u32 s28, v46  }
0x134: {  	v46 =	vld.idx.msk [tilespmem:v14+s12+$0x0], $0xffff;
	v14 =	vor.u32 s28, v47  }
0x135: {  	v1 =	vor.u32 s28, v1;
	v47 =	vld.idx.msk [tilespmem:v6+s12+$0x0], $0xffff  }
0x136: {  	v6 =	vor.u32 s28, v18;
	v18 =	vld.idx.msk [tilespmem:v7+s12+$0x0], $0xffff  }
0x137: {  	v11 =	vor.u32 s28, v50;
	v7 =	vor.u32 s28, v48;
	v48 =	vld.idx.msk [tilespmem:v4+s12+$0x0], $0xffff  }
0x138: {  	v4 =	vor.u32 s28, v19;
	v19 =	vld.idx.msk [tilespmem:v8+s12+$0x0], $0xffff  }
0x139: {  	v8 =	vor.u32 s28, v20;
	v20 =	vld.idx.msk [tilespmem:v14+s12+$0x0], $0xffff;
	v14 =	vor.u32 s28, v21  }
0x13a: {  	v22 =	vor.u32 s28, v22;
	v1 =	vld.idx.msk [tilespmem:v1+s12+$0x0], $0xffff;
	v2 =	vsub.f32 v2, v44  }
0x13b: {  	v23 =	vor.u32 s28, v23;
	v10 =	vld.idx.msk [tilespmem:v10+s12+$0x0], $0xffff;
	v0 =	vsub.f32 v0, v44  }
0x13c: {  	v49 =	vld.idx.msk [tilespmem:v11+s12+$0x0], $0xffff;
	[tilespmem:$0x1F960] =	vst v2;
	v2 =	vsub.f32 v56, v44  }
0x13d: {  	[tilespmem:$0x1F930] =	vst v0;
	v0 =	vld.idx.msk [tilespmem:v4+s12+$0x0], $0xffff  }
0x13e: {  	[tilespmem:$0x1F970] =	vst v2;
	v2 =	vld.idx.msk [tilespmem:v14+s12+$0x0], $0xffff  }
0x13f: {  	v11 =	vsub.f32 v1, v44;
	v1 =	vor.u32 s28, v52;
	v52 =	vor.u32 s28, v53;
	v53 =	vld.idx.msk [tilespmem:v22+s12+$0x0], $0xffff  }
0x140: {  	v22 =	vor.u32 s28, v54;
	v54 =	vld.idx.msk [tilespmem:v23+s12+$0x0], $0xffff  }
0x141: {  	v4 =	vsub.f32 v10, v44  }
0x142: {  	v10 =	vsub.f32 v13, v44;
	v13 =	vsub.f32 v16, v44  }
0x143: {  	v16 =	vsub.f32 v0, v44;
	v0 =	vsub.f32 v2, v44  }
0x144: {  	v51 =	vor.u32 s28, v51  }
0x145: {  	[tilespmem:$0x1FA10] =	vst v0;
	v0 =	vsub.f32 v54, v44  }
0x146: {  	v56 =	vld.idx.msk [tilespmem:v1+s12+$0x0], $0xffff  }
0x147: {  	[tilespmem:$0x1FA70] =	vst v0;
	v0 =	vld [tilespmem:$0x1FC80];
	_ =	sdelay $0x1  }
0x148: {  	[tilespmem:$0x1F820] =	vst v3;
	v3 =	vor.u32 s28, v3;
	v51 =	vld.idx.msk [tilespmem:v51+s12+$0x0], $0xffff;
	_ =	sdelay $0x1  }
0x149: {  	v23 =	vsub.f32 v20, v44  }
0x14a: {  	v20 =	vsub.f32 v53, v44;
	v53 =	vor.u32 s28, v0;
	v0 =	vsub.f32 v56, v44  }
0x14b: {  	v15 =	vor.u32 s28, v15  }
0x14c: {  	v3 =	vld.idx.msk [tilespmem:v3+s12+$0x0], $0xffff;
	[tilespmem:$0x1FA20] =	vst v0;
	v0 =	vsub.f32 v51, v44;
	_ =	sdelay $0x1  }
0x14d: {  	[tilespmem:$0x1FAA0] =	vst v0;
	v0 =	vld [tilespmem:$0x1FC60];
	_ =	sdelay $0x1  }
0x14e: {  	v15 =	vld.idx.msk [tilespmem:v15+s12+$0x0], $0xffff  }
0x14f: {  	v58 =	vor.u32 s28, v58;
	v12 =	vld.idx.msk [tilespmem:v12+s12+$0x0], $0xffff;
	v3 =	vsub.f32 v3, v44  }
0x150: {  	v60 =	vor.u32 s28, v60;
	v21 =	vld.idx.msk [tilespmem:v6+s12+$0x0], $0xffff  }
0x151: {  	[tilespmem:$0x1F940] =	vst v3;
	v3 =	vsub.f32 v5, v44;
	v51 =	vor.u32 s28, v0;
	v0 =	vld [tilespmem:$0x1FD10]  }
0x152: {  	v50 =	vld.idx.msk [tilespmem:v7+s12+$0x0], $0xffff  }
0x153: {  	[tilespmem:$0x1F950] =	vst v3;
	v3 =	vld.idx.msk [tilespmem:v8+s12+$0x0], $0xffff  }
0x154: {  	v54 =	vsub.f32 v32, v45;
	v32 =	vld.idx.msk [tilespmem:v58+s12+$0x0], $0xffff  }
0x155: {  	v57 =	vor.u32 s28, v57;
	v58 =	vld.idx.msk [tilespmem:v60+s12+$0x0], $0xffff  }
0x156: {  	v60 =	vor.u32 s28, v0;
	v0 =	vld [tilespmem:$0x1FD00]  }
0x157: {  	v12 =	vsub.f32 v12, v44;
	v18 =	vsub.f32 v18, v44  }
0x158: {  	v19 =	vsub.f32 v19, v44;
	v14 =	vsub.f32 v15, v44  }
0x159: {  	v1 =	vor.u32 s28, v59;
	v59 =	vld.idx.msk [tilespmem:v22+s12+$0x0], $0xffff;
	v15 =	vsub.f32 v17, v44;
	v21 =	vsub.f32 v21, v44  }
0x15a: {  	v22 =	vsub.f32 v50, v44;
	v17 =	vsub.f32 v3, v44;
	v44 =	vld.idx.msk [tilespmem:v57+s12+$0x0], $0xffff  }
0x15b: {  	v57 =	vor.u32 s28, v62;
	v62 =	vor.u32 s28, v0;
	v0 =	vld [tilespmem:$0x1FCF0];
	_ =	sdelay $0x2  }
0x15c: {  	v55 =	vor.u32 s28, v55;
	_ =	sdelay $0x1  }
0x15d: {  	v56 =	vsub.f32 v34, v45;
	v34 =	vor.u32 s28, v63;
	v63 =	vor.u32 s28, v0;
	v0 =	vld [tilespmem:$0x1FCE0];
	_ =	sdelay $0x2  }
0x15e: {  	v55 =	vld.idx.msk [tilespmem:v55+s12+$0x0], $0xffff  }
0x15f: {  	v52 =	vld.idx.msk [tilespmem:v52+s12+$0x0], $0xffff;
	v50 =	vor.u32 s28, v61  }
0x160: {  	v36 =	vsub.f32 v36, v45;
	v61 =	vld.idx.msk [tilespmem:v1+s12+$0x0], $0xffff;
	v0 =	vor.u32 s28, v0  }
0x161: {  	v37 =	vsub.f32 v37, v45;
	v38 =	vsub.f32 v38, v45;
	v1 =	vld [tilespmem:$0x1FCD0]  }
0x162: {  	v39 =	vsub.f32 v39, v45;
	v40 =	vsub.f32 v40, v45;
	v3 =	vld [tilespmem:$0x1FCB0]  }
0x163: {  	v41 =	vsub.f32 v41, v45;
	v42 =	vsub.f32 v42, v45;
	v2 =	vld [tilespmem:$0x1FCC0]  }
0x164: {  	v43 =	vsub.f32 v43, v45;
	v55 =	vsub.f32 v55, v45;
	v50 =	vld.idx.msk [tilespmem:v50+s12+$0x0], $0xffff  }
0x165: {  	v24 =	vsub.f32 v24, v29;
	v25 =	vsub.f32 v25, v29;
	v7 =	vld.idx.msk [tilespmem:v0+s12+$0x0], $0xffff  }
0x166: {  	v26 =	vsub.f32 v26, v29;
	v27 =	vsub.f32 v27, v29;
	v0 =	vld [tilespmem:$0x1FC90]  }
0x167: {  	v28 =	vsub.f32 v28, v29;
	v30 =	vsub.f32 v30, v29;
	v53 =	vld.idx.msk [tilespmem:v53+s12+$0x0], $0xffff  }
0x168: {  	v31 =	vsub.f32 v31, v29;
	v33 =	vsub.f32 v33, v29;
	v24 =	vmul.f32 v24, v24;
	v34 =	vld.idx.msk [tilespmem:v34+s12+$0x0], $0xffff  }
0x169: {  	v35 =	vsub.f32 v35, v29;
	v26 =	vmul.f32 v26, v26;
	v25 =	vmul.f32 v25, v25;
	v57 =	vld.idx.msk [tilespmem:v57+s12+$0x0], $0xffff  }
0x16a: {  	v28 =	vmul.f32 v28, v28;
	v27 =	vmul.f32 v27, v27;
	v46 =	vsub.f32 v46, v45;
	v51 =	vld.idx.msk [tilespmem:v51+s12+$0x0], $0xffff  }
0x16b: {  	v48 =	vsub.f32 v48, v45;
	[tilespmem:$0x1F980] =	vst v4;
	v52 =	vsub.f32 v52, v45;
	v4 =	vor.u32 s28, v0;
	v0 =	vld [tilespmem:$0x1FC70]  }
0x16c: {  	v31 =	vmul.f32 v31, v31;
	v59 =	vsub.f32 v59, v45;
	v61 =	vsub.f32 v61, v45  }
0x16d: {  	v1 =	vor.u32 s28, v1;
	v8 =	vsub.f32 v32, v45;
	v50 =	vsub.f32 v50, v45  }
0x16e: {  	v32 =	vor.u32 s28, v3;
	v58 =	vsub.f32 v58, v45;
	v3 =	vld [tilespmem:$0x1FCA0];
	v44 =	vsub.f32 v44, v45  }
0x16f: {  	v2 =	vor.u32 s28, v2;
	v53 =	vsub.f32 v53, v45;
	v34 =	vsub.f32 v34, v45  }
0x170: {  	v51 =	vsub.f32 v51, v45;
	v45 =	vsub.f32 v57, v45;
	v57 =	vor.u32 s28, v0;
	v0 =	vld [tilespmem:$0x1FC50]  }
0x171: {  	v30 =	vmul.f32 v30, v30;
	v35 =	vmul.f32 v35, v35  }
0x172: {  	v33 =	vmul.f32 v33, v33;
	v47 =	vsub.f32 v47, v29;
	v24 =	vadd.f32 $9.999999960e-13, v24  }
0x173: {  	v26 =	vadd.f32 $9.999999960e-13, v26;
	v25 =	vadd.f32 $9.999999960e-13, v25;
	v6 =	vld.idx.msk [tilespmem:v1+s12+$0x0], $0xffff;
	v3 =	vor.u32 s28, v3  }
0x174: {  	v28 =	vadd.f32 $9.999999960e-13, v28;
	v27 =	vadd.f32 $9.999999960e-13, v27;
	v54 =	vmul.f32 v54, v54;
	v5 =	vld.idx.msk [tilespmem:v2+s12+$0x0], $0xffff  }
0x175: {  	v31 =	vadd.f32 $9.999999960e-13, v31;
	v49 =	vsub.f32 v49, v29;
	v2 =	vor.u32 s28, v0;
	v0 =	vld [tilespmem:$0x1FC40]  }
0x176: {  	v30 =	vadd.f32 $9.999999960e-13, v30;
	v24 =	vadd.f32 v54, v24;
	v54 =	vmul.f32 v37, v37  }
0x177: {  	v35 =	vadd.f32 $9.999999960e-13, v35;
	v46 =	vmul.f32 v46, v46;
	v49 =	vmul.f32 v49, v49;
	v32 =	vld.idx.msk [tilespmem:v32+s12+$0x0], $0xffff  }
0x178: {  	v10 =	vmul.f32 v10, v10;
	v27 =	vadd.f32 v54, v27;
	v54 =	vmul.f32 v47, v47;
	v3 =	vld.idx.msk [tilespmem:v3+s12+$0x0], $0xffff  }
0x179: {  	v33 =	vadd.f32 $9.999999960e-13, v33;
	v47 =	vmul.f32 v52, v52;
	v56 =	vmul.f32 v56, v56;
	v62 =	vld.idx.msk [tilespmem:v62+s12+$0x0], $0xffff  }
0x17a: {  	v8 =	vmul.f32 v8, v8;
	v6 =	vsub.f32 v6, v29;
	v60 =	vld.idx.msk [tilespmem:v60+s12+$0x0], $0xffff;
	v1 =	vor.u32 s28, v0  }
0x17b: {  	v25 =	vadd.f32 v56, v25;
	v56 =	vmul.f32 v40, v40;
	v63 =	vld.idx.msk [tilespmem:v63+s12+$0x0], $0xffff;
	v0 =	vor.u32 s28, v9  }
0x17c: {  	v40 =	vmul.f32 v42, v42;
	v42 =	vmul.f32 v41, v41;
	v5 =	vsub.f32 v5, v29;
	v4 =	vld.idx.msk [tilespmem:v4+s12+$0x0], $0xffff  }
0x17d: {  	v6 =	vmul.f32 v6, v6;
	v31 =	vadd.f32 v56, v31;
	v3 =	vsub.f32 v3, v29;
	v57 =	vld.idx.msk [tilespmem:v57+s12+$0x0], $0xffff  }
0x17e: {  	v32 =	vsub.f32 v32, v29;
	v5 =	vmul.f32 v5, v5;
	v62 =	vsub.f32 v62, v29;
	v2 =	vld.idx.msk [tilespmem:v2+s12+$0x0], $0xffff  }
0x17f: {  	v33 =	vadd.f32 v42, v33;
	v6 =	vadd.f32 $9.999999960e-13, v6;
	v3 =	vmul.f32 v3, v3;
	v1 =	vld.idx.msk [tilespmem:v1+s12+$0x0], $0xffff  }
0x180: {  	v5 =	vadd.f32 $9.999999960e-13, v5;
	v32 =	vmul.f32 v32, v32;
	v56 =	vmul.f32 v62, v62;
	v0 =	vld.idx.msk [tilespmem:v0+s12+$0x0], $0xffff  }
0x181: {  	v34 =	vmul.f32 v34, v34;
	v3 =	vadd.f32 $9.999999960e-13, v3;
	v60 =	vsub.f32 v60, v29  }
0x182: {  	v62 =	vmul.f32 v43, v43;
	v37 =	vadd.f32 $9.999999960e-13, v56;
	v63 =	vsub.f32 v63, v29  }
0x183: {  	v56 =	vmul.f32 v59, v59;
	v7 =	vsub.f32 v7, v29;
	v4 =	vsub.f32 v4, v29  }
0x184: {  	v59 =	vmul.f32 v55, v55;
	v57 =	vsub.f32 v57, v29;
	v2 =	vsub.f32 v2, v29  }
0x185: {  	v1 =	vsub.f32 v1, v29;
	v0 =	vsub.f32 v0, v29;
	v29 =	vmul.f32 v36, v36  }
0x186: {  	v37 =	vadd.f32 v47, v37;
	v52 =	vmul.f32 v63, v63;
	v36 =	vadd.f32 $9.999999960e-13, v54  }
0x187: {  	v63 =	vmul.f32 v50, v50;
	v26 =	vadd.f32 v29, v26;
	v29 =	vmul.f32 v38, v38  }
0x188: {  	v50 =	vmul.f32 v45, v45;
	v36 =	vadd.f32 v62, v36;
	v62 =	vmul.f32 v61, v61  }
0x189: {  	v3 =	vadd.f32 v63, v3;
	v28 =	vadd.f32 v29, v28;
	v29 =	vmul.f32 v39, v39  }
0x18a: {  	v7 =	vmul.f32 v7, v7;
	v4 =	vmul.f32 v4, v4;
	v41 =	vadd.f32 v62, v6  }
0x18b: {  	v9 =	vld [tilespmem:$0x1F930];
	v2 =	vmul.f32 v2, v2;
	v6 =	vadd.f32 $9.999999960e-13, v32;
	v29 =	vadd.f32 v29, v30  }
0x18c: {  	v30 =	vadd.f32 v40, v35;
	v35 =	vadd.f32 $9.999999960e-13, v49;
	v49 =	vmul.f32 v60, v60  }
0x18d: {  	v2 =	vadd.f32 $9.999999960e-13, v2;
	v8 =	vadd.f32 v8, v6;
	v6 =	vmul.f32 v51, v51  }
0x18e: {  	v4 =	vadd.f32 $9.999999960e-13, v4;
	v39 =	vadd.f32 $9.999999960e-13, v49;
	v49 =	vmul.f32 v58, v58  }
0x18f: {  	v7 =	vadd.f32 $9.999999960e-13, v7;
	v1 =	vmul.f32 v1, v1;
	v2 =	vadd.f32 v6, v2;
	v6 =	vld [tilespmem:$0x1F940]  }
0x190: {  	v40 =	vadd.f32 v49, v4;
	v4 =	vmul.f32 v11, v11;
	v11 =	vmul.f32 v9, v9;
	v9 =	vld [tilespmem:$0x1F970]  }
0x191: {  	v7 =	vadd.f32 v59, v7;
	v38 =	vadd.f32 $9.999999960e-13, v52;
	v0 =	vmul.f32 v0, v0  }
0x192: {  	v54 =	vmul.f32 v48, v48;
	v48 =	vmul.f32 v53, v53;
	v1 =	vadd.f32 $9.999999960e-13, v1  }
0x193: {  	v38 =	vadd.f32 v56, v38;
	v0 =	vadd.f32 $9.999999960e-13, v0;
	v60 =	vmul.f32 v44, v44  }
0x194: {  	v1 =	vadd.f32 v34, v1;
	v35 =	vadd.f32 v46, v35;
	v51 =	vmul.f32 v6, v6;
	v6 =	vld [tilespmem:$0x1F950]  }
0x195: {  	v5 =	vadd.f32 v60, v5;
	v46 =	vmul.f32 v57, v57;
	v53 =	vmul.f32 v9, v9;
	v9 =	vld [tilespmem:$0x1F980]  }
0x196: {  	v39 =	vadd.f32 v54, v39;
	v54 =	vadd.f32 v11, v24;
	v11 =	vmul.f32 v12, v12  }
0x197: {  	v47 =	vadd.f32 $9.999999960e-13, v46;
	v12 =	vmul.f32 v13, v13;
	v13 =	vmul.f32 v15, v15  }
0x198: {  	v24 =	vadd.f32 v4, v25;
	v4 =	vmul.f32 v14, v14;
	v26 =	vadd.f32 v51, v26  }
0x199: {  	v14 =	vmul.f32 v19, v19;
	v19 =	vadd.f32 v53, v29;
	v29 =	vadd.f32 v13, v39  }
0x19a: {  	v52 =	vmul.f32 v6, v6;
	v6 =	vadd.f32 v50, v0;
	v0 =	vld [tilespmem:$0x1F960];
	v9 =	vmul.f32 v9, v9  }
0x19b: {  	v32 =	vadd.f32 v48, v47;
	v15 =	vmul.f32 v23, v23;
	v50 =	vmul.f32 $5.000000000e-01, v26  }
0x19c: {  	v49 =	vmul.f32 $5.000000000e-01, v19;
	v59 =	vmul.f32 $5.000000000e-01, v29;
	v23 =	vadd.f32 v9, v31  }
0x19d: {  	v9 =	vmul.f32 v21, v21;
	v21 =	vadd.f32 v10, v33;
	v33 =	vadd.f32 v15, v7  }
0x19e: {  	v7 =	vmul.f32 v20, v20;
	v31 =	vadd.f32 v14, v38;
	v38 =	vmul.f32 $5.000000000e-01, v24  }
0x19f: {  	v0 =	vmul.f32 v0, v0;
	v34 =	vadd.f32 v9, v41;
	v41 =	vmul.f32 $5.000000000e-01, v54  }
0x1a0: {  	v9 =	vshrl.u32 v19, $0x1;
	v53 =	vmul.f32 $5.000000000e-01, v21;
	v60 =	vmul.f32 $5.000000000e-01, v23  }
0x1a1: {  	v45 =	vadd.f32 v7, v32;
	v62 =	vmul.f32 $5.000000000e-01, v31;
	v44 =	vmul.f32 $5.000000000e-01, v33  }
0x1a2: {  	v25 =	vadd.f32 v0, v28;
	v0 =	vmul.f32 v18, v18;
	v18 =	vadd.f32 v52, v27  }
0x1a3: {  	v27 =	vadd.f32 v11, v30;
	v11 =	vmul.f32 v22, v22;
	v28 =	vadd.f32 v4, v35  }
0x1a4: {  	v4 =	vmul.f32 v16, v16;
	v22 =	vadd.f32 v12, v36;
	v14 =	vsub.s32 $0x5F3759DF, v9  }
0x1a5: {  	v57 =	vmul.f32 $5.000000000e-01, v45;
	v30 =	vadd.f32 v0, v37;
	v0 =	vmul.f32 v17, v17  }
0x1a6: {  	[tilespmem:$0x1F990] =	vst v24;
	v35 =	vadd.f32 v11, v5;
	v5 =	vshrl.u32 v24, $0x1;
	v24 =	vadd.f32 v4, v8  }
0x1a7: {  	v8 =	vshrl.u32 v18, $0x1;
	v56 =	vmul.f32 $5.000000000e-01, v18;
	v48 =	vmul.f32 $5.000000000e-01, v25  }
0x1a8: {  	v37 =	vmul.f32 $5.000000000e-01, v22;
	v36 =	vadd.f32 v0, v3;
	v3 =	vshrl.u32 v54, $0x1  }
0x1a9: {  	v0 =	vsub.s32 $0x5F3759DF, v5;
	v5 =	vshrl.u32 v26, $0x1;
	v3 =	vsub.s32 $0x5F3759DF, v3  }
0x1aa: {  	v4 =	vmul.f32 v0, v38;
	v5 =	vsub.s32 $0x5F3759DF, v5;
	v11 =	vmul.f32 v3, v41  }
0x1ab: {  	v10 =	vshrl.u32 v25, $0x1;
	v42 =	vmul.f32 $5.000000000e-01, v27;
	v12 =	vmul.f32 v5, v50  }
0x1ac: {  	v13 =	vsub.s32 $0x5F3759DF, v10;
	v4 =	vmul.f32 v0, v4;
	v9 =	vmul.f32 v3, v11  }
0x1ad: {  	v10 =	vmul.f32 v5, v12;
	v11 =	vshrl.u32 v21, $0x1;
	v12 =	vmul.f32 v14, v49  }
0x1ae: {  	v43 =	vmul.f32 $5.000000000e-01, v28;
	v4 =	vsub.f32 $1.500000000e+00, v4;
	v15 =	vsub.s32 $0x5F3759DF, v11  }
0x1af: {  	v8 =	vsub.s32 $0x5F3759DF, v8;
	v7 =	vmul.f32 v14, v12;
	v12 =	vmul.f32 v15, v53  }
0x1b0: {  	v4 =	vmul.f32 v0, v4;
	v0 =	vmul.f32 v8, v56  }
0x1b1: {  	v46 =	vmul.f32 $5.000000000e-01, v30;
	v11 =	vmul.f32 v13, v48  }
0x1b2: {  	v9 =	vsub.f32 $1.500000000e+00, v9;
	v12 =	vmul.f32 v15, v12;
	v0 =	vmul.f32 v8, v0  }
0x1b3: {  	v39 =	vmul.f32 $5.000000000e-01, v24;
	v10 =	vsub.f32 $1.500000000e+00, v10;
	v11 =	vmul.f32 v13, v11  }
0x1b4: {  	v9 =	vmul.f32 v3, v9;
	v3 =	vsub.f32 $1.500000000e+00, v12;
	v0 =	vsub.f32 $1.500000000e+00, v0  }
0x1b5: {  	[tilespmem:$0x1F9D0] =	vst v25;
	v25 =	vmul.f32 $5.000000000e-01, v35;
	v16 =	vsub.f32 $1.500000000e+00, v7;
	v10 =	vmul.f32 v5, v10  }
0x1b6: {  	v7 =	vmul.f32 v8, v0;
	v0 =	vsub.f32 $1.500000000e+00, v11;
	v8 =	vmul.f32 v15, v3;
	v3 =	vld [tilespmem:$0x1FA10]  }
0x1b7: {  	v5 =	vmul.f32 v14, v16;
	v12 =	vshrl.u32 v27, $0x1;
	v16 =	vshrl.u32 v28, $0x1;
	v15 =	vld [tilespmem:$0x1FA20]  }
0x1b8: {  	v17 =	vsub.s32 $0x5F3759DF, v12;
	v11 =	vmul.f32 v13, v0;
	v0 =	vshrl.u32 v23, $0x1  }
0x1b9: {  	[tilespmem:$0x1F9E0] =	vst v19;
	v19 =	vsub.s32 $0x5F3759DF, v16;
	v13 =	vshrl.u32 v22, $0x1;
	v0 =	vsub.s32 $0x5F3759DF, v0  }
0x1ba: {  	v16 =	vmul.f32 v17, v42;
	v13 =	vsub.s32 $0x5F3759DF, v13;
	v14 =	vmul.f32 v0, v60  }
0x1bb: {  	[tilespmem:$0x1F9B0] =	vst v18;
	v18 =	vmul.f32 v13, v37;
	v3 =	vmul.f32 v3, v3  }
0x1bc: {  	v15 =	vmul.f32 v15, v15;
	v12 =	vmul.f32 v0, v14;
	v14 =	vshrl.u32 v29, $0x1  }
0x1bd: {  	[tilespmem:$0x1F9C0] =	vst v26;
	v51 =	vmul.f32 $5.000000000e-01, v36;
	v14 =	vsub.s32 $0x5F3759DF, v14;
	v26 =	vadd.f32 v3, v40  }
0x1be: {  	v3 =	vmul.f32 v13, v18;
	v55 =	vadd.f32 v15, v1;
	v1 =	vmul.f32 v17, v16;
	v16 =	vld [tilespmem:$0x1FA70]  }
0x1bf: {  	[tilespmem:$0x1F9F0] =	vst v21;
	v21 =	vshrl.u32 v35, $0x1;
	v18 =	vmul.f32 v19, v43;
	v20 =	vmul.f32 v14, v59  }
0x1c0: {  	[tilespmem:$0x1FA00] =	vst v23;
	v23 =	vsub.s32 $0x5F3759DF, v21;
	v12 =	vsub.f32 $1.500000000e+00, v12;
	v1 =	vsub.f32 $1.500000000e+00, v1  }
0x1c1: {  	v18 =	vmul.f32 v19, v18;
	v3 =	vsub.f32 $1.500000000e+00, v3;
	v15 =	vmul.f32 v14, v20  }
0x1c2: {  	v63 =	vmul.f32 $5.000000000e-01, v26;
	v17 =	vmul.f32 v17, v1;
	v1 =	vshrl.u32 v31, $0x1  }
0x1c3: {  	v20 =	vmul.f32 v16, v16;
	v15 =	vsub.f32 $1.500000000e+00, v15;
	v16 =	vmul.f32 v0, v12  }
0x1c4: {  	[tilespmem:$0x1FAB0] =	vst v34;
	v12 =	vmul.f32 v13, v3;
	v0 =	vsub.f32 $1.500000000e+00, v18;
	v1 =	vsub.s32 $0x5F3759DF, v1  }
0x1c5: {  	[tilespmem:$0x1FA40] =	vst v27;
	v18 =	vshrl.u32 v34, $0x1;
	v34 =	vmul.f32 $5.000000000e-01, v34;
	v27 =	vadd.f32 v20, v2;
	v2 =	vld [tilespmem:$0x1FAA0]  }
0x1c6: {  	v18 =	vsub.s32 $0x5F3759DF, v18;
	v13 =	vmul.f32 v14, v15;
	v15 =	vmul.f32 v19, v0  }
0x1c7: {  	v0 =	vshrl.u32 v30, $0x1;
	v14 =	vshrl.u32 v33, $0x1;
	v19 =	vmul.f32 v1, v62  }
0x1c8: {  	[tilespmem:$0x1FA30] =	vst v22;
	v20 =	vshrl.u32 v24, $0x1;
	v22 =	vmul.f32 v18, v34;
	v0 =	vsub.s32 $0x5F3759DF, v0  }
0x1c9: {  	v14 =	vsub.s32 $0x5F3759DF, v14;
	v3 =	vmul.f32 v0, v46;
	v19 =	vmul.f32 v1, v19  }
0x1ca: {  	v20 =	vsub.s32 $0x5F3759DF, v20;
	v21 =	vmul.f32 v14, v44;
	v2 =	vmul.f32 v2, v2  }
0x1cb: {  	[tilespmem:$0x1FAD0] =	vst v24;
	v24 =	vmul.f32 v20, v39;
	v3 =	vmul.f32 v0, v3  }
0x1cc: {  	[tilespmem:$0x1F9A0] =	vst v54;
	v54 =	vadd.f32 v2, v6;
	v2 =	vmul.f32 v18, v22;
	v6 =	vmul.f32 v23, v25  }
0x1cd: {  	v21 =	vmul.f32 v14, v21;
	v19 =	vsub.f32 $1.500000000e+00, v19;
	v3 =	vsub.f32 $1.500000000e+00, v3  }
0x1ce: {  	v22 =	vmul.f32 v20, v24;
	v24 =	vmul.f32 v23, v6;
	v2 =	vsub.f32 $1.500000000e+00, v2  }
0x1cf: {  	v6 =	vmul.f32 v1, v19;
	v1 =	vsub.f32 $1.500000000e+00, v21;
	v21 =	vmul.f32 v0, v3  }
0x1d0: {  	v22 =	vsub.f32 $1.500000000e+00, v22;
	v58 =	vmul.f32 $5.000000000e-01, v54;
	v18 =	vmul.f32 v18, v2  }
0x1d1: {  	v0 =	vsub.f32 $1.500000000e+00, v24;
	v19 =	vmul.f32 v14, v1;
	v1 =	vshrl.u32 v36, $0x1  }
0x1d2: {  	[tilespmem:$0x1FA50] =	vst v29;
	v14 =	vmul.f32 v20, v22;
	v22 =	vsub.s32 $0x5F3759DF, v1;
	v1 =	vshrl.u32 v26, $0x1  }
0x1d3: {  	[tilespmem:$0x1FA90] =	vst v31;
	v20 =	vmul.f32 v23, v0;
	v0 =	vshrl.u32 v45, $0x1;
	v23 =	vsub.s32 $0x5F3759DF, v1  }
0x1d4: {  	[tilespmem:$0x1FBF0] =	vst v44;
	v3 =	vmovc v25;
	v2 =	vmul.f32 v22, v51;
	v25 =	vsub.s32 $0x5F3759DF, v0;
	v0 =	vshrl.u32 v27, $0x1  }
0x1d5: {  	[tilespmem:$0x1FB00] =	vst v26;
	v24 =	vshrl.u32 v55, $0x1;
	v1 =	vmul.f32 v23, v63;
	v26 =	vsub.s32 $0x5F3759DF, v0  }
0x1d6: {  	[tilespmem:$0x1FB10] =	vst v27;
	v0 =	vmul.f32 $5.000000000e-01, v27;
	v27 =	vsub.s32 $0x5F3759DF, v24;
	v24 =	vmul.f32 v22, v2  }
0x1d7: {  	[tilespmem:$0x1FA60] =	vst v28;
	v2 =	vshrl.u32 v54, $0x1;
	v29 =	vmul.f32 v25, v57;
	v28 =	vmul.f32 v23, v1  }
0x1d8: {  	[tilespmem:$0x1FA80] =	vst v30;
	v44 =	vmul.f32 v19, v44;
	v31 =	vsub.s32 $0x5F3759DF, v2;
	v30 =	vmul.f32 v26, v0  }
0x1d9: {  	v29 =	vmul.f32 v25, v29;
	v1 =	vmovc v7;
	v7 =	vmul.f32 $5.000000000e-01, v55;
	v28 =	vsub.f32 $1.500000000e+00, v28  }
0x1da: {  	[tilespmem:$0x1FAC0] =	vst v33;
	v33 =	vmul.f32 v31, v58;
	v30 =	vmul.f32 v26, v30  }
0x1db: {  	v32 =	vmul.f32 v27, v7;
	v61 =	vmul.f32 v23, v28;
	v23 =	vsub.f32 $1.500000000e+00, v24  }
0x1dc: {  	[tilespmem:$0x1FB30] =	vst v55;
	v55 =	vmul.f32 v31, v33;
	v29 =	vsub.f32 $1.500000000e+00, v29;
	v33 =	vmul.f32 v18, v34  }
0x1dd: {  	v28 =	vsub.f32 $1.500000000e+00, v30;
	v30 =	vmul.f32 v27, v32;
	v24 =	vmul.f32 v22, v23  }
0x1de: {  	[tilespmem:$0x1FBA0] =	vst v59;
	v23 =	vmul.f32 v25, v29;
	v25 =	vsub.f32 $1.500000000e+00, v55;
	v29 =	vmul.f32 v9, v41  }
0x1df: {  	[tilespmem:$0x1FB50] =	vst v38;
	v22 =	vmul.f32 v26, v28;
	v28 =	vmul.f32 v4, v38  }
0x1e0: {  	[tilespmem:$0x1FB20] =	vst v45;
	v25 =	vmul.f32 v31, v25;
	v47 =	vmul.f32 v29, v9  }
0x1e1: {  	[tilespmem:$0x1FB60] =	vst v41;
	v26 =	vsub.f32 $1.500000000e+00, v30;
	v29 =	vmul.f32 v5, v49;
	v30 =	vmul.f32 v11, v48  }
0x1e2: {  	[tilespmem:$0x1FBE0] =	vst v34;
	v34 =	vmul.f32 v24, v51;
	v32 =	vmul.f32 v23, v57  }
0x1e3: {  	[tilespmem:$0x1FBC0] =	vst v62;
	v41 =	vmul.f32 v28, v4;
	v28 =	vmul.f32 v10, v50  }
0x1e4: {  	[tilespmem:$0x1FAE0] =	vst v35;
	v26 =	vmul.f32 v27, v26;
	v27 =	vmul.f32 v1, v56  }
0x1e5: {  	v52 =	vmov v49;
	[tilespmem:$0x1FB70] =	vst v48;
	v38 =	vmul.f32 v29, v5;
	v49 =	vmul.f32 v30, v11  }
0x1e6: {  	[tilespmem:$0x1FB80] =	vst v37;
	v29 =	vmul.f32 v12, v37;
	v30 =	vmul.f32 v17, v42  }
0x1e7: {  	[tilespmem:$0x1FB90] =	vst v42;
	v55 =	vmov v50;
	v50 =	vmul.f32 v28, v10;
	v28 =	vmul.f32 v16, v60  }
0x1e8: {  	[tilespmem:$0x1FBB0] =	vst v43;
	v40 =	vmul.f32 v27, v1;
	v27 =	vmul.f32 v8, v53  }
0x1e9: {  	[tilespmem:$0x1FAF0] =	vst v36;
	v36 =	vmul.f32 v29, v12;
	v45 =	vmul.f32 v30, v17  }
0x1ea: {  	[tilespmem:$0x1FBD0] =	vst v46;
	v29 =	vmul.f32 v6, v62;
	v30 =	vmul.f32 v21, v46  }
0x1eb: {  	[tilespmem:$0x1FC00] =	vst v39;
	v31 =	vmul.f32 v26, v7;
	v48 =	vmul.f32 v28, v16  }
0x1ec: {  	[tilespmem:$0x1FC10] =	vst v51;
	v28 =	vmul.f32 v15, v43;
	v42 =	vmul.f32 v27, v8  }
0x1ed: {  	[tilespmem:$0x1FB40] =	vst v54;
	v27 =	vmul.f32 v13, v59;
	v35 =	vmul.f32 v29, v6  }
0x1ee: {  	v54 =	vmov v53;
	[tilespmem:$0x1FC20] =	vst v0;
	v43 =	vmul.f32 v30, v21;
	v29 =	vmul.f32 v22, v0  }
0x1ef: {  	v2 =	vmovc v57;
	v57 =	vmovc v7;
	v53 =	vmov v60;
	v30 =	vmul.f32 v25, v58;
	v46 =	vmul.f32 v28, v15  }
0x1f0: {  	v60 =	vmovc v9;
	v62 =	vmovc v8;
	v59 =	vmov v5;
	v28 =	vmul.f32 v14, v39;
	v39 =	vmul.f32 v20, v3  }
0x1f1: {  	s24 =	simm.s32 $0x1;
	v8 =	vmovc v3;
	v3 =	vmovc v58;
	v58 =	vmov v4;
	v37 =	vmul.f32 v27, v13;
	v27 =	vmul.f32 v61, v63  }
.LBB2_5:
0x1f2: {  	v33 =	vmul.f32 v33, v18  }
0x1f3: {  	v47 =	vsub.f32 $1.500000000e+00, v47;
	v51 =	vmul.f32 v27, v61;
	v27 =	vsub.f32 $1.500000000e+00, v40  }
0x1f4: {  	v40 =	vsub.f32 $1.500000000e+00, v50;
	v50 =	vmul.f32 v29, v22;
	v29 =	vsub.f32 $1.500000000e+00, v42  }
0x1f5: {  	v0 =	vld [tilespmem:$0x1FB60];
	v42 =	vsub.f32 $1.500000000e+00, v48;
	v48 =	vmul.f32 v31, v26;
	v31 =	vsub.f32 $1.500000000e+00, v36  }
0x1f6: {  	v36 =	vsub.f32 $1.500000000e+00, v45;
	v45 =	vmul.f32 v30, v25;
	v35 =	vsub.f32 $1.500000000e+00, v35  }
0x1f7: {  	v30 =	vsub.f32 $1.500000000e+00, v37;
	v37 =	vsub.f32 $1.500000000e+00, v46;
	v9 =	vmul.f32 v47, v60  }
0x1f8: {  	v62 =	vmul.f32 v29, v62;
	v29 =	vmul.f32 v35, v6;
	v6 =	vsub.f32 $1.500000000e+00, v50  }
0x1f9: {  	v7 =	vmul.f32 v27, v1;
	v27 =	vmul.f32 v37, v15  }
0x1fa: {  	v41 =	vsub.f32 $1.500000000e+00, v41;
	v37 =	vmul.f32 v6, v22;
	v6 =	vmul.f32 v9, v0;
	v0 =	vld [tilespmem:$0x1FB50]  }
0x1fb: {  	v33 =	vsub.f32 $1.500000000e+00, v33  }
0x1fc: {  	v4 =	vmul.f32 v41, v58  }
0x1fd: {  	v15 =	vmul.f32 v31, v12;
	v31 =	vmul.f32 v33, v18;
	v18 =	vsub.f32 $1.500000000e+00, v48  }
0x1fe: {  	v17 =	vmul.f32 v36, v17  }
0x1ff: {  	v36 =	vmul.f32 v18, v26;
	v18 =	vmul.f32 v4, v0;
	v0 =	vld [tilespmem:$0x1FB70]  }
0x200: {  	v44 =	vmul.f32 v44, v19;
	v38 =	vsub.f32 $1.500000000e+00, v38;
	v49 =	vsub.f32 $1.500000000e+00, v49  }
0x201: {  	v28 =	vmul.f32 v28, v14;
	v43 =	vsub.f32 $1.500000000e+00, v43  }
0x202: {  	v44 =	vsub.f32 $1.500000000e+00, v44;
	v11 =	vmul.f32 v49, v11;
	v5 =	vmul.f32 v38, v59  }
0x203: {  	v59 =	vsub.f32 $1.500000000e+00, v28;
	v28 =	vmul.f32 v43, v21;
	v21 =	vmul.f32 v30, v13  }
0x204: {  	v30 =	vmul.f32 v44, v19;
	v19 =	vmul.f32 v11, v0;
	v0 =	vld [tilespmem:$0x1FB90]  }
0x205: {  	v34 =	vmul.f32 v34, v24;
	_ =	sdelay $0x1  }
0x206: {  	v34 =	vsub.f32 $1.500000000e+00, v34;
	_ =	sdelay $0x1  }
0x207: {  	v34 =	vmul.f32 v34, v24;
	v24 =	vmul.f32 v17, v0;
	v0 =	vld [tilespmem:$0x1FBB0];
	_ =	sdelay $0x4  }
0x208: {  	v26 =	vmul.f32 v27, v0;
	v0 =	vld [tilespmem:$0x1FB80]  }
0x209: {  	v39 =	vmul.f32 v39, v20;
	_ =	sdelay $0x1  }
0x20a: {  	v32 =	vmul.f32 v32, v23;
	v39 =	vsub.f32 $1.500000000e+00, v39;
	_ =	sdelay $0x1  }
0x20b: {  	v13 =	vsub.f32 $1.500000000e+00, v32;
	v32 =	vmul.f32 v39, v20;
	v39 =	vmul.f32 v15, v0;
	v0 =	vld [tilespmem:$0x1FBD0];
	_ =	sdelay $0x4  }
0x20c: {  	v10 =	vmul.f32 v40, v10;
	v40 =	vmul.f32 v28, v0;
	v0 =	vld [tilespmem:$0x1FBA0];
	_ =	sdelay $0x4  }
0x20d: {  	v41 =	vmul.f32 v21, v0;
	v0 =	vld [tilespmem:$0x1FBF0];
	_ =	sdelay $0x4  }
0x20e: {  	v16 =	vmul.f32 v42, v16;
	v42 =	vmul.f32 v30, v0;
	v0 =	vld [tilespmem:$0x1FBC0];
	_ =	sdelay $0x4  }
0x20f: {  	v12 =	vsub.f32 $1.500000000e+00, v51;
	v43 =	vmul.f32 v29, v0;
	v0 =	vld [tilespmem:$0x1FBE0]  }
0x210: {  	v33 =	vmul.f32 v59, v14;
	v35 =	vmul.f32 v13, v23  }
0x211: {  	v14 =	vsub.f32 $1.500000000e+00, v45;
	v61 =	vmul.f32 v12, v61;
	v12 =	vmul.f32 v10, v55  }
0x212: {  	v20 =	vmul.f32 v7, v56;
	v22 =	vmul.f32 v16, v53  }
0x213: {  	v23 =	vmul.f32 v5, v52;
	v38 =	vmul.f32 v14, v25  }
0x214: {  	v25 =	vmul.f32 v62, v54;
	v45 =	vmul.f32 v31, v0;
	v0 =	vld [tilespmem:$0x1FC10]  }
0x215: {  	v44 =	vmul.f32 v32, v8;
	v48 =	vmul.f32 v35, v2  }
0x216: {  	v49 =	vmul.f32 v61, v63;
	v53 =	vmul.f32 v6, v9  }
0x217: {  	v55 =	vmul.f32 v12, v10;
	v20 =	vmul.f32 v20, v7  }
0x218: {  	v23 =	vmul.f32 v23, v5;
	v50 =	vmul.f32 v36, v57  }
0x219: {  	v57 =	vmul.f32 v22, v16;
	v46 =	vmul.f32 v34, v0;
	v0 =	vld [tilespmem:$0x1FC00]  }
0x21a: {  	v52 =	vmul.f32 v38, v3;
	v25 =	vmul.f32 v25, v62  }
0x21b: {  	v44 =	vmul.f32 v44, v32;
	v48 =	vmul.f32 v48, v35  }
0x21c: {  	v50 =	vmul.f32 v50, v36;
	v52 =	vmul.f32 v52, v38  }
0x21d: {  	v48 =	vsub.f32 $1.500000000e+00, v48;
	v44 =	vsub.f32 $1.500000000e+00, v44;
	v18 =	vmul.f32 v18, v4  }
0x21e: {  	v50 =	vsub.f32 $1.500000000e+00, v50;
	v56 =	vmul.f32 v19, v11;
	v47 =	vmul.f32 v33, v0;
	v0 =	vld [tilespmem:$0x1FC20]  }
0x21f: {  	v59 =	vld [tilespmem:$0x1FB20];
	v52 =	vsub.f32 $1.500000000e+00, v52;
	v19 =	vsub.f32 $1.500000000e+00, v18;
	v63 =	vmul.f32 v24, v17  }
0x220: {  	v49 =	vmul.f32 v49, v61;
	v24 =	vsub.f32 $1.500000000e+00, v23;
	v23 =	vsub.f32 $1.500000000e+00, v56;
	v56 =	vld [tilespmem:$0x1FB30]  }
0x221: {  	v35 =	vmul.f32 v48, v35;
	v18 =	vsub.f32 $1.500000000e+00, v53;
	v53 =	vsub.f32 $1.500000000e+00, v63;
	v63 =	vld [tilespmem:$0x1FB40]  }
0x222: {  	v32 =	vmul.f32 v44, v32;
	v36 =	vmul.f32 v50, v36  }
0x223: {  	v22 =	vsub.f32 $1.500000000e+00, v20;
	v38 =	vmul.f32 v52, v38;
	v51 =	vmul.f32 v37, v0  }
0x224: {  	v52 =	vld [tilespmem:$0x1FAE0];
	v60 =	vmul.f32 v26, v27;
	v26 =	vsub.f32 $1.500000000e+00, v25;
	v25 =	vsub.f32 $1.500000000e+00, v57  }
0x225: {  	v36 =	vmul.f32 v36, v56;
	v57 =	vsub.f32 $1.500000000e+00, v49;
	v51 =	vmul.f32 v51, v37  }
0x226: {  	v58 =	vld [tilespmem:$0x1FB10];
	v20 =	vsub.f32 $1.500000000e+00, v55;
	v35 =	vmul.f32 v35, v59;
	v38 =	vmul.f32 v38, v63  }
0x227: {  	v36 =	vsub.f32 $5.000000000e-01, v36;
	v48 =	vmul.f32 v57, v61;
	v61 =	vld [tilespmem:$0x1FB00];
	v54 =	vsub.f32 $1.500000000e+00, v51  }
0x228: {  	v55 =	vsub.f32 $1.500000000e+00, v60;
	v60 =	vld [tilespmem:$0x1FC30];
	v38 =	vsub.f32 $5.000000000e-01, v38;
	v46 =	vmul.f32 v46, v34  }
0x229: {  	v32 =	vmul.f32 v32, v52;
	v36 =	vmax.f32 v36, $0.0e+00;
	v37 =	vmul.f32 v54, v37  }
0x22a: {  	v36 =	vmul.f32 v36, v36;
	v38 =	vmax.f32 v38, $0.0e+00;
	v46 =	vsub.f32 $1.500000000e+00, v46  }
0x22b: {  	v38 =	vmul.f32 v38, v38;
	v37 =	vmul.f32 v37, v58  }
0x22c: {  	v35 =	vsub.f32 $5.000000000e-01, v35;
	v34 =	vmul.f32 v46, v34;
	v46 =	vmul.f32 v48, v61;
	v48 =	vld [tilespmem:$0x1FAF0]  }
0x22d: {  	v38 =	vadd.f32 v38, v60;
	v47 =	vmul.f32 v47, v33;
	v37 =	vsub.f32 $5.000000000e-01, v37  }
0x22e: {  	v50 =	vld [tilespmem:$0x1FAD0];
	v35 =	vmax.f32 v35, $0.0e+00;
	v32 =	vsub.f32 $5.000000000e-01, v32;
	v42 =	vmul.f32 v42, v30  }
0x22f: {  	v36 =	vadd.f32 v36, v38;
	v47 =	vsub.f32 $1.500000000e+00, v47;
	v37 =	vmax.f32 v37, $0.0e+00  }
0x230: {  	v42 =	vsub.f32 $1.500000000e+00, v42;
	v45 =	vmul.f32 v45, v31;
	v37 =	vmul.f32 v37, v37  }
0x231: {  	v63 =	vsub.f32 $5.000000000e-01, v46;
	v33 =	vmul.f32 v47, v33;
	v34 =	vmul.f32 v34, v48  }
0x232: {  	v35 =	vmul.f32 v35, v35;
	v45 =	vsub.f32 $1.500000000e+00, v45;
	v54 =	vld [tilespmem:$0x1FAB0];
	v36 =	vadd.f32 v37, v36  }
0x233: {  	v49 =	vmax.f32 v63, $0.0e+00;
	v34 =	vsub.f32 $5.000000000e-01, v34;
	v33 =	vmul.f32 v33, v50  }
0x234: {  	v56 =	vld [tilespmem:$0x1FAC0];
	v43 =	vmul.f32 v43, v29;
	v51 =	vmul.f32 v49, v49;
	v35 =	vadd.f32 v35, v36  }
0x235: {  	v31 =	vmul.f32 v45, v31;
	v34 =	vmax.f32 v34, $0.0e+00;
	v33 =	vsub.f32 $5.000000000e-01, v33  }
0x236: {  	v57 =	vld [tilespmem:$0x1FA90];
	v30 =	vmul.f32 v42, v30;
	v34 =	vmul.f32 v34, v34;
	v35 =	vadd.f32 v51, v35  }
0x237: {  	v43 =	vsub.f32 $1.500000000e+00, v43;
	v0 =	vld [tilespmem:$0x1F7F0];
	v33 =	vmax.f32 v33, $0.0e+00;
	v31 =	vmul.f32 v31, v54  }
0x238: {  	v32 =	vmax.f32 v32, $0.0e+00;
	v33 =	vmul.f32 v33, v33;
	v34 =	vadd.f32 v34, v35  }
0x239: {  	v30 =	vmul.f32 v30, v56;
	v29 =	vmul.f32 v43, v29;
	v31 =	vsub.f32 $5.000000000e-01, v31  }
0x23a: {  	v32 =	vmul.f32 v32, v32;
	v40 =	vmul.f32 v40, v28;
	v33 =	vadd.f32 v33, v34  }
0x23b: {  	s25 =	sshll.u32 s24, $0xB;
	v30 =	vsub.f32 $5.000000000e-01, v30;
	v29 =	vmul.f32 v29, v57;
	v31 =	vmax.f32 v31, $0.0e+00  }
0x23c: {  	v14 =	vor.u32 s25, v0;
	v0 =	vld [tilespmem:$0x1F800];
	v31 =	vmul.f32 v31, v31;
	v32 =	vadd.f32 v32, v33  }
0x23d: {  	v40 =	vsub.f32 $1.500000000e+00, v40;
	v41 =	vmul.f32 v41, v21;
	v30 =	vmax.f32 v30, $0.0e+00;
	v58 =	vld [tilespmem:$0x1FA80]  }
0x23e: {  	v30 =	vmul.f32 v30, v30;
	v29 =	vsub.f32 $5.000000000e-01, v29;
	v31 =	vadd.f32 v31, v32  }
0x23f: {  	v59 =	vld [tilespmem:$0x1FA50];
	v28 =	vmul.f32 v40, v28  }
0x240: {  	v41 =	vsub.f32 $1.500000000e+00, v41;
	v29 =	vmax.f32 v29, $0.0e+00;
	v30 =	vadd.f32 v30, v31;
	v31 =	vld [tilespmem:$0x1FA60]  }
0x241: {  	v39 =	vmul.f32 v39, v15;
	v29 =	vmul.f32 v29, v29  }
0x242: {  	v21 =	vmul.f32 v41, v21;
	v13 =	vor.u32 s25, v0;
	v0 =	vld [tilespmem:$0x1F810];
	v28 =	vmul.f32 v28, v58  }
0x243: {  	v27 =	vmul.f32 v55, v27;
	v29 =	vadd.f32 v29, v30;
	v30 =	vld [tilespmem:$0x1FA30]  }
0x244: {  	v39 =	vsub.f32 $1.500000000e+00, v39;
	v21 =	vmul.f32 v21, v59;
	v28 =	vsub.f32 $5.000000000e-01, v28  }
0x245: {  	v27 =	vmul.f32 v27, v31  }
0x246: {  	v15 =	vmul.f32 v39, v15;
	v21 =	vsub.f32 $5.000000000e-01, v21;
	v28 =	vmax.f32 v28, $0.0e+00  }
0x247: {  	v8 =	vmul.f32 v26, v62;
	v28 =	vmul.f32 v28, v28;
	v27 =	vsub.f32 $5.000000000e-01, v27  }
0x248: {  	v21 =	vmax.f32 v21, $0.0e+00;
	v12 =	vor.u32 s25, v0;
	v0 =	vld [tilespmem:$0x1F820];
	v15 =	vmul.f32 v15, v30  }
0x249: {  	v21 =	vmul.f32 v21, v21;
	v28 =	vadd.f32 v28, v29;
	v26 =	vmax.f32 v27, $0.0e+00;
	v27 =	vld [tilespmem:$0x1FA40]  }
0x24a: {  	v15 =	vsub.f32 $5.000000000e-01, v15  }
0x24b: {  	v16 =	vmul.f32 v25, v16;
	v25 =	vld [tilespmem:$0x1F9F0];
	v21 =	vadd.f32 v21, v28;
	v26 =	vmul.f32 v26, v26  }
0x24c: {  	v5 =	vmul.f32 v24, v5;
	v24 =	vld [tilespmem:$0x1FA00];
	v17 =	vmul.f32 v53, v17;
	v15 =	vmax.f32 v15, $0.0e+00  }
0x24d: {  	v6 =	vor.u32 s25, v0;
	v0 =	vld [tilespmem:$0x1F830];
	v21 =	vadd.f32 v26, v21;
	v15 =	vmul.f32 v15, v15  }
0x24e: {  	v17 =	vmul.f32 v17, v27  }
0x24f: {  	v15 =	vadd.f32 v15, v21;
	v21 =	vld [tilespmem:$0x1F9E0]  }
0x250: {  	v8 =	vmul.f32 v8, v25;
	v17 =	vsub.f32 $5.000000000e-01, v17  }
0x251: {  	v16 =	vmul.f32 v16, v24  }
0x252: {  	v8 =	vsub.f32 $5.000000000e-01, v8;
	v3 =	vor.u32 s25, v0;
	v0 =	vld [tilespmem:$0x1F840];
	v17 =	vmax.f32 v17, $0.0e+00  }
0x253: {  	v17 =	vmul.f32 v17, v17  }
0x254: {  	v16 =	vsub.f32 $5.000000000e-01, v16;
	v8 =	vmax.f32 v8, $0.0e+00;
	v5 =	vmul.f32 v5, v21  }
0x255: {  	v8 =	vmul.f32 v8, v8;
	v15 =	vadd.f32 v17, v15  }
0x256: {  	v16 =	vmax.f32 v16, $0.0e+00;
	v5 =	vsub.f32 $5.000000000e-01, v5  }
0x257: {  	v2 =	vor.u32 s25, v0;
	v0 =	vld [tilespmem:$0x1F850];
	v8 =	vadd.f32 v8, v15;
	v15 =	vmul.f32 v16, v16  }
0x258: {  	v5 =	vmax.f32 v5, $0.0e+00  }
0x259: {  	v5 =	vmul.f32 v5, v5;
	v8 =	vadd.f32 v15, v8  }
0x25a: {  	v15 =	vmul.f32 v19, v4;
	v4 =	vld [tilespmem:$0x1F9C0]  }
0x25b: {  	v5 =	vadd.f32 v5, v8;
	v8 =	vld [tilespmem:$0x1F990]  }
0x25c: {  	v1 =	vor.u32 s25, v0;
	v17 =	vld [tilespmem:$0x1F9D0]  }
0x25d: {  	v10 =	vmul.f32 v20, v10;
	v16 =	vld [tilespmem:$0x1F9B0];
	_ =	sdelay $0x1  }
0x25e: {  	v11 =	vmul.f32 v23, v11;
	v10 =	vmul.f32 v10, v4;
	v4 =	vld.idx.msk [tilespmem:v14+s12+$0x0], $0xffff  }
0x25f: {  	v7 =	vmul.f32 v22, v7;
	v14 =	vmul.f32 v15, v8;
	v8 =	vld [tilespmem:$0x1F870]  }
0x260: {  	v38 =	vld.idx.msk [tilespmem:v1+s12+$0x0], $0xffff;
	v11 =	vmul.f32 v11, v17  }
0x261: {  	v1 =	vld [tilespmem:$0x1F8A0];
	v7 =	vmul.f32 v7, v16  }
0x262: {  	v0 =	vld [tilespmem:$0x1F860];
	v11 =	vsub.f32 $5.000000000e-01, v11  }
0x263: {  	v16 =	vsub.f32 $5.000000000e-01, v7;
	v7 =	vld.idx.msk [tilespmem:v13+s12+$0x0], $0xffff  }
0x264: {  	v11 =	vmax.f32 v11, $0.0e+00;
	v15 =	vor.u32 s25, v8;
	v8 =	vld.idx.msk [tilespmem:v12+s12+$0x0], $0xffff;
	v12 =	vsub.f32 $5.000000000e-01, v14  }
0x265: {  	v11 =	vmul.f32 v11, v11;
	v13 =	vmax.f32 v16, $0.0e+00;
	v16 =	vld.idx.msk [tilespmem:v2+s12+$0x0], $0xffff  }
0x266: {  	v10 =	vsub.f32 $5.000000000e-01, v10;
	v2 =	vmax.f32 v12, $0.0e+00;
	v12 =	vor.u32 s25, v1;
	v1 =	vld [tilespmem:$0x1F8B0]  }
0x267: {  	v5 =	vadd.f32 v11, v5;
	v11 =	vmul.f32 v13, v13;
	v13 =	vld [tilespmem:$0x1F9A0]  }
0x268: {  	v10 =	vmax.f32 v10, $0.0e+00  }
0x269: {  	v5 =	vadd.f32 v11, v5;
	v10 =	vmul.f32 v10, v10  }
0x26a: {  	v9 =	vmul.f32 v18, v9;
	v0 =	vor.u32 s25, v0  }
0x26b: {  	v5 =	vadd.f32 v10, v5;
	v10 =	vor.u32 s25, v1;
	v1 =	vld [tilespmem:$0x1F8C0]  }
0x26c: {  	v9 =	vmul.f32 v9, v13;
	_ =	sdelay $0x1  }
0x26d: {  	v9 =	vsub.f32 $5.000000000e-01, v9  }
0x26e: {  	v17 =	vld.idx.msk [tilespmem:v0+s12+$0x0], $0xffff  }
0x26f: {  	v0 =	vmax.f32 v9, $0.0e+00;
	v9 =	vor.u32 s25, v1;
	v1 =	vld [tilespmem:$0x1F8D0];
	_ =	sdelay $0x2  }
0x270: {  	v2 =	vmul.f32 v2, v2;
	_ =	sdelay $0x1  }
0x271: {  	v2 =	vadd.f32 v2, v5;
	v5 =	vor.u32 s25, v1;
	v1 =	vld [tilespmem:$0x1F8E0];
	_ =	sdelay $0x3  }
0x272: {  	v11 =	vld [tilespmem:$0x1F890]  }
0x273: {  	v14 =	vor.u32 s25, v1;
	v1 =	vld [tilespmem:$0x1F900];
	_ =	sdelay $0x2  }
0x274: {  	v0 =	vmul.f32 v0, v0  }
0x275: {  	v11 =	vor.u32 s25, v11  }
0x276: {  	v0 =	vadd.f32 v0, v2;
	v2 =	vor.u32 s25, v1;
	v1 =	vld [tilespmem:$0x1FDA0];
	_ =	sdelay $0x3  }
0x277: {  	v18 =	vld.idx.msk [tilespmem:v11+s12+$0x0], $0xffff  }
0x278: {  	v11 =	vor.u32 s25, v1;
	v1 =	vld [tilespmem:$0x1F910];
	_ =	sdelay $0x3  }
0x279: {  	v20 =	vld.idx.msk [tilespmem:v12+s12+$0x0], $0xffff  }
0x27a: {  	v12 =	vor.u32 s25, v1;
	v1 =	vld [tilespmem:$0x1F920];
	_ =	sdelay $0x3  }
0x27b: {  	v21 =	vld.idx.msk [tilespmem:v5+s12+$0x0], $0xffff  }
0x27c: {  	v5 =	vor.u32 s25, v1;
	v1 =	vld [tilespmem:$0x1FDB0];
	_ =	sdelay $0x3  }
0x27d: {  	v23 =	vld.idx.msk [tilespmem:v14+s12+$0x0], $0xffff  }
0x27e: {  	v14 =	vor.u32 s25, v1;
	v1 =	vld [tilespmem:$0x1FE30];
	_ =	sdelay $0x3  }
0x27f: {  	v26 =	vld.idx.msk [tilespmem:v2+s12+$0x0], $0xffff  }
0x280: {  	v2 =	vor.u32 s25, v1;
	v1 =	vld [tilespmem:$0x1FDE0];
	_ =	sdelay $0x1  }
0x281: {  	[tilespmem:$0x1FC30] =	vst v0;
	v0 =	vld [tilespmem:$0x1F8F0];
	_ =	sdelay $0x1  }
0x282: {  	v63 =	vld.idx.msk [tilespmem:v11+s12+$0x0], $0xffff  }
0x283: {  	v11 =	vor.u32 s25, v1;
	v1 =	vld [tilespmem:$0x1FE10];
	_ =	sdelay $0x1  }
0x284: {  	v0 =	vor.u32 s25, v0;
	_ =	sdelay $0x1  }
0x285: {  	v28 =	vld.idx.msk [tilespmem:v12+s12+$0x0], $0xffff  }
0x286: {  	v12 =	vor.u32 s25, v1;
	v1 =	vld [tilespmem:$0x1FDF0];
	_ =	sdelay $0x1  }
0x287: {  	v24 =	vld.idx.msk [tilespmem:v0+s12+$0x0], $0xffff  }
0x288: {  	v0 =	vld [tilespmem:$0x1FDD0]  }
0x289: {  	v30 =	vld.idx.msk [tilespmem:v5+s12+$0x0], $0xffff  }
0x28a: {  	v5 =	vor.u32 s25, v1;
	v1 =	vld [tilespmem:$0x1FE00];
	_ =	sdelay $0x2  }
0x28b: {  	v0 =	vor.u32 s25, v0;
	_ =	sdelay $0x1  }
0x28c: {  	v19 =	vor.u32 s25, v1;
	v1 =	vld [tilespmem:$0x1FE20];
	_ =	sdelay $0x2  }
0x28d: {  	s23 =	sadd.s32 $0x10, s23;
	v31 =	vld.idx.msk [tilespmem:v0+s12+$0x0], $0xffff  }
0x28e: {  	v29 =	vld.idx.msk [tilespmem:v14+s12+$0x0], $0xffff;
	v14 =	vmov s23  }
0x28f: {  	v0 =	vshll.u32 v14, $0x4;
	v14 =	vor.u32 s25, v1;
	v1 =	vld [tilespmem:$0x1FE40];
	_ =	sdelay $0x3  }
0x290: {  	v43 =	vld.idx.msk [tilespmem:v2+s12+$0x0], $0xffff  }
0x291: {  	v2 =	vor.u32 s25, v1;
	v1 =	vld [tilespmem:$0x1FE70];
	_ =	sdelay $0x2  }
0x292: {  	v27 =	vld [tilespmem:$0x1FDC0]  }
0x293: {  	v47 =	vld.idx.msk [tilespmem:v19+s12+$0x0], $0xffff  }
0x294: {  	v19 =	vor.u32 s25, v1;
	v1 =	vld [tilespmem:$0x1FE50];
	_ =	sdelay $0x2  }
0x295: {  	v0 =	vor.u32 v27, v0;
	v44 =	vld.idx.msk [tilespmem:v11+s12+$0x0], $0xffff  }
0x296: {  	v11 =	vor.u32 $0xE, v0;
	v48 =	vld.idx.msk [tilespmem:v14+s12+$0x0], $0xffff  }
0x297: {  	v14 =	vor.u32 s25, v1;
	v1 =	vld [tilespmem:$0x1FE60];
	_ =	sdelay $0x1  }
0x298: {  	v45 =	vld.idx.msk [tilespmem:v12+s12+$0x0], $0xffff  }
0x299: {  	v46 =	vld.idx.msk [tilespmem:v5+s12+$0x0], $0xffff  }
0x29a: {  	v12 =	vor.u32 $0xD, v0;
	v5 =	vld.idx.msk [tilespmem:v11+s9+$0x0], $0xffff  }
0x29b: {  	v11 =	vor.u32 s25, v1;
	v1 =	vld [tilespmem:$0x1FE80];
	_ =	sdelay $0x2  }
0x29c: {  	v49 =	vld.idx.msk [tilespmem:v2+s12+$0x0], $0xffff  }
0x29d: {  	v2 =	vld.idx.msk [tilespmem:v12+s9+$0x0], $0xffff  }
0x29e: {  	v12 =	vor.u32 s25, v1;
	v1 =	vld [tilespmem:$0x1FEC0];
	_ =	sdelay $0x4  }
0x29f: {  	v22 =	vor.u32 s25, v1;
	v1 =	vld [tilespmem:$0x1FEF0];
	_ =	sdelay $0x4  }
0x2a0: {  	v25 =	vor.u32 s25, v1;
	v1 =	vld [tilespmem:$0x1FE90];
	_ =	sdelay $0x4  }
0x2a1: {  	v33 =	vor.u32 s25, v1;
	v1 =	vld [tilespmem:$0x1FF40];
	_ =	sdelay $0x4  }
0x2a2: {  	v60 =	vor.u32 s25, v1;
	v1 =	vld [tilespmem:$0x1FD10];
	_ =	sdelay $0x4  }
0x2a3: {  	v61 =	vor.u32 s25, v1;
	v1 =	vld [tilespmem:$0x1FEA0];
	_ =	sdelay $0x4  }
0x2a4: {  	v36 =	vor.u32 s25, v1;
	v1 =	vld [tilespmem:$0x1FF70]  }
0x2a5: {  	v13 =	vld [tilespmem:$0x1F880];
	_ =	sdelay $0x1  }
0x2a6: {  	v3 =	vld.idx.msk [tilespmem:v3+s12+$0x0], $0xffff;
	_ =	sdelay $0x1  }
0x2a7: {  	v37 =	vor.u32 s25, v1;
	v1 =	vld [tilespmem:$0x1FD00]  }
0x2a8: {  	v13 =	vor.u32 s25, v13;
	_ =	sdelay $0x1  }
0x2a9: {  	v32 =	vsub.f32 v3, v2;
	v3 =	vsub.f32 v38, v5;
	_ =	sdelay $0x1  }
0x2aa: {  	[tilespmem:$0x1F670] =	vst v3;
	v3 =	vsub.f32 v17, v2;
	v51 =	vor.u32 s25, v1;
	v1 =	vld [tilespmem:$0x1FEB0]  }
0x2ab: {  	v13 =	vld.idx.msk [tilespmem:v13+s12+$0x0], $0xffff  }
0x2ac: {  	[tilespmem:$0x1F680] =	vst v3;
	v3 =	vld [tilespmem:$0x1FF90]  }
0x2ad: {  	v0 =	vor.u32 $0xC, v0;
	_ =	sdelay $0x1  }
0x2ae: {  	v53 =	vor.u32 s25, v1;
	v1 =	vld [tilespmem:$0x1FF80];
	_ =	sdelay $0x1  }
0x2af: {  	v15 =	vld.idx.msk [tilespmem:v15+s12+$0x0], $0xffff;
	v42 =	vsub.f32 v8, v2;
	v8 =	vor.u32 s25, v3;
	v3 =	vsub.f32 v13, v5  }
0x2b0: {  	v0 =	vld.idx.msk [tilespmem:v0+s9+$0x0], $0xffff  }
0x2b1: {  	[tilespmem:$0x1F690] =	vst v3;
	v3 =	vld [tilespmem:$0x1FCD0]  }
0x2b2: {  	v54 =	vor.u32 s25, v1;
	v1 =	vld [tilespmem:$0x1FCF0];
	_ =	sdelay $0x2  }
0x2b3: {  	v10 =	vld.idx.msk [tilespmem:v10+s12+$0x0], $0xffff  }
0x2b4: {  	v40 =	vsub.f32 v15, v0;
	v15 =	vor.u32 s25, v3;
	v3 =	vld [tilespmem:$0x1FF00]  }
0x2b5: {  	v55 =	vor.u32 s25, v1;
	v1 =	vld [tilespmem:$0x1FED0];
	_ =	sdelay $0x3  }
0x2b6: {  	v39 =	vsub.f32 v20, v0;
	v20 =	vor.u32 s25, v3;
	v3 =	vsub.f32 v10, v5  }
0x2b7: {  	v57 =	vor.u32 s25, v1;
	v1 =	vsub.f32 v7, v5  }
0x2b8: {  	[tilespmem:$0x1F6A0] =	vst v3  }
0x2b9: {  	v3 =	vld [tilespmem:$0x1FFB0];
	[tilespmem:$0x1F640] =	vst v1;
	v1 =	vsub.f32 v4, v5  }
0x2ba: {  	v6 =	vld.idx.msk [tilespmem:v6+s12+$0x0], $0xffff  }
0x2bb: {  	[tilespmem:$0x1F650] =	vst v1;
	v1 =	vld [tilespmem:$0x1FFA0];
	_ =	sdelay $0x2  }
0x2bc: {  	v10 =	vor.u32 s25, v3;
	v3 =	vsub.f32 v23, v5;
	_ =	sdelay $0x1  }
0x2bd: {  	[tilespmem:$0x1F6B0] =	vst v3;
	v3 =	vld [tilespmem:$0x1FCC0];
	v4 =	vor.u32 s25, v1;
	v1 =	vsub.f32 v6, v5;
	_ =	sdelay $0x1  }
0x2be: {  	[tilespmem:$0x1F660] =	vst v1;
	v1 =	vld [tilespmem:$0x1FCE0]  }
0x2bf: {  	v52 =	vld.idx.msk [tilespmem:v14+s12+$0x0], $0xffff  }
0x2c0: {  	v14 =	vld.idx.msk [tilespmem:v37+s12+$0x0], $0xffff  }
0x2c1: {  	v37 =	vsub.f32 v21, v0;
	v21 =	vor.u32 s25, v3;
	v3 =	vld [tilespmem:$0x1FF10]  }
0x2c2: {  	v7 =	vld [tilespmem:$0x1FFC0]  }
0x2c3: {  	v6 =	vor.u32 s25, v1;
	v1 =	vld [tilespmem:$0x1FEE0];
	_ =	sdelay $0x2  }
0x2c4: {  	v62 =	vld.idx.msk [tilespmem:v9+s12+$0x0], $0xffff;
	v35 =	vsub.f32 v24, v2  }
0x2c5: {  	v24 =	vor.u32 s25, v3;
	v3 =	vsub.f32 v63, v5;
	v63 =	vor.u32 s25, v7;
	v7 =	vld [tilespmem:$0x1FCA0]  }
0x2c6: {  	v56 =	vld.idx.msk [tilespmem:v11+s12+$0x0], $0xffff;
	v1 =	vor.u32 s25, v1  }
0x2c7: {  	v58 =	vld.idx.msk [tilespmem:v12+s12+$0x0], $0xffff  }
0x2c8: {  	v11 =	vld.idx.msk [tilespmem:v25+s12+$0x0], $0xffff  }
0x2c9: {  	v23 =	vld.idx.msk [tilespmem:v51+s12+$0x0], $0xffff  }
0x2ca: {  	v51 =	vor.u32 s25, v7;
	v7 =	vld [tilespmem:$0x1FF30]  }
0x2cb: {  	v25 =	vsub.f32 v62, v2;
	v62 =	vld.idx.msk [tilespmem:v1+s12+$0x0], $0xffff  }
0x2cc: {  	v1 =	vld [tilespmem:$0x1FC80];
	_ =	sdelay $0x4  }
0x2cd: {  	v13 =	vor.u32 s25, v7;
	v7 =	vor.u32 s25, v1;
	v1 =	vsub.f32 v58, v5;
	_ =	sdelay $0x1  }
0x2ce: {  	[tilespmem:$0x1F6E0] =	vst v1;
	v1 =	vld [tilespmem:$0x1FC90];
	_ =	sdelay $0x2  }
0x2cf: {  	v50 =	vld.idx.msk [tilespmem:v19+s12+$0x0], $0xffff  }
0x2d0: {  	v34 =	vsub.f32 v30, v0;
	v59 =	vld.idx.msk [tilespmem:v33+s12+$0x0], $0xffff  }
0x2d1: {  	v30 =	vsub.f32 v31, v2;
	v58 =	vsub.f32 v56, v0;
	v56 =	vor.u32 s25, v1;
	v1 =	vld [tilespmem:$0x1FF60]  }
0x2d2: {  	v31 =	vsub.f32 v43, v0;
	v43 =	vsub.f32 v44, v5  }
0x2d3: {  	v44 =	vsub.f32 v45, v2;
	v45 =	vsub.f32 v47, v5;
	v17 =	vld.idx.msk [tilespmem:v60+s12+$0x0], $0xffff  }
0x2d4: {  	v47 =	vsub.f32 v48, v2;
	v48 =	vsub.f32 v49, v0  }
0x2d5: {  	v49 =	vsub.f32 v50, v5;
	v50 =	vsub.f32 v52, v2  }
0x2d6: {  	v52 =	vsub.f32 v11, v0;
	v11 =	vor.u32 s25, v1;
	v1 =	vsub.f32 v59, v5  }
0x2d7: {  	v9 =	vld.idx.msk [tilespmem:v22+s12+$0x0], $0xffff  }
0x2d8: {  	v60 =	vld.idx.msk [tilespmem:v61+s12+$0x0], $0xffff;
	[tilespmem:$0x1F6F0] =	vst v1;
	v1 =	vsub.f32 v17, v2  }
0x2d9: {  	v61 =	vld.idx.msk [tilespmem:v36+s12+$0x0], $0xffff  }
0x2da: {  	[tilespmem:$0x1F6D0] =	vst v1;
	v1 =	vld [tilespmem:$0x1FC60];
	_ =	sdelay $0x3  }
0x2db: {  	v20 =	vld.idx.msk [tilespmem:v20+s12+$0x0], $0xffff  }
0x2dc: {  	v22 =	vsub.f32 v9, v2;
	v10 =	vld.idx.msk [tilespmem:v10+s12+$0x0], $0xffff;
	v9 =	vor.u32 s25, v1;
	v1 =	vsub.f32 v61, v5  }
0x2dd: {  	[tilespmem:$0x1F6C0] =	vst v3;
	v3 =	vld [tilespmem:$0x1FFD0]  }
0x2de: {  	[tilespmem:$0x1F700] =	vst v1;
	v1 =	vld [tilespmem:$0x1FC70]  }
0x2df: {  	v36 =	vsub.f32 v26, v0;
	v26 =	vld.idx.msk [tilespmem:v53+s12+$0x0], $0xffff  }
0x2e0: {  	v24 =	vld.idx.msk [tilespmem:v24+s12+$0x0], $0xffff  }
0x2e1: {  	v6 =	vld.idx.msk [tilespmem:v6+s12+$0x0], $0xffff  }
0x2e2: {  	v33 =	vsub.f32 v28, v2;
	v28 =	vor.u32 s25, v3;
	v3 =	vld [tilespmem:$0x1FCB0]  }
0x2e3: {  	v12 =	vor.u32 s25, v1;
	v1 =	vld [tilespmem:$0x1FF50];
	_ =	sdelay $0x1  }
0x2e4: {  	v38 =	vsub.f32 v18, v2  }
0x2e5: {  	v53 =	vld.idx.msk [tilespmem:v54+s12+$0x0], $0xffff;
	v18 =	vsub.f32 v6, v0;
	v6 =	vsub.f32 v20, v5  }
0x2e6: {  	v54 =	vor.u32 s25, v3;
	v3 =	vld [tilespmem:$0x1FF20];
	v20 =	vsub.f32 v10, v2;
	v10 =	vsub.f32 v24, v5  }
0x2e7: {  	v19 =	vsub.f32 v23, v0;
	v57 =	vld.idx.msk [tilespmem:v57+s12+$0x0], $0xffff;
	v23 =	vor.u32 s25, v1;
	v1 =	vsub.f32 v26, v5  }
0x2e8: {  	[tilespmem:$0x1F760] =	vst v10;
	v10 =	vld [tilespmem:$0x1F640]  }
0x2e9: {  	[tilespmem:$0x1F720] =	vst v1;
	v1 =	vld [tilespmem:$0x1FFF0]  }
0x2ea: {  	v15 =	vld.idx.msk [tilespmem:v15+s12+$0x0], $0xffff  }
0x2eb: {  	v41 =	vsub.f32 v16, v0;
	v28 =	vld.idx.msk [tilespmem:v28+s12+$0x0], $0xffff  }
0x2ec: {  	v29 =	vsub.f32 v29, v5;
	v40 =	vmul.f32 v40, v40;
	v39 =	vmul.f32 v39, v39;
	v55 =	vld.idx.msk [tilespmem:v55+s12+$0x0], $0xffff  }
0x2ed: {  	v34 =	vmul.f32 v34, v34;
	v3 =	vor.u32 s25, v3;
	v51 =	vld.idx.msk [tilespmem:v51+s12+$0x0], $0xffff;
	v10 =	vmul.f32 v10, v10  }
0x2ee: {  	v61 =	vld.idx.msk [tilespmem:v21+s12+$0x0], $0xffff;
	v21 =	vsub.f32 v53, v2;
	v53 =	vor.u32 s25, v1;
	v1 =	vsub.f32 v57, v5  }
0x2ef: {  	v46 =	vsub.f32 v46, v0;
	v39 =	vadd.f32 $9.999999960e-13, v39;
	[tilespmem:$0x1F710] =	vst v10;
	v10 =	vld [tilespmem:$0x1F650]  }
0x2f0: {  	v40 =	vadd.f32 $9.999999960e-13, v40;
	v34 =	vadd.f32 $9.999999960e-13, v34;
	v36 =	vmul.f32 v36, v36;
	[tilespmem:$0x1F730] =	vst v1;
	v1 =	vld [tilespmem:$0x1FC50]  }
0x2f1: {  	v37 =	vmul.f32 v37, v37;
	v19 =	vmul.f32 v19, v19;
	v28 =	vsub.f32 v28, v2;
	v4 =	vld.idx.msk [tilespmem:v4+s12+$0x0], $0xffff  }
0x2f2: {  	v36 =	vadd.f32 $9.999999960e-13, v36;
	v3 =	vld.idx.msk [tilespmem:v3+s12+$0x0], $0xffff;
	v51 =	vsub.f32 v51, v0  }
0x2f3: {  	v37 =	vadd.f32 $9.999999960e-13, v37;
	v19 =	vadd.f32 $9.999999960e-13, v19;
	v28 =	vmul.f32 v28, v28;
	[tilespmem:$0x1F750] =	vst v6;
	v6 =	vld.idx.msk [tilespmem:v13+s12+$0x0], $0xffff  }
0x2f4: {  	v55 =	vsub.f32 v55, v0;
	v51 =	vmul.f32 v51, v51;
	v57 =	vmul.f32 v10, v10;
	v10 =	vld [tilespmem:$0x1F660]  }
0x2f5: {  	v13 =	vmul.f32 v32, v32;
	v32 =	vmul.f32 v41, v41;
	v26 =	vor.u32 s25, v1;
	v1 =	vld.idx.msk [tilespmem:v54+s12+$0x0], $0xffff  }
0x2f6: {  	v51 =	vadd.f32 $9.999999960e-13, v51;
	v18 =	vmul.f32 v18, v18;
	v54 =	vsub.f32 v4, v2;
	v4 =	vld [tilespmem:$0x1FFE0]  }
0x2f7: {  	v42 =	vmul.f32 v42, v42;
	v8 =	vld.idx.msk [tilespmem:v8+s12+$0x0], $0xffff;
	v3 =	vsub.f32 v3, v5;
	v32 =	vadd.f32 $9.999999960e-13, v32  }
0x2f8: {  	v28 =	vadd.f32 v28, v51;
	v18 =	vadd.f32 $9.999999960e-13, v18;
	v7 =	vld.idx.msk [tilespmem:v7+s12+$0x0], $0xffff  }
0x2f9: {  	v35 =	vmul.f32 v35, v35;
	[tilespmem:$0x1F770] =	vst v3;
	v3 =	vld [tilespmem:$0x1F670];
	v13 =	vadd.f32 v13, v40;
	v32 =	vadd.f32 v42, v32  }
0x2fa: {  	v56 =	vld.idx.msk [tilespmem:v56+s12+$0x0], $0xffff;
	v17 =	vsub.f32 v15, v0;
	v15 =	vsub.f32 v61, v0;
	v61 =	vmul.f32 v10, v10  }
0x2fb: {  	v16 =	vor.u32 s25, v4;
	v4 =	vsub.f32 v62, v5;
	v10 =	vsub.f32 v1, v0;
	v1 =	vld.idx.msk [tilespmem:v11+s12+$0x0], $0xffff  }
0x2fc: {  	v29 =	vmul.f32 v29, v29;
	v42 =	vadd.f32 v35, v34;
	v6 =	vsub.f32 v6, v5;
	v26 =	vld.idx.msk [tilespmem:v26+s12+$0x0], $0xffff  }
0x2fd: {  	v20 =	vmul.f32 v20, v20;
	v7 =	vsub.f32 v7, v2;
	v59 =	vsub.f32 v60, v0;
	[tilespmem:$0x1F740] =	vst v4;
	v4 =	vld [tilespmem:$0x1FC40]  }
0x2fe: {  	v60 =	vsub.f32 v14, v2;
	v14 =	vor.u32 s25, v27;
	v17 =	vmul.f32 v17, v17;
	v23 =	vld.idx.msk [tilespmem:v23+s12+$0x0], $0xffff  }
0x2ff: {  	v56 =	vsub.f32 v56, v0;
	v15 =	vmul.f32 v15, v15;
	v53 =	vld.idx.msk [tilespmem:v53+s12+$0x0], $0xffff;
	v62 =	vsub.f32 v8, v2  }
0x300: {  	v17 =	vadd.f32 $9.999999960e-13, v17;
	v10 =	vmul.f32 v10, v10;
	v41 =	vsub.f32 v1, v5;
	v1 =	vld [tilespmem:$0x1F6C0]  }
0x301: {  	v21 =	vmul.f32 v21, v21;
	v15 =	vadd.f32 $9.999999960e-13, v15;
	v40 =	vmul.f32 v62, v62;
	v16 =	vld.idx.msk [tilespmem:v16+s12+$0x0], $0xffff  }
0x302: {  	v10 =	vadd.f32 $9.999999960e-13, v10;
	v26 =	vsub.f32 v26, v0;
	v8 =	vor.u32 s25, v4;
	v4 =	vld.idx.msk [tilespmem:v63+s12+$0x0], $0xffff  }
0x303: {  	v5 =	vsub.f32 v23, v5;
	v23 =	vmul.f32 v43, v43;
	v63 =	vmul.f32 v3, v3;
	v3 =	vld [tilespmem:$0x1F680]  }
0x304: {  	v43 =	vmul.f32 v44, v44;
	v10 =	vadd.f32 v20, v10;
	v20 =	vld [tilespmem:$0x1F700];
	v26 =	vmul.f32 v26, v26  }
0x305: {  	v18 =	vadd.f32 v21, v18;
	v27 =	vmul.f32 v1, v1;
	v1 =	vmul.f32 v30, v30  }
0x306: {  	v15 =	vadd.f32 v40, v15;
	v30 =	vmul.f32 v31, v31;
	v31 =	vmul.f32 v45, v45  }
0x307: {  	[tilespmem:$0x1F780] =	vst v6;
	v6 =	vld [tilespmem:$0x1F6A0];
	v44 =	vsub.f32 v53, v2;
	v45 =	vmul.f32 v46, v46;
	v46 =	vmul.f32 v47, v47  }
0x308: {  	v26 =	vadd.f32 $9.999999960e-13, v26;
	v47 =	vmul.f32 v48, v48;
	v11 =	vmul.f32 v3, v3;
	v3 =	vld.idx.msk [tilespmem:v9+s12+$0x0], $0xffff  }
0x309: {  	v16 =	vsub.f32 v16, v2;
	v20 =	vmul.f32 v20, v20;
	v9 =	vsub.f32 v4, v2;
	v4 =	vld [tilespmem:$0x1F690]  }
0x30a: {  	v38 =	vmul.f32 v38, v38;
	v8 =	vld.idx.msk [tilespmem:v8+s12+$0x0], $0xffff;
	v30 =	vadd.f32 $9.999999960e-13, v30;
	v45 =	vadd.f32 $9.999999960e-13, v45  }
0x30b: {  	v33 =	vmul.f32 v33, v33;
	v47 =	vadd.f32 $9.999999960e-13, v47;
	v34 =	vadd.f32 v20, v18  }
0x30c: {  	v48 =	vmul.f32 v50, v50;
	v11 =	vadd.f32 v11, v39;
	v1 =	vadd.f32 v1, v45  }
0x30d: {  	v30 =	vadd.f32 v33, v30;
	v3 =	vsub.f32 v3, v2;
	v2 =	vmul.f32 v49, v49  }
0x30e: {  	v27 =	vadd.f32 v27, v1;
	v49 =	vmul.f32 v58, v58;
	v58 =	vmul.f32 v52, v52  }
0x30f: {  	v24 =	vmul.f32 v4, v4;
	v4 =	vld.idx.msk [tilespmem:v12+s12+$0x0], $0xffff;
	v12 =	vmul.f32 v6, v6;
	v8 =	vsub.f32 v8, v0  }
0x310: {  	v6 =	vmul.f32 v25, v25;
	v50 =	vadd.f32 $9.999999960e-13, v58;
	v58 =	vmul.f32 v56, v56  }
0x311: {  	v49 =	vadd.f32 $9.999999960e-13, v49;
	v8 =	vmul.f32 v8, v8;
	v56 =	vmul.f32 v60, v60  }
0x312: {  	v1 =	vld [tilespmem:$0x1F750];
	v60 =	vmul.f32 v54, v54;
	v6 =	vadd.f32 v6, v36;
	v36 =	vadd.f32 v38, v37  }
0x313: {  	v25 =	vld [tilespmem:$0x1F6B0];
	v54 =	vadd.f32 v43, v47;
	v3 =	vmul.f32 v3, v3;
	v53 =	vadd.f32 $9.999999960e-13, v58  }
0x314: {  	v22 =	vmul.f32 v22, v22;
	v14 =	vld.idx.msk [tilespmem:v14+s12+$0x0], $0xffff;
	v8 =	vadd.f32 $9.999999960e-13, v8;
	v58 =	vadd.f32 v48, v50  }
0x315: {  	v7 =	vmul.f32 v7, v7;
	v17 =	vadd.f32 v60, v17;
	v3 =	vadd.f32 v3, v26  }
0x316: {  	v16 =	vmul.f32 v16, v16;
	v60 =	vadd.f32 v57, v32;
	v26 =	vadd.f32 v61, v11  }
0x317: {  	v9 =	vmul.f32 v9, v9;
	v62 =	vadd.f32 v24, v6;
	v24 =	vadd.f32 v63, v36  }
0x318: {  	v29 =	vadd.f32 v29, v54;
	v1 =	vmul.f32 v1, v1;
	v25 =	vmul.f32 v25, v25  }
0x319: {  	v4 =	vsub.f32 v4, v0;
	v0 =	vsub.f32 v14, v0;
	v14 =	vmul.f32 v59, v59  }
0x31a: {  	v59 =	vmul.f32 v55, v55;
	v31 =	vadd.f32 v31, v58;
	v36 =	vadd.f32 v1, v28  }
0x31b: {  	v6 =	vld [tilespmem:$0x1F730];
	v1 =	vmul.f32 v5, v5;
	v5 =	vshrl.u32 v26, $0x1;
	v48 =	vmul.f32 $5.000000000e-01, v62  }
0x31c: {  	v39 =	vmul.f32 $5.000000000e-01, v29;
	v14 =	vadd.f32 $9.999999960e-13, v14;
	v4 =	vmul.f32 v4, v4  }
0x31d: {  	v11 =	vld [tilespmem:$0x1F710];
	v52 =	vadd.f32 $9.999999960e-13, v59;
	v0 =	vmul.f32 v0, v0;
	v30 =	vadd.f32 v25, v30  }
0x31e: {  	v59 =	vld [tilespmem:$0x1F6D0];
	v25 =	vadd.f32 v12, v42;
	v42 =	vmul.f32 $5.000000000e-01, v26;
	v4 =	vadd.f32 $9.999999960e-13, v4  }
0x31f: {  	v12 =	vld [tilespmem:$0x1F740];
	v0 =	vadd.f32 $9.999999960e-13, v0;
	v14 =	vadd.f32 v22, v14;
	v22 =	vmul.f32 v44, v44  }
0x320: {  	v21 =	vadd.f32 v56, v52;
	v6 =	vmul.f32 v6, v6;
	v43 =	vmul.f32 $5.000000000e-01, v30  }
0x321: {  	v45 =	vmul.f32 $5.000000000e-01, v25;
	v4 =	vadd.f32 v7, v4;
	v7 =	vadd.f32 v9, v53  }
0x322: {  	v44 =	vmul.f32 $5.000000000e-01, v27;
	v8 =	vadd.f32 v22, v8;
	v0 =	vadd.f32 v16, v0  }
0x323: {  	v22 =	vadd.f32 v11, v13;
	v35 =	vadd.f32 v6, v15;
	v6 =	vmul.f32 v41, v41  }
0x324: {  	v55 =	vmul.f32 v59, v59;
	v59 =	vadd.f32 v46, v49;
	v12 =	vmul.f32 v12, v12  }
0x325: {  	v9 =	vld [tilespmem:$0x1F6E0];
	v46 =	vmul.f32 $5.000000000e-01, v60;
	v49 =	vmul.f32 $5.000000000e-01, v34;
	v37 =	vadd.f32 v6, v8  }
0x326: {  	v16 =	vld [tilespmem:$0x1F6F0];
	v38 =	vadd.f32 v1, v0;
	v6 =	vshrl.u32 v22, $0x1;
	v47 =	vmul.f32 $5.000000000e-01, v22  }
0x327: {  	v11 =	vld [tilespmem:$0x1F720];
	v8 =	vshrl.u32 v25, $0x1;
	v1 =	vmul.f32 $5.000000000e-01, v31;
	v50 =	vmul.f32 $5.000000000e-01, v35  }
0x328: {  	v13 =	vld [tilespmem:$0x1F760];
	[tilespmem:$0x1F990] =	vst v22;
	v22 =	vshrl.u32 v36, $0x1;
	v19 =	vadd.f32 v55, v19;
	v23 =	vadd.f32 v23, v59  }
0x329: {  	v28 =	vadd.f32 v12, v10;
	v55 =	vmul.f32 $5.000000000e-01, v24;
	v10 =	vshrl.u32 v30, $0x1  }
0x32a: {  	v12 =	vshrl.u32 v27, $0x1;
	v59 =	vmul.f32 $5.000000000e-01, v36;
	v8 =	vsub.s32 $0x5F3759DF, v8  }
0x32b: {  	[tilespmem:$0x1F9C0] =	vst v26;
	v22 =	vsub.s32 $0x5F3759DF, v22;
	v26 =	vshrl.u32 v38, $0x1;
	v51 =	vmul.f32 $5.000000000e-01, v37  }
0x32c: {  	[tilespmem:$0x1F9F0] =	vst v27;
	v27 =	vshrl.u32 v37, $0x1;
	v9 =	vmul.f32 v9, v9;
	v16 =	vmul.f32 v16, v16  }
0x32d: {  	v12 =	vsub.s32 $0x5F3759DF, v12;
	v11 =	vmul.f32 v11, v11;
	v13 =	vmul.f32 v13, v13  }
0x32e: {  	[tilespmem:$0x1FAF0] =	vst v36;
	v0 =	vmul.f32 $5.000000000e-01, v28;
	v36 =	vmul.f32 v12, v44;
	v63 =	vadd.f32 v9, v19  }
0x32f: {  	[tilespmem:$0x1FAC0] =	vst v34;
	v26 =	vsub.s32 $0x5F3759DF, v26;
	v19 =	vadd.f32 v2, v14;
	v20 =	vadd.f32 v16, v21  }
0x330: {  	[tilespmem:$0x1F9A0] =	vst v60;
	v21 =	vadd.f32 v11, v17;
	v40 =	vadd.f32 v13, v7;
	v7 =	vshrl.u32 v24, $0x1  }
0x331: {  	[tilespmem:$0x1FA60] =	vst v31;
	v11 =	vshrl.u32 v29, $0x1;
	v14 =	vshrl.u32 v31, $0x1;
	v17 =	vshrl.u32 v34, $0x1  }
0x332: {  	[tilespmem:$0x1F7A0] =	vst v45;
	v2 =	vld [tilespmem:$0x1F770];
	v31 =	vsub.s32 $0x5F3759DF, v10;
	v34 =	vmul.f32 v8, v45;
	v32 =	vsub.s32 $0x5F3759DF, v11  }
0x333: {  	v9 =	vld [tilespmem:$0x1F780];
	v33 =	vsub.s32 $0x5F3759DF, v17;
	v17 =	vmul.f32 v31, v43;
	v15 =	vshrl.u32 v19, $0x1;
	[tilespmem:$0x1FA80] =	vst v63  }
0x334: {  	v16 =	vshrl.u32 v63, $0x1;
	v58 =	vmul.f32 $5.000000000e-01, v63;
	[tilespmem:$0x1FA50] =	vst v19;
	v63 =	vmul.f32 $5.000000000e-01, v19  }
0x335: {  	v19 =	vshrl.u32 v21, $0x1;
	[tilespmem:$0x1FAB0] =	vst v21;
	v54 =	vmul.f32 $5.000000000e-01, v21;
	v21 =	vshrl.u32 v35, $0x1  }
0x336: {  	[tilespmem:$0x1FAE0] =	vst v35;
	v45 =	vmul.f32 v22, v59;
	v35 =	vsub.s32 $0x5F3759DF, v21;
	v21 =	vmul.f32 v32, v39  }
0x337: {  	[tilespmem:$0x1F7B0] =	vst v43;
	v7 =	vsub.s32 $0x5F3759DF, v7;
	v17 =	vmul.f32 v31, v17;
	v43 =	vmul.f32 v35, v50  }
0x338: {  	[tilespmem:$0x1F9D0] =	vst v62;
	v18 =	vshrl.u32 v20, $0x1;
	v2 =	vmul.f32 v2, v2;
	v9 =	vmul.f32 v9, v9  }
0x339: {  	[tilespmem:$0x1FA40] =	vst v29;
	v19 =	vsub.s32 $0x5F3759DF, v19;
	v21 =	vmul.f32 v32, v21;
	v43 =	vmul.f32 v35, v43  }
0x33a: {  	[tilespmem:$0x1FB90] =	vst v39;
	v41 =	vadd.f32 v2, v4;
	v3 =	vadd.f32 v9, v3;
	v4 =	vshrl.u32 v60, $0x1  }
0x33b: {  	[tilespmem:$0x1FA90] =	vst v20;
	v9 =	vshrl.u32 v62, $0x1;
	v2 =	vmul.f32 $5.000000000e-01, v20;
	v20 =	vshrl.u32 v28, $0x1  }
0x33c: {  	[tilespmem:$0x1FAD0] =	vst v28;
	v60 =	vmul.f32 $5.000000000e-01, v38;
	v28 =	vsub.s32 $0x5F3759DF, v6;
	v6 =	vsub.s32 $0x5F3759DF, v14  }
0x33d: {  	[tilespmem:$0x1FA00] =	vst v30;
	v14 =	vsub.s32 $0x5F3759DF, v16;
	v16 =	vmul.f32 v7, v55;
	v62 =	vmul.f32 v19, v54  }
0x33e: {  	[tilespmem:$0x1FB30] =	vst v37;
	v29 =	vsub.s32 $0x5F3759DF, v4;
	v10 =	vmul.f32 v28, v47;
	v37 =	vmul.f32 v6, v1  }
0x33f: {  	[tilespmem:$0x1F9E0] =	vst v25;
	v30 =	vsub.s32 $0x5F3759DF, v9;
	v39 =	vmul.f32 v14, v58;
	v61 =	vmul.f32 $5.000000000e-01, v3  }
0x340: {  	[tilespmem:$0x1FC10] =	vst v59;
	v20 =	vsub.s32 $0x5F3759DF, v20;
	v4 =	vmul.f32 v29, v46;
	v11 =	vmul.f32 v30, v48  }
0x341: {  	[tilespmem:$0x1FBE0] =	vst v54;
	v25 =	vshrl.u32 v3, $0x1;
	v54 =	vmul.f32 v20, v0;
	v59 =	vmul.f32 v26, v60  }
0x342: {  	[tilespmem:$0x1FB60] =	vst v46;
	v16 =	vmul.f32 v7, v16;
	v25 =	vsub.s32 $0x5F3759DF, v25;
	v10 =	vmul.f32 v28, v10  }
0x343: {  	[tilespmem:$0x1FBD0] =	vst v58;
	v17 =	vsub.f32 $1.500000000e+00, v17;
	v39 =	vmul.f32 v14, v39;
	v58 =	vmul.f32 v25, v61  }
0x344: {  	[tilespmem:$0x1FB50] =	vst v47;
	v21 =	vsub.f32 $1.500000000e+00, v21;
	v4 =	vmul.f32 v29, v4;
	v11 =	vmul.f32 v30, v11  }
0x345: {  	[tilespmem:$0x1FB10] =	vst v3;
	v46 =	vmul.f32 v20, v54;
	v16 =	vsub.f32 $1.500000000e+00, v16;
	v10 =	vsub.f32 $1.500000000e+00, v10  }
0x346: {  	[tilespmem:$0x1FC20] =	vst v61;
	v3 =	vmovc v50;
	v61 =	vsub.f32 $1.500000000e+00, v4;
	v11 =	vsub.f32 $1.500000000e+00, v11;
	v50 =	vmul.f32 v25, v58;
	v4 =	vld [tilespmem:$0x1FB50]  }
0x347: {  	[tilespmem:$0x1FBB0] =	vst v1;
	v39 =	vsub.f32 $1.500000000e+00, v39;
	v1 =	vmul.f32 v7, v16;
	v16 =	vmul.f32 v31, v17  }
0x348: {  	v17 =	vmul.f32 v32, v21;
	v11 =	vmul.f32 v30, v11;
	v30 =	vsub.f32 $1.500000000e+00, v46  }
0x349: {  	[tilespmem:$0x1F7E0] =	vst v60;
	v58 =	vmul.f32 v28, v10;
	v60 =	vmul.f32 v29, v61;
	v29 =	vsub.f32 $1.500000000e+00, v43  }
0x34a: {  	v21 =	vmul.f32 v14, v39;
	v14 =	vmul.f32 v20, v30  }
0x34b: {  	v20 =	vmul.f32 v35, v29;
	v35 =	vmul.f32 v58, v4;
	v4 =	vld [tilespmem:$0x1FB60]  }
0x34c: {  	v36 =	vmul.f32 v12, v36;
	_ =	sdelay $0x1  }
0x34d: {  	v36 =	vsub.f32 $1.500000000e+00, v36  }
0x34e: {  	[tilespmem:$0x1FB70] =	vst v48;
	v53 =	vmov v44;
	v56 =	vmul.f32 $5.000000000e-01, v23;
	v44 =	vmul.f32 v19, v62  }
0x34f: {  	v13 =	vshrl.u32 v23, $0x1;
	v62 =	vmul.f32 v12, v36;
	v36 =	vmul.f32 v60, v4;
	v4 =	vld [tilespmem:$0x1FB70]  }
0x350: {  	[tilespmem:$0x1F9B0] =	vst v24;
	v13 =	vsub.s32 $0x5F3759DF, v13  }
0x351: {  	v5 =	vsub.s32 $0x5F3759DF, v5;
	[tilespmem:$0x1FB40] =	vst v38;
	v15 =	vsub.s32 $0x5F3759DF, v15;
	v38 =	vmul.f32 v13, v56  }
0x352: {  	[tilespmem:$0x1FB00] =	vst v40;
	v24 =	vshrl.u32 v40, $0x1;
	v52 =	vmul.f32 $5.000000000e-01, v40;
	v40 =	vmul.f32 v15, v63  }
0x353: {  	[tilespmem:$0x1FB80] =	vst v56;
	v18 =	vsub.s32 $0x5F3759DF, v18;
	v9 =	vmul.f32 v5, v42;
	v38 =	vmul.f32 v13, v38  }
0x354: {  	[tilespmem:$0x1F790] =	vst v42;
	v27 =	vsub.s32 $0x5F3759DF, v27;
	v42 =	vmul.f32 v18, v2;
	v43 =	vmul.f32 v11, v4;
	v4 =	vld [tilespmem:$0x1FB80]  }
0x355: {  	v40 =	vmul.f32 v15, v40;
	v56 =	vmul.f32 v27, v51;
	v38 =	vsub.f32 $1.500000000e+00, v38  }
0x356: {  	v37 =	vmul.f32 v6, v37;
	v42 =	vmul.f32 v18, v42  }
0x357: {  	[tilespmem:$0x1F7D0] =	vst v51;
	v24 =	vsub.s32 $0x5F3759DF, v24;
	v51 =	vmul.f32 v26, v59;
	v12 =	vmul.f32 v13, v38  }
0x358: {  	v40 =	vsub.f32 $1.500000000e+00, v40;
	v9 =	vmul.f32 v5, v9;
	v37 =	vsub.f32 $1.500000000e+00, v37  }
0x359: {  	v42 =	vsub.f32 $1.500000000e+00, v42;
	v29 =	vsub.f32 $1.500000000e+00, v51;
	v51 =	vmul.f32 v12, v4;
	v4 =	vld [tilespmem:$0x1FB90]  }
0x35a: {  	[tilespmem:$0x1F7C0] =	vst v52;
	v48 =	vmul.f32 v24, v52;
	v52 =	vsub.f32 $1.500000000e+00, v9;
	v13 =	vmul.f32 v15, v40  }
0x35b: {  	v15 =	vmul.f32 v6, v37;
	v6 =	vmul.f32 v18, v42  }
0x35c: {  	v34 =	vmul.f32 v8, v34;
	[tilespmem:$0x1FBA0] =	vst v63;
	v10 =	vmul.f32 v5, v52  }
0x35d: {  	[tilespmem:$0x1FBC0] =	vst v2;
	v5 =	vmul.f32 v13, v63;
	v63 =	vmul.f32 v6, v2;
	v2 =	vld [tilespmem:$0x1FBD0]  }
0x35e: {  	[tilespmem:$0x1FA30] =	vst v23;
	v45 =	vmul.f32 v22, v45;
	v9 =	vmul.f32 v17, v4;
	v4 =	vld [tilespmem:$0x1FBB0]  }
0x35f: {  	[tilespmem:$0x1FB20] =	vst v41;
	v23 =	vshrl.u32 v41, $0x1;
	v57 =	vmul.f32 $5.000000000e-01, v41;
	v41 =	vmul.f32 v33, v49  }
0x360: {  	[tilespmem:$0x1FBF0] =	vst v49;
	v34 =	vsub.f32 $1.500000000e+00, v34;
	v49 =	vmul.f32 v27, v56;
	v23 =	vsub.s32 $0x5F3759DF, v23  }
0x361: {  	v47 =	vmul.f32 v23, v57;
	v41 =	vmul.f32 v33, v41  }
0x362: {  	v48 =	vmul.f32 v24, v48;
	v59 =	vmul.f32 v8, v34  }
0x363: {  	v41 =	vsub.f32 $1.500000000e+00, v41;
	v7 =	vmul.f32 v15, v4;
	v4 =	vmul.f32 v21, v2;
	v2 =	vld [tilespmem:$0x1FBE0]  }
0x364: {  	v47 =	vmul.f32 v23, v47;
	v28 =	vsub.f32 $1.500000000e+00, v44;
	v52 =	vsub.f32 $1.500000000e+00, v48  }
0x365: {  	v31 =	vsub.f32 $1.500000000e+00, v45;
	v45 =	vmul.f32 v62, v53;
	v56 =	vsub.f32 $1.500000000e+00, v50  }
0x366: {  	v54 =	vsub.f32 $1.500000000e+00, v47;
	v18 =	vmul.f32 v19, v28;
	v61 =	vmul.f32 v24, v52;
	v52 =	vld [tilespmem:$0x1F7A0]  }
0x367: {  	v37 =	vmul.f32 v1, v55;
	v19 =	vmul.f32 v33, v41;
	v30 =	vld [tilespmem:$0x1F7E0]  }
0x368: {  	v24 =	vmul.f32 v22, v31;
	v33 =	vmul.f32 v18, v2;
	v2 =	vld [tilespmem:$0x1FC10]  }
0x369: {  	v28 =	vsub.f32 $1.500000000e+00, v49;
	v22 =	vmul.f32 v25, v56;
	v23 =	vmul.f32 v23, v54;
	v56 =	vmovc v55;
	v55 =	vld [tilespmem:$0x1F790]  }
0x36a: {  	v40 =	vmul.f32 v37, v1;
	v37 =	vmul.f32 v5, v13;
	v54 =	vmov v53;
	v53 =	vld [tilespmem:$0x1F7B0]  }
0x36b: {  	v25 =	vmul.f32 v26, v29;
	v26 =	vmul.f32 v27, v28;
	v27 =	vld [tilespmem:$0x1FBF0]  }
0x36c: {  	[tilespmem:$0x1FC00] =	vst v0;
	v28 =	vmul.f32 v14, v0;
	v39 =	vmul.f32 v20, v3;
	v0 =	vld [tilespmem:$0x1F7C0]  }
0x36d: {  	v32 =	vmul.f32 v23, v57;
	v34 =	vmul.f32 v24, v2;
	v2 =	vld [tilespmem:$0x1FC20]  }
0x36e: {  	v41 =	vmul.f32 v35, v58;
	v35 =	vmul.f32 v63, v6  }
0x36f: {  	v8 =	vmovc v3;
	v42 =	vmul.f32 v59, v52;
	v3 =	vmov v30;
	v30 =	vmul.f32 v25, v30  }
0x370: {  	v38 =	vmul.f32 v10, v55;
	v46 =	vmul.f32 v16, v53  }
0x371: {  	v44 =	vmul.f32 v19, v27;
	v27 =	vmul.f32 v61, v0  }
0x372: {  	p0 =	sne.s32 s24, $0xF;
	v47 =	vmul.f32 v36, v60;
	v29 =	vmul.f32 v22, v2;
	v2 =	vmov v57;
	v57 =	vld [tilespmem:$0x1F7D0]  }
.Ltmp1:
0x373: {  	v50 =	vmul.f32 v38, v10;
	v38 =	vmul.f32 v42, v59;
	(pc) =	sbr.rel @p0 .LBB2_5-.Ltmp1, $4  }
0x374: {  	v42 =	vmul.f32 v45, v62;
	v48 =	vmul.f32 v46, v16  }
0x375: {  	v49 =	vmul.f32 v43, v11;
	v36 =	vmul.f32 v51, v12  }
0x376: {  	v45 =	vmul.f32 v9, v17;
	v46 =	vmul.f32 v7, v15  }
0x377: {  	s24 =	sadd.s32 $0x1, s24;
	v63 =	vmov v0;
	v43 =	vmul.f32 v4, v21;
	v31 =	vmul.f32 v26, v57  }
0x378: {  	v30 =	vmul.f32 v30, v25  }
0x379: {  	v31 =	vmul.f32 v31, v26  }
0x37a: {  	v30 =	vsub.f32 $1.500000000e+00, v30  }
0x37b: {  	v34 =	vmul.f32 v34, v24;
	v32 =	vmul.f32 v32, v23;
	v31 =	vsub.f32 $1.500000000e+00, v31  }
0x37c: {  	v29 =	vmul.f32 v29, v22;
	v25 =	vmul.f32 v30, v25  }
0x37d: {  	v47 =	vsub.f32 $1.500000000e+00, v47;
	v28 =	vmul.f32 v28, v14;
	v26 =	vmul.f32 v31, v26  }
0x37e: {  	v40 =	vsub.f32 $1.500000000e+00, v40;
	v27 =	vmul.f32 v27, v61;
	v0 =	vmul.f32 v25, v3  }
0x37f: {  	v41 =	vsub.f32 $1.500000000e+00, v41;
	v9 =	vmul.f32 v47, v60;
	v30 =	vmul.f32 v26, v57  }
0x380: {  	v7 =	vmul.f32 v40, v1;
	v28 =	vsub.f32 $1.500000000e+00, v28;
	v1 =	vmul.f32 v0, v25;
	v0 =	vld [tilespmem:$0x1FC20]  }
0x381: {  	v4 =	vmul.f32 v41, v58;
	v29 =	vsub.f32 $1.500000000e+00, v29;
	v30 =	vmul.f32 v30, v26  }
0x382: {  	v32 =	vsub.f32 $1.500000000e+00, v32;
	v14 =	vmul.f32 v28, v14;
	v28 =	vsub.f32 $1.500000000e+00, v1  }
0x383: {  	v58 =	vsub.f32 $1.500000000e+00, v48;
	v22 =	vmul.f32 v29, v22;
	v30 =	vsub.f32 $1.500000000e+00, v30  }
0x384: {  	v60 =	vsub.f32 $1.500000000e+00, v42;
	v23 =	vmul.f32 v32, v23;
	v28 =	vmul.f32 v28, v25;
	v25 =	vld [tilespmem:$0x1FB40]  }
0x385: {  	v0 =	vmul.f32 v22, v0;
	v30 =	vmul.f32 v30, v26;
	v26 =	vld [tilespmem:$0x1FB30]  }
0x386: {  	v27 =	vsub.f32 $1.500000000e+00, v27;
	v16 =	vmul.f32 v58, v16;
	v48 =	vmul.f32 v60, v62  }
0x387: {  	v62 =	vsub.f32 $1.500000000e+00, v34;
	v1 =	vmul.f32 v23, v2;
	v2 =	vld [tilespmem:$0x1FC10];
	v0 =	vmul.f32 v0, v22  }
0x388: {  	v58 =	vmul.f32 v39, v20;
	v27 =	vmul.f32 v27, v61  }
0x389: {  	v24 =	vmul.f32 v62, v24;
	v0 =	vsub.f32 $1.500000000e+00, v0;
	v28 =	vmul.f32 v28, v25  }
0x38a: {  	v25 =	vmul.f32 v27, v63;
	v30 =	vmul.f32 v30, v26;
	v26 =	vld [tilespmem:$0x1FB10]  }
0x38b: {  	v60 =	vsub.f32 $1.500000000e+00, v58;
	v1 =	vmul.f32 v1, v23;
	v0 =	vmul.f32 v0, v22  }
0x38c: {  	v22 =	vmul.f32 v24, v2;
	v25 =	vmul.f32 v25, v27;
	v2 =	vld [tilespmem:$0x1FC00]  }
0x38d: {  	v20 =	vmul.f32 v60, v20  }
0x38e: {  	v3 =	vld [tilespmem:$0x1FB00];
	v1 =	vsub.f32 $1.500000000e+00, v1;
	v22 =	vmul.f32 v22, v24;
	v25 =	vsub.f32 $1.500000000e+00, v25  }
0x38f: {  	v0 =	vmul.f32 v0, v26;
	v26 =	vmul.f32 v20, v8  }
0x390: {  	v1 =	vmul.f32 v1, v23;
	v25 =	vmul.f32 v25, v27  }
0x391: {  	v22 =	vsub.f32 $1.500000000e+00, v22;
	v23 =	vmul.f32 v14, v2;
	v2 =	vld [tilespmem:$0x1FB20];
	v26 =	vmul.f32 v26, v20;
	_ =	sdelay $0x1  }
0x392: {  	v22 =	vmul.f32 v22, v24;
	v24 =	vmul.f32 v25, v3;
	v25 =	vsub.f32 $1.500000000e+00, v26  }
0x393: {  	v23 =	vmul.f32 v23, v14  }
0x394: {  	v33 =	vmul.f32 v33, v18;
	v20 =	vmul.f32 v25, v20;
	v25 =	vld [tilespmem:$0x1FAD0]  }
0x395: {  	v50 =	vsub.f32 $1.500000000e+00, v50;
	v23 =	vsub.f32 $1.500000000e+00, v23;
	v1 =	vmul.f32 v1, v2;
	v2 =	vld [tilespmem:$0x1FBE0]  }
0x396: {  	v33 =	vsub.f32 $1.500000000e+00, v33;
	v26 =	vld [tilespmem:$0x1FAF0]  }
0x397: {  	v38 =	vsub.f32 $1.500000000e+00, v38;
	v10 =	vmul.f32 v50, v10;
	v14 =	vmul.f32 v23, v14  }
0x398: {  	v50 =	vmul.f32 v44, v19;
	v18 =	vmul.f32 v33, v18  }
0x399: {  	v5 =	vmul.f32 v38, v59;
	v3 =	vsub.f32 $5.000000000e-01, v28;
	v14 =	vmul.f32 v14, v25;
	v25 =	vld [tilespmem:$0x1FC30]  }
0x39a: {  	v59 =	vsub.f32 $1.500000000e+00, v50;
	v0 =	vsub.f32 $5.000000000e-01, v0;
	v27 =	vmul.f32 v18, v2  }
0x39b: {  	v3 =	vmax.f32 v3, $0.0e+00;
	v22 =	vmul.f32 v22, v26;
	v26 =	vsub.f32 $5.000000000e-01, v30;
	v2 =	vld [tilespmem:$0x1FBF0]  }
0x39c: {  	v3 =	vmul.f32 v3, v3;
	v23 =	vmul.f32 v27, v18  }
0x39d: {  	v19 =	vmul.f32 v59, v19;
	v0 =	vmax.f32 v0, $0.0e+00;
	v26 =	vmax.f32 v26, $0.0e+00  }
0x39e: {  	v23 =	vsub.f32 $1.500000000e+00, v23;
	v3 =	vadd.f32 v3, v25;
	v25 =	vmul.f32 v26, v26  }
0x39f: {  	v0 =	vmul.f32 v0, v0  }
0x3a0: {  	v18 =	vmul.f32 v23, v18;
	v23 =	vmul.f32 v19, v2;
	v2 =	vadd.f32 v25, v3;
	v3 =	vld [tilespmem:$0x1FBC0]  }
0x3a1: {  	v35 =	vsub.f32 $1.500000000e+00, v35  }
0x3a2: {  	v0 =	vadd.f32 v0, v2;
	v2 =	vld [tilespmem:$0x1FAE0]  }
0x3a3: {  	v6 =	vmul.f32 v35, v6  }
0x3a4: {  	v1 =	vsub.f32 $5.000000000e-01, v1  }
0x3a5: {  	v23 =	vmul.f32 v23, v19;
	v3 =	vmul.f32 v6, v3  }
0x3a6: {  	v24 =	vsub.f32 $5.000000000e-01, v24;
	v1 =	vmax.f32 v1, $0.0e+00  }
0x3a7: {  	v2 =	vmul.f32 v20, v2;
	v3 =	vmul.f32 v3, v6;
	v20 =	vsub.f32 $1.500000000e+00, v23  }
0x3a8: {  	v1 =	vmul.f32 v1, v1;
	v23 =	vmax.f32 v24, $0.0e+00  }
0x3a9: {  	v19 =	vmul.f32 v20, v19;
	v3 =	vsub.f32 $1.500000000e+00, v3;
	v20 =	vsub.f32 $5.000000000e-01, v22  }
0x3aa: {  	v0 =	vadd.f32 v1, v0;
	v23 =	vmul.f32 v23, v23  }
0x3ab: {  	v14 =	vsub.f32 $5.000000000e-01, v14;
	v3 =	vmul.f32 v3, v6;
	v6 =	vmax.f32 v20, $0.0e+00;
	v20 =	vld [tilespmem:$0x1FAC0]  }
0x3ac: {  	v0 =	vadd.f32 v23, v0;
	v6 =	vmul.f32 v6, v6  }
0x3ad: {  	v14 =	vmax.f32 v14, $0.0e+00  }
0x3ae: {  	v51 =	vsub.f32 $1.500000000e+00, v49;
	v0 =	vadd.f32 v6, v0;
	v6 =	vmul.f32 v14, v14;
	v14 =	vld [tilespmem:$0x1FBB0]  }
0x3af: {  	v49 =	vsub.f32 $1.500000000e+00, v46;
	v2 =	vsub.f32 $5.000000000e-01, v2  }
0x3b0: {  	v37 =	vsub.f32 $1.500000000e+00, v37;
	v19 =	vmul.f32 v19, v20;
	v20 =	vld [tilespmem:$0x1FBA0]  }
0x3b1: {  	v11 =	vmul.f32 v51, v11;
	v15 =	vmul.f32 v49, v15;
	v1 =	vld [tilespmem:$0x1FBD0];
	v2 =	vmax.f32 v2, $0.0e+00  }
0x3b2: {  	v51 =	vsub.f32 $1.500000000e+00, v43;
	v2 =	vmul.f32 v2, v2;
	v0 =	vadd.f32 v6, v0  }
0x3b3: {  	v13 =	vmul.f32 v37, v13;
	v14 =	vmul.f32 v15, v14  }
0x3b4: {  	v21 =	vmul.f32 v51, v21;
	v0 =	vadd.f32 v2, v0;
	v2 =	vld [tilespmem:$0x1FB90]  }
0x3b5: {  	v47 =	vsub.f32 $1.500000000e+00, v45;
	v22 =	vld [tilespmem:$0x1FAB0];
	v20 =	vmul.f32 v13, v20;
	v14 =	vmul.f32 v14, v15  }
0x3b6: {  	v1 =	vmul.f32 v21, v1  }
0x3b7: {  	v17 =	vmul.f32 v47, v17;
	v6 =	vld [tilespmem:$0x1FB80];
	v20 =	vmul.f32 v20, v13;
	v14 =	vsub.f32 $1.500000000e+00, v14  }
0x3b8: {  	v36 =	vsub.f32 $1.500000000e+00, v36;
	v1 =	vmul.f32 v1, v21  }
0x3b9: {  	v2 =	vmul.f32 v17, v2;
	v20 =	vsub.f32 $1.500000000e+00, v20;
	v14 =	vmul.f32 v14, v15;
	v15 =	vld [tilespmem:$0x1FA50]  }
0x3ba: {  	v12 =	vmul.f32 v36, v12;
	v1 =	vsub.f32 $1.500000000e+00, v1;
	v18 =	vmul.f32 v18, v22  }
0x3bb: {  	v2 =	vmul.f32 v2, v17;
	v13 =	vmul.f32 v20, v13;
	v20 =	vld [tilespmem:$0x1FA80]  }
0x3bc: {  	v1 =	vmul.f32 v1, v21;
	v21 =	vld [tilespmem:$0x1FA90];
	v6 =	vmul.f32 v12, v6  }
0x3bd: {  	v2 =	vsub.f32 $1.500000000e+00, v2  }
0x3be: {  	v6 =	vmul.f32 v6, v12;
	v13 =	vmul.f32 v13, v15;
	v15 =	vsub.f32 $5.000000000e-01, v18;
	v18 =	vld [tilespmem:$0x1FA60]  }
0x3bf: {  	v2 =	vmul.f32 v2, v17  }
0x3c0: {  	v6 =	vsub.f32 $1.500000000e+00, v6;
	v17 =	vld [tilespmem:$0x1FA30];
	v1 =	vmul.f32 v1, v20;
	v20 =	vmul.f32 v48, v54  }
0x3c1: {  	v46 =	vld [tilespmem:$0x1FE90];
	v3 =	vmul.f32 v3, v21  }
0x3c2: {  	v49 =	vld [tilespmem:$0x1FEC0];
	v6 =	vmul.f32 v6, v12;
	v12 =	vmul.f32 v20, v48  }
0x3c3: {  	v35 =	vld [tilespmem:$0x1FE50];
	v15 =	vmax.f32 v15, $0.0e+00;
	v14 =	vmul.f32 v14, v18;
	v18 =	vsub.f32 $5.000000000e-01, v19  }
0x3c4: {  	v45 =	vld [tilespmem:$0x1FE60];
	v15 =	vmul.f32 v15, v15;
	v12 =	vsub.f32 $1.500000000e+00, v12  }
0x3c5: {  	v41 =	vld [tilespmem:$0x1FDF0];
	v3 =	vsub.f32 $5.000000000e-01, v3;
	v6 =	vmul.f32 v6, v17;
	v17 =	vmax.f32 v18, $0.0e+00  }
0x3c6: {  	v40 =	vld [tilespmem:$0x1FDD0];
	v0 =	vadd.f32 v15, v0;
	v8 =	vmul.f32 v12, v48;
	v12 =	vmul.f32 v17, v17  }
0x3c7: {  	v42 =	vld [tilespmem:$0x1FE30];
	v3 =	vmax.f32 v3, $0.0e+00;
	v1 =	vsub.f32 $5.000000000e-01, v1  }
0x3c8: {  	v51 =	vld [tilespmem:$0x1FF50];
	v3 =	vmul.f32 v3, v3;
	v0 =	vadd.f32 v12, v0  }
0x3c9: {  	v61 =	vld [tilespmem:$0x1FFD0];
	v13 =	vsub.f32 $5.000000000e-01, v13;
	v1 =	vmax.f32 v1, $0.0e+00  }
0x3ca: {  	v47 =	vld [tilespmem:$0x1FEA0];
	v1 =	vmul.f32 v1, v1;
	v0 =	vadd.f32 v3, v0  }
0x3cb: {  	v13 =	vmax.f32 v13, $0.0e+00;
	v3 =	vld [tilespmem:$0x1FA40]  }
0x3cc: {  	v29 =	vld [tilespmem:$0x1FE70];
	v13 =	vmul.f32 v13, v13;
	v0 =	vadd.f32 v1, v0  }
0x3cd: {  	v50 =	vld [tilespmem:$0x1FEF0]  }
0x3ce: {  	v12 =	vmul.f32 v5, v52;
	v0 =	vadd.f32 v13, v0;
	v13 =	vld [tilespmem:$0x1F9F0]  }
0x3cf: {  	v15 =	vmul.f32 v16, v53;
	v1 =	vld [tilespmem:$0x1FB70]  }
0x3d0: {  	v33 =	vld [tilespmem:$0x1FE40];
	v2 =	vmul.f32 v2, v3;
	v3 =	vmul.f32 v12, v5  }
0x3d1: {  	v31 =	vld [tilespmem:$0x1FE10];
	v15 =	vmul.f32 v15, v16  }
0x3d2: {  	v62 =	vld [tilespmem:$0x1FFE0];
	v14 =	vsub.f32 $5.000000000e-01, v14;
	v3 =	vsub.f32 $1.500000000e+00, v3  }
0x3d3: {  	v6 =	vsub.f32 $5.000000000e-01, v6;
	v12 =	vsub.f32 $1.500000000e+00, v15;
	v8 =	vmul.f32 v8, v13;
	v13 =	vld [tilespmem:$0x1FA00]  }
0x3d4: {  	v58 =	vld [tilespmem:$0x1FFB0];
	v1 =	vmul.f32 v11, v1;
	v3 =	vmul.f32 v3, v5;
	v5 =	vmax.f32 v14, $0.0e+00  }
0x3d5: {  	v59 =	vld [tilespmem:$0x1FFA0];
	v2 =	vsub.f32 $5.000000000e-01, v2;
	v5 =	vmul.f32 v5, v5  }
0x3d6: {  	v57 =	vld [tilespmem:$0x1FF90];
	v6 =	vmax.f32 v6, $0.0e+00;
	v12 =	vmul.f32 v12, v16;
	v1 =	vmul.f32 v1, v11  }
0x3d7: {  	v60 =	vld [tilespmem:$0x1FFC0];
	v2 =	vmax.f32 v2, $0.0e+00;
	v0 =	vadd.f32 v5, v0;
	v5 =	vmul.f32 v6, v6  }
0x3d8: {  	v63 =	vld [tilespmem:$0x1FFF0];
	v8 =	vsub.f32 $5.000000000e-01, v8;
	v12 =	vmul.f32 v12, v13;
	v13 =	vmul.f32 v7, v56  }
0x3d9: {  	v28 =	vld [tilespmem:$0x1FDB0];
	v2 =	vmul.f32 v2, v2;
	v0 =	vadd.f32 v5, v0;
	v5 =	vmul.f32 v10, v55  }
0x3da: {  	v30 =	vld [tilespmem:$0x1FDE0];
	v1 =	vsub.f32 $1.500000000e+00, v1;
	v8 =	vmax.f32 v8, $0.0e+00;
	v6 =	vmul.f32 v13, v7  }
0x3db: {  	v27 =	vld [tilespmem:$0x1FDA0];
	v0 =	vadd.f32 v2, v0;
	v2 =	vmul.f32 v5, v10;
	v5 =	vmul.f32 v8, v8  }
0x3dc: {  	v1 =	vmul.f32 v1, v11;
	v11 =	vld [tilespmem:$0x1F9E0]  }
0x3dd: {  	v6 =	vsub.f32 $1.500000000e+00, v6;
	v0 =	vadd.f32 v5, v0;
	v5 =	vld [tilespmem:$0x1FB60]  }
0x3de: {  	v23 =	vld [tilespmem:$0x1FF30]  }
0x3df: {  	v6 =	vmul.f32 v6, v7;
	v7 =	vld [tilespmem:$0x1FB50]  }
0x3e0: {  	v22 =	vld [tilespmem:$0x1FF20];
	v8 =	vsub.f32 $5.000000000e-01, v12  }
0x3e1: {  	v21 =	vld [tilespmem:$0x1FF10];
	v3 =	vmul.f32 v3, v11;
	v2 =	vsub.f32 $1.500000000e+00, v2  }
0x3e2: {  	v11 =	vld [tilespmem:$0x1F9D0];
	v8 =	vmax.f32 v8, $0.0e+00;
	v5 =	vmul.f32 v9, v5  }
0x3e3: {  	v54 =	vld [tilespmem:$0x1FF70];
	v8 =	vmul.f32 v8, v8;
	v2 =	vmul.f32 v2, v10;
	v3 =	vsub.f32 $5.000000000e-01, v3  }
0x3e4: {  	v10 =	vld [tilespmem:$0x1F9B0];
	v7 =	vmul.f32 v4, v7;
	v5 =	vmul.f32 v5, v9  }
0x3e5: {  	v20 =	vld [tilespmem:$0x1FF00];
	v0 =	vadd.f32 v8, v0;
	v3 =	vmax.f32 v3, $0.0e+00  }
0x3e6: {  	v19 =	vld [tilespmem:$0x1FEE0];
	v3 =	vmul.f32 v3, v3;
	v7 =	vmul.f32 v7, v4;
	v5 =	vsub.f32 $1.500000000e+00, v5  }
0x3e7: {  	v53 =	vld [tilespmem:$0x1FF40];
	v1 =	vmul.f32 v1, v11  }
0x3e8: {  	v0 =	vadd.f32 v3, v0;
	v7 =	vsub.f32 $1.500000000e+00, v7;
	v3 =	vmul.f32 v5, v9;
	v5 =	vld [tilespmem:$0x1F990]  }
0x3e9: {  	v18 =	vld [tilespmem:$0x1FEB0];
	v6 =	vmul.f32 v6, v10;
	v1 =	vsub.f32 $5.000000000e-01, v1  }
0x3ea: {  	v4 =	vmul.f32 v7, v4;
	v7 =	vld [tilespmem:$0x1F9C0]  }
0x3eb: {  	v48 =	vld [tilespmem:$0x1FED0];
	v1 =	vmax.f32 v1, $0.0e+00;
	v6 =	vsub.f32 $5.000000000e-01, v6  }
0x3ec: {  	v17 =	vld [tilespmem:$0x1FE80];
	v1 =	vmul.f32 v1, v1  }
0x3ed: {  	v52 =	vld [tilespmem:$0x1FF60];
	v4 =	vmul.f32 v4, v5;
	v5 =	vmax.f32 v6, $0.0e+00  }
0x3ee: {  	v0 =	vadd.f32 v1, v0;
	v1 =	vmul.f32 v5, v5;
	v5 =	vld [tilespmem:$0x1F9A0]  }
0x3ef: {  	v15 =	vld [tilespmem:$0x1FE00];
	v2 =	vmul.f32 v2, v7  }
0x3f0: {  	v16 =	vld [tilespmem:$0x1FE20]  }
0x3f1: {  	v14 =	vld [tilespmem:$0x1FD90];
	v2 =	vsub.f32 $5.000000000e-01, v2  }
0x3f2: {  	v55 =	vld [tilespmem:$0x1FF80]  }
0x3f3: {  	v12 =	vld [tilespmem:$0x1FD70];
	v4 =	vsub.f32 $5.000000000e-01, v4;
	v3 =	vmul.f32 v3, v5;
	v2 =	vmax.f32 v2, $0.0e+00  }
0x3f4: {  	s22 =	sadd.s32 $0x1, s22;
	v13 =	vld [tilespmem:$0x1FD80];
	v0 =	vadd.f32 v1, v0;
	v1 =	vmul.f32 v2, v2  }
0x3f5: {  	p0 =	sne.s32 s22, $0x10;
	v8 =	vld [tilespmem:$0x1FD40];
	v2 =	vmax.f32 v4, $0.0e+00;
	v3 =	vsub.f32 $5.000000000e-01, v3  }
.Ltmp2:
0x3f6: {  	v11 =	vld [tilespmem:$0x1FDC0];
	v0 =	vadd.f32 v1, v0;
	v1 =	vmul.f32 v2, v2;
	(pc) =	sbr.rel @p0 .LBB2_2-.Ltmp2, $4  }
0x3f7: {  	v10 =	vld [tilespmem:$0x1FD60];
	v2 =	vmax.f32 v3, $0.0e+00  }
0x3f8: {  	v9 =	vld [tilespmem:$0x1FD50];
	v0 =	vadd.f32 v1, v0;
	v1 =	vmul.f32 v2, v2  }
0x3f9: {  	v6 =	vld [tilespmem:$0x1FD20]  }
0x3fa: {  	v7 =	vld [tilespmem:$0x1FD30];
	v5 =	vlaneseq.u32;
	v0 =	vadd.f32 v1, v0  }
0x3fb: {  	_ = 	snop  }
0x3fc: {  	s22 =	rddreg [dreg:$0x2];
	s23 =	simm.s32 $0xA000;
	[tilespmem:$0xA000] =	vst v0  }
0x3fd: {  	[hbm4b:s22+s2] =	stream.linear.scatter [tilespmem:s23], [sflag:$0x2], $0x10, $0x38;
	[tilespmem:$0xA010] =	vst v63  }
0x3fe: {  	_ =	swait.ge [sflag:s8], $0x10  }
0x3ff: {  	s26 =	rddreg [dreg:$0x4]  }
0x400: {  	s28 =	rddreg [dreg:$0x3];
	s23 =	sadd.s32 $0x1, s26  }
0x401: {  	p0 =	sne.s32 s23, s28  }
.Ltmp3:
0x402: {  	_ = 	snop;
	(pc) =	sbr.rel @p0 .LBB2_1-.Ltmp3, $3  }
0x403: {  	_ =	sdelay $0x1  }
0x404: {  	[sflag:s8] =	ssyncset.done $0x0  }
0x405: {  	[sflag:s8] =	ssyncadd.s32 $0xFFFFFFF0  }
0x406: {  	_ =	sfence.sel $0x180000  }
0x407: {  	[bflag:$0x0] =	sbarrier.arrive $0xFFFF  }
0x408: {  	_ =	strace $0x9000004A  }
0x409: {  	s0 =	stileid.u32;
	[bflag:$0x2] =	sbarrier.arrive $0xFFFF  }
0x40a: {  	p0 =	sne.s32 s0, $0x0;
	s0 =	rddreg [dreg:$0x1]  }
0x40b: {  	s0 =	sadd.s32 @!p0 $0x100000, s0  }
0x40c: {  	[sflag:s0] =	ssyncadd.tile.s32 @!p0 $0x1;
	_ =	shalt  }
.Lfunc_end2:
_tile_overlayer_lowered:
.L_overlay_start_2:
0x40d: {  	(tag) =	ssettag $0x2  }
0x40e: {  	s0 =	rddreg [dreg:$0x0];
	s2 =	stileid.u32  }
0x40f: {  	s1 =	rddreg [dreg:$0x1];
	p0 =	sne.s32 s2, $0x0  }
0x410: {  	s3 =	rddreg [dreg:$0x2];
	[bflag:$0x3] =	sbarrier.arrive $0xFFFF;
	s2 =	simm.s32 @!p0 $0x1C02  }
0x411: {  	[timem:s3], [sflag:s2] =	dma.local @!p0 [hbm:s0], s1  }
0x412: {  	s0 =	simm.s32 @!p0 $0x2  }
0x413: {  	_ =	swait.ge @!p0 [sflag:s0], s1  }
0x414: {  	s1 =	ssub.s32 @!p0 $0x0, s1;
	[sflag:s0] =	ssyncset.done @!p0 $0x0  }
0x415: {  	[sflag:s0] =	ssyncadd.s32 @!p0 s1  }
0x416: {  	[bflag:$0x3] =	sbarrier.arrive $0xFFFF  }
0x417: {  	_ =	shalt  }

</sc_bundles>
